<compile_context>
chip_gen: v7x
topology: tpu7x:2x2x1
jax: 0.10.2.dev20260603
libtpu: 0.0.44.dev20260713+nightly
codegen_flags: <defaults>
</compile_context>

<pallas_src>
import functools
import math

import jax
import jax.numpy as jnp
from jax import lax
from jax.experimental import pallas as pl
from jax.experimental.pallas import tpu as pltpu
from jax.experimental.pallas import tpu_sc as plsc

NC = 2
NS = 16
L = 16
NW = NC * NS

V = 1000000
R = 4096
S = 200
D = 64
JB = S // 8
IB = R // 128
NG = 4
NGROUP = S // NG
SCALE = math.sqrt(D)

TBW = 4096
TGRID = -(-V // TBW)
V2 = TGRID * TBW // 2

_mesh = plsc.VectorSubcoreMesh(core_axis_name="c", subcore_axis_name="s")


def _eye(scale):
    a = lax.broadcasted_iota(jnp.int32, (D, D), 0)
    b = lax.broadcasted_iota(jnp.int32, (D, D), 1)
    return jnp.where(a == b, jnp.float32(scale), jnp.float32(0.0))


def _tbl_body(i_ref, o_ref):
    t = lax.dot_general(
        i_ref[...], _eye(SCALE), (((0,), (0,)), ((), ())),
        preferred_element_type=jnp.float32,
    )
    o_ref[...] = jnp.concatenate([t[: TBW // 2], t[TBW // 2 :]], axis=1)


_tc_table = pl.pallas_call(
    _tbl_body,
    grid=(TGRID,),
    in_specs=[pl.BlockSpec((D, TBW), lambda g: (0, g))],
    out_specs=pl.BlockSpec((TBW // 2, 2 * D), lambda g: (g, 0)),
    out_shape=jax.ShapeDtypeStruct((V2, 2 * D), jnp.float32),
)


@functools.partial(
    pl.kernel,
    out_type=jax.ShapeDtypeStruct((S, IB, D, 2 * D), jnp.float32),
    mesh=_mesh,
    scratch_types=[
        pltpu.VMEM((JB, 8, 128), jnp.int32),
        pltpu.VMEM((NG, 128, D), jnp.float32),
        pltpu.VMEM((NG, D, 2 * D), jnp.float32),
    ]
    + [pltpu.SemaphoreType.DMA] * (2 * NG),
    compiler_params=pltpu.CompilerParams(
        use_tc_tiling_on_sc=False, needs_layout_passes=False
    ),
)
def _embed(xt_hbm, table_hbm, out_hbm, idx_v, g_v, o_v, *sems):
    gsem, osem = sems[:NG], sems[NG:]
    wid = lax.axis_index("s") * NC + lax.axis_index("c")

    def stage(jb, carry):
        pltpu.sync_copy(xt_hbm.at[jb, wid], idx_v.at[jb])
        half = TBW // 2
        sh = half.bit_length() - 1
        for r8 in range(8):
            for c in range(8):
                sl = pl.ds(c * L, L)
                pass
        return carry

    lax.fori_loop(0, JB, stage, 0)

    def start_gather(b, j):
        pltpu.async_copy(
            table_hbm.at[idx_v.at[j // 8, j % 8]], g_v.at[b], gsem[b]
        )

    for b in range(NG):
        start_gather(b, b)

    def group(g, carry):
        j0 = NG * g
        for b in range(NG):
            j = j0 + b
            pltpu.make_async_copy(
                table_hbm.at[idx_v.at[0, 0]], g_v.at[b], gsem[b]
            ).wait()

            @pl.when(g > 0)
            def _():
                pltpu.make_async_copy(
                    o_v.at[b], out_hbm.at[0, 0], osem[b]
                ).wait()

            def srow(k, c2, b=b):
                r0 = k * 8
                for dr in range(8):
                    for q in range(8):
                        src = r0 + dr + (D if q >= 4 else 0)
                        v = g_v[b, src, pl.ds((q % 4) * L, L)]
                        o_v[b, r0 + dr, pl.ds(q * L, L)] = v
                return c2

            lax.fori_loop(0, 8, srow, 0)

            pltpu.async_copy(o_v.at[b], out_hbm.at[j, wid], osem[b])

            @pl.when(g < NGROUP - 1)
            def _():
                start_gather(b, j + NG)
        return carry

    lax.fori_loop(0, NGROUP, group, 0)

    for b in range(NG):
        pltpu.make_async_copy(o_v.at[b], out_hbm.at[0, 0], osem[b]).wait()


JBLK = 50


def _out_body(i_ref, o_ref):
    t3 = lax.dot_general(
        i_ref[:, 0], _eye(1.0), (((1,), (0,)), ((), ())),
        preferred_element_type=jnp.float32,
    )
    o = jnp.concatenate([t3[:, :D, :], t3[:, D:, :]], axis=2)
    o_ref[:, :, 0] = o.reshape(JBLK, 8, 8, 2 * D)


_tc_out = pl.pallas_call(
    _out_body,
    grid=(S // JBLK, IB),
    in_specs=[
        pl.BlockSpec((JBLK, 1, D, 2 * D), lambda jb, ib: (jb, ib, 0, 0))
    ],
    out_specs=pl.BlockSpec(
        (JBLK, 8, 1, 8, 2 * D), lambda jb, ib: (jb, 0, ib, 0, 0)
    ),
    out_shape=jax.ShapeDtypeStruct((S, 8, IB, 8, 2 * D), jnp.float32),
)


def kernel(x, table):
    xt = x.T.reshape(JB, 8, IB, 128).transpose(0, 2, 1, 3)
    tbl2 = _tc_table(table.T)
    out_sc = _embed(xt, tbl2.reshape(2 * V2, D))
    out5 = _tc_out(out_sc)
    return out5.transpose(2, 4, 0, 1, 3).reshape(R, S, D)

# --- scband reference (transcript-rebuilt; emitter-appended) ---
"""Pipeline reference for scband-input-embedding-47158740910479 (READ-ONLY COPY).

The authoritative reference and input builder live on the scoring server;
editing this copy changes nothing except your own understanding.
"""

import jax, jax.numpy as jnp
import numpy as np
import math

VOCAB = 1000000
EMBED_DIM = 64
PADDING_IDX = 0


def setup_inputs(seed: int = 0) -> dict:
    key = jax.random.key(seed)
    k_idx, k_tab = jax.random.split(key)
    x = jax.random.randint(k_idx, (4096, 200), 0, VOCAB, dtype=jnp.int64 if jax.config.jax_enable_x64 else jnp.int32).astype(jnp.int32)
    table = jax.random.normal(k_tab, (VOCAB, EMBED_DIM), dtype=jnp.float32)
    # nn.Embedding with padding_idx keeps that row at zero
    table = table.at[PADDING_IDX].set(0.0)
    return {"x": x, "table": table}


def reference(x, table):
    # gather rows then scale by sqrt(embedding_dim)
    emb = jnp.take(table, x, axis=0)
    return emb * math.sqrt(EMBED_DIM)

if __name__ == "__main__":
    import jax
    _d = setup_inputs()
    print(jax.jit(kernel)(*tuple(_d.values())))

</pallas_src>

<mosaic_0001>
#map = affine_map<(d0, d1) -> (0, 0, 0, 0)>
#map1 = affine_map<(d0, d1) -> (0, 0)>
module attributes {stable_mosaic.version = 14 : i64} {
  func.func @_embed(%arg0: i32, %arg1: i32, %arg2: memref<25x32x8x128xi32, #tpu.memory_space<hbm>>, %arg3: memref<1003520x64xf32, #tpu.memory_space<hbm>>, %arg4: memref<200x32x64x128xf32, #tpu.memory_space<hbm>>, %arg5: memref<25x8x128xi32, #tpu.memory_space<vmem>>, %arg6: memref<4x128x64xf32, #tpu.memory_space<vmem>>, %arg7: memref<4x64x128xf32, #tpu.memory_space<vmem>>, %arg8: memref<!tpu.dma_semaphore, #tpu.memory_space<semaphore_mem>>, %arg9: memref<!tpu.dma_semaphore, #tpu.memory_space<semaphore_mem>>, %arg10: memref<!tpu.dma_semaphore, #tpu.memory_space<semaphore_mem>>, %arg11: memref<!tpu.dma_semaphore, #tpu.memory_space<semaphore_mem>>, %arg12: memref<!tpu.dma_semaphore, #tpu.memory_space<semaphore_mem>>, %arg13: memref<!tpu.dma_semaphore, #tpu.memory_space<semaphore_mem>>, %arg14: memref<!tpu.dma_semaphore, #tpu.memory_space<semaphore_mem>>, %arg15: memref<!tpu.dma_semaphore, #tpu.memory_space<semaphore_mem>>) attributes {dimension_semantics = [#tpu.dimension_semantics<core_parallel>, #tpu.dimension_semantics<subcore_parallel>], iteration_bounds = array<i64: 2, 16>, scalar_prefetch = 0 : i64, scratch_operands = 11 : i64, tpu.core_type = #tpu.core_type<sc_vector_subcore>, window_params = [{transform_indices = #map}, {transform_indices = #map1}, {transform_indices = #map}]} {
    %mul3A = arith.constant 2 : i32
    %mul3A_0 = arith.muli %arg1, %mul3A : i32
    %add3A = arith.addi %mul3A_0, %arg0 : i32
    %scan3A = arith.constant 0 : i32
    %scan3A_1 = arith.constant 0 : i32
    %scan3A_2 = arith.constant 25 : i32
    %scan3A_3 = arith.addi %scan3A_1, %scan3A_2 : i32
    %scan3A_4 = arith.constant 1 : i32
    scf.for %scan3A_138 = %scan3A_1 to %scan3A_3 step %scan3A_4  : i32 {
      "tpu.region"() ({
        %run_scoped3A = tpu.sem_alloc : memref<!tpu.dma_semaphore, #tpu.memory_space<semaphore_mem>>
        %dma_start3A_139 = arith.constant 0 : i32
        %dma_start3A_140 = arith.constant 0 : i32
        %dma_start3A_141 = tpu.memref_slice %arg5[%scan3A_138, %dma_start3A_139, %dma_start3A_140] : memref<25x8x128xi32, #tpu.memory_space<vmem>> -> memref<1x8x128xi32, #tpu.memory_space<vmem>>
        %dma_start3A_142 = tpu.memref_squeeze %dma_start3A_141 : memref<1x8x128xi32, #tpu.memory_space<vmem>> -> memref<8x128xi32, #tpu.memory_space<vmem>>
        %dma_start3A_143 = arith.constant 0 : i32
        %dma_start3A_144 = arith.constant 0 : i32
        %dma_start3A_145 = tpu.memref_slice %arg2[%scan3A_138, %add3A, %dma_start3A_143, %dma_start3A_144] : memref<25x32x8x128xi32, #tpu.memory_space<hbm>> -> memref<1x1x8x128xi32, #tpu.memory_space<hbm>>
        %dma_start3A_146 = tpu.memref_squeeze %dma_start3A_145 : memref<1x1x8x128xi32, #tpu.memory_space<hbm>> -> memref<8x128xi32, #tpu.memory_space<hbm>>
        %dma_start3A_147 = arith.constant 0 : i32
        %dma_start3A_148 = arith.constant 0 : i32
        %dma_start3A_149 = tpu.memref_slice %arg5[%scan3A_138, %dma_start3A_147, %dma_start3A_148] : memref<25x8x128xi32, #tpu.memory_space<vmem>> -> memref<1x8x128xi32, #tpu.memory_space<vmem>>
        %dma_start3A_150 = tpu.memref_squeeze %dma_start3A_149 : memref<1x8x128xi32, #tpu.memory_space<vmem>> -> memref<8x128xi32, #tpu.memory_space<vmem>>
        %dma_start3A_151 = arith.constant 0 : i32
        %dma_start3A_152 = arith.constant 0 : i32
        %dma_start3A_153 = tpu.memref_slice %arg2[%scan3A_138, %add3A, %dma_start3A_151, %dma_start3A_152] : memref<25x32x8x128xi32, #tpu.memory_space<hbm>> -> memref<1x1x8x128xi32, #tpu.memory_space<hbm>>
        %dma_start3A_154 = tpu.memref_squeeze %dma_start3A_153 : memref<1x1x8x128xi32, #tpu.memory_space<hbm>> -> memref<8x128xi32, #tpu.memory_space<hbm>>
        tpu.enqueue_dma source(%dma_start3A_154 : memref<8x128xi32, #tpu.memory_space<hbm>>) target(%dma_start3A_150 : memref<8x128xi32, #tpu.memory_space<vmem>>) target_semaphore(%run_scoped3A : memref<!tpu.dma_semaphore, #tpu.memory_space<semaphore_mem>>)
        %dma_wait3A_155 = arith.constant 0 : i32
        %dma_wait3A_156 = arith.constant 0 : i32
        %dma_wait3A_157 = tpu.memref_slice %arg5[%scan3A_138, %dma_wait3A_155, %dma_wait3A_156] : memref<25x8x128xi32, #tpu.memory_space<vmem>> -> memref<1x8x128xi32, #tpu.memory_space<vmem>>
        %dma_wait3A_158 = tpu.memref_squeeze %dma_wait3A_157 : memref<1x8x128xi32, #tpu.memory_space<vmem>> -> memref<8x128xi32, #tpu.memory_space<vmem>>
        %dma_wait3A_159 = arith.constant 0 : i32
        %dma_wait3A_160 = arith.constant 0 : i32
        %dma_wait3A_161 = tpu.memref_slice %arg2[%scan3A_138, %add3A, %dma_wait3A_159, %dma_wait3A_160] : memref<25x32x8x128xi32, #tpu.memory_space<hbm>> -> memref<1x1x8x128xi32, #tpu.memory_space<hbm>>
        %dma_wait3A_162 = tpu.memref_squeeze %dma_wait3A_161 : memref<1x1x8x128xi32, #tpu.memory_space<hbm>> -> memref<8x128xi32, #tpu.memory_space<hbm>>
        %dma_wait3A_163 = arith.constant 0 : i32
        %dma_wait3A_164 = arith.constant 0 : i32
        %dma_wait3A_165 = tpu.memref_slice %arg5[%scan3A_138, %dma_wait3A_163, %dma_wait3A_164] : memref<25x8x128xi32, #tpu.memory_space<vmem>> -> memref<1x8x128xi32, #tpu.memory_space<vmem>>
        %dma_wait3A_166 = tpu.memref_squeeze %dma_wait3A_165 : memref<1x8x128xi32, #tpu.memory_space<vmem>> -> memref<8x128xi32, #tpu.memory_space<vmem>>
        %dma_wait3A_167 = arith.constant 0 : i32
        %dma_wait3A_168 = arith.constant 0 : i32
        %dma_wait3A_169 = tpu.memref_slice %arg2[%scan3A_138, %add3A, %dma_wait3A_167, %dma_wait3A_168] : memref<25x32x8x128xi32, #tpu.memory_space<hbm>> -> memref<1x1x8x128xi32, #tpu.memory_space<hbm>>
        %dma_wait3A_170 = tpu.memref_squeeze %dma_wait3A_169 : memref<1x1x8x128xi32, #tpu.memory_space<hbm>> -> memref<8x128xi32, #tpu.memory_space<hbm>>
        tpu.wait_dma2 semaphore(%run_scoped3A : memref<!tpu.dma_semaphore, #tpu.memory_space<semaphore_mem>>) src(%dma_wait3A_170 : memref<8x128xi32, #tpu.memory_space<hbm>>) dst(%dma_wait3A_166 : memref<8x128xi32, #tpu.memory_space<vmem>>)
        tpu.yield
      }) : () -> ()
    }
    %scan3A_5 = arith.constant 25 : i32
    %dma_start3A = arith.constant 0 : i32
    %dma_start3A_6 = arith.constant 0 : i32
    %dma_start3A_7 = arith.constant 0 : i32
    %dma_start3A_8 = arith.constant 0 : i32
    %dma_start3A_9 = arith.constant 0 : i32
    %dma_start3A_10 = tpu.memref_slice %arg6[%dma_start3A_7, %dma_start3A_8, %dma_start3A_9] : memref<4x128x64xf32, #tpu.memory_space<vmem>> -> memref<1x128x64xf32, #tpu.memory_space<vmem>>
    %dma_start3A_11 = tpu.memref_squeeze %dma_start3A_10 : memref<1x128x64xf32, #tpu.memory_space<vmem>> -> memref<128x64xf32, #tpu.memory_space<vmem>>
    %dma_start3A_12 = arith.constant 0 : i32
    %dma_start3A_13 = tpu.memref_slice %arg5[%dma_start3A, %dma_start3A_6, %dma_start3A_12] : memref<25x8x128xi32, #tpu.memory_space<vmem>> -> memref<1x1x128xi32, #tpu.memory_space<vmem>>
    %dma_start3A_14 = tpu.memref_squeeze %dma_start3A_13 : memref<1x1x128xi32, #tpu.memory_space<vmem>> -> memref<128xi32, #tpu.memory_space<vmem>>
    %dma_start3A_15 = arith.constant 0 : i32
    %dma_start3A_16 = arith.constant 0 : i32
    %dma_start3A_17 = tpu.memref_slice %arg3[%dma_start3A_15, %dma_start3A_16] : memref<1003520x64xf32, #tpu.memory_space<hbm>> -> memref<1003520x64xf32, #tpu.memory_space<hbm>>
    tpu.enqueue_indirect_dma source(%dma_start3A_17 : memref<1003520x64xf32, #tpu.memory_space<hbm>>) target(%dma_start3A_11 : memref<128x64xf32, #tpu.memory_space<vmem>>) offsets(%dma_start3A_14 : memref<128xi32, #tpu.memory_space<vmem>>) semaphore(%arg8 : memref<!tpu.dma_semaphore, #tpu.memory_space<semaphore_mem>>)
    %dma_start3A_18 = arith.constant 0 : i32
    %dma_start3A_19 = arith.constant 1 : i32
    %dma_start3A_20 = arith.constant 1 : i32
    %dma_start3A_21 = arith.constant 0 : i32
    %dma_start3A_22 = arith.constant 0 : i32
    %dma_start3A_23 = tpu.memref_slice %arg6[%dma_start3A_20, %dma_start3A_21, %dma_start3A_22] : memref<4x128x64xf32, #tpu.memory_space<vmem>> -> memref<1x128x64xf32, #tpu.memory_space<vmem>>
    %dma_start3A_24 = tpu.memref_squeeze %dma_start3A_23 : memref<1x128x64xf32, #tpu.memory_space<vmem>> -> memref<128x64xf32, #tpu.memory_space<vmem>>
    %dma_start3A_25 = arith.constant 0 : i32
    %dma_start3A_26 = tpu.memref_slice %arg5[%dma_start3A_18, %dma_start3A_19, %dma_start3A_25] : memref<25x8x128xi32, #tpu.memory_space<vmem>> -> memref<1x1x128xi32, #tpu.memory_space<vmem>>
    %dma_start3A_27 = tpu.memref_squeeze %dma_start3A_26 : memref<1x1x128xi32, #tpu.memory_space<vmem>> -> memref<128xi32, #tpu.memory_space<vmem>>
    %dma_start3A_28 = arith.constant 0 : i32
    %dma_start3A_29 = arith.constant 0 : i32
    %dma_start3A_30 = tpu.memref_slice %arg3[%dma_start3A_28, %dma_start3A_29] : memref<1003520x64xf32, #tpu.memory_space<hbm>> -> memref<1003520x64xf32, #tpu.memory_space<hbm>>
    tpu.enqueue_indirect_dma source(%dma_start3A_30 : memref<1003520x64xf32, #tpu.memory_space<hbm>>) target(%dma_start3A_24 : memref<128x64xf32, #tpu.memory_space<vmem>>) offsets(%dma_start3A_27 : memref<128xi32, #tpu.memory_space<vmem>>) semaphore(%arg9 : memref<!tpu.dma_semaphore, #tpu.memory_space<semaphore_mem>>)
    %dma_start3A_31 = arith.constant 0 : i32
    %dma_start3A_32 = arith.constant 2 : i32
    %dma_start3A_33 = arith.constant 2 : i32
    %dma_start3A_34 = arith.constant 0 : i32
    %dma_start3A_35 = arith.constant 0 : i32
    %dma_start3A_36 = tpu.memref_slice %arg6[%dma_start3A_33, %dma_start3A_34, %dma_start3A_35] : memref<4x128x64xf32, #tpu.memory_space<vmem>> -> memref<1x128x64xf32, #tpu.memory_space<vmem>>
    %dma_start3A_37 = tpu.memref_squeeze %dma_start3A_36 : memref<1x128x64xf32, #tpu.memory_space<vmem>> -> memref<128x64xf32, #tpu.memory_space<vmem>>
    %dma_start3A_38 = arith.constant 0 : i32
    %dma_start3A_39 = tpu.memref_slice %arg5[%dma_start3A_31, %dma_start3A_32, %dma_start3A_38] : memref<25x8x128xi32, #tpu.memory_space<vmem>> -> memref<1x1x128xi32, #tpu.memory_space<vmem>>
    %dma_start3A_40 = tpu.memref_squeeze %dma_start3A_39 : memref<1x1x128xi32, #tpu.memory_space<vmem>> -> memref<128xi32, #tpu.memory_space<vmem>>
    %dma_start3A_41 = arith.constant 0 : i32
    %dma_start3A_42 = arith.constant 0 : i32
    %dma_start3A_43 = tpu.memref_slice %arg3[%dma_start3A_41, %dma_start3A_42] : memref<1003520x64xf32, #tpu.memory_space<hbm>> -> memref<1003520x64xf32, #tpu.memory_space<hbm>>
    tpu.enqueue_indirect_dma source(%dma_start3A_43 : memref<1003520x64xf32, #tpu.memory_space<hbm>>) target(%dma_start3A_37 : memref<128x64xf32, #tpu.memory_space<vmem>>) offsets(%dma_start3A_40 : memref<128xi32, #tpu.memory_space<vmem>>) semaphore(%arg10 : memref<!tpu.dma_semaphore, #tpu.memory_space<semaphore_mem>>)
    %dma_start3A_44 = arith.constant 0 : i32
    %dma_start3A_45 = arith.constant 3 : i32
    %dma_start3A_46 = arith.constant 3 : i32
    %dma_start3A_47 = arith.constant 0 : i32
    %dma_start3A_48 = arith.constant 0 : i32
    %dma_start3A_49 = tpu.memref_slice %arg6[%dma_start3A_46, %dma_start3A_47, %dma_start3A_48] : memref<4x128x64xf32, #tpu.memory_space<vmem>> -> memref<1x128x64xf32, #tpu.memory_space<vmem>>
    %dma_start3A_50 = tpu.memref_squeeze %dma_start3A_49 : memref<1x128x64xf32, #tpu.memory_space<vmem>> -> memref<128x64xf32, #tpu.memory_space<vmem>>
    %dma_start3A_51 = arith.constant 0 : i32
    %dma_start3A_52 = tpu.memref_slice %arg5[%dma_start3A_44, %dma_start3A_45, %dma_start3A_51] : memref<25x8x128xi32, #tpu.memory_space<vmem>> -> memref<1x1x128xi32, #tpu.memory_space<vmem>>
    %dma_start3A_53 = tpu.memref_squeeze %dma_start3A_52 : memref<1x1x128xi32, #tpu.memory_space<vmem>> -> memref<128xi32, #tpu.memory_space<vmem>>
    %dma_start3A_54 = arith.constant 0 : i32
    %dma_start3A_55 = arith.constant 0 : i32
    %dma_start3A_56 = tpu.memref_slice %arg3[%dma_start3A_54, %dma_start3A_55] : memref<1003520x64xf32, #tpu.memory_space<hbm>> -> memref<1003520x64xf32, #tpu.memory_space<hbm>>
    tpu.enqueue_indirect_dma source(%dma_start3A_56 : memref<1003520x64xf32, #tpu.memory_space<hbm>>) target(%dma_start3A_50 : memref<128x64xf32, #tpu.memory_space<vmem>>) offsets(%dma_start3A_53 : memref<128xi32, #tpu.memory_space<vmem>>) semaphore(%arg11 : memref<!tpu.dma_semaphore, #tpu.memory_space<semaphore_mem>>)
    %scan3A_57 = arith.constant 0 : i32
    %scan3A_58 = arith.constant 0 : i32
    %scan3A_59 = arith.constant 50 : i32
    %scan3A_60 = arith.addi %scan3A_58, %scan3A_59 : i32
    %scan3A_61 = arith.constant 1 : i32
    scf.for %scan3A_138 = %scan3A_58 to %scan3A_60 step %scan3A_61  : i32 {
      %mul3A_139 = arith.constant 4 : i32
      %mul3A_140 = arith.muli %mul3A_139, %scan3A_138 : i32
      %add3A_141 = arith.constant 0 : i32
      %add3A_142 = arith.addi %mul3A_140, %add3A_141 : i32
      %dma_wait3A_143 = arith.constant 0 : i32
      %dma_wait3A_144 = arith.constant 0 : i32
      %dma_wait3A_145 = arith.constant 0 : i32
      %dma_wait3A_146 = arith.constant 0 : i32
      %dma_wait3A_147 = arith.constant 0 : i32
      %dma_wait3A_148 = tpu.memref_slice %arg6[%dma_wait3A_145, %dma_wait3A_146, %dma_wait3A_147] : memref<4x128x64xf32, #tpu.memory_space<vmem>> -> memref<1x128x64xf32, #tpu.memory_space<vmem>>
      %dma_wait3A_149 = tpu.memref_squeeze %dma_wait3A_148 : memref<1x128x64xf32, #tpu.memory_space<vmem>> -> memref<128x64xf32, #tpu.memory_space<vmem>>
      %dma_wait3A_150 = arith.constant 0 : i32
      %dma_wait3A_151 = tpu.memref_slice %arg5[%dma_wait3A_143, %dma_wait3A_144, %dma_wait3A_150] : memref<25x8x128xi32, #tpu.memory_space<vmem>> -> memref<1x1x128xi32, #tpu.memory_space<vmem>>
      %dma_wait3A_152 = tpu.memref_squeeze %dma_wait3A_151 : memref<1x1x128xi32, #tpu.memory_space<vmem>> -> memref<128xi32, #tpu.memory_space<vmem>>
      %dma_wait3A_153 = arith.constant 0 : i32
      %dma_wait3A_154 = arith.constant 0 : i32
      %dma_wait3A_155 = tpu.memref_slice %arg3[%dma_wait3A_153, %dma_wait3A_154] : memref<1003520x64xf32, #tpu.memory_space<hbm>> -> memref<1003520x64xf32, #tpu.memory_space<hbm>>
      tpu.wait_indirect_dma semaphore(%arg8 : memref<!tpu.dma_semaphore, #tpu.memory_space<semaphore_mem>>) src(%dma_wait3A_155 : memref<1003520x64xf32, #tpu.memory_space<hbm>>) dst(%dma_wait3A_149 : memref<128x64xf32, #tpu.memory_space<vmem>>)
      %gt3A = arith.constant 0 : i32
      %gt3A_156 = arith.cmpi sgt, %scan3A_138, %gt3A : i32
      %convert_element_type3A = arith.extui %gt3A_156 : i1 to i32
      %cond3A = arith.constant 0 : i32
      %cond3A_157 = arith.cmpi ne, %convert_element_type3A, %cond3A : i32
      scf.if %cond3A_157 {
        %dma_wait3A_329 = arith.constant 0 : i32
        %dma_wait3A_330 = arith.constant 0 : i32
        %dma_wait3A_331 = arith.constant 0 : i32
        %dma_wait3A_332 = arith.constant 0 : i32
        %dma_wait3A_333 = arith.constant 0 : i32
        %dma_wait3A_334 = tpu.memref_slice %arg7[%dma_wait3A_329, %dma_wait3A_332, %dma_wait3A_333] : memref<4x64x128xf32, #tpu.memory_space<vmem>> -> memref<1x64x128xf32, #tpu.memory_space<vmem>>
        %dma_wait3A_335 = tpu.memref_squeeze %dma_wait3A_334 : memref<1x64x128xf32, #tpu.memory_space<vmem>> -> memref<64x128xf32, #tpu.memory_space<vmem>>
        %dma_wait3A_336 = arith.constant 0 : i32
        %dma_wait3A_337 = arith.constant 0 : i32
        %dma_wait3A_338 = tpu.memref_slice %arg4[%dma_wait3A_330, %dma_wait3A_331, %dma_wait3A_336, %dma_wait3A_337] : memref<200x32x64x128xf32, #tpu.memory_space<hbm>> -> memref<1x1x64x128xf32, #tpu.memory_space<hbm>>
        %dma_wait3A_339 = tpu.memref_squeeze %dma_wait3A_338 : memref<1x1x64x128xf32, #tpu.memory_space<hbm>> -> memref<64x128xf32, #tpu.memory_space<hbm>>
        %dma_wait3A_340 = arith.constant 0 : i32
        %dma_wait3A_341 = arith.constant 0 : i32
        %dma_wait3A_342 = tpu.memref_slice %arg4[%dma_wait3A_330, %dma_wait3A_331, %dma_wait3A_340, %dma_wait3A_341] : memref<200x32x64x128xf32, #tpu.memory_space<hbm>> -> memref<1x1x64x128xf32, #tpu.memory_space<hbm>>
        %dma_wait3A_343 = tpu.memref_squeeze %dma_wait3A_342 : memref<1x1x64x128xf32, #tpu.memory_space<hbm>> -> memref<64x128xf32, #tpu.memory_space<hbm>>
        %dma_wait3A_344 = arith.constant 0 : i32
        %dma_wait3A_345 = arith.constant 0 : i32
        %dma_wait3A_346 = tpu.memref_slice %arg7[%dma_wait3A_329, %dma_wait3A_344, %dma_wait3A_345] : memref<4x64x128xf32, #tpu.memory_space<vmem>> -> memref<1x64x128xf32, #tpu.memory_space<vmem>>
        %dma_wait3A_347 = tpu.memref_squeeze %dma_wait3A_346 : memref<1x64x128xf32, #tpu.memory_space<vmem>> -> memref<64x128xf32, #tpu.memory_space<vmem>>
        tpu.wait_dma2 semaphore(%arg12 : memref<!tpu.dma_semaphore, #tpu.memory_space<semaphore_mem>>) src(%dma_wait3A_347 : memref<64x128xf32, #tpu.memory_space<vmem>>) dst(%dma_wait3A_343 : memref<64x128xf32, #tpu.memory_space<hbm>>)
      } else {
      }
      %scan3A_158 = arith.constant 0 : i32
      %scan3A_159 = arith.constant 0 : i32
      %scan3A_160 = arith.constant 8 : i32
      %scan3A_161 = arith.addi %scan3A_159, %scan3A_160 : i32
      %scan3A_162 = arith.constant 1 : i32
      scf.for %scan3A_329 = %scan3A_159 to %scan3A_161 step %scan3A_162  : i32 {
        %mul3A_330 = arith.constant 8 : i32
        %mul3A_331 = arith.muli %scan3A_329, %mul3A_330 : i32
        %add3A_332 = arith.constant 0 : i32
        %add3A_333 = arith.addi %mul3A_331, %add3A_332 : i32
        %add3A_334 = arith.constant 0 : i32
        %add3A_335 = arith.addi %add3A_333, %add3A_334 : i32
        %get3A = arith.constant 0 : i32
        %get3A_336 = arith.index_cast %get3A : i32 to index
        %get3A_337 = arith.index_cast %add3A_335 : i32 to index
        %get3A_338 = arith.constant 0 : index
        %get3A_339 = tpu.vector_load %arg6[%get3A_336, %get3A_337, %get3A_338] {strides = array<i32>} : memref<4x128x64xf32, #tpu.memory_space<vmem>>, vector<16xf32>,
        %add3A_340 = arith.constant 0 : i32
        %add3A_341 = arith.addi %mul3A_331, %add3A_340 : i32
        %swap3A = arith.constant 0 : i32
        %swap3A_342 = arith.index_cast %swap3A : i32 to index
        %swap3A_343 = arith.index_cast %add3A_341 : i32 to index
        %swap3A_344 = arith.constant 0 : index
        %swap3A_345 = tpu.vector_load %arg7[%swap3A_342, %swap3A_343, %swap3A_344] {strides = array<i32>} : memref<4x64x128xf32, #tpu.memory_space<vmem>>, vector<16xf32>,
        tpu.vector_store %arg7[%swap3A_342, %swap3A_343, %swap3A_344], %get3A_339 {strides = array<i32>} : memref<4x64x128xf32, #tpu.memory_space<vmem>>, vector<16xf32>,
        %add3A_346 = arith.constant 0 : i32
        %add3A_347 = arith.addi %mul3A_331, %add3A_346 : i32
        %add3A_348 = arith.constant 0 : i32
        %add3A_349 = arith.addi %add3A_347, %add3A_348 : i32
        %get3A_350 = arith.constant 0 : i32
        %get3A_351 = arith.index_cast %get3A_350 : i32 to index
        %get3A_352 = arith.index_cast %add3A_349 : i32 to index
        %get3A_353 = arith.constant 16 : index
        %get3A_354 = tpu.vector_load %arg6[%get3A_351, %get3A_352, %get3A_353] {strides = array<i32>} : memref<4x128x64xf32, #tpu.memory_space<vmem>>, vector<16xf32>,
        %add3A_355 = arith.constant 0 : i32
        %add3A_356 = arith.addi %mul3A_331, %add3A_355 : i32
        %swap3A_357 = arith.constant 0 : i32
        %swap3A_358 = arith.index_cast %swap3A_357 : i32 to index
        %swap3A_359 = arith.index_cast %add3A_356 : i32 to index
        %swap3A_360 = arith.constant 16 : index
        %swap3A_361 = tpu.vector_load %arg7[%swap3A_358, %swap3A_359, %swap3A_360] {strides = array<i32>} : memref<4x64x128xf32, #tpu.memory_space<vmem>>, vector<16xf32>,
        tpu.vector_store %arg7[%swap3A_358, %swap3A_359, %swap3A_360], %get3A_354 {strides = array<i32>} : memref<4x64x128xf32, #tpu.memory_space<vmem>>, vector<16xf32>,
        %add3A_362 = arith.constant 0 : i32
        %add3A_363 = arith.addi %mul3A_331, %add3A_362 : i32
        %add3A_364 = arith.constant 0 : i32
        %add3A_365 = arith.addi %add3A_363, %add3A_364 : i32
        %get3A_366 = arith.constant 0 : i32
        %get3A_367 = arith.index_cast %get3A_366 : i32 to index
        %get3A_368 = arith.index_cast %add3A_365 : i32 to index
        %get3A_369 = arith.constant 32 : index
        %get3A_370 = tpu.vector_load %arg6[%get3A_367, %get3A_368, %get3A_369] {strides = array<i32>} : memref<4x128x64xf32, #tpu.memory_space<vmem>>, vector<16xf32>,
        %add3A_371 = arith.constant 0 : i32
        %add3A_372 = arith.addi %mul3A_331, %add3A_371 : i32
        %swap3A_373 = arith.constant 0 : i32
        %swap3A_374 = arith.index_cast %swap3A_373 : i32 to index
        %swap3A_375 = arith.index_cast %add3A_372 : i32 to index
        %swap3A_376 = arith.constant 32 : index
        %swap3A_377 = tpu.vector_load %arg7[%swap3A_374, %swap3A_375, %swap3A_376] {strides = array<i32>} : memref<4x64x128xf32, #tpu.memory_space<vmem>>, vector<16xf32>,
        tpu.vector_store %arg7[%swap3A_374, %swap3A_375, %swap3A_376], %get3A_370 {strides = array<i32>} : memref<4x64x128xf32, #tpu.memory_space<vmem>>, vector<16xf32>,
        %add3A_378 = arith.constant 0 : i32
        %add3A_379 = arith.addi %mul3A_331, %add3A_378 : i32
        %add3A_380 = arith.constant 0 : i32
        %add3A_381 = arith.addi %add3A_379, %add3A_380 : i32
        %get3A_382 = arith.constant 0 : i32
        %get3A_383 = arith.index_cast %get3A_382 : i32 to index
        %get3A_384 = arith.index_cast %add3A_381 : i32 to index
        %get3A_385 = arith.constant 48 : index
        %get3A_386 = tpu.vector_load %arg6[%get3A_383, %get3A_384, %get3A_385] {strides = array<i32>} : memref<4x128x64xf32, #tpu.memory_space<vmem>>, vector<16xf32>,
        %add3A_387 = arith.constant 0 : i32
        %add3A_388 = arith.addi %mul3A_331, %add3A_387 : i32
        %swap3A_389 = arith.constant 0 : i32
        %swap3A_390 = arith.index_cast %swap3A_389 : i32 to index
        %swap3A_391 = arith.index_cast %add3A_388 : i32 to index
        %swap3A_392 = arith.constant 48 : index
        %swap3A_393 = tpu.vector_load %arg7[%swap3A_390, %swap3A_391, %swap3A_392] {strides = array<i32>} : memref<4x64x128xf32, #tpu.memory_space<vmem>>, vector<16xf32>,
        tpu.vector_store %arg7[%swap3A_390, %swap3A_391, %swap3A_392], %get3A_386 {strides = array<i32>} : memref<4x64x128xf32, #tpu.memory_space<vmem>>, vector<16xf32>,
        %add3A_394 = arith.constant 0 : i32
        %add3A_395 = arith.addi %mul3A_331, %add3A_394 : i32
        %add3A_396 = arith.constant 64 : i32
        %add3A_397 = arith.addi %add3A_395, %add3A_396 : i32
        %get3A_398 = arith.constant 0 : i32
        %get3A_399 = arith.index_cast %get3A_398 : i32 to index
        %get3A_400 = arith.index_cast %add3A_397 : i32 to index
        %get3A_401 = arith.constant 0 : index
        %get3A_402 = tpu.vector_load %arg6[%get3A_399, %get3A_400, %get3A_401] {strides = array<i32>} : memref<4x128x64xf32, #tpu.memory_space<vmem>>, vector<16xf32>,
        %add3A_403 = arith.constant 0 : i32
        %add3A_404 = arith.addi %mul3A_331, %add3A_403 : i32
        %swap3A_405 = arith.constant 0 : i32
        %swap3A_406 = arith.index_cast %swap3A_405 : i32 to index
        %swap3A_407 = arith.index_cast %add3A_404 : i32 to index
        %swap3A_408 = arith.constant 64 : index
        %swap3A_409 = tpu.vector_load %arg7[%swap3A_406, %swap3A_407, %swap3A_408] {strides = array<i32>} : memref<4x64x128xf32, #tpu.memory_space<vmem>>, vector<16xf32>,
        tpu.vector_store %arg7[%swap3A_406, %swap3A_407, %swap3A_408], %get3A_402 {strides = array<i32>} : memref<4x64x128xf32, #tpu.memory_space<vmem>>, vector<16xf32>,
        %add3A_410 = arith.constant 0 : i32
        %add3A_411 = arith.addi %mul3A_331, %add3A_410 : i32
        %add3A_412 = arith.constant 64 : i32
        %add3A_413 = arith.addi %add3A_411, %add3A_412 : i32
        %get3A_414 = arith.constant 0 : i32
        %get3A_415 = arith.index_cast %get3A_414 : i32 to index
        %get3A_416 = arith.index_cast %add3A_413 : i32 to index
        %get3A_417 = arith.constant 16 : index
        %get3A_418 = tpu.vector_load %arg6[%get3A_415, %get3A_416, %get3A_417] {strides = array<i32>} : memref<4x128x64xf32, #tpu.memory_space<vmem>>, vector<16xf32>,
        %add3A_419 = arith.constant 0 : i32
        %add3A_420 = arith.addi %mul3A_331, %add3A_419 : i32
        %swap3A_421 = arith.constant 0 : i32
        %swap3A_422 = arith.index_cast %swap3A_421 : i32 to index
        %swap3A_423 = arith.index_cast %add3A_420 : i32 to index
        %swap3A_424 = arith.constant 80 : index
        %swap3A_425 = tpu.vector_load %arg7[%swap3A_422, %swap3A_423, %swap3A_424] {strides = array<i32>} : memref<4x64x128xf32, #tpu.memory_space<vmem>>, vector<16xf32>,
        tpu.vector_store %arg7[%swap3A_422, %swap3A_423, %swap3A_424], %get3A_418 {strides = array<i32>} : memref<4x64x128xf32, #tpu.memory_space<vmem>>, vector<16xf32>,
        %add3A_426 = arith.constant 0 : i32
        %add3A_427 = arith.addi %mul3A_331, %add3A_426 : i32
        %add3A_428 = arith.constant 64 : i32
        %add3A_429 = arith.addi %add3A_427, %add3A_428 : i32
        %get3A_430 = arith.constant 0 : i32
        %get3A_431 = arith.index_cast %get3A_430 : i32 to index
        %get3A_432 = arith.index_cast %add3A_429 : i32 to index
        %get3A_433 = arith.constant 32 : index
        %get3A_434 = tpu.vector_load %arg6[%get3A_431, %get3A_432, %get3A_433] {strides = array<i32>} : memref<4x128x64xf32, #tpu.memory_space<vmem>>, vector<16xf32>,
        %add3A_435 = arith.constant 0 : i32
        %add3A_436 = arith.addi %mul3A_331, %add3A_435 : i32
        %swap3A_437 = arith.constant 0 : i32
        %swap3A_438 = arith.index_cast %swap3A_437 : i32 to index
        %swap3A_439 = arith.index_cast %add3A_436 : i32 to index
        %swap3A_440 = arith.constant 96 : index
        %swap3A_441 = tpu.vector_load %arg7[%swap3A_438, %swap3A_439, %swap3A_440] {strides = array<i32>} : memref<4x64x128xf32, #tpu.memory_space<vmem>>, vector<16xf32>,
        tpu.vector_store %arg7[%swap3A_438, %swap3A_439, %swap3A_440], %get3A_434 {strides = array<i32>} : memref<4x64x128xf32, #tpu.memory_space<vmem>>, vector<16xf32>,
        %add3A_442 = arith.constant 0 : i32
        %add3A_443 = arith.addi %mul3A_331, %add3A_442 : i32
        %add3A_444 = arith.constant 64 : i32
        %add3A_445 = arith.addi %add3A_443, %add3A_444 : i32
        %get3A_446 = arith.constant 0 : i32
        %get3A_447 = arith.index_cast %get3A_446 : i32 to index
        %get3A_448 = arith.index_cast %add3A_445 : i32 to index
        %get3A_449 = arith.constant 48 : index
        %get3A_450 = tpu.vector_load %arg6[%get3A_447, %get3A_448, %get3A_449] {strides = array<i32>} : memref<4x128x64xf32, #tpu.memory_space<vmem>>, vector<16xf32>,
        %add3A_451 = arith.constant 0 : i32
        %add3A_452 = arith.addi %mul3A_331, %add3A_451 : i32
        %swap3A_453 = arith.constant 0 : i32
        %swap3A_454 = arith.index_cast %swap3A_453 : i32 to index
        %swap3A_455 = arith.index_cast %add3A_452 : i32 to index
        %swap3A_456 = arith.constant 112 : index
        %swap3A_457 = tpu.vector_load %arg7[%swap3A_454, %swap3A_455, %swap3A_456] {strides = array<i32>} : memref<4x64x128xf32, #tpu.memory_space<vmem>>, vector<16xf32>,
        tpu.vector_store %arg7[%swap3A_454, %swap3A_455, %swap3A_456], %get3A_450 {strides = array<i32>} : memref<4x64x128xf32, #tpu.memory_space<vmem>>, vector<16xf32>,
        %add3A_458 = arith.constant 1 : i32
        %add3A_459 = arith.addi %mul3A_331, %add3A_458 : i32
        %add3A_460 = arith.constant 0 : i32
        %add3A_461 = arith.addi %add3A_459, %add3A_460 : i32
        %get3A_462 = arith.constant 0 : i32
        %get3A_463 = arith.index_cast %get3A_462 : i32 to index
        %get3A_464 = arith.index_cast %add3A_461 : i32 to index
        %get3A_465 = arith.constant 0 : index
        %get3A_466 = tpu.vector_load %arg6[%get3A_463, %get3A_464, %get3A_465] {strides = array<i32>} : memref<4x128x64xf32, #tpu.memory_space<vmem>>, vector<16xf32>,
        %add3A_467 = arith.constant 1 : i32
        %add3A_468 = arith.addi %mul3A_331, %add3A_467 : i32
        %swap3A_469 = arith.constant 0 : i32
        %swap3A_470 = arith.index_cast %swap3A_469 : i32 to index
        %swap3A_471 = arith.index_cast %add3A_468 : i32 to index
        %swap3A_472 = arith.constant 0 : index
        %swap3A_473 = tpu.vector_load %arg7[%swap3A_470, %swap3A_471, %swap3A_472] {strides = array<i32>} : memref<4x64x128xf32, #tpu.memory_space<vmem>>, vector<16xf32>,
        tpu.vector_store %arg7[%swap3A_470, %swap3A_471, %swap3A_472], %get3A_466 {strides = array<i32>} : memref<4x64x128xf32, #tpu.memory_space<vmem>>, vector<16xf32>,
        %add3A_474 = arith.constant 1 : i32
        %add3A_475 = arith.addi %mul3A_331, %add3A_474 : i32
        %add3A_476 = arith.constant 0 : i32
        %add3A_477 = arith.addi %add3A_475, %add3A_476 : i32
        %get3A_478 = arith.constant 0 : i32
        %get3A_479 = arith.index_cast %get3A_478 : i32 to index
        %get3A_480 = arith.index_cast %add3A_477 : i32 to index
        %get3A_481 = arith.constant 16 : index
        %get3A_482 = tpu.vector_load %arg6[%get3A_479, %get3A_480, %get3A_481] {strides = array<i32>} : memref<4x128x64xf32, #tpu.memory_space<vmem>>, vector<16xf32>,
        %add3A_483 = arith.constant 1 : i32
        %add3A_484 = arith.addi %mul3A_331, %add3A_483 : i32
        %swap3A_485 = arith.constant 0 : i32
        %swap3A_486 = arith.index_cast %swap3A_485 : i32 to index
        %swap3A_487 = arith.index_cast %add3A_484 : i32 to index
        %swap3A_488 = arith.constant 16 : index
        %swap3A_489 = tpu.vector_load %arg7[%swap3A_486, %swap3A_487, %swap3A_488] {strides = array<i32>} : memref<4x64x128xf32, #tpu.memory_space<vmem>>, vector<16xf32>,
        tpu.vector_store %arg7[%swap3A_486, %swap3A_487, %swap3A_488], %get3A_482 {strides = array<i32>} : memref<4x64x128xf32, #tpu.memory_space<vmem>>, vector<16xf32>,
        %add3A_490 = arith.constant 1 : i32
        %add3A_491 = arith.addi %mul3A_331, %add3A_490 : i32
        %add3A_492 = arith.constant 0 : i32
        %add3A_493 = arith.addi %add3A_491, %add3A_492 : i32
        %get3A_494 = arith.constant 0 : i32
        %get3A_495 = arith.index_cast %get3A_494 : i32 to index
        %get3A_496 = arith.index_cast %add3A_493 : i32 to index
        %get3A_497 = arith.constant 32 : index
        %get3A_498 = tpu.vector_load %arg6[%get3A_495, %get3A_496, %get3A_497] {strides = array<i32>} : memref<4x128x64xf32, #tpu.memory_space<vmem>>, vector<16xf32>,
        %add3A_499 = arith.constant 1 : i32
        %add3A_500 = arith.addi %mul3A_331, %add3A_499 : i32
        %swap3A_501 = arith.constant 0 : i32
        %swap3A_502 = arith.index_cast %swap3A_501 : i32 to index
        %swap3A_503 = arith.index_cast %add3A_500 : i32 to index
        %swap3A_504 = arith.constant 32 : index
        %swap3A_505 = tpu.vector_load %arg7[%swap3A_502, %swap3A_503, %swap3A_504] {strides = array<i32>} : memref<4x64x128xf32, #tpu.memory_space<vmem>>, vector<16xf32>,
        tpu.vector_store %arg7[%swap3A_502, %swap3A_503, %swap3A_504], %get3A_498 {strides = array<i32>} : memref<4x64x128xf32, #tpu.memory_space<vmem>>, vector<16xf32>,
        %add3A_506 = arith.constant 1 : i32
        %add3A_507 = arith.addi %mul3A_331, %add3A_506 : i32
        %add3A_508 = arith.constant 0 : i32
        %add3A_509 = arith.addi %add3A_507, %add3A_508 : i32
        %get3A_510 = arith.constant 0 : i32
        %get3A_511 = arith.index_cast %get3A_510 : i32 to index
        %get3A_512 = arith.index_cast %add3A_509 : i32 to index
        %get3A_513 = arith.constant 48 : index
        %get3A_514 = tpu.vector_load %arg6[%get3A_511, %get3A_512, %get3A_513] {strides = array<i32>} : memref<4x128x64xf32, #tpu.memory_space<vmem>>, vector<16xf32>,
        %add3A_515 = arith.constant 1 : i32
        %add3A_516 = arith.addi %mul3A_331, %add3A_515 : i32
        %swap3A_517 = arith.constant 0 : i32
        %swap3A_518 = arith.index_cast %swap3A_517 : i32 to index
        %swap3A_519 = arith.index_cast %add3A_516 : i32 to index
        %swap3A_520 = arith.constant 48 : index
        %swap3A_521 = tpu.vector_load %arg7[%swap3A_518, %swap3A_519, %swap3A_520] {strides = array<i32>} : memref<4x64x128xf32, #tpu.memory_space<vmem>>, vector<16xf32>,
        tpu.vector_store %arg7[%swap3A_518, %swap3A_519, %swap3A_520], %get3A_514 {strides = array<i32>} : memref<4x64x128xf32, #tpu.memory_space<vmem>>, vector<16xf32>,
        %add3A_522 = arith.constant 1 : i32
        %add3A_523 = arith.addi %mul3A_331, %add3A_522 : i32
        %add3A_524 = arith.constant 64 : i32
        %add3A_525 = arith.addi %add3A_523, %add3A_524 : i32
        %get3A_526 = arith.constant 0 : i32
        %get3A_527 = arith.index_cast %get3A_526 : i32 to index
        %get3A_528 = arith.index_cast %add3A_525 : i32 to index
        %get3A_529 = arith.constant 0 : index
        %get3A_530 = tpu.vector_load %arg6[%get3A_527, %get3A_528, %get3A_529] {strides = array<i32>} : memref<4x128x64xf32, #tpu.memory_space<vmem>>, vector<16xf32>,
        %add3A_531 = arith.constant 1 : i32
        %add3A_532 = arith.addi %mul3A_331, %add3A_531 : i32
        %swap3A_533 = arith.constant 0 : i32
        %swap3A_534 = arith.index_cast %swap3A_533 : i32 to index
        %swap3A_535 = arith.index_cast %add3A_532 : i32 to index
        %swap3A_536 = arith.constant 64 : index
        %swap3A_537 = tpu.vector_load %arg7[%swap3A_534, %swap3A_535, %swap3A_536] {strides = array<i32>} : memref<4x64x128xf32, #tpu.memory_space<vmem>>, vector<16xf32>,
        tpu.vector_store %arg7[%swap3A_534, %swap3A_535, %swap3A_536], %get3A_530 {strides = array<i32>} : memref<4x64x128xf32, #tpu.memory_space<vmem>>, vector<16xf32>,
        %add3A_538 = arith.constant 1 : i32
        %add3A_539 = arith.addi %mul3A_331, %add3A_538 : i32
        %add3A_540 = arith.constant 64 : i32
        %add3A_541 = arith.addi %add3A_539, %add3A_540 : i32
        %get3A_542 = arith.constant 0 : i32
        %get3A_543 = arith.index_cast %get3A_542 : i32 to index
        %get3A_544 = arith.index_cast %add3A_541 : i32 to index
        %get3A_545 = arith.constant 16 : index
        %get3A_546 = tpu.vector_load %arg6[%get3A_543, %get3A_544, %get3A_545] {strides = array<i32>} : memref<4x128x64xf32, #tpu.memory_space<vmem>>, vector<16xf32>,
        %add3A_547 = arith.constant 1 : i32
        %add3A_548 = arith.addi %mul3A_331, %add3A_547 : i32
        %swap3A_549 = arith.constant 0 : i32
        %swap3A_550 = arith.index_cast %swap3A_549 : i32 to index
        %swap3A_551 = arith.index_cast %add3A_548 : i32 to index
        %swap3A_552 = arith.constant 80 : index
        %swap3A_553 = tpu.vector_load %arg7[%swap3A_550, %swap3A_551, %swap3A_552] {strides = array<i32>} : memref<4x64x128xf32, #tpu.memory_space<vmem>>, vector<16xf32>,
        tpu.vector_store %arg7[%swap3A_550, %swap3A_551, %swap3A_552], %get3A_546 {strides = array<i32>} : memref<4x64x128xf32, #tpu.memory_space<vmem>>, vector<16xf32>,
        %add3A_554 = arith.constant 1 : i32
        %add3A_555 = arith.addi %mul3A_331, %add3A_554 : i32
        %add3A_556 = arith.constant 64 : i32
        %add3A_557 = arith.addi %add3A_555, %add3A_556 : i32
        %get3A_558 = arith.constant 0 : i32
        %get3A_559 = arith.index_cast %get3A_558 : i32 to index
        %get3A_560 = arith.index_cast %add3A_557 : i32 to index
        %get3A_561 = arith.constant 32 : index
        %get3A_562 = tpu.vector_load %arg6[%get3A_559, %get3A_560, %get3A_561] {strides = array<i32>} : memref<4x128x64xf32, #tpu.memory_space<vmem>>, vector<16xf32>,
        %add3A_563 = arith.constant 1 : i32
        %add3A_564 = arith.addi %mul3A_331, %add3A_563 : i32
        %swap3A_565 = arith.constant 0 : i32
        %swap3A_566 = arith.index_cast %swap3A_565 : i32 to index
        %swap3A_567 = arith.index_cast %add3A_564 : i32 to index
        %swap3A_568 = arith.constant 96 : index
        %swap3A_569 = tpu.vector_load %arg7[%swap3A_566, %swap3A_567, %swap3A_568] {strides = array<i32>} : memref<4x64x128xf32, #tpu.memory_space<vmem>>, vector<16xf32>,
        tpu.vector_store %arg7[%swap3A_566, %swap3A_567, %swap3A_568], %get3A_562 {strides = array<i32>} : memref<4x64x128xf32, #tpu.memory_space<vmem>>, vector<16xf32>,
        %add3A_570 = arith.constant 1 : i32
        %add3A_571 = arith.addi %mul3A_331, %add3A_570 : i32
        %add3A_572 = arith.constant 64 : i32
        %add3A_573 = arith.addi %add3A_571, %add3A_572 : i32
        %get3A_574 = arith.constant 0 : i32
        %get3A_575 = arith.index_cast %get3A_574 : i32 to index
        %get3A_576 = arith.index_cast %add3A_573 : i32 to index
        %get3A_577 = arith.constant 48 : index
        %get3A_578 = tpu.vector_load %arg6[%get3A_575, %get3A_576, %get3A_577] {strides = array<i32>} : memref<4x128x64xf32, #tpu.memory_space<vmem>>, vector<16xf32>,
        %add3A_579 = arith.constant 1 : i32
        %add3A_580 = arith.addi %mul3A_331, %add3A_579 : i32
        %swap3A_581 = arith.constant 0 : i32
        %swap3A_582 = arith.index_cast %swap3A_581 : i32 to index
        %swap3A_583 = arith.index_cast %add3A_580 : i32 to index
        %swap3A_584 = arith.constant 112 : index
        %swap3A_585 = tpu.vector_load %arg7[%swap3A_582, %swap3A_583, %swap3A_584] {strides = array<i32>} : memref<4x64x128xf32, #tpu.memory_space<vmem>>, vector<16xf32>,
        tpu.vector_store %arg7[%swap3A_582, %swap3A_583, %swap3A_584], %get3A_578 {strides = array<i32>} : memref<4x64x128xf32, #tpu.memory_space<vmem>>, vector<16xf32>,
        %add3A_586 = arith.constant 2 : i32
        %add3A_587 = arith.addi %mul3A_331, %add3A_586 : i32
        %add3A_588 = arith.constant 0 : i32
        %add3A_589 = arith.addi %add3A_587, %add3A_588 : i32
        %get3A_590 = arith.constant 0 : i32
        %get3A_591 = arith.index_cast %get3A_590 : i32 to index
        %get3A_592 = arith.index_cast %add3A_589 : i32 to index
        %get3A_593 = arith.constant 0 : index
        %get3A_594 = tpu.vector_load %arg6[%get3A_591, %get3A_592, %get3A_593] {strides = array<i32>} : memref<4x128x64xf32, #tpu.memory_space<vmem>>, vector<16xf32>,
        %add3A_595 = arith.constant 2 : i32
        %add3A_596 = arith.addi %mul3A_331, %add3A_595 : i32
        %swap3A_597 = arith.constant 0 : i32
        %swap3A_598 = arith.index_cast %swap3A_597 : i32 to index
        %swap3A_599 = arith.index_cast %add3A_596 : i32 to index
        %swap3A_600 = arith.constant 0 : index
        %swap3A_601 = tpu.vector_load %arg7[%swap3A_598, %swap3A_599, %swap3A_600] {strides = array<i32>} : memref<4x64x128xf32, #tpu.memory_space<vmem>>, vector<16xf32>,
        tpu.vector_store %arg7[%swap3A_598, %swap3A_599, %swap3A_600], %get3A_594 {strides = array<i32>} : memref<4x64x128xf32, #tpu.memory_space<vmem>>, vector<16xf32>,
        %add3A_602 = arith.constant 2 : i32
        %add3A_603 = arith.addi %mul3A_331, %add3A_602 : i32
        %add3A_604 = arith.constant 0 : i32
        %add3A_605 = arith.addi %add3A_603, %add3A_604 : i32
        %get3A_606 = arith.constant 0 : i32
        %get3A_607 = arith.index_cast %get3A_606 : i32 to index
        %get3A_608 = arith.index_cast %add3A_605 : i32 to index
        %get3A_609 = arith.constant 16 : index
        %get3A_610 = tpu.vector_load %arg6[%get3A_607, %get3A_608, %get3A_609] {strides = array<i32>} : memref<4x128x64xf32, #tpu.memory_space<vmem>>, vector<16xf32>,
        %add3A_611 = arith.constant 2 : i32
        %add3A_612 = arith.addi %mul3A_331, %add3A_611 : i32
        %swap3A_613 = arith.constant 0 : i32
        %swap3A_614 = arith.index_cast %swap3A_613 : i32 to index
        %swap3A_615 = arith.index_cast %add3A_612 : i32 to index
        %swap3A_616 = arith.constant 16 : index
        %swap3A_617 = tpu.vector_load %arg7[%swap3A_614, %swap3A_615, %swap3A_616] {strides = array<i32>} : memref<4x64x128xf32, #tpu.memory_space<vmem>>, vector<16xf32>,
        tpu.vector_store %arg7[%swap3A_614, %swap3A_615, %swap3A_616], %get3A_610 {strides = array<i32>} : memref<4x64x128xf32, #tpu.memory_space<vmem>>, vector<16xf32>,
        %add3A_618 = arith.constant 2 : i32
        %add3A_619 = arith.addi %mul3A_331, %add3A_618 : i32
        %add3A_620 = arith.constant 0 : i32
        %add3A_621 = arith.addi %add3A_619, %add3A_620 : i32
        %get3A_622 = arith.constant 0 : i32
        %get3A_623 = arith.index_cast %get3A_622 : i32 to index
        %get3A_624 = arith.index_cast %add3A_621 : i32 to index
        %get3A_625 = arith.constant 32 : index
        %get3A_626 = tpu.vector_load %arg6[%get3A_623, %get3A_624, %get3A_625] {strides = array<i32>} : memref<4x128x64xf32, #tpu.memory_space<vmem>>, vector<16xf32>,
        %add3A_627 = arith.constant 2 : i32
        %add3A_628 = arith.addi %mul3A_331, %add3A_627 : i32
        %swap3A_629 = arith.constant 0 : i32
        %swap3A_630 = arith.index_cast %swap3A_629 : i32 to index
        %swap3A_631 = arith.index_cast %add3A_628 : i32 to index
        %swap3A_632 = arith.constant 32 : index
        %swap3A_633 = tpu.vector_load %arg7[%swap3A_630, %swap3A_631, %swap3A_632] {strides = array<i32>} : memref<4x64x128xf32, #tpu.memory_space<vmem>>, vector<16xf32>,
        tpu.vector_store %arg7[%swap3A_630, %swap3A_631, %swap3A_632], %get3A_626 {strides = array<i32>} : memref<4x64x128xf32, #tpu.memory_space<vmem>>, vector<16xf32>,
        %add3A_634 = arith.constant 2 : i32
        %add3A_635 = arith.addi %mul3A_331, %add3A_634 : i32
        %add3A_636 = arith.constant 0 : i32
        %add3A_637 = arith.addi %add3A_635, %add3A_636 : i32
        %get3A_638 = arith.constant 0 : i32
        %get3A_639 = arith.index_cast %get3A_638 : i32 to index
        %get3A_640 = arith.index_cast %add3A_637 : i32 to index
        %get3A_641 = arith.constant 48 : index
        %get3A_642 = tpu.vector_load %arg6[%get3A_639, %get3A_640, %get3A_641] {strides = array<i32>} : memref<4x128x64xf32, #tpu.memory_space<vmem>>, vector<16xf32>,
        %add3A_643 = arith.constant 2 : i32
        %add3A_644 = arith.addi %mul3A_331, %add3A_643 : i32
        %swap3A_645 = arith.constant 0 : i32
        %swap3A_646 = arith.index_cast %swap3A_645 : i32 to index
        %swap3A_647 = arith.index_cast %add3A_644 : i32 to index
        %swap3A_648 = arith.constant 48 : index
        %swap3A_649 = tpu.vector_load %arg7[%swap3A_646, %swap3A_647, %swap3A_648] {strides = array<i32>} : memref<4x64x128xf32, #tpu.memory_space<vmem>>, vector<16xf32>,
        tpu.vector_store %arg7[%swap3A_646, %swap3A_647, %swap3A_648], %get3A_642 {strides = array<i32>} : memref<4x64x128xf32, #tpu.memory_space<vmem>>, vector<16xf32>,
        %add3A_650 = arith.constant 2 : i32
        %add3A_651 = arith.addi %mul3A_331, %add3A_650 : i32
        %add3A_652 = arith.constant 64 : i32
        %add3A_653 = arith.addi %add3A_651, %add3A_652 : i32
        %get3A_654 = arith.constant 0 : i32
        %get3A_655 = arith.index_cast %get3A_654 : i32 to index
        %get3A_656 = arith.index_cast %add3A_653 : i32 to index
        %get3A_657 = arith.constant 0 : index
        %get3A_658 = tpu.vector_load %arg6[%get3A_655, %get3A_656, %get3A_657] {strides = array<i32>} : memref<4x128x64xf32, #tpu.memory_space<vmem>>, vector<16xf32>,
        %add3A_659 = arith.constant 2 : i32
        %add3A_660 = arith.addi %mul3A_331, %add3A_659 : i32
        %swap3A_661 = arith.constant 0 : i32
        %swap3A_662 = arith.index_cast %swap3A_661 : i32 to index
        %swap3A_663 = arith.index_cast %add3A_660 : i32 to index
        %swap3A_664 = arith.constant 64 : index
        %swap3A_665 = tpu.vector_load %arg7[%swap3A_662, %swap3A_663, %swap3A_664] {strides = array<i32>} : memref<4x64x128xf32, #tpu.memory_space<vmem>>, vector<16xf32>,
        tpu.vector_store %arg7[%swap3A_662, %swap3A_663, %swap3A_664], %get3A_658 {strides = array<i32>} : memref<4x64x128xf32, #tpu.memory_space<vmem>>, vector<16xf32>,
        %add3A_666 = arith.constant 2 : i32
        %add3A_667 = arith.addi %mul3A_331, %add3A_666 : i32
        %add3A_668 = arith.constant 64 : i32
        %add3A_669 = arith.addi %add3A_667, %add3A_668 : i32
        %get3A_670 = arith.constant 0 : i32
        %get3A_671 = arith.index_cast %get3A_670 : i32 to index
        %get3A_672 = arith.index_cast %add3A_669 : i32 to index
        %get3A_673 = arith.constant 16 : index
        %get3A_674 = tpu.vector_load %arg6[%get3A_671, %get3A_672, %get3A_673] {strides = array<i32>} : memref<4x128x64xf32, #tpu.memory_space<vmem>>, vector<16xf32>,
        %add3A_675 = arith.constant 2 : i32
        %add3A_676 = arith.addi %mul3A_331, %add3A_675 : i32
        %swap3A_677 = arith.constant 0 : i32
        %swap3A_678 = arith.index_cast %swap3A_677 : i32 to index
        %swap3A_679 = arith.index_cast %add3A_676 : i32 to index
        %swap3A_680 = arith.constant 80 : index
        %swap3A_681 = tpu.vector_load %arg7[%swap3A_678, %swap3A_679, %swap3A_680] {strides = array<i32>} : memref<4x64x128xf32, #tpu.memory_space<vmem>>, vector<16xf32>,
        tpu.vector_store %arg7[%swap3A_678, %swap3A_679, %swap3A_680], %get3A_674 {strides = array<i32>} : memref<4x64x128xf32, #tpu.memory_space<vmem>>, vector<16xf32>,
        %add3A_682 = arith.constant 2 : i32
        %add3A_683 = arith.addi %mul3A_331, %add3A_682 : i32
        %add3A_684 = arith.constant 64 : i32
        %add3A_685 = arith.addi %add3A_683, %add3A_684 : i32
        %get3A_686 = arith.constant 0 : i32
        %get3A_687 = arith.index_cast %get3A_686 : i32 to index
        %get3A_688 = arith.index_cast %add3A_685 : i32 to index
        %get3A_689 = arith.constant 32 : index
        %get3A_690 = tpu.vector_load %arg6[%get3A_687, %get3A_688, %get3A_689] {strides = array<i32>} : memref<4x128x64xf32, #tpu.memory_space<vmem>>, vector<16xf32>,
        %add3A_691 = arith.constant 2 : i32
        %add3A_692 = arith.addi %mul3A_331, %add3A_691 : i32
        %swap3A_693 = arith.constant 0 : i32
        %swap3A_694 = arith.index_cast %swap3A_693 : i32 to index
        %swap3A_695 = arith.index_cast %add3A_692 : i32 to index
        %swap3A_696 = arith.constant 96 : index
        %swap3A_697 = tpu.vector_load %arg7[%swap3A_694, %swap3A_695, %swap3A_696] {strides = array<i32>} : memref<4x64x128xf32, #tpu.memory_space<vmem>>, vector<16xf32>,
        tpu.vector_store %arg7[%swap3A_694, %swap3A_695, %swap3A_696], %get3A_690 {strides = array<i32>} : memref<4x64x128xf32, #tpu.memory_space<vmem>>, vector<16xf32>,
        %add3A_698 = arith.constant 2 : i32
        %add3A_699 = arith.addi %mul3A_331, %add3A_698 : i32
        %add3A_700 = arith.constant 64 : i32
        %add3A_701 = arith.addi %add3A_699, %add3A_700 : i32
        %get3A_702 = arith.constant 0 : i32
        %get3A_703 = arith.index_cast %get3A_702 : i32 to index
        %get3A_704 = arith.index_cast %add3A_701 : i32 to index
        %get3A_705 = arith.constant 48 : index
        %get3A_706 = tpu.vector_load %arg6[%get3A_703, %get3A_704, %get3A_705] {strides = array<i32>} : memref<4x128x64xf32, #tpu.memory_space<vmem>>, vector<16xf32>,
        %add3A_707 = arith.constant 2 : i32
        %add3A_708 = arith.addi %mul3A_331, %add3A_707 : i32
        %swap3A_709 = arith.constant 0 : i32
        %swap3A_710 = arith.index_cast %swap3A_709 : i32 to index
        %swap3A_711 = arith.index_cast %add3A_708 : i32 to index
        %swap3A_712 = arith.constant 112 : index
        %swap3A_713 = tpu.vector_load %arg7[%swap3A_710, %swap3A_711, %swap3A_712] {strides = array<i32>} : memref<4x64x128xf32, #tpu.memory_space<vmem>>, vector<16xf32>,
        tpu.vector_store %arg7[%swap3A_710, %swap3A_711, %swap3A_712], %get3A_706 {strides = array<i32>} : memref<4x64x128xf32, #tpu.memory_space<vmem>>, vector<16xf32>,
        %add3A_714 = arith.constant 3 : i32
        %add3A_715 = arith.addi %mul3A_331, %add3A_714 : i32
        %add3A_716 = arith.constant 0 : i32
        %add3A_717 = arith.addi %add3A_715, %add3A_716 : i32
        %get3A_718 = arith.constant 0 : i32
        %get3A_719 = arith.index_cast %get3A_718 : i32 to index
        %get3A_720 = arith.index_cast %add3A_717 : i32 to index
        %get3A_721 = arith.constant 0 : index
        %get3A_722 = tpu.vector_load %arg6[%get3A_719, %get3A_720, %get3A_721] {strides = array<i32>} : memref<4x128x64xf32, #tpu.memory_space<vmem>>, vector<16xf32>,
        %add3A_723 = arith.constant 3 : i32
        %add3A_724 = arith.addi %mul3A_331, %add3A_723 : i32
        %swap3A_725 = arith.constant 0 : i32
        %swap3A_726 = arith.index_cast %swap3A_725 : i32 to index
        %swap3A_727 = arith.index_cast %add3A_724 : i32 to index
        %swap3A_728 = arith.constant 0 : index
        %swap3A_729 = tpu.vector_load %arg7[%swap3A_726, %swap3A_727, %swap3A_728] {strides = array<i32>} : memref<4x64x128xf32, #tpu.memory_space<vmem>>, vector<16xf32>,
        tpu.vector_store %arg7[%swap3A_726, %swap3A_727, %swap3A_728], %get3A_722 {strides = array<i32>} : memref<4x64x128xf32, #tpu.memory_space<vmem>>, vector<16xf32>,
        %add3A_730 = arith.constant 3 : i32
        %add3A_731 = arith.addi %mul3A_331, %add3A_730 : i32
        %add3A_732 = arith.constant 0 : i32
        %add3A_733 = arith.addi %add3A_731, %add3A_732 : i32
        %get3A_734 = arith.constant 0 : i32
        %get3A_735 = arith.index_cast %get3A_734 : i32 to index
        %get3A_736 = arith.index_cast %add3A_733 : i32 to index
        %get3A_737 = arith.constant 16 : index
        %get3A_738 = tpu.vector_load %arg6[%get3A_735, %get3A_736, %get3A_737] {strides = array<i32>} : memref<4x128x64xf32, #tpu.memory_space<vmem>>, vector<16xf32>,
        %add3A_739 = arith.constant 3 : i32
        %add3A_740 = arith.addi %mul3A_331, %add3A_739 : i32
        %swap3A_741 = arith.constant 0 : i32
        %swap3A_742 = arith.index_cast %swap3A_741 : i32 to index
        %swap3A_743 = arith.index_cast %add3A_740 : i32 to index
        %swap3A_744 = arith.constant 16 : index
        %swap3A_745 = tpu.vector_load %arg7[%swap3A_742, %swap3A_743, %swap3A_744] {strides = array<i32>} : memref<4x64x128xf32, #tpu.memory_space<vmem>>, vector<16xf32>,
        tpu.vector_store %arg7[%swap3A_742, %swap3A_743, %swap3A_744], %get3A_738 {strides = array<i32>} : memref<4x64x128xf32, #tpu.memory_space<vmem>>, vector<16xf32>,
        %add3A_746 = arith.constant 3 : i32
        %add3A_747 = arith.addi %mul3A_331, %add3A_746 : i32
        %add3A_748 = arith.constant 0 : i32
        %add3A_749 = arith.addi %add3A_747, %add3A_748 : i32
        %get3A_750 = arith.constant 0 : i32
        %get3A_751 = arith.index_cast %get3A_750 : i32 to index
        %get3A_752 = arith.index_cast %add3A_749 : i32 to index
        %get3A_753 = arith.constant 32 : index
        %get3A_754 = tpu.vector_load %arg6[%get3A_751, %get3A_752, %get3A_753] {strides = array<i32>} : memref<4x128x64xf32, #tpu.memory_space<vmem>>, vector<16xf32>,
        %add3A_755 = arith.constant 3 : i32
        %add3A_756 = arith.addi %mul3A_331, %add3A_755 : i32
        %swap3A_757 = arith.constant 0 : i32
        %swap3A_758 = arith.index_cast %swap3A_757 : i32 to index
        %swap3A_759 = arith.index_cast %add3A_756 : i32 to index
        %swap3A_760 = arith.constant 32 : index
        %swap3A_761 = tpu.vector_load %arg7[%swap3A_758, %swap3A_759, %swap3A_760] {strides = array<i32>} : memref<4x64x128xf32, #tpu.memory_space<vmem>>, vector<16xf32>,
        tpu.vector_store %arg7[%swap3A_758, %swap3A_759, %swap3A_760], %get3A_754 {strides = array<i32>} : memref<4x64x128xf32, #tpu.memory_space<vmem>>, vector<16xf32>,
        %add3A_762 = arith.constant 3 : i32
        %add3A_763 = arith.addi %mul3A_331, %add3A_762 : i32
        %add3A_764 = arith.constant 0 : i32
        %add3A_765 = arith.addi %add3A_763, %add3A_764 : i32
        %get3A_766 = arith.constant 0 : i32
        %get3A_767 = arith.index_cast %get3A_766 : i32 to index
        %get3A_768 = arith.index_cast %add3A_765 : i32 to index
        %get3A_769 = arith.constant 48 : index
        %get3A_770 = tpu.vector_load %arg6[%get3A_767, %get3A_768, %get3A_769] {strides = array<i32>} : memref<4x128x64xf32, #tpu.memory_space<vmem>>, vector<16xf32>,
        %add3A_771 = arith.constant 3 : i32
        %add3A_772 = arith.addi %mul3A_331, %add3A_771 : i32
        %swap3A_773 = arith.constant 0 : i32
        %swap3A_774 = arith.index_cast %swap3A_773 : i32 to index
        %swap3A_775 = arith.index_cast %add3A_772 : i32 to index
        %swap3A_776 = arith.constant 48 : index
        %swap3A_777 = tpu.vector_load %arg7[%swap3A_774, %swap3A_775, %swap3A_776] {strides = array<i32>} : memref<4x64x128xf32, #tpu.memory_space<vmem>>, vector<16xf32>,
        tpu.vector_store %arg7[%swap3A_774, %swap3A_775, %swap3A_776], %get3A_770 {strides = array<i32>} : memref<4x64x128xf32, #tpu.memory_space<vmem>>, vector<16xf32>,
        %add3A_778 = arith.constant 3 : i32
        %add3A_779 = arith.addi %mul3A_331, %add3A_778 : i32
        %add3A_780 = arith.constant 64 : i32
        %add3A_781 = arith.addi %add3A_779, %add3A_780 : i32
        %get3A_782 = arith.constant 0 : i32
        %get3A_783 = arith.index_cast %get3A_782 : i32 to index
        %get3A_784 = arith.index_cast %add3A_781 : i32 to index
        %get3A_785 = arith.constant 0 : index
        %get3A_786 = tpu.vector_load %arg6[%get3A_783, %get3A_784, %get3A_785] {strides = array<i32>} : memref<4x128x64xf32, #tpu.memory_space<vmem>>, vector<16xf32>,
        %add3A_787 = arith.constant 3 : i32
        %add3A_788 = arith.addi %mul3A_331, %add3A_787 : i32
        %swap3A_789 = arith.constant 0 : i32
        %swap3A_790 = arith.index_cast %swap3A_789 : i32 to index
        %swap3A_791 = arith.index_cast %add3A_788 : i32 to index
        %swap3A_792 = arith.constant 64 : index
        %swap3A_793 = tpu.vector_load %arg7[%swap3A_790, %swap3A_791, %swap3A_792] {strides = array<i32>} : memref<4x64x128xf32, #tpu.memory_space<vmem>>, vector<16xf32>,
        tpu.vector_store %arg7[%swap3A_790, %swap3A_791, %swap3A_792], %get3A_786 {strides = array<i32>} : memref<4x64x128xf32, #tpu.memory_space<vmem>>, vector<16xf32>,
        %add3A_794 = arith.constant 3 : i32
        %add3A_795 = arith.addi %mul3A_331, %add3A_794 : i32
        %add3A_796 = arith.constant 64 : i32
        %add3A_797 = arith.addi %add3A_795, %add3A_796 : i32
        %get3A_798 = arith.constant 0 : i32
        %get3A_799 = arith.index_cast %get3A_798 : i32 to index
        %get3A_800 = arith.index_cast %add3A_797 : i32 to index
        %get3A_801 = arith.constant 16 : index
        %get3A_802 = tpu.vector_load %arg6[%get3A_799, %get3A_800, %get3A_801] {strides = array<i32>} : memref<4x128x64xf32, #tpu.memory_space<vmem>>, vector<16xf32>,
        %add3A_803 = arith.constant 3 : i32
        %add3A_804 = arith.addi %mul3A_331, %add3A_803 : i32
        %swap3A_805 = arith.constant 0 : i32
        %swap3A_806 = arith.index_cast %swap3A_805 : i32 to index
        %swap3A_807 = arith.index_cast %add3A_804 : i32 to index
        %swap3A_808 = arith.constant 80 : index
        %swap3A_809 = tpu.vector_load %arg7[%swap3A_806, %swap3A_807, %swap3A_808] {strides = array<i32>} : memref<4x64x128xf32, #tpu.memory_space<vmem>>, vector<16xf32>,
        tpu.vector_store %arg7[%swap3A_806, %swap3A_807, %swap3A_808], %get3A_802 {strides = array<i32>} : memref<4x64x128xf32, #tpu.memory_space<vmem>>, vector<16xf32>,
        %add3A_810 = arith.constant 3 : i32
        %add3A_811 = arith.addi %mul3A_331, %add3A_810 : i32
        %add3A_812 = arith.constant 64 : i32
        %add3A_813 = arith.addi %add3A_811, %add3A_812 : i32
        %get3A_814 = arith.constant 0 : i32
        %get3A_815 = arith.index_cast %get3A_814 : i32 to index
        %get3A_816 = arith.index_cast %add3A_813 : i32 to index
        %get3A_817 = arith.constant 32 : index
        %get3A_818 = tpu.vector_load %arg6[%get3A_815, %get3A_816, %get3A_817] {strides = array<i32>} : memref<4x128x64xf32, #tpu.memory_space<vmem>>, vector<16xf32>,
        %add3A_819 = arith.constant 3 : i32
        %add3A_820 = arith.addi %mul3A_331, %add3A_819 : i32
        %swap3A_821 = arith.constant 0 : i32
        %swap3A_822 = arith.index_cast %swap3A_821 : i32 to index
        %swap3A_823 = arith.index_cast %add3A_820 : i32 to index
        %swap3A_824 = arith.constant 96 : index
        %swap3A_825 = tpu.vector_load %arg7[%swap3A_822, %swap3A_823, %swap3A_824] {strides = array<i32>} : memref<4x64x128xf32, #tpu.memory_space<vmem>>, vector<16xf32>,
        tpu.vector_store %arg7[%swap3A_822, %swap3A_823, %swap3A_824], %get3A_818 {strides = array<i32>} : memref<4x64x128xf32, #tpu.memory_space<vmem>>, vector<16xf32>,
        %add3A_826 = arith.constant 3 : i32
        %add3A_827 = arith.addi %mul3A_331, %add3A_826 : i32
        %add3A_828 = arith.constant 64 : i32
        %add3A_829 = arith.addi %add3A_827, %add3A_828 : i32
        %get3A_830 = arith.constant 0 : i32
        %get3A_831 = arith.index_cast %get3A_830 : i32 to index
        %get3A_832 = arith.index_cast %add3A_829 : i32 to index
        %get3A_833 = arith.constant 48 : index
        %get3A_834 = tpu.vector_load %arg6[%get3A_831, %get3A_832, %get3A_833] {strides = array<i32>} : memref<4x128x64xf32, #tpu.memory_space<vmem>>, vector<16xf32>,
        %add3A_835 = arith.constant 3 : i32
        %add3A_836 = arith.addi %mul3A_331, %add3A_835 : i32
        %swap3A_837 = arith.constant 0 : i32
        %swap3A_838 = arith.index_cast %swap3A_837 : i32 to index
        %swap3A_839 = arith.index_cast %add3A_836 : i32 to index
        %swap3A_840 = arith.constant 112 : index
        %swap3A_841 = tpu.vector_load %arg7[%swap3A_838, %swap3A_839, %swap3A_840] {strides = array<i32>} : memref<4x64x128xf32, #tpu.memory_space<vmem>>, vector<16xf32>,
        tpu.vector_store %arg7[%swap3A_838, %swap3A_839, %swap3A_840], %get3A_834 {strides = array<i32>} : memref<4x64x128xf32, #tpu.memory_space<vmem>>, vector<16xf32>,
        %add3A_842 = arith.constant 4 : i32
        %add3A_843 = arith.addi %mul3A_331, %add3A_842 : i32
        %add3A_844 = arith.constant 0 : i32
        %add3A_845 = arith.addi %add3A_843, %add3A_844 : i32
        %get3A_846 = arith.constant 0 : i32
        %get3A_847 = arith.index_cast %get3A_846 : i32 to index
        %get3A_848 = arith.index_cast %add3A_845 : i32 to index
        %get3A_849 = arith.constant 0 : index
        %get3A_850 = tpu.vector_load %arg6[%get3A_847, %get3A_848, %get3A_849] {strides = array<i32>} : memref<4x128x64xf32, #tpu.memory_space<vmem>>, vector<16xf32>,
        %add3A_851 = arith.constant 4 : i32
        %add3A_852 = arith.addi %mul3A_331, %add3A_851 : i32
        %swap3A_853 = arith.constant 0 : i32
        %swap3A_854 = arith.index_cast %swap3A_853 : i32 to index
        %swap3A_855 = arith.index_cast %add3A_852 : i32 to index
        %swap3A_856 = arith.constant 0 : index
        %swap3A_857 = tpu.vector_load %arg7[%swap3A_854, %swap3A_855, %swap3A_856] {strides = array<i32>} : memref<4x64x128xf32, #tpu.memory_space<vmem>>, vector<16xf32>,
        tpu.vector_store %arg7[%swap3A_854, %swap3A_855, %swap3A_856], %get3A_850 {strides = array<i32>} : memref<4x64x128xf32, #tpu.memory_space<vmem>>, vector<16xf32>,
        %add3A_858 = arith.constant 4 : i32
        %add3A_859 = arith.addi %mul3A_331, %add3A_858 : i32
        %add3A_860 = arith.constant 0 : i32
        %add3A_861 = arith.addi %add3A_859, %add3A_860 : i32
        %get3A_862 = arith.constant 0 : i32
        %get3A_863 = arith.index_cast %get3A_862 : i32 to index
        %get3A_864 = arith.index_cast %add3A_861 : i32 to index
        %get3A_865 = arith.constant 16 : index
        %get3A_866 = tpu.vector_load %arg6[%get3A_863, %get3A_864, %get3A_865] {strides = array<i32>} : memref<4x128x64xf32, #tpu.memory_space<vmem>>, vector<16xf32>,
        %add3A_867 = arith.constant 4 : i32
        %add3A_868 = arith.addi %mul3A_331, %add3A_867 : i32
        %swap3A_869 = arith.constant 0 : i32
        %swap3A_870 = arith.index_cast %swap3A_869 : i32 to index
        %swap3A_871 = arith.index_cast %add3A_868 : i32 to index
        %swap3A_872 = arith.constant 16 : index
        %swap3A_873 = tpu.vector_load %arg7[%swap3A_870, %swap3A_871, %swap3A_872] {strides = array<i32>} : memref<4x64x128xf32, #tpu.memory_space<vmem>>, vector<16xf32>,
        tpu.vector_store %arg7[%swap3A_870, %swap3A_871, %swap3A_872], %get3A_866 {strides = array<i32>} : memref<4x64x128xf32, #tpu.memory_space<vmem>>, vector<16xf32>,
        %add3A_874 = arith.constant 4 : i32
        %add3A_875 = arith.addi %mul3A_331, %add3A_874 : i32
        %add3A_876 = arith.constant 0 : i32
        %add3A_877 = arith.addi %add3A_875, %add3A_876 : i32
        %get3A_878 = arith.constant 0 : i32
        %get3A_879 = arith.index_cast %get3A_878 : i32 to index
        %get3A_880 = arith.index_cast %add3A_877 : i32 to index
        %get3A_881 = arith.constant 32 : index
        %get3A_882 = tpu.vector_load %arg6[%get3A_879, %get3A_880, %get3A_881] {strides = array<i32>} : memref<4x128x64xf32, #tpu.memory_space<vmem>>, vector<16xf32>,
        %add3A_883 = arith.constant 4 : i32
        %add3A_884 = arith.addi %mul3A_331, %add3A_883 : i32
        %swap3A_885 = arith.constant 0 : i32
        %swap3A_886 = arith.index_cast %swap3A_885 : i32 to index
        %swap3A_887 = arith.index_cast %add3A_884 : i32 to index
        %swap3A_888 = arith.constant 32 : index
        %swap3A_889 = tpu.vector_load %arg7[%swap3A_886, %swap3A_887, %swap3A_888] {strides = array<i32>} : memref<4x64x128xf32, #tpu.memory_space<vmem>>, vector<16xf32>,
        tpu.vector_store %arg7[%swap3A_886, %swap3A_887, %swap3A_888], %get3A_882 {strides = array<i32>} : memref<4x64x128xf32, #tpu.memory_space<vmem>>, vector<16xf32>,
        %add3A_890 = arith.constant 4 : i32
        %add3A_891 = arith.addi %mul3A_331, %add3A_890 : i32
        %add3A_892 = arith.constant 0 : i32
        %add3A_893 = arith.addi %add3A_891, %add3A_892 : i32
        %get3A_894 = arith.constant 0 : i32
        %get3A_895 = arith.index_cast %get3A_894 : i32 to index
        %get3A_896 = arith.index_cast %add3A_893 : i32 to index
        %get3A_897 = arith.constant 48 : index
        %get3A_898 = tpu.vector_load %arg6[%get3A_895, %get3A_896, %get3A_897] {strides = array<i32>} : memref<4x128x64xf32, #tpu.memory_space<vmem>>, vector<16xf32>,
        %add3A_899 = arith.constant 4 : i32
        %add3A_900 = arith.addi %mul3A_331, %add3A_899 : i32
        %swap3A_901 = arith.constant 0 : i32
        %swap3A_902 = arith.index_cast %swap3A_901 : i32 to index
        %swap3A_903 = arith.index_cast %add3A_900 : i32 to index
        %swap3A_904 = arith.constant 48 : index
        %swap3A_905 = tpu.vector_load %arg7[%swap3A_902, %swap3A_903, %swap3A_904] {strides = array<i32>} : memref<4x64x128xf32, #tpu.memory_space<vmem>>, vector<16xf32>,
        tpu.vector_store %arg7[%swap3A_902, %swap3A_903, %swap3A_904], %get3A_898 {strides = array<i32>} : memref<4x64x128xf32, #tpu.memory_space<vmem>>, vector<16xf32>,
        %add3A_906 = arith.constant 4 : i32
        %add3A_907 = arith.addi %mul3A_331, %add3A_906 : i32
        %add3A_908 = arith.constant 64 : i32
        %add3A_909 = arith.addi %add3A_907, %add3A_908 : i32
        %get3A_910 = arith.constant 0 : i32
        %get3A_911 = arith.index_cast %get3A_910 : i32 to index
        %get3A_912 = arith.index_cast %add3A_909 : i32 to index
        %get3A_913 = arith.constant 0 : index
        %get3A_914 = tpu.vector_load %arg6[%get3A_911, %get3A_912, %get3A_913] {strides = array<i32>} : memref<4x128x64xf32, #tpu.memory_space<vmem>>, vector<16xf32>,
        %add3A_915 = arith.constant 4 : i32
        %add3A_916 = arith.addi %mul3A_331, %add3A_915 : i32
        %swap3A_917 = arith.constant 0 : i32
        %swap3A_918 = arith.index_cast %swap3A_917 : i32 to index
        %swap3A_919 = arith.index_cast %add3A_916 : i32 to index
        %swap3A_920 = arith.constant 64 : index
        %swap3A_921 = tpu.vector_load %arg7[%swap3A_918, %swap3A_919, %swap3A_920] {strides = array<i32>} : memref<4x64x128xf32, #tpu.memory_space<vmem>>, vector<16xf32>,
        tpu.vector_store %arg7[%swap3A_918, %swap3A_919, %swap3A_920], %get3A_914 {strides = array<i32>} : memref<4x64x128xf32, #tpu.memory_space<vmem>>, vector<16xf32>,
        %add3A_922 = arith.constant 4 : i32
        %add3A_923 = arith.addi %mul3A_331, %add3A_922 : i32
        %add3A_924 = arith.constant 64 : i32
        %add3A_925 = arith.addi %add3A_923, %add3A_924 : i32
        %get3A_926 = arith.constant 0 : i32
        %get3A_927 = arith.index_cast %get3A_926 : i32 to index
        %get3A_928 = arith.index_cast %add3A_925 : i32 to index
        %get3A_929 = arith.constant 16 : index
        %get3A_930 = tpu.vector_load %arg6[%get3A_927, %get3A_928, %get3A_929] {strides = array<i32>} : memref<4x128x64xf32, #tpu.memory_space<vmem>>, vector<16xf32>,
        %add3A_931 = arith.constant 4 : i32
        %add3A_932 = arith.addi %mul3A_331, %add3A_931 : i32
        %swap3A_933 = arith.constant 0 : i32
        %swap3A_934 = arith.index_cast %swap3A_933 : i32 to index
        %swap3A_935 = arith.index_cast %add3A_932 : i32 to index
        %swap3A_936 = arith.constant 80 : index
        %swap3A_937 = tpu.vector_load %arg7[%swap3A_934, %swap3A_935, %swap3A_936] {strides = array<i32>} : memref<4x64x128xf32, #tpu.memory_space<vmem>>, vector<16xf32>,
        tpu.vector_store %arg7[%swap3A_934, %swap3A_935, %swap3A_936], %get3A_930 {strides = array<i32>} : memref<4x64x128xf32, #tpu.memory_space<vmem>>, vector<16xf32>,
        %add3A_938 = arith.constant 4 : i32
        %add3A_939 = arith.addi %mul3A_331, %add3A_938 : i32
        %add3A_940 = arith.constant 64 : i32
        %add3A_941 = arith.addi %add3A_939, %add3A_940 : i32
        %get3A_942 = arith.constant 0 : i32
        %get3A_943 = arith.index_cast %get3A_942 : i32 to index
        %get3A_944 = arith.index_cast %add3A_941 : i32 to index
        %get3A_945 = arith.constant 32 : index
        %get3A_946 = tpu.vector_load %arg6[%get3A_943, %get3A_944, %get3A_945] {strides = array<i32>} : memref<4x128x64xf32, #tpu.memory_space<vmem>>, vector<16xf32>,
        %add3A_947 = arith.constant 4 : i32
        %add3A_948 = arith.addi %mul3A_331, %add3A_947 : i32
        %swap3A_949 = arith.constant 0 : i32
        %swap3A_950 = arith.index_cast %swap3A_949 : i32 to index
        %swap3A_951 = arith.index_cast %add3A_948 : i32 to index
        %swap3A_952 = arith.constant 96 : index
        %swap3A_953 = tpu.vector_load %arg7[%swap3A_950, %swap3A_951, %swap3A_952] {strides = array<i32>} : memref<4x64x128xf32, #tpu.memory_space<vmem>>, vector<16xf32>,
        tpu.vector_store %arg7[%swap3A_950, %swap3A_951, %swap3A_952], %get3A_946 {strides = array<i32>} : memref<4x64x128xf32, #tpu.memory_space<vmem>>, vector<16xf32>,
        %add3A_954 = arith.constant 4 : i32
        %add3A_955 = arith.addi %mul3A_331, %add3A_954 : i32
        %add3A_956 = arith.constant 64 : i32
        %add3A_957 = arith.addi %add3A_955, %add3A_956 : i32
        %get3A_958 = arith.constant 0 : i32
        %get3A_959 = arith.index_cast %get3A_958 : i32 to index
        %get3A_960 = arith.index_cast %add3A_957 : i32 to index
        %get3A_961 = arith.constant 48 : index
        %get3A_962 = tpu.vector_load %arg6[%get3A_959, %get3A_960, %get3A_961] {strides = array<i32>} : memref<4x128x64xf32, #tpu.memory_space<vmem>>, vector<16xf32>,
        %add3A_963 = arith.constant 4 : i32
        %add3A_964 = arith.addi %mul3A_331, %add3A_963 : i32
        %swap3A_965 = arith.constant 0 : i32
        %swap3A_966 = arith.index_cast %swap3A_965 : i32 to index
        %swap3A_967 = arith.index_cast %add3A_964 : i32 to index
        %swap3A_968 = arith.constant 112 : index
        %swap3A_969 = tpu.vector_load %arg7[%swap3A_966, %swap3A_967, %swap3A_968] {strides = array<i32>} : memref<4x64x128xf32, #tpu.memory_space<vmem>>, vector<16xf32>,
        tpu.vector_store %arg7[%swap3A_966, %swap3A_967, %swap3A_968], %get3A_962 {strides = array<i32>} : memref<4x64x128xf32, #tpu.memory_space<vmem>>, vector<16xf32>,
        %add3A_970 = arith.constant 5 : i32
        %add3A_971 = arith.addi %mul3A_331, %add3A_970 : i32
        %add3A_972 = arith.constant 0 : i32
        %add3A_973 = arith.addi %add3A_971, %add3A_972 : i32
        %get3A_974 = arith.constant 0 : i32
        %get3A_975 = arith.index_cast %get3A_974 : i32 to index
        %get3A_976 = arith.index_cast %add3A_973 : i32 to index
        %get3A_977 = arith.constant 0 : index
        %get3A_978 = tpu.vector_load %arg6[%get3A_975, %get3A_976, %get3A_977] {strides = array<i32>} : memref<4x128x64xf32, #tpu.memory_space<vmem>>, vector<16xf32>,
        %add3A_979 = arith.constant 5 : i32
        %add3A_980 = arith.addi %mul3A_331, %add3A_979 : i32
        %swap3A_981 = arith.constant 0 : i32
        %swap3A_982 = arith.index_cast %swap3A_981 : i32 to index
        %swap3A_983 = arith.index_cast %add3A_980 : i32 to index
        %swap3A_984 = arith.constant 0 : index
        %swap3A_985 = tpu.vector_load %arg7[%swap3A_982, %swap3A_983, %swap3A_984] {strides = array<i32>} : memref<4x64x128xf32, #tpu.memory_space<vmem>>, vector<16xf32>,
        tpu.vector_store %arg7[%swap3A_982, %swap3A_983, %swap3A_984], %get3A_978 {strides = array<i32>} : memref<4x64x128xf32, #tpu.memory_space<vmem>>, vector<16xf32>,
        %add3A_986 = arith.constant 5 : i32
        %add3A_987 = arith.addi %mul3A_331, %add3A_986 : i32
        %add3A_988 = arith.constant 0 : i32
        %add3A_989 = arith.addi %add3A_987, %add3A_988 : i32
        %get3A_990 = arith.constant 0 : i32
        %get3A_991 = arith.index_cast %get3A_990 : i32 to index
        %get3A_992 = arith.index_cast %add3A_989 : i32 to index
        %get3A_993 = arith.constant 16 : index
        %get3A_994 = tpu.vector_load %arg6[%get3A_991, %get3A_992, %get3A_993] {strides = array<i32>} : memref<4x128x64xf32, #tpu.memory_space<vmem>>, vector<16xf32>,
        %add3A_995 = arith.constant 5 : i32
        %add3A_996 = arith.addi %mul3A_331, %add3A_995 : i32
        %swap3A_997 = arith.constant 0 : i32
        %swap3A_998 = arith.index_cast %swap3A_997 : i32 to index
        %swap3A_999 = arith.index_cast %add3A_996 : i32 to index
        %swap3A_1000 = arith.constant 16 : index
        %swap3A_1001 = tpu.vector_load %arg7[%swap3A_998, %swap3A_999, %swap3A_1000] {strides = array<i32>} : memref<4x64x128xf32, #tpu.memory_space<vmem>>, vector<16xf32>,
        tpu.vector_store %arg7[%swap3A_998, %swap3A_999, %swap3A_1000], %get3A_994 {strides = array<i32>} : memref<4x64x128xf32, #tpu.memory_space<vmem>>, vector<16xf32>,
        %add3A_1002 = arith.constant 5 : i32
        %add3A_1003 = arith.addi %mul3A_331, %add3A_1002 : i32
        %add3A_1004 = arith.constant 0 : i32
        %add3A_1005 = arith.addi %add3A_1003, %add3A_1004 : i32
        %get3A_1006 = arith.constant 0 : i32
        %get3A_1007 = arith.index_cast %get3A_1006 : i32 to index
        %get3A_1008 = arith.index_cast %add3A_1005 : i32 to index
        %get3A_1009 = arith.constant 32 : index
        %get3A_1010 = tpu.vector_load %arg6[%get3A_1007, %get3A_1008, %get3A_1009] {strides = array<i32>} : memref<4x128x64xf32, #tpu.memory_space<vmem>>, vector<16xf32>,
        %add3A_1011 = arith.constant 5 : i32
        %add3A_1012 = arith.addi %mul3A_331, %add3A_1011 : i32
        %swap3A_1013 = arith.constant 0 : i32
        %swap3A_1014 = arith.index_cast %swap3A_1013 : i32 to index
        %swap3A_1015 = arith.index_cast %add3A_1012 : i32 to index
        %swap3A_1016 = arith.constant 32 : index
        %swap3A_1017 = tpu.vector_load %arg7[%swap3A_1014, %swap3A_1015, %swap3A_1016] {strides = array<i32>} : memref<4x64x128xf32, #tpu.memory_space<vmem>>, vector<16xf32>,
        tpu.vector_store %arg7[%swap3A_1014, %swap3A_1015, %swap3A_1016], %get3A_1010 {strides = array<i32>} : memref<4x64x128xf32, #tpu.memory_space<vmem>>, vector<16xf32>,
        %add3A_1018 = arith.constant 5 : i32
        %add3A_1019 = arith.addi %mul3A_331, %add3A_1018 : i32
        %add3A_1020 = arith.constant 0 : i32
        %add3A_1021 = arith.addi %add3A_1019, %add3A_1020 : i32
        %get3A_1022 = arith.constant 0 : i32
        %get3A_1023 = arith.index_cast %get3A_1022 : i32 to index
        %get3A_1024 = arith.index_cast %add3A_1021 : i32 to index
        %get3A_1025 = arith.constant 48 : index
        %get3A_1026 = tpu.vector_load %arg6[%get3A_1023, %get3A_1024, %get3A_1025] {strides = array<i32>} : memref<4x128x64xf32, #tpu.memory_space<vmem>>, vector<16xf32>,
        %add3A_1027 = arith.constant 5 : i32
        %add3A_1028 = arith.addi %mul3A_331, %add3A_1027 : i32
        %swap3A_1029 = arith.constant 0 : i32
        %swap3A_1030 = arith.index_cast %swap3A_1029 : i32 to index
        %swap3A_1031 = arith.index_cast %add3A_1028 : i32 to index
        %swap3A_1032 = arith.constant 48 : index
        %swap3A_1033 = tpu.vector_load %arg7[%swap3A_1030, %swap3A_1031, %swap3A_1032] {strides = array<i32>} : memref<4x64x128xf32, #tpu.memory_space<vmem>>, vector<16xf32>,
        tpu.vector_store %arg7[%swap3A_1030, %swap3A_1031, %swap3A_1032], %get3A_1026 {strides = array<i32>} : memref<4x64x128xf32, #tpu.memory_space<vmem>>, vector<16xf32>,
        %add3A_1034 = arith.constant 5 : i32
        %add3A_1035 = arith.addi %mul3A_331, %add3A_1034 : i32
        %add3A_1036 = arith.constant 64 : i32
        %add3A_1037 = arith.addi %add3A_1035, %add3A_1036 : i32
        %get3A_1038 = arith.constant 0 : i32
        %get3A_1039 = arith.index_cast %get3A_1038 : i32 to index
        %get3A_1040 = arith.index_cast %add3A_1037 : i32 to index
        %get3A_1041 = arith.constant 0 : index
        %get3A_1042 = tpu.vector_load %arg6[%get3A_1039, %get3A_1040, %get3A_1041] {strides = array<i32>} : memref<4x128x64xf32, #tpu.memory_space<vmem>>, vector<16xf32>,
        %add3A_1043 = arith.constant 5 : i32
        %add3A_1044 = arith.addi %mul3A_331, %add3A_1043 : i32
        %swap3A_1045 = arith.constant 0 : i32
        %swap3A_1046 = arith.index_cast %swap3A_1045 : i32 to index
        %swap3A_1047 = arith.index_cast %add3A_1044 : i32 to index
        %swap3A_1048 = arith.constant 64 : index
        %swap3A_1049 = tpu.vector_load %arg7[%swap3A_1046, %swap3A_1047, %swap3A_1048] {strides = array<i32>} : memref<4x64x128xf32, #tpu.memory_space<vmem>>, vector<16xf32>,
        tpu.vector_store %arg7[%swap3A_1046, %swap3A_1047, %swap3A_1048], %get3A_1042 {strides = array<i32>} : memref<4x64x128xf32, #tpu.memory_space<vmem>>, vector<16xf32>,
        %add3A_1050 = arith.constant 5 : i32
        %add3A_1051 = arith.addi %mul3A_331, %add3A_1050 : i32
        %add3A_1052 = arith.constant 64 : i32
        %add3A_1053 = arith.addi %add3A_1051, %add3A_1052 : i32
        %get3A_1054 = arith.constant 0 : i32
        %get3A_1055 = arith.index_cast %get3A_1054 : i32 to index
        %get3A_1056 = arith.index_cast %add3A_1053 : i32 to index
        %get3A_1057 = arith.constant 16 : index
        %get3A_1058 = tpu.vector_load %arg6[%get3A_1055, %get3A_1056, %get3A_1057] {strides = array<i32>} : memref<4x128x64xf32, #tpu.memory_space<vmem>>, vector<16xf32>,
        %add3A_1059 = arith.constant 5 : i32
        %add3A_1060 = arith.addi %mul3A_331, %add3A_1059 : i32
        %swap3A_1061 = arith.constant 0 : i32
        %swap3A_1062 = arith.index_cast %swap3A_1061 : i32 to index
        %swap3A_1063 = arith.index_cast %add3A_1060 : i32 to index
        %swap3A_1064 = arith.constant 80 : index
        %swap3A_1065 = tpu.vector_load %arg7[%swap3A_1062, %swap3A_1063, %swap3A_1064] {strides = array<i32>} : memref<4x64x128xf32, #tpu.memory_space<vmem>>, vector<16xf32>,
        tpu.vector_store %arg7[%swap3A_1062, %swap3A_1063, %swap3A_1064], %get3A_1058 {strides = array<i32>} : memref<4x64x128xf32, #tpu.memory_space<vmem>>, vector<16xf32>,
        %add3A_1066 = arith.constant 5 : i32
        %add3A_1067 = arith.addi %mul3A_331, %add3A_1066 : i32
        %add3A_1068 = arith.constant 64 : i32
        %add3A_1069 = arith.addi %add3A_1067, %add3A_1068 : i32
        %get3A_1070 = arith.constant 0 : i32
        %get3A_1071 = arith.index_cast %get3A_1070 : i32 to index
        %get3A_1072 = arith.index_cast %add3A_1069 : i32 to index
        %get3A_1073 = arith.constant 32 : index
        %get3A_1074 = tpu.vector_load %arg6[%get3A_1071, %get3A_1072, %get3A_1073] {strides = array<i32>} : memref<4x128x64xf32, #tpu.memory_space<vmem>>, vector<16xf32>,
        %add3A_1075 = arith.constant 5 : i32
        %add3A_1076 = arith.addi %mul3A_331, %add3A_1075 : i32
        %swap3A_1077 = arith.constant 0 : i32
        %swap3A_1078 = arith.index_cast %swap3A_1077 : i32 to index
        %swap3A_1079 = arith.index_cast %add3A_1076 : i32 to index
        %swap3A_1080 = arith.constant 96 : index
        %swap3A_1081 = tpu.vector_load %arg7[%swap3A_1078, %swap3A_1079, %swap3A_1080] {strides = array<i32>} : memref<4x64x128xf32, #tpu.memory_space<vmem>>, vector<16xf32>,
        tpu.vector_store %arg7[%swap3A_1078, %swap3A_1079, %swap3A_1080], %get3A_1074 {strides = array<i32>} : memref<4x64x128xf32, #tpu.memory_space<vmem>>, vector<16xf32>,
        %add3A_1082 = arith.constant 5 : i32
        %add3A_1083 = arith.addi %mul3A_331, %add3A_1082 : i32
        %add3A_1084 = arith.constant 64 : i32
        %add3A_1085 = arith.addi %add3A_1083, %add3A_1084 : i32
        %get3A_1086 = arith.constant 0 : i32
        %get3A_1087 = arith.index_cast %get3A_1086 : i32 to index
        %get3A_1088 = arith.index_cast %add3A_1085 : i32 to index
        %get3A_1089 = arith.constant 48 : index
        %get3A_1090 = tpu.vector_load %arg6[%get3A_1087, %get3A_1088, %get3A_1089] {strides = array<i32>} : memref<4x128x64xf32, #tpu.memory_space<vmem>>, vector<16xf32>,
        %add3A_1091 = arith.constant 5 : i32
        %add3A_1092 = arith.addi %mul3A_331, %add3A_1091 : i32
        %swap3A_1093 = arith.constant 0 : i32
        %swap3A_1094 = arith.index_cast %swap3A_1093 : i32 to index
        %swap3A_1095 = arith.index_cast %add3A_1092 : i32 to index
        %swap3A_1096 = arith.constant 112 : index
        %swap3A_1097 = tpu.vector_load %arg7[%swap3A_1094, %swap3A_1095, %swap3A_1096] {strides = array<i32>} : memref<4x64x128xf32, #tpu.memory_space<vmem>>, vector<16xf32>,
        tpu.vector_store %arg7[%swap3A_1094, %swap3A_1095, %swap3A_1096], %get3A_1090 {strides = array<i32>} : memref<4x64x128xf32, #tpu.memory_space<vmem>>, vector<16xf32>,
        %add3A_1098 = arith.constant 6 : i32
        %add3A_1099 = arith.addi %mul3A_331, %add3A_1098 : i32
        %add3A_1100 = arith.constant 0 : i32
        %add3A_1101 = arith.addi %add3A_1099, %add3A_1100 : i32
        %get3A_1102 = arith.constant 0 : i32
        %get3A_1103 = arith.index_cast %get3A_1102 : i32 to index
        %get3A_1104 = arith.index_cast %add3A_1101 : i32 to index
        %get3A_1105 = arith.constant 0 : index
        %get3A_1106 = tpu.vector_load %arg6[%get3A_1103, %get3A_1104, %get3A_1105] {strides = array<i32>} : memref<4x128x64xf32, #tpu.memory_space<vmem>>, vector<16xf32>,
        %add3A_1107 = arith.constant 6 : i32
        %add3A_1108 = arith.addi %mul3A_331, %add3A_1107 : i32
        %swap3A_1109 = arith.constant 0 : i32
        %swap3A_1110 = arith.index_cast %swap3A_1109 : i32 to index
        %swap3A_1111 = arith.index_cast %add3A_1108 : i32 to index
        %swap3A_1112 = arith.constant 0 : index
        %swap3A_1113 = tpu.vector_load %arg7[%swap3A_1110, %swap3A_1111, %swap3A_1112] {strides = array<i32>} : memref<4x64x128xf32, #tpu.memory_space<vmem>>, vector<16xf32>,
        tpu.vector_store %arg7[%swap3A_1110, %swap3A_1111, %swap3A_1112], %get3A_1106 {strides = array<i32>} : memref<4x64x128xf32, #tpu.memory_space<vmem>>, vector<16xf32>,
        %add3A_1114 = arith.constant 6 : i32
        %add3A_1115 = arith.addi %mul3A_331, %add3A_1114 : i32
        %add3A_1116 = arith.constant 0 : i32
        %add3A_1117 = arith.addi %add3A_1115, %add3A_1116 : i32
        %get3A_1118 = arith.constant 0 : i32
        %get3A_1119 = arith.index_cast %get3A_1118 : i32 to index
        %get3A_1120 = arith.index_cast %add3A_1117 : i32 to index
        %get3A_1121 = arith.constant 16 : index
        %get3A_1122 = tpu.vector_load %arg6[%get3A_1119, %get3A_1120, %get3A_1121] {strides = array<i32>} : memref<4x128x64xf32, #tpu.memory_space<vmem>>, vector<16xf32>,
        %add3A_1123 = arith.constant 6 : i32
        %add3A_1124 = arith.addi %mul3A_331, %add3A_1123 : i32
        %swap3A_1125 = arith.constant 0 : i32
        %swap3A_1126 = arith.index_cast %swap3A_1125 : i32 to index
        %swap3A_1127 = arith.index_cast %add3A_1124 : i32 to index
        %swap3A_1128 = arith.constant 16 : index
        %swap3A_1129 = tpu.vector_load %arg7[%swap3A_1126, %swap3A_1127, %swap3A_1128] {strides = array<i32>} : memref<4x64x128xf32, #tpu.memory_space<vmem>>, vector<16xf32>,
        tpu.vector_store %arg7[%swap3A_1126, %swap3A_1127, %swap3A_1128], %get3A_1122 {strides = array<i32>} : memref<4x64x128xf32, #tpu.memory_space<vmem>>, vector<16xf32>,
        %add3A_1130 = arith.constant 6 : i32
        %add3A_1131 = arith.addi %mul3A_331, %add3A_1130 : i32
        %add3A_1132 = arith.constant 0 : i32
        %add3A_1133 = arith.addi %add3A_1131, %add3A_1132 : i32
        %get3A_1134 = arith.constant 0 : i32
        %get3A_1135 = arith.index_cast %get3A_1134 : i32 to index
        %get3A_1136 = arith.index_cast %add3A_1133 : i32 to index
        %get3A_1137 = arith.constant 32 : index
        %get3A_1138 = tpu.vector_load %arg6[%get3A_1135, %get3A_1136, %get3A_1137] {strides = array<i32>} : memref<4x128x64xf32, #tpu.memory_space<vmem>>, vector<16xf32>,
        %add3A_1139 = arith.constant 6 : i32
        %add3A_1140 = arith.addi %mul3A_331, %add3A_1139 : i32
        %swap3A_1141 = arith.constant 0 : i32
        %swap3A_1142 = arith.index_cast %swap3A_1141 : i32 to index
        %swap3A_1143 = arith.index_cast %add3A_1140 : i32 to index
        %swap3A_1144 = arith.constant 32 : index
        %swap3A_1145 = tpu.vector_load %arg7[%swap3A_1142, %swap3A_1143, %swap3A_1144] {strides = array<i32>} : memref<4x64x128xf32, #tpu.memory_space<vmem>>, vector<16xf32>,
        tpu.vector_store %arg7[%swap3A_1142, %swap3A_1143, %swap3A_1144], %get3A_1138 {strides = array<i32>} : memref<4x64x128xf32, #tpu.memory_space<vmem>>, vector<16xf32>,
        %add3A_1146 = arith.constant 6 : i32
        %add3A_1147 = arith.addi %mul3A_331, %add3A_1146 : i32
        %add3A_1148 = arith.constant 0 : i32
        %add3A_1149 = arith.addi %add3A_1147, %add3A_1148 : i32
        %get3A_1150 = arith.constant 0 : i32
        %get3A_1151 = arith.index_cast %get3A_1150 : i32 to index
        %get3A_1152 = arith.index_cast %add3A_1149 : i32 to index
        %get3A_1153 = arith.constant 48 : index
        %get3A_1154 = tpu.vector_load %arg6[%get3A_1151, %get3A_1152, %get3A_1153] {strides = array<i32>} : memref<4x128x64xf32, #tpu.memory_space<vmem>>, vector<16xf32>,
        %add3A_1155 = arith.constant 6 : i32
        %add3A_1156 = arith.addi %mul3A_331, %add3A_1155 : i32
        %swap3A_1157 = arith.constant 0 : i32
        %swap3A_1158 = arith.index_cast %swap3A_1157 : i32 to index
        %swap3A_1159 = arith.index_cast %add3A_1156 : i32 to index
        %swap3A_1160 = arith.constant 48 : index
        %swap3A_1161 = tpu.vector_load %arg7[%swap3A_1158, %swap3A_1159, %swap3A_1160] {strides = array<i32>} : memref<4x64x128xf32, #tpu.memory_space<vmem>>, vector<16xf32>,
        tpu.vector_store %arg7[%swap3A_1158, %swap3A_1159, %swap3A_1160], %get3A_1154 {strides = array<i32>} : memref<4x64x128xf32, #tpu.memory_space<vmem>>, vector<16xf32>,
        %add3A_1162 = arith.constant 6 : i32
        %add3A_1163 = arith.addi %mul3A_331, %add3A_1162 : i32
        %add3A_1164 = arith.constant 64 : i32
        %add3A_1165 = arith.addi %add3A_1163, %add3A_1164 : i32
        %get3A_1166 = arith.constant 0 : i32
        %get3A_1167 = arith.index_cast %get3A_1166 : i32 to index
        %get3A_1168 = arith.index_cast %add3A_1165 : i32 to index
        %get3A_1169 = arith.constant 0 : index
        %get3A_1170 = tpu.vector_load %arg6[%get3A_1167, %get3A_1168, %get3A_1169] {strides = array<i32>} : memref<4x128x64xf32, #tpu.memory_space<vmem>>, vector<16xf32>,
        %add3A_1171 = arith.constant 6 : i32
        %add3A_1172 = arith.addi %mul3A_331, %add3A_1171 : i32
        %swap3A_1173 = arith.constant 0 : i32
        %swap3A_1174 = arith.index_cast %swap3A_1173 : i32 to index
        %swap3A_1175 = arith.index_cast %add3A_1172 : i32 to index
        %swap3A_1176 = arith.constant 64 : index
        %swap3A_1177 = tpu.vector_load %arg7[%swap3A_1174, %swap3A_1175, %swap3A_1176] {strides = array<i32>} : memref<4x64x128xf32, #tpu.memory_space<vmem>>, vector<16xf32>,
        tpu.vector_store %arg7[%swap3A_1174, %swap3A_1175, %swap3A_1176], %get3A_1170 {strides = array<i32>} : memref<4x64x128xf32, #tpu.memory_space<vmem>>, vector<16xf32>,
        %add3A_1178 = arith.constant 6 : i32
        %add3A_1179 = arith.addi %mul3A_331, %add3A_1178 : i32
        %add3A_1180 = arith.constant 64 : i32
        %add3A_1181 = arith.addi %add3A_1179, %add3A_1180 : i32
        %get3A_1182 = arith.constant 0 : i32
        %get3A_1183 = arith.index_cast %get3A_1182 : i32 to index
        %get3A_1184 = arith.index_cast %add3A_1181 : i32 to index
        %get3A_1185 = arith.constant 16 : index
        %get3A_1186 = tpu.vector_load %arg6[%get3A_1183, %get3A_1184, %get3A_1185] {strides = array<i32>} : memref<4x128x64xf32, #tpu.memory_space<vmem>>, vector<16xf32>,
        %add3A_1187 = arith.constant 6 : i32
        %add3A_1188 = arith.addi %mul3A_331, %add3A_1187 : i32
        %swap3A_1189 = arith.constant 0 : i32
        %swap3A_1190 = arith.index_cast %swap3A_1189 : i32 to index
        %swap3A_1191 = arith.index_cast %add3A_1188 : i32 to index
        %swap3A_1192 = arith.constant 80 : index
        %swap3A_1193 = tpu.vector_load %arg7[%swap3A_1190, %swap3A_1191, %swap3A_1192] {strides = array<i32>} : memref<4x64x128xf32, #tpu.memory_space<vmem>>, vector<16xf32>,
        tpu.vector_store %arg7[%swap3A_1190, %swap3A_1191, %swap3A_1192], %get3A_1186 {strides = array<i32>} : memref<4x64x128xf32, #tpu.memory_space<vmem>>, vector<16xf32>,
        %add3A_1194 = arith.constant 6 : i32
        %add3A_1195 = arith.addi %mul3A_331, %add3A_1194 : i32
        %add3A_1196 = arith.constant 64 : i32
        %add3A_1197 = arith.addi %add3A_1195, %add3A_1196 : i32
        %get3A_1198 = arith.constant 0 : i32
        %get3A_1199 = arith.index_cast %get3A_1198 : i32 to index
        %get3A_1200 = arith.index_cast %add3A_1197 : i32 to index
        %get3A_1201 = arith.constant 32 : index
        %get3A_1202 = tpu.vector_load %arg6[%get3A_1199, %get3A_1200, %get3A_1201] {strides = array<i32>} : memref<4x128x64xf32, #tpu.memory_space<vmem>>, vector<16xf32>,
        %add3A_1203 = arith.constant 6 : i32
        %add3A_1204 = arith.addi %mul3A_331, %add3A_1203 : i32
        %swap3A_1205 = arith.constant 0 : i32
        %swap3A_1206 = arith.index_cast %swap3A_1205 : i32 to index
        %swap3A_1207 = arith.index_cast %add3A_1204 : i32 to index
        %swap3A_1208 = arith.constant 96 : index
        %swap3A_1209 = tpu.vector_load %arg7[%swap3A_1206, %swap3A_1207, %swap3A_1208] {strides = array<i32>} : memref<4x64x128xf32, #tpu.memory_space<vmem>>, vector<16xf32>,
        tpu.vector_store %arg7[%swap3A_1206, %swap3A_1207, %swap3A_1208], %get3A_1202 {strides = array<i32>} : memref<4x64x128xf32, #tpu.memory_space<vmem>>, vector<16xf32>,
        %add3A_1210 = arith.constant 6 : i32
        %add3A_1211 = arith.addi %mul3A_331, %add3A_1210 : i32
        %add3A_1212 = arith.constant 64 : i32
        %add3A_1213 = arith.addi %add3A_1211, %add3A_1212 : i32
        %get3A_1214 = arith.constant 0 : i32
        %get3A_1215 = arith.index_cast %get3A_1214 : i32 to index
        %get3A_1216 = arith.index_cast %add3A_1213 : i32 to index
        %get3A_1217 = arith.constant 48 : index
        %get3A_1218 = tpu.vector_load %arg6[%get3A_1215, %get3A_1216, %get3A_1217] {strides = array<i32>} : memref<4x128x64xf32, #tpu.memory_space<vmem>>, vector<16xf32>,
        %add3A_1219 = arith.constant 6 : i32
        %add3A_1220 = arith.addi %mul3A_331, %add3A_1219 : i32
        %swap3A_1221 = arith.constant 0 : i32
        %swap3A_1222 = arith.index_cast %swap3A_1221 : i32 to index
        %swap3A_1223 = arith.index_cast %add3A_1220 : i32 to index
        %swap3A_1224 = arith.constant 112 : index
        %swap3A_1225 = tpu.vector_load %arg7[%swap3A_1222, %swap3A_1223, %swap3A_1224] {strides = array<i32>} : memref<4x64x128xf32, #tpu.memory_space<vmem>>, vector<16xf32>,
        tpu.vector_store %arg7[%swap3A_1222, %swap3A_1223, %swap3A_1224], %get3A_1218 {strides = array<i32>} : memref<4x64x128xf32, #tpu.memory_space<vmem>>, vector<16xf32>,
        %add3A_1226 = arith.constant 7 : i32
        %add3A_1227 = arith.addi %mul3A_331, %add3A_1226 : i32
        %add3A_1228 = arith.constant 0 : i32
        %add3A_1229 = arith.addi %add3A_1227, %add3A_1228 : i32
        %get3A_1230 = arith.constant 0 : i32
        %get3A_1231 = arith.index_cast %get3A_1230 : i32 to index
        %get3A_1232 = arith.index_cast %add3A_1229 : i32 to index
        %get3A_1233 = arith.constant 0 : index
        %get3A_1234 = tpu.vector_load %arg6[%get3A_1231, %get3A_1232, %get3A_1233] {strides = array<i32>} : memref<4x128x64xf32, #tpu.memory_space<vmem>>, vector<16xf32>,
        %add3A_1235 = arith.constant 7 : i32
        %add3A_1236 = arith.addi %mul3A_331, %add3A_1235 : i32
        %swap3A_1237 = arith.constant 0 : i32
        %swap3A_1238 = arith.index_cast %swap3A_1237 : i32 to index
        %swap3A_1239 = arith.index_cast %add3A_1236 : i32 to index
        %swap3A_1240 = arith.constant 0 : index
        %swap3A_1241 = tpu.vector_load %arg7[%swap3A_1238, %swap3A_1239, %swap3A_1240] {strides = array<i32>} : memref<4x64x128xf32, #tpu.memory_space<vmem>>, vector<16xf32>,
        tpu.vector_store %arg7[%swap3A_1238, %swap3A_1239, %swap3A_1240], %get3A_1234 {strides = array<i32>} : memref<4x64x128xf32, #tpu.memory_space<vmem>>, vector<16xf32>,
        %add3A_1242 = arith.constant 7 : i32
        %add3A_1243 = arith.addi %mul3A_331, %add3A_1242 : i32
        %add3A_1244 = arith.constant 0 : i32
        %add3A_1245 = arith.addi %add3A_1243, %add3A_1244 : i32
        %get3A_1246 = arith.constant 0 : i32
        %get3A_1247 = arith.index_cast %get3A_1246 : i32 to index
        %get3A_1248 = arith.index_cast %add3A_1245 : i32 to index
        %get3A_1249 = arith.constant 16 : index
        %get3A_1250 = tpu.vector_load %arg6[%get3A_1247, %get3A_1248, %get3A_1249] {strides = array<i32>} : memref<4x128x64xf32, #tpu.memory_space<vmem>>, vector<16xf32>,
        %add3A_1251 = arith.constant 7 : i32
        %add3A_1252 = arith.addi %mul3A_331, %add3A_1251 : i32
        %swap3A_1253 = arith.constant 0 : i32
        %swap3A_1254 = arith.index_cast %swap3A_1253 : i32 to index
        %swap3A_1255 = arith.index_cast %add3A_1252 : i32 to index
        %swap3A_1256 = arith.constant 16 : index
        %swap3A_1257 = tpu.vector_load %arg7[%swap3A_1254, %swap3A_1255, %swap3A_1256] {strides = array<i32>} : memref<4x64x128xf32, #tpu.memory_space<vmem>>, vector<16xf32>,
        tpu.vector_store %arg7[%swap3A_1254, %swap3A_1255, %swap3A_1256], %get3A_1250 {strides = array<i32>} : memref<4x64x128xf32, #tpu.memory_space<vmem>>, vector<16xf32>,
        %add3A_1258 = arith.constant 7 : i32
        %add3A_1259 = arith.addi %mul3A_331, %add3A_1258 : i32
        %add3A_1260 = arith.constant 0 : i32
        %add3A_1261 = arith.addi %add3A_1259, %add3A_1260 : i32
        %get3A_1262 = arith.constant 0 : i32
        %get3A_1263 = arith.index_cast %get3A_1262 : i32 to index
        %get3A_1264 = arith.index_cast %add3A_1261 : i32 to index
        %get3A_1265 = arith.constant 32 : index
        %get3A_1266 = tpu.vector_load %arg6[%get3A_1263, %get3A_1264, %get3A_1265] {strides = array<i32>} : memref<4x128x64xf32, #tpu.memory_space<vmem>>, vector<16xf32>,
        %add3A_1267 = arith.constant 7 : i32
        %add3A_1268 = arith.addi %mul3A_331, %add3A_1267 : i32
        %swap3A_1269 = arith.constant 0 : i32
        %swap3A_1270 = arith.index_cast %swap3A_1269 : i32 to index
        %swap3A_1271 = arith.index_cast %add3A_1268 : i32 to index
        %swap3A_1272 = arith.constant 32 : index
        %swap3A_1273 = tpu.vector_load %arg7[%swap3A_1270, %swap3A_1271, %swap3A_1272] {strides = array<i32>} : memref<4x64x128xf32, #tpu.memory_space<vmem>>, vector<16xf32>,
        tpu.vector_store %arg7[%swap3A_1270, %swap3A_1271, %swap3A_1272], %get3A_1266 {strides = array<i32>} : memref<4x64x128xf32, #tpu.memory_space<vmem>>, vector<16xf32>,
        %add3A_1274 = arith.constant 7 : i32
        %add3A_1275 = arith.addi %mul3A_331, %add3A_1274 : i32
        %add3A_1276 = arith.constant 0 : i32
        %add3A_1277 = arith.addi %add3A_1275, %add3A_1276 : i32
        %get3A_1278 = arith.constant 0 : i32
        %get3A_1279 = arith.index_cast %get3A_1278 : i32 to index
        %get3A_1280 = arith.index_cast %add3A_1277 : i32 to index
        %get3A_1281 = arith.constant 48 : index
        %get3A_1282 = tpu.vector_load %arg6[%get3A_1279, %get3A_1280, %get3A_1281] {strides = array<i32>} : memref<4x128x64xf32, #tpu.memory_space<vmem>>, vector<16xf32>,
        %add3A_1283 = arith.constant 7 : i32
        %add3A_1284 = arith.addi %mul3A_331, %add3A_1283 : i32
        %swap3A_1285 = arith.constant 0 : i32
        %swap3A_1286 = arith.index_cast %swap3A_1285 : i32 to index
        %swap3A_1287 = arith.index_cast %add3A_1284 : i32 to index
        %swap3A_1288 = arith.constant 48 : index
        %swap3A_1289 = tpu.vector_load %arg7[%swap3A_1286, %swap3A_1287, %swap3A_1288] {strides = array<i32>} : memref<4x64x128xf32, #tpu.memory_space<vmem>>, vector<16xf32>,
        tpu.vector_store %arg7[%swap3A_1286, %swap3A_1287, %swap3A_1288], %get3A_1282 {strides = array<i32>} : memref<4x64x128xf32, #tpu.memory_space<vmem>>, vector<16xf32>,
        %add3A_1290 = arith.constant 7 : i32
        %add3A_1291 = arith.addi %mul3A_331, %add3A_1290 : i32
        %add3A_1292 = arith.constant 64 : i32
        %add3A_1293 = arith.addi %add3A_1291, %add3A_1292 : i32
        %get3A_1294 = arith.constant 0 : i32
        %get3A_1295 = arith.index_cast %get3A_1294 : i32 to index
        %get3A_1296 = arith.index_cast %add3A_1293 : i32 to index
        %get3A_1297 = arith.constant 0 : index
        %get3A_1298 = tpu.vector_load %arg6[%get3A_1295, %get3A_1296, %get3A_1297] {strides = array<i32>} : memref<4x128x64xf32, #tpu.memory_space<vmem>>, vector<16xf32>,
        %add3A_1299 = arith.constant 7 : i32
        %add3A_1300 = arith.addi %mul3A_331, %add3A_1299 : i32
        %swap3A_1301 = arith.constant 0 : i32
        %swap3A_1302 = arith.index_cast %swap3A_1301 : i32 to index
        %swap3A_1303 = arith.index_cast %add3A_1300 : i32 to index
        %swap3A_1304 = arith.constant 64 : index
        %swap3A_1305 = tpu.vector_load %arg7[%swap3A_1302, %swap3A_1303, %swap3A_1304] {strides = array<i32>} : memref<4x64x128xf32, #tpu.memory_space<vmem>>, vector<16xf32>,
        tpu.vector_store %arg7[%swap3A_1302, %swap3A_1303, %swap3A_1304], %get3A_1298 {strides = array<i32>} : memref<4x64x128xf32, #tpu.memory_space<vmem>>, vector<16xf32>,
        %add3A_1306 = arith.constant 7 : i32
        %add3A_1307 = arith.addi %mul3A_331, %add3A_1306 : i32
        %add3A_1308 = arith.constant 64 : i32
        %add3A_1309 = arith.addi %add3A_1307, %add3A_1308 : i32
        %get3A_1310 = arith.constant 0 : i32
        %get3A_1311 = arith.index_cast %get3A_1310 : i32 to index
        %get3A_1312 = arith.index_cast %add3A_1309 : i32 to index
        %get3A_1313 = arith.constant 16 : index
        %get3A_1314 = tpu.vector_load %arg6[%get3A_1311, %get3A_1312, %get3A_1313] {strides = array<i32>} : memref<4x128x64xf32, #tpu.memory_space<vmem>>, vector<16xf32>,
        %add3A_1315 = arith.constant 7 : i32
        %add3A_1316 = arith.addi %mul3A_331, %add3A_1315 : i32
        %swap3A_1317 = arith.constant 0 : i32
        %swap3A_1318 = arith.index_cast %swap3A_1317 : i32 to index
        %swap3A_1319 = arith.index_cast %add3A_1316 : i32 to index
        %swap3A_1320 = arith.constant 80 : index
        %swap3A_1321 = tpu.vector_load %arg7[%swap3A_1318, %swap3A_1319, %swap3A_1320] {strides = array<i32>} : memref<4x64x128xf32, #tpu.memory_space<vmem>>, vector<16xf32>,
        tpu.vector_store %arg7[%swap3A_1318, %swap3A_1319, %swap3A_1320], %get3A_1314 {strides = array<i32>} : memref<4x64x128xf32, #tpu.memory_space<vmem>>, vector<16xf32>,
        %add3A_1322 = arith.constant 7 : i32
        %add3A_1323 = arith.addi %mul3A_331, %add3A_1322 : i32
        %add3A_1324 = arith.constant 64 : i32
        %add3A_1325 = arith.addi %add3A_1323, %add3A_1324 : i32
        %get3A_1326 = arith.constant 0 : i32
        %get3A_1327 = arith.index_cast %get3A_1326 : i32 to index
        %get3A_1328 = arith.index_cast %add3A_1325 : i32 to index
        %get3A_1329 = arith.constant 32 : index
        %get3A_1330 = tpu.vector_load %arg6[%get3A_1327, %get3A_1328, %get3A_1329] {strides = array<i32>} : memref<4x128x64xf32, #tpu.memory_space<vmem>>, vector<16xf32>,
        %add3A_1331 = arith.constant 7 : i32
        %add3A_1332 = arith.addi %mul3A_331, %add3A_1331 : i32
        %swap3A_1333 = arith.constant 0 : i32
        %swap3A_1334 = arith.index_cast %swap3A_1333 : i32 to index
        %swap3A_1335 = arith.index_cast %add3A_1332 : i32 to index
        %swap3A_1336 = arith.constant 96 : index
        %swap3A_1337 = tpu.vector_load %arg7[%swap3A_1334, %swap3A_1335, %swap3A_1336] {strides = array<i32>} : memref<4x64x128xf32, #tpu.memory_space<vmem>>, vector<16xf32>,
        tpu.vector_store %arg7[%swap3A_1334, %swap3A_1335, %swap3A_1336], %get3A_1330 {strides = array<i32>} : memref<4x64x128xf32, #tpu.memory_space<vmem>>, vector<16xf32>,
        %add3A_1338 = arith.constant 7 : i32
        %add3A_1339 = arith.addi %mul3A_331, %add3A_1338 : i32
        %add3A_1340 = arith.constant 64 : i32
        %add3A_1341 = arith.addi %add3A_1339, %add3A_1340 : i32
        %get3A_1342 = arith.constant 0 : i32
        %get3A_1343 = arith.index_cast %get3A_1342 : i32 to index
        %get3A_1344 = arith.index_cast %add3A_1341 : i32 to index
        %get3A_1345 = arith.constant 48 : index
        %get3A_1346 = tpu.vector_load %arg6[%get3A_1343, %get3A_1344, %get3A_1345] {strides = array<i32>} : memref<4x128x64xf32, #tpu.memory_space<vmem>>, vector<16xf32>,
        %add3A_1347 = arith.constant 7 : i32
        %add3A_1348 = arith.addi %mul3A_331, %add3A_1347 : i32
        %swap3A_1349 = arith.constant 0 : i32
        %swap3A_1350 = arith.index_cast %swap3A_1349 : i32 to index
        %swap3A_1351 = arith.index_cast %add3A_1348 : i32 to index
        %swap3A_1352 = arith.constant 112 : index
        %swap3A_1353 = tpu.vector_load %arg7[%swap3A_1350, %swap3A_1351, %swap3A_1352] {strides = array<i32>} : memref<4x64x128xf32, #tpu.memory_space<vmem>>, vector<16xf32>,
        tpu.vector_store %arg7[%swap3A_1350, %swap3A_1351, %swap3A_1352], %get3A_1346 {strides = array<i32>} : memref<4x64x128xf32, #tpu.memory_space<vmem>>, vector<16xf32>,
      }
      %scan3A_163 = arith.constant 8 : i32
      %dma_start3A_164 = arith.constant 0 : i32
      %dma_start3A_165 = arith.constant 0 : i32
      %dma_start3A_166 = arith.constant 0 : i32
      %dma_start3A_167 = tpu.memref_slice %arg7[%dma_start3A_164, %dma_start3A_165, %dma_start3A_166] : memref<4x64x128xf32, #tpu.memory_space<vmem>> -> memref<1x64x128xf32, #tpu.memory_space<vmem>>
      %dma_start3A_168 = tpu.memref_squeeze %dma_start3A_167 : memref<1x64x128xf32, #tpu.memory_space<vmem>> -> memref<64x128xf32, #tpu.memory_space<vmem>>
      %dma_start3A_169 = arith.constant 0 : i32
      %dma_start3A_170 = arith.constant 0 : i32
      %dma_start3A_171 = tpu.memref_slice %arg4[%add3A_142, %add3A, %dma_start3A_169, %dma_start3A_170] : memref<200x32x64x128xf32, #tpu.memory_space<hbm>> -> memref<1x1x64x128xf32, #tpu.memory_space<hbm>>
      %dma_start3A_172 = tpu.memref_squeeze %dma_start3A_171 : memref<1x1x64x128xf32, #tpu.memory_space<hbm>> -> memref<64x128xf32, #tpu.memory_space<hbm>>
      %dma_start3A_173 = arith.constant 0 : i32
      %dma_start3A_174 = arith.constant 0 : i32
      %dma_start3A_175 = tpu.memref_slice %arg4[%add3A_142, %add3A, %dma_start3A_173, %dma_start3A_174] : memref<200x32x64x128xf32, #tpu.memory_space<hbm>> -> memref<1x1x64x128xf32, #tpu.memory_space<hbm>>
      %dma_start3A_176 = tpu.memref_squeeze %dma_start3A_175 : memref<1x1x64x128xf32, #tpu.memory_space<hbm>> -> memref<64x128xf32, #tpu.memory_space<hbm>>
      %dma_start3A_177 = arith.constant 0 : i32
      %dma_start3A_178 = arith.constant 0 : i32
      %dma_start3A_179 = tpu.memref_slice %arg7[%dma_start3A_164, %dma_start3A_177, %dma_start3A_178] : memref<4x64x128xf32, #tpu.memory_space<vmem>> -> memref<1x64x128xf32, #tpu.memory_space<vmem>>
      %dma_start3A_180 = tpu.memref_squeeze %dma_start3A_179 : memref<1x64x128xf32, #tpu.memory_space<vmem>> -> memref<64x128xf32, #tpu.memory_space<vmem>>
      tpu.enqueue_dma source(%dma_start3A_180 : memref<64x128xf32, #tpu.memory_space<vmem>>) target(%dma_start3A_176 : memref<64x128xf32, #tpu.memory_space<hbm>>) target_semaphore(%arg12 : memref<!tpu.dma_semaphore, #tpu.memory_space<semaphore_mem>>)
      %lt3A = arith.constant 49 : i32
      %lt3A_181 = arith.cmpi slt, %scan3A_138, %lt3A : i32
      %convert_element_type3A_182 = arith.extui %lt3A_181 : i1 to i32
      %cond3A_183 = arith.constant 0 : i32
      %cond3A_184 = arith.cmpi ne, %convert_element_type3A_182, %cond3A_183 : i32
      scf.if %cond3A_184 {
        %add3A_329 = arith.constant 4 : i32
        %add3A_330 = arith.addi %add3A_142, %add3A_329 : i32
        %jit3A = arith.constant 8 : i32
        %div3A = arith.divsi %add3A_330, %jit3A : i32
        %sign3A = arith.constant 0 : i32
        %sign3A_331 = arith.cmpi sgt, %add3A_330, %sign3A : i32
        %sign3A_332 = arith.extui %sign3A_331 : i1 to i32
        %sign3A_333 = arith.constant 0 : i32
        %sign3A_334 = arith.cmpi slt, %add3A_330, %sign3A_333 : i32
        %sign3A_335 = arith.extui %sign3A_334 : i1 to i32
        %sign3A_336 = arith.subi %sign3A_332, %sign3A_335 : i32
        %sign3A_337 = arith.constant 0 : i32
        %sign3A_338 = arith.cmpi sgt, %jit3A, %sign3A_337 : i32
        %sign3A_339 = arith.extui %sign3A_338 : i1 to i32
        %sign3A_340 = arith.constant 0 : i32
        %sign3A_341 = arith.cmpi slt, %jit3A, %sign3A_340 : i32
        %sign3A_342 = arith.extui %sign3A_341 : i1 to i32
        %sign3A_343 = arith.subi %sign3A_339, %sign3A_342 : i32
        %ne3A = arith.cmpi ne, %sign3A_336, %sign3A_343 : i32
        %rem3A = arith.remsi %add3A_330, %jit3A : i32
        %ne3A_344 = arith.constant 0 : i32
        %ne3A_345 = arith.cmpi ne, %rem3A, %ne3A_344 : i32
        %and3A = arith.andi %ne3A, %ne3A_345 : i1
        %sub3A = arith.constant 1 : i32
        %sub3A_346 = arith.subi %div3A, %sub3A : i32
        %select_n3A = arith.select %and3A, %sub3A_346, %div3A : i32
        %jit3A_347 = arith.constant 8 : i32
        %eq3A = arith.constant 0 : i32
        %eq3A_348 = arith.cmpi eq, %jit3A_347, %eq3A : i32
        %jit3A_349 = arith.constant 1 : i32
        %select_n3A_350 = arith.select %eq3A_348, %jit3A_349, %jit3A_347 : i32
        %rem3A_351 = arith.remsi %add3A_330, %select_n3A_350 : i32
        %ne3A_352 = arith.constant 0 : i32
        %ne3A_353 = arith.cmpi ne, %rem3A_351, %ne3A_352 : i32
        %lt3A_354 = arith.constant 0 : i32
        %lt3A_355 = arith.cmpi slt, %rem3A_351, %lt3A_354 : i32
        %lt3A_356 = arith.constant 0 : i32
        %lt3A_357 = arith.cmpi slt, %select_n3A_350, %lt3A_356 : i32
        %ne3A_358 = arith.xori %lt3A_355, %lt3A_357 : i1
        %and3A_359 = arith.andi %ne3A_358, %ne3A_353 : i1
        %add3A_360 = arith.addi %rem3A_351, %select_n3A_350 : i32
        %select_n3A_361 = arith.select %and3A_359, %add3A_360, %rem3A_351 : i32
        %dma_start3A_362 = arith.constant 0 : i32
        %dma_start3A_363 = arith.constant 0 : i32
        %dma_start3A_364 = arith.constant 0 : i32
        %dma_start3A_365 = tpu.memref_slice %arg6[%dma_start3A_362, %dma_start3A_363, %dma_start3A_364] : memref<4x128x64xf32, #tpu.memory_space<vmem>> -> memref<1x128x64xf32, #tpu.memory_space<vmem>>
        %dma_start3A_366 = tpu.memref_squeeze %dma_start3A_365 : memref<1x128x64xf32, #tpu.memory_space<vmem>> -> memref<128x64xf32, #tpu.memory_space<vmem>>
        %dma_start3A_367 = arith.constant 0 : i32
        %dma_start3A_368 = tpu.memref_slice %arg5[%select_n3A, %select_n3A_361, %dma_start3A_367] : memref<25x8x128xi32, #tpu.memory_space<vmem>> -> memref<1x1x128xi32, #tpu.memory_space<vmem>>
        %dma_start3A_369 = tpu.memref_squeeze %dma_start3A_368 : memref<1x1x128xi32, #tpu.memory_space<vmem>> -> memref<128xi32, #tpu.memory_space<vmem>>
        %dma_start3A_370 = arith.constant 0 : i32
        %dma_start3A_371 = arith.constant 0 : i32
        %dma_start3A_372 = tpu.memref_slice %arg3[%dma_start3A_370, %dma_start3A_371] : memref<1003520x64xf32, #tpu.memory_space<hbm>> -> memref<1003520x64xf32, #tpu.memory_space<hbm>>
        tpu.enqueue_indirect_dma source(%dma_start3A_372 : memref<1003520x64xf32, #tpu.memory_space<hbm>>) target(%dma_start3A_366 : memref<128x64xf32, #tpu.memory_space<vmem>>) offsets(%dma_start3A_369 : memref<128xi32, #tpu.memory_space<vmem>>) semaphore(%arg8 : memref<!tpu.dma_semaphore, #tpu.memory_space<semaphore_mem>>)
      } else {
      }
      %add3A_185 = arith.constant 1 : i32
      %add3A_186 = arith.addi %mul3A_140, %add3A_185 : i32
      %dma_wait3A_187 = arith.constant 0 : i32
      %dma_wait3A_188 = arith.constant 0 : i32
      %dma_wait3A_189 = arith.constant 1 : i32
      %dma_wait3A_190 = arith.constant 0 : i32
      %dma_wait3A_191 = arith.constant 0 : i32
      %dma_wait3A_192 = tpu.memref_slice %arg6[%dma_wait3A_189, %dma_wait3A_190, %dma_wait3A_191] : memref<4x128x64xf32, #tpu.memory_space<vmem>> -> memref<1x128x64xf32, #tpu.memory_space<vmem>>
      %dma_wait3A_193 = tpu.memref_squeeze %dma_wait3A_192 : memref<1x128x64xf32, #tpu.memory_space<vmem>> -> memref<128x64xf32, #tpu.memory_space<vmem>>
      %dma_wait3A_194 = arith.constant 0 : i32
      %dma_wait3A_195 = tpu.memref_slice %arg5[%dma_wait3A_187, %dma_wait3A_188, %dma_wait3A_194] : memref<25x8x128xi32, #tpu.memory_space<vmem>> -> memref<1x1x128xi32, #tpu.memory_space<vmem>>
      %dma_wait3A_196 = tpu.memref_squeeze %dma_wait3A_195 : memref<1x1x128xi32, #tpu.memory_space<vmem>> -> memref<128xi32, #tpu.memory_space<vmem>>
      %dma_wait3A_197 = arith.constant 0 : i32
      %dma_wait3A_198 = arith.constant 0 : i32
      %dma_wait3A_199 = tpu.memref_slice %arg3[%dma_wait3A_197, %dma_wait3A_198] : memref<1003520x64xf32, #tpu.memory_space<hbm>> -> memref<1003520x64xf32, #tpu.memory_space<hbm>>
      tpu.wait_indirect_dma semaphore(%arg9 : memref<!tpu.dma_semaphore, #tpu.memory_space<semaphore_mem>>) src(%dma_wait3A_199 : memref<1003520x64xf32, #tpu.memory_space<hbm>>) dst(%dma_wait3A_193 : memref<128x64xf32, #tpu.memory_space<vmem>>)
      %gt3A_200 = arith.constant 0 : i32
      %gt3A_201 = arith.cmpi sgt, %scan3A_138, %gt3A_200 : i32
      %convert_element_type3A_202 = arith.extui %gt3A_201 : i1 to i32
      %cond3A_203 = arith.constant 0 : i32
      %cond3A_204 = arith.cmpi ne, %convert_element_type3A_202, %cond3A_203 : i32
      scf.if %cond3A_204 {
        %dma_wait3A_329 = arith.constant 1 : i32
        %dma_wait3A_330 = arith.constant 0 : i32
        %dma_wait3A_331 = arith.constant 0 : i32
        %dma_wait3A_332 = arith.constant 0 : i32
        %dma_wait3A_333 = arith.constant 0 : i32
        %dma_wait3A_334 = tpu.memref_slice %arg7[%dma_wait3A_329, %dma_wait3A_332, %dma_wait3A_333] : memref<4x64x128xf32, #tpu.memory_space<vmem>> -> memref<1x64x128xf32, #tpu.memory_space<vmem>>
        %dma_wait3A_335 = tpu.memref_squeeze %dma_wait3A_334 : memref<1x64x128xf32, #tpu.memory_space<vmem>> -> memref<64x128xf32, #tpu.memory_space<vmem>>
        %dma_wait3A_336 = arith.constant 0 : i32
        %dma_wait3A_337 = arith.constant 0 : i32
        %dma_wait3A_338 = tpu.memref_slice %arg4[%dma_wait3A_330, %dma_wait3A_331, %dma_wait3A_336, %dma_wait3A_337] : memref<200x32x64x128xf32, #tpu.memory_space<hbm>> -> memref<1x1x64x128xf32, #tpu.memory_space<hbm>>
        %dma_wait3A_339 = tpu.memref_squeeze %dma_wait3A_338 : memref<1x1x64x128xf32, #tpu.memory_space<hbm>> -> memref<64x128xf32, #tpu.memory_space<hbm>>
        %dma_wait3A_340 = arith.constant 0 : i32
        %dma_wait3A_341 = arith.constant 0 : i32
        %dma_wait3A_342 = tpu.memref_slice %arg4[%dma_wait3A_330, %dma_wait3A_331, %dma_wait3A_340, %dma_wait3A_341] : memref<200x32x64x128xf32, #tpu.memory_space<hbm>> -> memref<1x1x64x128xf32, #tpu.memory_space<hbm>>
        %dma_wait3A_343 = tpu.memref_squeeze %dma_wait3A_342 : memref<1x1x64x128xf32, #tpu.memory_space<hbm>> -> memref<64x128xf32, #tpu.memory_space<hbm>>
        %dma_wait3A_344 = arith.constant 0 : i32
        %dma_wait3A_345 = arith.constant 0 : i32
        %dma_wait3A_346 = tpu.memref_slice %arg7[%dma_wait3A_329, %dma_wait3A_344, %dma_wait3A_345] : memref<4x64x128xf32, #tpu.memory_space<vmem>> -> memref<1x64x128xf32, #tpu.memory_space<vmem>>
        %dma_wait3A_347 = tpu.memref_squeeze %dma_wait3A_346 : memref<1x64x128xf32, #tpu.memory_space<vmem>> -> memref<64x128xf32, #tpu.memory_space<vmem>>
        tpu.wait_dma2 semaphore(%arg13 : memref<!tpu.dma_semaphore, #tpu.memory_space<semaphore_mem>>) src(%dma_wait3A_347 : memref<64x128xf32, #tpu.memory_space<vmem>>) dst(%dma_wait3A_343 : memref<64x128xf32, #tpu.memory_space<hbm>>)
      } else {
      }
      %scan3A_205 = arith.constant 0 : i32
      %scan3A_206 = arith.constant 0 : i32
      %scan3A_207 = arith.constant 8 : i32
      %scan3A_208 = arith.addi %scan3A_206, %scan3A_207 : i32
      %scan3A_209 = arith.constant 1 : i32
      scf.for %scan3A_329 = %scan3A_206 to %scan3A_208 step %scan3A_209  : i32 {
        %mul3A_330 = arith.constant 8 : i32
        %mul3A_331 = arith.muli %scan3A_329, %mul3A_330 : i32
        %add3A_332 = arith.constant 0 : i32
        %add3A_333 = arith.addi %mul3A_331, %add3A_332 : i32
        %add3A_334 = arith.constant 0 : i32
        %add3A_335 = arith.addi %add3A_333, %add3A_334 : i32
        %get3A = arith.constant 1 : i32
        %get3A_336 = arith.index_cast %get3A : i32 to index
        %get3A_337 = arith.index_cast %add3A_335 : i32 to index
        %get3A_338 = arith.constant 0 : index
        %get3A_339 = tpu.vector_load %arg6[%get3A_336, %get3A_337, %get3A_338] {strides = array<i32>} : memref<4x128x64xf32, #tpu.memory_space<vmem>>, vector<16xf32>,
        %add3A_340 = arith.constant 0 : i32
        %add3A_341 = arith.addi %mul3A_331, %add3A_340 : i32
        %swap3A = arith.constant 1 : i32
        %swap3A_342 = arith.index_cast %swap3A : i32 to index
        %swap3A_343 = arith.index_cast %add3A_341 : i32 to index
        %swap3A_344 = arith.constant 0 : index
        %swap3A_345 = tpu.vector_load %arg7[%swap3A_342, %swap3A_343, %swap3A_344] {strides = array<i32>} : memref<4x64x128xf32, #tpu.memory_space<vmem>>, vector<16xf32>,
        tpu.vector_store %arg7[%swap3A_342, %swap3A_343, %swap3A_344], %get3A_339 {strides = array<i32>} : memref<4x64x128xf32, #tpu.memory_space<vmem>>, vector<16xf32>,
        %add3A_346 = arith.constant 0 : i32
        %add3A_347 = arith.addi %mul3A_331, %add3A_346 : i32
        %add3A_348 = arith.constant 0 : i32
        %add3A_349 = arith.addi %add3A_347, %add3A_348 : i32
        %get3A_350 = arith.constant 1 : i32
        %get3A_351 = arith.index_cast %get3A_350 : i32 to index
        %get3A_352 = arith.index_cast %add3A_349 : i32 to index
        %get3A_353 = arith.constant 16 : index
        %get3A_354 = tpu.vector_load %arg6[%get3A_351, %get3A_352, %get3A_353] {strides = array<i32>} : memref<4x128x64xf32, #tpu.memory_space<vmem>>, vector<16xf32>,
        %add3A_355 = arith.constant 0 : i32
        %add3A_356 = arith.addi %mul3A_331, %add3A_355 : i32
        %swap3A_357 = arith.constant 1 : i32
        %swap3A_358 = arith.index_cast %swap3A_357 : i32 to index
        %swap3A_359 = arith.index_cast %add3A_356 : i32 to index
        %swap3A_360 = arith.constant 16 : index
        %swap3A_361 = tpu.vector_load %arg7[%swap3A_358, %swap3A_359, %swap3A_360] {strides = array<i32>} : memref<4x64x128xf32, #tpu.memory_space<vmem>>, vector<16xf32>,
        tpu.vector_store %arg7[%swap3A_358, %swap3A_359, %swap3A_360], %get3A_354 {strides = array<i32>} : memref<4x64x128xf32, #tpu.memory_space<vmem>>, vector<16xf32>,
        %add3A_362 = arith.constant 0 : i32
        %add3A_363 = arith.addi %mul3A_331, %add3A_362 : i32
        %add3A_364 = arith.constant 0 : i32
        %add3A_365 = arith.addi %add3A_363, %add3A_364 : i32
        %get3A_366 = arith.constant 1 : i32
        %get3A_367 = arith.index_cast %get3A_366 : i32 to index
        %get3A_368 = arith.index_cast %add3A_365 : i32 to index
        %get3A_369 = arith.constant 32 : index
        %get3A_370 = tpu.vector_load %arg6[%get3A_367, %get3A_368, %get3A_369] {strides = array<i32>} : memref<4x128x64xf32, #tpu.memory_space<vmem>>, vector<16xf32>,
        %add3A_371 = arith.constant 0 : i32
        %add3A_372 = arith.addi %mul3A_331, %add3A_371 : i32
        %swap3A_373 = arith.constant 1 : i32
        %swap3A_374 = arith.index_cast %swap3A_373 : i32 to index
        %swap3A_375 = arith.index_cast %add3A_372 : i32 to index
        %swap3A_376 = arith.constant 32 : index
        %swap3A_377 = tpu.vector_load %arg7[%swap3A_374, %swap3A_375, %swap3A_376] {strides = array<i32>} : memref<4x64x128xf32, #tpu.memory_space<vmem>>, vector<16xf32>,
        tpu.vector_store %arg7[%swap3A_374, %swap3A_375, %swap3A_376], %get3A_370 {strides = array<i32>} : memref<4x64x128xf32, #tpu.memory_space<vmem>>, vector<16xf32>,
        %add3A_378 = arith.constant 0 : i32
        %add3A_379 = arith.addi %mul3A_331, %add3A_378 : i32
        %add3A_380 = arith.constant 0 : i32
        %add3A_381 = arith.addi %add3A_379, %add3A_380 : i32
        %get3A_382 = arith.constant 1 : i32
        %get3A_383 = arith.index_cast %get3A_382 : i32 to index
        %get3A_384 = arith.index_cast %add3A_381 : i32 to index
        %get3A_385 = arith.constant 48 : index
        %get3A_386 = tpu.vector_load %arg6[%get3A_383, %get3A_384, %get3A_385] {strides = array<i32>} : memref<4x128x64xf32, #tpu.memory_space<vmem>>, vector<16xf32>,
        %add3A_387 = arith.constant 0 : i32
        %add3A_388 = arith.addi %mul3A_331, %add3A_387 : i32
        %swap3A_389 = arith.constant 1 : i32
        %swap3A_390 = arith.index_cast %swap3A_389 : i32 to index
        %swap3A_391 = arith.index_cast %add3A_388 : i32 to index
        %swap3A_392 = arith.constant 48 : index
        %swap3A_393 = tpu.vector_load %arg7[%swap3A_390, %swap3A_391, %swap3A_392] {strides = array<i32>} : memref<4x64x128xf32, #tpu.memory_space<vmem>>, vector<16xf32>,
        tpu.vector_store %arg7[%swap3A_390, %swap3A_391, %swap3A_392], %get3A_386 {strides = array<i32>} : memref<4x64x128xf32, #tpu.memory_space<vmem>>, vector<16xf32>,
        %add3A_394 = arith.constant 0 : i32
        %add3A_395 = arith.addi %mul3A_331, %add3A_394 : i32
        %add3A_396 = arith.constant 64 : i32
        %add3A_397 = arith.addi %add3A_395, %add3A_396 : i32
        %get3A_398 = arith.constant 1 : i32
        %get3A_399 = arith.index_cast %get3A_398 : i32 to index
        %get3A_400 = arith.index_cast %add3A_397 : i32 to index
        %get3A_401 = arith.constant 0 : index
        %get3A_402 = tpu.vector_load %arg6[%get3A_399, %get3A_400, %get3A_401] {strides = array<i32>} : memref<4x128x64xf32, #tpu.memory_space<vmem>>, vector<16xf32>,
        %add3A_403 = arith.constant 0 : i32
        %add3A_404 = arith.addi %mul3A_331, %add3A_403 : i32
        %swap3A_405 = arith.constant 1 : i32
        %swap3A_406 = arith.index_cast %swap3A_405 : i32 to index
        %swap3A_407 = arith.index_cast %add3A_404 : i32 to index
        %swap3A_408 = arith.constant 64 : index
        %swap3A_409 = tpu.vector_load %arg7[%swap3A_406, %swap3A_407, %swap3A_408] {strides = array<i32>} : memref<4x64x128xf32, #tpu.memory_space<vmem>>, vector<16xf32>,
        tpu.vector_store %arg7[%swap3A_406, %swap3A_407, %swap3A_408], %get3A_402 {strides = array<i32>} : memref<4x64x128xf32, #tpu.memory_space<vmem>>, vector<16xf32>,
        %add3A_410 = arith.constant 0 : i32
        %add3A_411 = arith.addi %mul3A_331, %add3A_410 : i32
        %add3A_412 = arith.constant 64 : i32
        %add3A_413 = arith.addi %add3A_411, %add3A_412 : i32
        %get3A_414 = arith.constant 1 : i32
        %get3A_415 = arith.index_cast %get3A_414 : i32 to index
        %get3A_416 = arith.index_cast %add3A_413 : i32 to index
        %get3A_417 = arith.constant 16 : index
        %get3A_418 = tpu.vector_load %arg6[%get3A_415, %get3A_416, %get3A_417] {strides = array<i32>} : memref<4x128x64xf32, #tpu.memory_space<vmem>>, vector<16xf32>,
        %add3A_419 = arith.constant 0 : i32
        %add3A_420 = arith.addi %mul3A_331, %add3A_419 : i32
        %swap3A_421 = arith.constant 1 : i32
        %swap3A_422 = arith.index_cast %swap3A_421 : i32 to index
        %swap3A_423 = arith.index_cast %add3A_420 : i32 to index
        %swap3A_424 = arith.constant 80 : index
        %swap3A_425 = tpu.vector_load %arg7[%swap3A_422, %swap3A_423, %swap3A_424] {strides = array<i32>} : memref<4x64x128xf32, #tpu.memory_space<vmem>>, vector<16xf32>,
        tpu.vector_store %arg7[%swap3A_422, %swap3A_423, %swap3A_424], %get3A_418 {strides = array<i32>} : memref<4x64x128xf32, #tpu.memory_space<vmem>>, vector<16xf32>,
        %add3A_426 = arith.constant 0 : i32
        %add3A_427 = arith.addi %mul3A_331, %add3A_426 : i32
        %add3A_428 = arith.constant 64 : i32
        %add3A_429 = arith.addi %add3A_427, %add3A_428 : i32
        %get3A_430 = arith.constant 1 : i32
        %get3A_431 = arith.index_cast %get3A_430 : i32 to index
        %get3A_432 = arith.index_cast %add3A_429 : i32 to index
        %get3A_433 = arith.constant 32 : index
        %get3A_434 = tpu.vector_load %arg6[%get3A_431, %get3A_432, %get3A_433] {strides = array<i32>} : memref<4x128x64xf32, #tpu.memory_space<vmem>>, vector<16xf32>,
        %add3A_435 = arith.constant 0 : i32
        %add3A_436 = arith.addi %mul3A_331, %add3A_435 : i32
        %swap3A_437 = arith.constant 1 : i32
        %swap3A_438 = arith.index_cast %swap3A_437 : i32 to index
        %swap3A_439 = arith.index_cast %add3A_436 : i32 to index
        %swap3A_440 = arith.constant 96 : index
        %swap3A_441 = tpu.vector_load %arg7[%swap3A_438, %swap3A_439, %swap3A_440] {strides = array<i32>} : memref<4x64x128xf32, #tpu.memory_space<vmem>>, vector<16xf32>,
        tpu.vector_store %arg7[%swap3A_438, %swap3A_439, %swap3A_440], %get3A_434 {strides = array<i32>} : memref<4x64x128xf32, #tpu.memory_space<vmem>>, vector<16xf32>,
        %add3A_442 = arith.constant 0 : i32
        %add3A_443 = arith.addi %mul3A_331, %add3A_442 : i32
        %add3A_444 = arith.constant 64 : i32
        %add3A_445 = arith.addi %add3A_443, %add3A_444 : i32
        %get3A_446 = arith.constant 1 : i32
        %get3A_447 = arith.index_cast %get3A_446 : i32 to index
        %get3A_448 = arith.index_cast %add3A_445 : i32 to index
        %get3A_449 = arith.constant 48 : index
        %get3A_450 = tpu.vector_load %arg6[%get3A_447, %get3A_448, %get3A_449] {strides = array<i32>} : memref<4x128x64xf32, #tpu.memory_space<vmem>>, vector<16xf32>,
        %add3A_451 = arith.constant 0 : i32
        %add3A_452 = arith.addi %mul3A_331, %add3A_451 : i32
        %swap3A_453 = arith.constant 1 : i32
        %swap3A_454 = arith.index_cast %swap3A_453 : i32 to index
        %swap3A_455 = arith.index_cast %add3A_452 : i32 to index
        %swap3A_456 = arith.constant 112 : index
        %swap3A_457 = tpu.vector_load %arg7[%swap3A_454, %swap3A_455, %swap3A_456] {strides = array<i32>} : memref<4x64x128xf32, #tpu.memory_space<vmem>>, vector<16xf32>,
        tpu.vector_store %arg7[%swap3A_454, %swap3A_455, %swap3A_456], %get3A_450 {strides = array<i32>} : memref<4x64x128xf32, #tpu.memory_space<vmem>>, vector<16xf32>,
        %add3A_458 = arith.constant 1 : i32
        %add3A_459 = arith.addi %mul3A_331, %add3A_458 : i32
        %add3A_460 = arith.constant 0 : i32
        %add3A_461 = arith.addi %add3A_459, %add3A_460 : i32
        %get3A_462 = arith.constant 1 : i32
        %get3A_463 = arith.index_cast %get3A_462 : i32 to index
        %get3A_464 = arith.index_cast %add3A_461 : i32 to index
        %get3A_465 = arith.constant 0 : index
        %get3A_466 = tpu.vector_load %arg6[%get3A_463, %get3A_464, %get3A_465] {strides = array<i32>} : memref<4x128x64xf32, #tpu.memory_space<vmem>>, vector<16xf32>,
        %add3A_467 = arith.constant 1 : i32
        %add3A_468 = arith.addi %mul3A_331, %add3A_467 : i32
        %swap3A_469 = arith.constant 1 : i32
        %swap3A_470 = arith.index_cast %swap3A_469 : i32 to index
        %swap3A_471 = arith.index_cast %add3A_468 : i32 to index
        %swap3A_472 = arith.constant 0 : index
        %swap3A_473 = tpu.vector_load %arg7[%swap3A_470, %swap3A_471, %swap3A_472] {strides = array<i32>} : memref<4x64x128xf32, #tpu.memory_space<vmem>>, vector<16xf32>,
        tpu.vector_store %arg7[%swap3A_470, %swap3A_471, %swap3A_472], %get3A_466 {strides = array<i32>} : memref<4x64x128xf32, #tpu.memory_space<vmem>>, vector<16xf32>,
        %add3A_474 = arith.constant 1 : i32
        %add3A_475 = arith.addi %mul3A_331, %add3A_474 : i32
        %add3A_476 = arith.constant 0 : i32
        %add3A_477 = arith.addi %add3A_475, %add3A_476 : i32
        %get3A_478 = arith.constant 1 : i32
        %get3A_479 = arith.index_cast %get3A_478 : i32 to index
        %get3A_480 = arith.index_cast %add3A_477 : i32 to index
        %get3A_481 = arith.constant 16 : index
        %get3A_482 = tpu.vector_load %arg6[%get3A_479, %get3A_480, %get3A_481] {strides = array<i32>} : memref<4x128x64xf32, #tpu.memory_space<vmem>>, vector<16xf32>,
        %add3A_483 = arith.constant 1 : i32
        %add3A_484 = arith.addi %mul3A_331, %add3A_483 : i32
        %swap3A_485 = arith.constant 1 : i32
        %swap3A_486 = arith.index_cast %swap3A_485 : i32 to index
        %swap3A_487 = arith.index_cast %add3A_484 : i32 to index
        %swap3A_488 = arith.constant 16 : index
        %swap3A_489 = tpu.vector_load %arg7[%swap3A_486, %swap3A_487, %swap3A_488] {strides = array<i32>} : memref<4x64x128xf32, #tpu.memory_space<vmem>>, vector<16xf32>,
        tpu.vector_store %arg7[%swap3A_486, %swap3A_487, %swap3A_488], %get3A_482 {strides = array<i32>} : memref<4x64x128xf32, #tpu.memory_space<vmem>>, vector<16xf32>,
        %add3A_490 = arith.constant 1 : i32
        %add3A_491 = arith.addi %mul3A_331, %add3A_490 : i32
        %add3A_492 = arith.constant 0 : i32
        %add3A_493 = arith.addi %add3A_491, %add3A_492 : i32
        %get3A_494 = arith.constant 1 : i32
        %get3A_495 = arith.index_cast %get3A_494 : i32 to index
        %get3A_496 = arith.index_cast %add3A_493 : i32 to index
        %get3A_497 = arith.constant 32 : index
        %get3A_498 = tpu.vector_load %arg6[%get3A_495, %get3A_496, %get3A_497] {strides = array<i32>} : memref<4x128x64xf32, #tpu.memory_space<vmem>>, vector<16xf32>,
        %add3A_499 = arith.constant 1 : i32
        %add3A_500 = arith.addi %mul3A_331, %add3A_499 : i32
        %swap3A_501 = arith.constant 1 : i32
        %swap3A_502 = arith.index_cast %swap3A_501 : i32 to index
        %swap3A_503 = arith.index_cast %add3A_500 : i32 to index
        %swap3A_504 = arith.constant 32 : index
        %swap3A_505 = tpu.vector_load %arg7[%swap3A_502, %swap3A_503, %swap3A_504] {strides = array<i32>} : memref<4x64x128xf32, #tpu.memory_space<vmem>>, vector<16xf32>,
        tpu.vector_store %arg7[%swap3A_502, %swap3A_503, %swap3A_504], %get3A_498 {strides = array<i32>} : memref<4x64x128xf32, #tpu.memory_space<vmem>>, vector<16xf32>,
        %add3A_506 = arith.constant 1 : i32
        %add3A_507 = arith.addi %mul3A_331, %add3A_506 : i32
        %add3A_508 = arith.constant 0 : i32
        %add3A_509 = arith.addi %add3A_507, %add3A_508 : i32
        %get3A_510 = arith.constant 1 : i32
        %get3A_511 = arith.index_cast %get3A_510 : i32 to index
        %get3A_512 = arith.index_cast %add3A_509 : i32 to index
        %get3A_513 = arith.constant 48 : index
        %get3A_514 = tpu.vector_load %arg6[%get3A_511, %get3A_512, %get3A_513] {strides = array<i32>} : memref<4x128x64xf32, #tpu.memory_space<vmem>>, vector<16xf32>,
        %add3A_515 = arith.constant 1 : i32
        %add3A_516 = arith.addi %mul3A_331, %add3A_515 : i32
        %swap3A_517 = arith.constant 1 : i32
        %swap3A_518 = arith.index_cast %swap3A_517 : i32 to index
        %swap3A_519 = arith.index_cast %add3A_516 : i32 to index
        %swap3A_520 = arith.constant 48 : index
        %swap3A_521 = tpu.vector_load %arg7[%swap3A_518, %swap3A_519, %swap3A_520] {strides = array<i32>} : memref<4x64x128xf32, #tpu.memory_space<vmem>>, vector<16xf32>,
        tpu.vector_store %arg7[%swap3A_518, %swap3A_519, %swap3A_520], %get3A_514 {strides = array<i32>} : memref<4x64x128xf32, #tpu.memory_space<vmem>>, vector<16xf32>,
        %add3A_522 = arith.constant 1 : i32
        %add3A_523 = arith.addi %mul3A_331, %add3A_522 : i32
        %add3A_524 = arith.constant 64 : i32
        %add3A_525 = arith.addi %add3A_523, %add3A_524 : i32
        %get3A_526 = arith.constant 1 : i32
        %get3A_527 = arith.index_cast %get3A_526 : i32 to index
        %get3A_528 = arith.index_cast %add3A_525 : i32 to index
        %get3A_529 = arith.constant 0 : index
        %get3A_530 = tpu.vector_load %arg6[%get3A_527, %get3A_528, %get3A_529] {strides = array<i32>} : memref<4x128x64xf32, #tpu.memory_space<vmem>>, vector<16xf32>,
        %add3A_531 = arith.constant 1 : i32
        %add3A_532 = arith.addi %mul3A_331, %add3A_531 : i32
        %swap3A_533 = arith.constant 1 : i32
        %swap3A_534 = arith.index_cast %swap3A_533 : i32 to index
        %swap3A_535 = arith.index_cast %add3A_532 : i32 to index
        %swap3A_536 = arith.constant 64 : index
        %swap3A_537 = tpu.vector_load %arg7[%swap3A_534, %swap3A_535, %swap3A_536] {strides = array<i32>} : memref<4x64x128xf32, #tpu.memory_space<vmem>>, vector<16xf32>,
        tpu.vector_store %arg7[%swap3A_534, %swap3A_535, %swap3A_536], %get3A_530 {strides = array<i32>} : memref<4x64x128xf32, #tpu.memory_space<vmem>>, vector<16xf32>,
        %add3A_538 = arith.constant 1 : i32
        %add3A_539 = arith.addi %mul3A_331, %add3A_538 : i32
        %add3A_540 = arith.constant 64 : i32
        %add3A_541 = arith.addi %add3A_539, %add3A_540 : i32
        %get3A_542 = arith.constant 1 : i32
        %get3A_543 = arith.index_cast %get3A_542 : i32 to index
        %get3A_544 = arith.index_cast %add3A_541 : i32 to index
        %get3A_545 = arith.constant 16 : index
        %get3A_546 = tpu.vector_load %arg6[%get3A_543, %get3A_544, %get3A_545] {strides = array<i32>} : memref<4x128x64xf32, #tpu.memory_space<vmem>>, vector<16xf32>,
        %add3A_547 = arith.constant 1 : i32
        %add3A_548 = arith.addi %mul3A_331, %add3A_547 : i32
        %swap3A_549 = arith.constant 1 : i32
        %swap3A_550 = arith.index_cast %swap3A_549 : i32 to index
        %swap3A_551 = arith.index_cast %add3A_548 : i32 to index
        %swap3A_552 = arith.constant 80 : index
        %swap3A_553 = tpu.vector_load %arg7[%swap3A_550, %swap3A_551, %swap3A_552] {strides = array<i32>} : memref<4x64x128xf32, #tpu.memory_space<vmem>>, vector<16xf32>,
        tpu.vector_store %arg7[%swap3A_550, %swap3A_551, %swap3A_552], %get3A_546 {strides = array<i32>} : memref<4x64x128xf32, #tpu.memory_space<vmem>>, vector<16xf32>,
        %add3A_554 = arith.constant 1 : i32
        %add3A_555 = arith.addi %mul3A_331, %add3A_554 : i32
        %add3A_556 = arith.constant 64 : i32
        %add3A_557 = arith.addi %add3A_555, %add3A_556 : i32
        %get3A_558 = arith.constant 1 : i32
        %get3A_559 = arith.index_cast %get3A_558 : i32 to index
        %get3A_560 = arith.index_cast %add3A_557 : i32 to index
        %get3A_561 = arith.constant 32 : index
        %get3A_562 = tpu.vector_load %arg6[%get3A_559, %get3A_560, %get3A_561] {strides = array<i32>} : memref<4x128x64xf32, #tpu.memory_space<vmem>>, vector<16xf32>,
        %add3A_563 = arith.constant 1 : i32
        %add3A_564 = arith.addi %mul3A_331, %add3A_563 : i32
        %swap3A_565 = arith.constant 1 : i32
        %swap3A_566 = arith.index_cast %swap3A_565 : i32 to index
        %swap3A_567 = arith.index_cast %add3A_564 : i32 to index
        %swap3A_568 = arith.constant 96 : index
        %swap3A_569 = tpu.vector_load %arg7[%swap3A_566, %swap3A_567, %swap3A_568] {strides = array<i32>} : memref<4x64x128xf32, #tpu.memory_space<vmem>>, vector<16xf32>,
        tpu.vector_store %arg7[%swap3A_566, %swap3A_567, %swap3A_568], %get3A_562 {strides = array<i32>} : memref<4x64x128xf32, #tpu.memory_space<vmem>>, vector<16xf32>,
        %add3A_570 = arith.constant 1 : i32
        %add3A_571 = arith.addi %mul3A_331, %add3A_570 : i32
        %add3A_572 = arith.constant 64 : i32
        %add3A_573 = arith.addi %add3A_571, %add3A_572 : i32
        %get3A_574 = arith.constant 1 : i32
        %get3A_575 = arith.index_cast %get3A_574 : i32 to index
        %get3A_576 = arith.index_cast %add3A_573 : i32 to index
        %get3A_577 = arith.constant 48 : index
        %get3A_578 = tpu.vector_load %arg6[%get3A_575, %get3A_576, %get3A_577] {strides = array<i32>} : memref<4x128x64xf32, #tpu.memory_space<vmem>>, vector<16xf32>,
        %add3A_579 = arith.constant 1 : i32
        %add3A_580 = arith.addi %mul3A_331, %add3A_579 : i32
        %swap3A_581 = arith.constant 1 : i32
        %swap3A_582 = arith.index_cast %swap3A_581 : i32 to index
        %swap3A_583 = arith.index_cast %add3A_580 : i32 to index
        %swap3A_584 = arith.constant 112 : index
        %swap3A_585 = tpu.vector_load %arg7[%swap3A_582, %swap3A_583, %swap3A_584] {strides = array<i32>} : memref<4x64x128xf32, #tpu.memory_space<vmem>>, vector<16xf32>,
        tpu.vector_store %arg7[%swap3A_582, %swap3A_583, %swap3A_584], %get3A_578 {strides = array<i32>} : memref<4x64x128xf32, #tpu.memory_space<vmem>>, vector<16xf32>,
        %add3A_586 = arith.constant 2 : i32
        %add3A_587 = arith.addi %mul3A_331, %add3A_586 : i32
        %add3A_588 = arith.constant 0 : i32
        %add3A_589 = arith.addi %add3A_587, %add3A_588 : i32
        %get3A_590 = arith.constant 1 : i32
        %get3A_591 = arith.index_cast %get3A_590 : i32 to index
        %get3A_592 = arith.index_cast %add3A_589 : i32 to index
        %get3A_593 = arith.constant 0 : index
        %get3A_594 = tpu.vector_load %arg6[%get3A_591, %get3A_592, %get3A_593] {strides = array<i32>} : memref<4x128x64xf32, #tpu.memory_space<vmem>>, vector<16xf32>,
        %add3A_595 = arith.constant 2 : i32
        %add3A_596 = arith.addi %mul3A_331, %add3A_595 : i32
        %swap3A_597 = arith.constant 1 : i32
        %swap3A_598 = arith.index_cast %swap3A_597 : i32 to index
        %swap3A_599 = arith.index_cast %add3A_596 : i32 to index
        %swap3A_600 = arith.constant 0 : index
        %swap3A_601 = tpu.vector_load %arg7[%swap3A_598, %swap3A_599, %swap3A_600] {strides = array<i32>} : memref<4x64x128xf32, #tpu.memory_space<vmem>>, vector<16xf32>,
        tpu.vector_store %arg7[%swap3A_598, %swap3A_599, %swap3A_600], %get3A_594 {strides = array<i32>} : memref<4x64x128xf32, #tpu.memory_space<vmem>>, vector<16xf32>,
        %add3A_602 = arith.constant 2 : i32
        %add3A_603 = arith.addi %mul3A_331, %add3A_602 : i32
        %add3A_604 = arith.constant 0 : i32
        %add3A_605 = arith.addi %add3A_603, %add3A_604 : i32
        %get3A_606 = arith.constant 1 : i32
        %get3A_607 = arith.index_cast %get3A_606 : i32 to index
        %get3A_608 = arith.index_cast %add3A_605 : i32 to index
        %get3A_609 = arith.constant 16 : index
        %get3A_610 = tpu.vector_load %arg6[%get3A_607, %get3A_608, %get3A_609] {strides = array<i32>} : memref<4x128x64xf32, #tpu.memory_space<vmem>>, vector<16xf32>,
        %add3A_611 = arith.constant 2 : i32
        %add3A_612 = arith.addi %mul3A_331, %add3A_611 : i32
        %swap3A_613 = arith.constant 1 : i32
        %swap3A_614 = arith.index_cast %swap3A_613 : i32 to index
        %swap3A_615 = arith.index_cast %add3A_612 : i32 to index
        %swap3A_616 = arith.constant 16 : index
        %swap3A_617 = tpu.vector_load %arg7[%swap3A_614, %swap3A_615, %swap3A_616] {strides = array<i32>} : memref<4x64x128xf32, #tpu.memory_space<vmem>>, vector<16xf32>,
        tpu.vector_store %arg7[%swap3A_614, %swap3A_615, %swap3A_616], %get3A_610 {strides = array<i32>} : memref<4x64x128xf32, #tpu.memory_space<vmem>>, vector<16xf32>,
        %add3A_618 = arith.constant 2 : i32
        %add3A_619 = arith.addi %mul3A_331, %add3A_618 : i32
        %add3A_620 = arith.constant 0 : i32
        %add3A_621 = arith.addi %add3A_619, %add3A_620 : i32
        %get3A_622 = arith.constant 1 : i32
        %get3A_623 = arith.index_cast %get3A_622 : i32 to index
        %get3A_624 = arith.index_cast %add3A_621 : i32 to index
        %get3A_625 = arith.constant 32 : index
        %get3A_626 = tpu.vector_load %arg6[%get3A_623, %get3A_624, %get3A_625] {strides = array<i32>} : memref<4x128x64xf32, #tpu.memory_space<vmem>>, vector<16xf32>,
        %add3A_627 = arith.constant 2 : i32
        %add3A_628 = arith.addi %mul3A_331, %add3A_627 : i32
        %swap3A_629 = arith.constant 1 : i32
        %swap3A_630 = arith.index_cast %swap3A_629 : i32 to index
        %swap3A_631 = arith.index_cast %add3A_628 : i32 to index
        %swap3A_632 = arith.constant 32 : index
        %swap3A_633 = tpu.vector_load %arg7[%swap3A_630, %swap3A_631, %swap3A_632] {strides = array<i32>} : memref<4x64x128xf32, #tpu.memory_space<vmem>>, vector<16xf32>,
        tpu.vector_store %arg7[%swap3A_630, %swap3A_631, %swap3A_632], %get3A_626 {strides = array<i32>} : memref<4x64x128xf32, #tpu.memory_space<vmem>>, vector<16xf32>,
        %add3A_634 = arith.constant 2 : i32
        %add3A_635 = arith.addi %mul3A_331, %add3A_634 : i32
        %add3A_636 = arith.constant 0 : i32
        %add3A_637 = arith.addi %add3A_635, %add3A_636 : i32
        %get3A_638 = arith.constant 1 : i32
        %get3A_639 = arith.index_cast %get3A_638 : i32 to index
        %get3A_640 = arith.index_cast %add3A_637 : i32 to index
        %get3A_641 = arith.constant 48 : index
        %get3A_642 = tpu.vector_load %arg6[%get3A_639, %get3A_640, %get3A_641] {strides = array<i32>} : memref<4x128x64xf32, #tpu.memory_space<vmem>>, vector<16xf32>,
        %add3A_643 = arith.constant 2 : i32
        %add3A_644 = arith.addi %mul3A_331, %add3A_643 : i32
        %swap3A_645 = arith.constant 1 : i32
        %swap3A_646 = arith.index_cast %swap3A_645 : i32 to index
        %swap3A_647 = arith.index_cast %add3A_644 : i32 to index
        %swap3A_648 = arith.constant 48 : index
        %swap3A_649 = tpu.vector_load %arg7[%swap3A_646, %swap3A_647, %swap3A_648] {strides = array<i32>} : memref<4x64x128xf32, #tpu.memory_space<vmem>>, vector<16xf32>,
        tpu.vector_store %arg7[%swap3A_646, %swap3A_647, %swap3A_648], %get3A_642 {strides = array<i32>} : memref<4x64x128xf32, #tpu.memory_space<vmem>>, vector<16xf32>,
        %add3A_650 = arith.constant 2 : i32
        %add3A_651 = arith.addi %mul3A_331, %add3A_650 : i32
        %add3A_652 = arith.constant 64 : i32
        %add3A_653 = arith.addi %add3A_651, %add3A_652 : i32
        %get3A_654 = arith.constant 1 : i32
        %get3A_655 = arith.index_cast %get3A_654 : i32 to index
        %get3A_656 = arith.index_cast %add3A_653 : i32 to index
        %get3A_657 = arith.constant 0 : index
        %get3A_658 = tpu.vector_load %arg6[%get3A_655, %get3A_656, %get3A_657] {strides = array<i32>} : memref<4x128x64xf32, #tpu.memory_space<vmem>>, vector<16xf32>,
        %add3A_659 = arith.constant 2 : i32
        %add3A_660 = arith.addi %mul3A_331, %add3A_659 : i32
        %swap3A_661 = arith.constant 1 : i32
        %swap3A_662 = arith.index_cast %swap3A_661 : i32 to index
        %swap3A_663 = arith.index_cast %add3A_660 : i32 to index
        %swap3A_664 = arith.constant 64 : index
        %swap3A_665 = tpu.vector_load %arg7[%swap3A_662, %swap3A_663, %swap3A_664] {strides = array<i32>} : memref<4x64x128xf32, #tpu.memory_space<vmem>>, vector<16xf32>,
        tpu.vector_store %arg7[%swap3A_662, %swap3A_663, %swap3A_664], %get3A_658 {strides = array<i32>} : memref<4x64x128xf32, #tpu.memory_space<vmem>>, vector<16xf32>,
        %add3A_666 = arith.constant 2 : i32
        %add3A_667 = arith.addi %mul3A_331, %add3A_666 : i32
        %add3A_668 = arith.constant 64 : i32
        %add3A_669 = arith.addi %add3A_667, %add3A_668 : i32
        %get3A_670 = arith.constant 1 : i32
        %get3A_671 = arith.index_cast %get3A_670 : i32 to index
        %get3A_672 = arith.index_cast %add3A_669 : i32 to index
        %get3A_673 = arith.constant 16 : index
        %get3A_674 = tpu.vector_load %arg6[%get3A_671, %get3A_672, %get3A_673] {strides = array<i32>} : memref<4x128x64xf32, #tpu.memory_space<vmem>>, vector<16xf32>,
        %add3A_675 = arith.constant 2 : i32
        %add3A_676 = arith.addi %mul3A_331, %add3A_675 : i32
        %swap3A_677 = arith.constant 1 : i32
        %swap3A_678 = arith.index_cast %swap3A_677 : i32 to index
        %swap3A_679 = arith.index_cast %add3A_676 : i32 to index
        %swap3A_680 = arith.constant 80 : index
        %swap3A_681 = tpu.vector_load %arg7[%swap3A_678, %swap3A_679, %swap3A_680] {strides = array<i32>} : memref<4x64x128xf32, #tpu.memory_space<vmem>>, vector<16xf32>,
        tpu.vector_store %arg7[%swap3A_678, %swap3A_679, %swap3A_680], %get3A_674 {strides = array<i32>} : memref<4x64x128xf32, #tpu.memory_space<vmem>>, vector<16xf32>,
        %add3A_682 = arith.constant 2 : i32
        %add3A_683 = arith.addi %mul3A_331, %add3A_682 : i32
        %add3A_684 = arith.constant 64 : i32
        %add3A_685 = arith.addi %add3A_683, %add3A_684 : i32
        %get3A_686 = arith.constant 1 : i32
        %get3A_687 = arith.index_cast %get3A_686 : i32 to index
        %get3A_688 = arith.index_cast %add3A_685 : i32 to index
        %get3A_689 = arith.constant 32 : index
        %get3A_690 = tpu.vector_load %arg6[%get3A_687, %get3A_688, %get3A_689] {strides = array<i32>} : memref<4x128x64xf32, #tpu.memory_space<vmem>>, vector<16xf32>,
        %add3A_691 = arith.constant 2 : i32
        %add3A_692 = arith.addi %mul3A_331, %add3A_691 : i32
        %swap3A_693 = arith.constant 1 : i32
        %swap3A_694 = arith.index_cast %swap3A_693 : i32 to index
        %swap3A_695 = arith.index_cast %add3A_692 : i32 to index
        %swap3A_696 = arith.constant 96 : index
        %swap3A_697 = tpu.vector_load %arg7[%swap3A_694, %swap3A_695, %swap3A_696] {strides = array<i32>} : memref<4x64x128xf32, #tpu.memory_space<vmem>>, vector<16xf32>,
        tpu.vector_store %arg7[%swap3A_694, %swap3A_695, %swap3A_696], %get3A_690 {strides = array<i32>} : memref<4x64x128xf32, #tpu.memory_space<vmem>>, vector<16xf32>,
        %add3A_698 = arith.constant 2 : i32
        %add3A_699 = arith.addi %mul3A_331, %add3A_698 : i32
        %add3A_700 = arith.constant 64 : i32
        %add3A_701 = arith.addi %add3A_699, %add3A_700 : i32
        %get3A_702 = arith.constant 1 : i32
        %get3A_703 = arith.index_cast %get3A_702 : i32 to index
        %get3A_704 = arith.index_cast %add3A_701 : i32 to index
        %get3A_705 = arith.constant 48 : index
        %get3A_706 = tpu.vector_load %arg6[%get3A_703, %get3A_704, %get3A_705] {strides = array<i32>} : memref<4x128x64xf32, #tpu.memory_space<vmem>>, vector<16xf32>,
        %add3A_707 = arith.constant 2 : i32
        %add3A_708 = arith.addi %mul3A_331, %add3A_707 : i32
        %swap3A_709 = arith.constant 1 : i32
        %swap3A_710 = arith.index_cast %swap3A_709 : i32 to index
        %swap3A_711 = arith.index_cast %add3A_708 : i32 to index
        %swap3A_712 = arith.constant 112 : index
        %swap3A_713 = tpu.vector_load %arg7[%swap3A_710, %swap3A_711, %swap3A_712] {strides = array<i32>} : memref<4x64x128xf32, #tpu.memory_space<vmem>>, vector<16xf32>,
        tpu.vector_store %arg7[%swap3A_710, %swap3A_711, %swap3A_712], %get3A_706 {strides = array<i32>} : memref<4x64x128xf32, #tpu.memory_space<vmem>>, vector<16xf32>,
        %add3A_714 = arith.constant 3 : i32
        %add3A_715 = arith.addi %mul3A_331, %add3A_714 : i32
        %add3A_716 = arith.constant 0 : i32
        %add3A_717 = arith.addi %add3A_715, %add3A_716 : i32
        %get3A_718 = arith.constant 1 : i32
        %get3A_719 = arith.index_cast %get3A_718 : i32 to index
        %get3A_720 = arith.index_cast %add3A_717 : i32 to index
        %get3A_721 = arith.constant 0 : index
        %get3A_722 = tpu.vector_load %arg6[%get3A_719, %get3A_720, %get3A_721] {strides = array<i32>} : memref<4x128x64xf32, #tpu.memory_space<vmem>>, vector<16xf32>,
        %add3A_723 = arith.constant 3 : i32
        %add3A_724 = arith.addi %mul3A_331, %add3A_723 : i32
        %swap3A_725 = arith.constant 1 : i32
        %swap3A_726 = arith.index_cast %swap3A_725 : i32 to index
        %swap3A_727 = arith.index_cast %add3A_724 : i32 to index
        %swap3A_728 = arith.constant 0 : index
        %swap3A_729 = tpu.vector_load %arg7[%swap3A_726, %swap3A_727, %swap3A_728] {strides = array<i32>} : memref<4x64x128xf32, #tpu.memory_space<vmem>>, vector<16xf32>,
        tpu.vector_store %arg7[%swap3A_726, %swap3A_727, %swap3A_728], %get3A_722 {strides = array<i32>} : memref<4x64x128xf32, #tpu.memory_space<vmem>>, vector<16xf32>,
        %add3A_730 = arith.constant 3 : i32
        %add3A_731 = arith.addi %mul3A_331, %add3A_730 : i32
        %add3A_732 = arith.constant 0 : i32
        %add3A_733 = arith.addi %add3A_731, %add3A_732 : i32
        %get3A_734 = arith.constant 1 : i32
        %get3A_735 = arith.index_cast %get3A_734 : i32 to index
        %get3A_736 = arith.index_cast %add3A_733 : i32 to index
        %get3A_737 = arith.constant 16 : index
        %get3A_738 = tpu.vector_load %arg6[%get3A_735, %get3A_736, %get3A_737] {strides = array<i32>} : memref<4x128x64xf32, #tpu.memory_space<vmem>>, vector<16xf32>,
        %add3A_739 = arith.constant 3 : i32
        %add3A_740 = arith.addi %mul3A_331, %add3A_739 : i32
        %swap3A_741 = arith.constant 1 : i32
        %swap3A_742 = arith.index_cast %swap3A_741 : i32 to index
        %swap3A_743 = arith.index_cast %add3A_740 : i32 to index
        %swap3A_744 = arith.constant 16 : index
        %swap3A_745 = tpu.vector_load %arg7[%swap3A_742, %swap3A_743, %swap3A_744] {strides = array<i32>} : memref<4x64x128xf32, #tpu.memory_space<vmem>>, vector<16xf32>,
        tpu.vector_store %arg7[%swap3A_742, %swap3A_743, %swap3A_744], %get3A_738 {strides = array<i32>} : memref<4x64x128xf32, #tpu.memory_space<vmem>>, vector<16xf32>,
        %add3A_746 = arith.constant 3 : i32
        %add3A_747 = arith.addi %mul3A_331, %add3A_746 : i32
        %add3A_748 = arith.constant 0 : i32
        %add3A_749 = arith.addi %add3A_747, %add3A_748 : i32
        %get3A_750 = arith.constant 1 : i32
        %get3A_751 = arith.index_cast %get3A_750 : i32 to index
        %get3A_752 = arith.index_cast %add3A_749 : i32 to index
        %get3A_753 = arith.constant 32 : index
        %get3A_754 = tpu.vector_load %arg6[%get3A_751, %get3A_752, %get3A_753] {strides = array<i32>} : memref<4x128x64xf32, #tpu.memory_space<vmem>>, vector<16xf32>,
        %add3A_755 = arith.constant 3 : i32
        %add3A_756 = arith.addi %mul3A_331, %add3A_755 : i32
        %swap3A_757 = arith.constant 1 : i32
        %swap3A_758 = arith.index_cast %swap3A_757 : i32 to index
        %swap3A_759 = arith.index_cast %add3A_756 : i32 to index
        %swap3A_760 = arith.constant 32 : index
        %swap3A_761 = tpu.vector_load %arg7[%swap3A_758, %swap3A_759, %swap3A_760] {strides = array<i32>} : memref<4x64x128xf32, #tpu.memory_space<vmem>>, vector<16xf32>,
        tpu.vector_store %arg7[%swap3A_758, %swap3A_759, %swap3A_760], %get3A_754 {strides = array<i32>} : memref<4x64x128xf32, #tpu.memory_space<vmem>>, vector<16xf32>,
        %add3A_762 = arith.constant 3 : i32
        %add3A_763 = arith.addi %mul3A_331, %add3A_762 : i32
        %add3A_764 = arith.constant 0 : i32
        %add3A_765 = arith.addi %add3A_763, %add3A_764 : i32
        %get3A_766 = arith.constant 1 : i32
        %get3A_767 = arith.index_cast %get3A_766 : i32 to index
        %get3A_768 = arith.index_cast %add3A_765 : i32 to index
        %get3A_769 = arith.constant 48 : index
        %get3A_770 = tpu.vector_load %arg6[%get3A_767, %get3A_768, %get3A_769] {strides = array<i32>} : memref<4x128x64xf32, #tpu.memory_space<vmem>>, vector<16xf32>,
        %add3A_771 = arith.constant 3 : i32
        %add3A_772 = arith.addi %mul3A_331, %add3A_771 : i32
        %swap3A_773 = arith.constant 1 : i32
        %swap3A_774 = arith.index_cast %swap3A_773 : i32 to index
        %swap3A_775 = arith.index_cast %add3A_772 : i32 to index
        %swap3A_776 = arith.constant 48 : index
        %swap3A_777 = tpu.vector_load %arg7[%swap3A_774, %swap3A_775, %swap3A_776] {strides = array<i32>} : memref<4x64x128xf32, #tpu.memory_space<vmem>>, vector<16xf32>,
        tpu.vector_store %arg7[%swap3A_774, %swap3A_775, %swap3A_776], %get3A_770 {strides = array<i32>} : memref<4x64x128xf32, #tpu.memory_space<vmem>>, vector<16xf32>,
        %add3A_778 = arith.constant 3 : i32
        %add3A_779 = arith.addi %mul3A_331, %add3A_778 : i32
        %add3A_780 = arith.constant 64 : i32
        %add3A_781 = arith.addi %add3A_779, %add3A_780 : i32
        %get3A_782 = arith.constant 1 : i32
        %get3A_783 = arith.index_cast %get3A_782 : i32 to index
        %get3A_784 = arith.index_cast %add3A_781 : i32 to index
        %get3A_785 = arith.constant 0 : index
        %get3A_786 = tpu.vector_load %arg6[%get3A_783, %get3A_784, %get3A_785] {strides = array<i32>} : memref<4x128x64xf32, #tpu.memory_space<vmem>>, vector<16xf32>,
        %add3A_787 = arith.constant 3 : i32
        %add3A_788 = arith.addi %mul3A_331, %add3A_787 : i32
        %swap3A_789 = arith.constant 1 : i32
        %swap3A_790 = arith.index_cast %swap3A_789 : i32 to index
        %swap3A_791 = arith.index_cast %add3A_788 : i32 to index
        %swap3A_792 = arith.constant 64 : index
        %swap3A_793 = tpu.vector_load %arg7[%swap3A_790, %swap3A_791, %swap3A_792] {strides = array<i32>} : memref<4x64x128xf32, #tpu.memory_space<vmem>>, vector<16xf32>,
        tpu.vector_store %arg7[%swap3A_790, %swap3A_791, %swap3A_792], %get3A_786 {strides = array<i32>} : memref<4x64x128xf32, #tpu.memory_space<vmem>>, vector<16xf32>,
        %add3A_794 = arith.constant 3 : i32
        %add3A_795 = arith.addi %mul3A_331, %add3A_794 : i32
        %add3A_796 = arith.constant 64 : i32
        %add3A_797 = arith.addi %add3A_795, %add3A_796 : i32
        %get3A_798 = arith.constant 1 : i32
        %get3A_799 = arith.index_cast %get3A_798 : i32 to index
        %get3A_800 = arith.index_cast %add3A_797 : i32 to index
        %get3A_801 = arith.constant 16 : index
        %get3A_802 = tpu.vector_load %arg6[%get3A_799, %get3A_800, %get3A_801] {strides = array<i32>} : memref<4x128x64xf32, #tpu.memory_space<vmem>>, vector<16xf32>,
        %add3A_803 = arith.constant 3 : i32
        %add3A_804 = arith.addi %mul3A_331, %add3A_803 : i32
        %swap3A_805 = arith.constant 1 : i32
        %swap3A_806 = arith.index_cast %swap3A_805 : i32 to index
        %swap3A_807 = arith.index_cast %add3A_804 : i32 to index
        %swap3A_808 = arith.constant 80 : index
        %swap3A_809 = tpu.vector_load %arg7[%swap3A_806, %swap3A_807, %swap3A_808] {strides = array<i32>} : memref<4x64x128xf32, #tpu.memory_space<vmem>>, vector<16xf32>,
        tpu.vector_store %arg7[%swap3A_806, %swap3A_807, %swap3A_808], %get3A_802 {strides = array<i32>} : memref<4x64x128xf32, #tpu.memory_space<vmem>>, vector<16xf32>,
        %add3A_810 = arith.constant 3 : i32
        %add3A_811 = arith.addi %mul3A_331, %add3A_810 : i32
        %add3A_812 = arith.constant 64 : i32
        %add3A_813 = arith.addi %add3A_811, %add3A_812 : i32
        %get3A_814 = arith.constant 1 : i32
        %get3A_815 = arith.index_cast %get3A_814 : i32 to index
        %get3A_816 = arith.index_cast %add3A_813 : i32 to index
        %get3A_817 = arith.constant 32 : index
        %get3A_818 = tpu.vector_load %arg6[%get3A_815, %get3A_816, %get3A_817] {strides = array<i32>} : memref<4x128x64xf32, #tpu.memory_space<vmem>>, vector<16xf32>,
        %add3A_819 = arith.constant 3 : i32
        %add3A_820 = arith.addi %mul3A_331, %add3A_819 : i32
        %swap3A_821 = arith.constant 1 : i32
        %swap3A_822 = arith.index_cast %swap3A_821 : i32 to index
        %swap3A_823 = arith.index_cast %add3A_820 : i32 to index
        %swap3A_824 = arith.constant 96 : index
        %swap3A_825 = tpu.vector_load %arg7[%swap3A_822, %swap3A_823, %swap3A_824] {strides = array<i32>} : memref<4x64x128xf32, #tpu.memory_space<vmem>>, vector<16xf32>,
        tpu.vector_store %arg7[%swap3A_822, %swap3A_823, %swap3A_824], %get3A_818 {strides = array<i32>} : memref<4x64x128xf32, #tpu.memory_space<vmem>>, vector<16xf32>,
        %add3A_826 = arith.constant 3 : i32
        %add3A_827 = arith.addi %mul3A_331, %add3A_826 : i32
        %add3A_828 = arith.constant 64 : i32
        %add3A_829 = arith.addi %add3A_827, %add3A_828 : i32
        %get3A_830 = arith.constant 1 : i32
        %get3A_831 = arith.index_cast %get3A_830 : i32 to index
        %get3A_832 = arith.index_cast %add3A_829 : i32 to index
        %get3A_833 = arith.constant 48 : index
        %get3A_834 = tpu.vector_load %arg6[%get3A_831, %get3A_832, %get3A_833] {strides = array<i32>} : memref<4x128x64xf32, #tpu.memory_space<vmem>>, vector<16xf32>,
        %add3A_835 = arith.constant 3 : i32
        %add3A_836 = arith.addi %mul3A_331, %add3A_835 : i32
        %swap3A_837 = arith.constant 1 : i32
        %swap3A_838 = arith.index_cast %swap3A_837 : i32 to index
        %swap3A_839 = arith.index_cast %add3A_836 : i32 to index
        %swap3A_840 = arith.constant 112 : index
        %swap3A_841 = tpu.vector_load %arg7[%swap3A_838, %swap3A_839, %swap3A_840] {strides = array<i32>} : memref<4x64x128xf32, #tpu.memory_space<vmem>>, vector<16xf32>,
        tpu.vector_store %arg7[%swap3A_838, %swap3A_839, %swap3A_840], %get3A_834 {strides = array<i32>} : memref<4x64x128xf32, #tpu.memory_space<vmem>>, vector<16xf32>,
        %add3A_842 = arith.constant 4 : i32
        %add3A_843 = arith.addi %mul3A_331, %add3A_842 : i32
        %add3A_844 = arith.constant 0 : i32
        %add3A_845 = arith.addi %add3A_843, %add3A_844 : i32
        %get3A_846 = arith.constant 1 : i32
        %get3A_847 = arith.index_cast %get3A_846 : i32 to index
        %get3A_848 = arith.index_cast %add3A_845 : i32 to index
        %get3A_849 = arith.constant 0 : index
        %get3A_850 = tpu.vector_load %arg6[%get3A_847, %get3A_848, %get3A_849] {strides = array<i32>} : memref<4x128x64xf32, #tpu.memory_space<vmem>>, vector<16xf32>,
        %add3A_851 = arith.constant 4 : i32
        %add3A_852 = arith.addi %mul3A_331, %add3A_851 : i32
        %swap3A_853 = arith.constant 1 : i32
        %swap3A_854 = arith.index_cast %swap3A_853 : i32 to index
        %swap3A_855 = arith.index_cast %add3A_852 : i32 to index
        %swap3A_856 = arith.constant 0 : index
        %swap3A_857 = tpu.vector_load %arg7[%swap3A_854, %swap3A_855, %swap3A_856] {strides = array<i32>} : memref<4x64x128xf32, #tpu.memory_space<vmem>>, vector<16xf32>,
        tpu.vector_store %arg7[%swap3A_854, %swap3A_855, %swap3A_856], %get3A_850 {strides = array<i32>} : memref<4x64x128xf32, #tpu.memory_space<vmem>>, vector<16xf32>,
        %add3A_858 = arith.constant 4 : i32
        %add3A_859 = arith.addi %mul3A_331, %add3A_858 : i32
        %add3A_860 = arith.constant 0 : i32
        %add3A_861 = arith.addi %add3A_859, %add3A_860 : i32
        %get3A_862 = arith.constant 1 : i32
        %get3A_863 = arith.index_cast %get3A_862 : i32 to index
        %get3A_864 = arith.index_cast %add3A_861 : i32 to index
        %get3A_865 = arith.constant 16 : index
        %get3A_866 = tpu.vector_load %arg6[%get3A_863, %get3A_864, %get3A_865] {strides = array<i32>} : memref<4x128x64xf32, #tpu.memory_space<vmem>>, vector<16xf32>,
        %add3A_867 = arith.constant 4 : i32
        %add3A_868 = arith.addi %mul3A_331, %add3A_867 : i32
        %swap3A_869 = arith.constant 1 : i32
        %swap3A_870 = arith.index_cast %swap3A_869 : i32 to index
        %swap3A_871 = arith.index_cast %add3A_868 : i32 to index
        %swap3A_872 = arith.constant 16 : index
        %swap3A_873 = tpu.vector_load %arg7[%swap3A_870, %swap3A_871, %swap3A_872] {strides = array<i32>} : memref<4x64x128xf32, #tpu.memory_space<vmem>>, vector<16xf32>,
        tpu.vector_store %arg7[%swap3A_870, %swap3A_871, %swap3A_872], %get3A_866 {strides = array<i32>} : memref<4x64x128xf32, #tpu.memory_space<vmem>>, vector<16xf32>,
        %add3A_874 = arith.constant 4 : i32
        %add3A_875 = arith.addi %mul3A_331, %add3A_874 : i32
        %add3A_876 = arith.constant 0 : i32
        %add3A_877 = arith.addi %add3A_875, %add3A_876 : i32
        %get3A_878 = arith.constant 1 : i32
        %get3A_879 = arith.index_cast %get3A_878 : i32 to index
        %get3A_880 = arith.index_cast %add3A_877 : i32 to index
        %get3A_881 = arith.constant 32 : index
        %get3A_882 = tpu.vector_load %arg6[%get3A_879, %get3A_880, %get3A_881] {strides = array<i32>} : memref<4x128x64xf32, #tpu.memory_space<vmem>>, vector<16xf32>,
        %add3A_883 = arith.constant 4 : i32
        %add3A_884 = arith.addi %mul3A_331, %add3A_883 : i32
        %swap3A_885 = arith.constant 1 : i32
        %swap3A_886 = arith.index_cast %swap3A_885 : i32 to index
        %swap3A_887 = arith.index_cast %add3A_884 : i32 to index
        %swap3A_888 = arith.constant 32 : index
        %swap3A_889 = tpu.vector_load %arg7[%swap3A_886, %swap3A_887, %swap3A_888] {strides = array<i32>} : memref<4x64x128xf32, #tpu.memory_space<vmem>>, vector<16xf32>,
        tpu.vector_store %arg7[%swap3A_886, %swap3A_887, %swap3A_888], %get3A_882 {strides = array<i32>} : memref<4x64x128xf32, #tpu.memory_space<vmem>>, vector<16xf32>,
        %add3A_890 = arith.constant 4 : i32
        %add3A_891 = arith.addi %mul3A_331, %add3A_890 : i32
        %add3A_892 = arith.constant 0 : i32
        %add3A_893 = arith.addi %add3A_891, %add3A_892 : i32
        %get3A_894 = arith.constant 1 : i32
        %get3A_895 = arith.index_cast %get3A_894 : i32 to index
        %get3A_896 = arith.index_cast %add3A_893 : i32 to index
        %get3A_897 = arith.constant 48 : index
        %get3A_898 = tpu.vector_load %arg6[%get3A_895, %get3A_896, %get3A_897] {strides = array<i32>} : memref<4x128x64xf32, #tpu.memory_space<vmem>>, vector<16xf32>,
        %add3A_899 = arith.constant 4 : i32
        %add3A_900 = arith.addi %mul3A_331, %add3A_899 : i32
        %swap3A_901 = arith.constant 1 : i32
        %swap3A_902 = arith.index_cast %swap3A_901 : i32 to index
        %swap3A_903 = arith.index_cast %add3A_900 : i32 to index
        %swap3A_904 = arith.constant 48 : index
        %swap3A_905 = tpu.vector_load %arg7[%swap3A_902, %swap3A_903, %swap3A_904] {strides = array<i32>} : memref<4x64x128xf32, #tpu.memory_space<vmem>>, vector<16xf32>,
        tpu.vector_store %arg7[%swap3A_902, %swap3A_903, %swap3A_904], %get3A_898 {strides = array<i32>} : memref<4x64x128xf32, #tpu.memory_space<vmem>>, vector<16xf32>,
        %add3A_906 = arith.constant 4 : i32
        %add3A_907 = arith.addi %mul3A_331, %add3A_906 : i32
        %add3A_908 = arith.constant 64 : i32
        %add3A_909 = arith.addi %add3A_907, %add3A_908 : i32
        %get3A_910 = arith.constant 1 : i32
        %get3A_911 = arith.index_cast %get3A_910 : i32 to index
        %get3A_912 = arith.index_cast %add3A_909 : i32 to index
        %get3A_913 = arith.constant 0 : index
        %get3A_914 = tpu.vector_load %arg6[%get3A_911, %get3A_912, %get3A_913] {strides = array<i32>} : memref<4x128x64xf32, #tpu.memory_space<vmem>>, vector<16xf32>,
        %add3A_915 = arith.constant 4 : i32
        %add3A_916 = arith.addi %mul3A_331, %add3A_915 : i32
        %swap3A_917 = arith.constant 1 : i32
        %swap3A_918 = arith.index_cast %swap3A_917 : i32 to index
        %swap3A_919 = arith.index_cast %add3A_916 : i32 to index
        %swap3A_920 = arith.constant 64 : index
        %swap3A_921 = tpu.vector_load %arg7[%swap3A_918, %swap3A_919, %swap3A_920] {strides = array<i32>} : memref<4x64x128xf32, #tpu.memory_space<vmem>>, vector<16xf32>,
        tpu.vector_store %arg7[%swap3A_918, %swap3A_919, %swap3A_920], %get3A_914 {strides = array<i32>} : memref<4x64x128xf32, #tpu.memory_space<vmem>>, vector<16xf32>,
        %add3A_922 = arith.constant 4 : i32
        %add3A_923 = arith.addi %mul3A_331, %add3A_922 : i32
        %add3A_924 = arith.constant 64 : i32
        %add3A_925 = arith.addi %add3A_923, %add3A_924 : i32
        %get3A_926 = arith.constant 1 : i32
        %get3A_927 = arith.index_cast %get3A_926 : i32 to index
        %get3A_928 = arith.index_cast %add3A_925 : i32 to index
        %get3A_929 = arith.constant 16 : index
        %get3A_930 = tpu.vector_load %arg6[%get3A_927, %get3A_928, %get3A_929] {strides = array<i32>} : memref<4x128x64xf32, #tpu.memory_space<vmem>>, vector<16xf32>,
        %add3A_931 = arith.constant 4 : i32
        %add3A_932 = arith.addi %mul3A_331, %add3A_931 : i32
        %swap3A_933 = arith.constant 1 : i32
        %swap3A_934 = arith.index_cast %swap3A_933 : i32 to index
        %swap3A_935 = arith.index_cast %add3A_932 : i32 to index
        %swap3A_936 = arith.constant 80 : index
        %swap3A_937 = tpu.vector_load %arg7[%swap3A_934, %swap3A_935, %swap3A_936] {strides = array<i32>} : memref<4x64x128xf32, #tpu.memory_space<vmem>>, vector<16xf32>,
        tpu.vector_store %arg7[%swap3A_934, %swap3A_935, %swap3A_936], %get3A_930 {strides = array<i32>} : memref<4x64x128xf32, #tpu.memory_space<vmem>>, vector<16xf32>,
        %add3A_938 = arith.constant 4 : i32
        %add3A_939 = arith.addi %mul3A_331, %add3A_938 : i32
        %add3A_940 = arith.constant 64 : i32
        %add3A_941 = arith.addi %add3A_939, %add3A_940 : i32
        %get3A_942 = arith.constant 1 : i32
        %get3A_943 = arith.index_cast %get3A_942 : i32 to index
        %get3A_944 = arith.index_cast %add3A_941 : i32 to index
        %get3A_945 = arith.constant 32 : index
        %get3A_946 = tpu.vector_load %arg6[%get3A_943, %get3A_944, %get3A_945] {strides = array<i32>} : memref<4x128x64xf32, #tpu.memory_space<vmem>>, vector<16xf32>,
        %add3A_947 = arith.constant 4 : i32
        %add3A_948 = arith.addi %mul3A_331, %add3A_947 : i32
        %swap3A_949 = arith.constant 1 : i32
        %swap3A_950 = arith.index_cast %swap3A_949 : i32 to index
        %swap3A_951 = arith.index_cast %add3A_948 : i32 to index
        %swap3A_952 = arith.constant 96 : index
        %swap3A_953 = tpu.vector_load %arg7[%swap3A_950, %swap3A_951, %swap3A_952] {strides = array<i32>} : memref<4x64x128xf32, #tpu.memory_space<vmem>>, vector<16xf32>,
        tpu.vector_store %arg7[%swap3A_950, %swap3A_951, %swap3A_952], %get3A_946 {strides = array<i32>} : memref<4x64x128xf32, #tpu.memory_space<vmem>>, vector<16xf32>,
        %add3A_954 = arith.constant 4 : i32
        %add3A_955 = arith.addi %mul3A_331, %add3A_954 : i32
        %add3A_956 = arith.constant 64 : i32
        %add3A_957 = arith.addi %add3A_955, %add3A_956 : i32
        %get3A_958 = arith.constant 1 : i32
        %get3A_959 = arith.index_cast %get3A_958 : i32 to index
        %get3A_960 = arith.index_cast %add3A_957 : i32 to index
        %get3A_961 = arith.constant 48 : index
        %get3A_962 = tpu.vector_load %arg6[%get3A_959, %get3A_960, %get3A_961] {strides = array<i32>} : memref<4x128x64xf32, #tpu.memory_space<vmem>>, vector<16xf32>,
        %add3A_963 = arith.constant 4 : i32
        %add3A_964 = arith.addi %mul3A_331, %add3A_963 : i32
        %swap3A_965 = arith.constant 1 : i32
        %swap3A_966 = arith.index_cast %swap3A_965 : i32 to index
        %swap3A_967 = arith.index_cast %add3A_964 : i32 to index
        %swap3A_968 = arith.constant 112 : index
        %swap3A_969 = tpu.vector_load %arg7[%swap3A_966, %swap3A_967, %swap3A_968] {strides = array<i32>} : memref<4x64x128xf32, #tpu.memory_space<vmem>>, vector<16xf32>,
        tpu.vector_store %arg7[%swap3A_966, %swap3A_967, %swap3A_968], %get3A_962 {strides = array<i32>} : memref<4x64x128xf32, #tpu.memory_space<vmem>>, vector<16xf32>,
        %add3A_970 = arith.constant 5 : i32
        %add3A_971 = arith.addi %mul3A_331, %add3A_970 : i32
        %add3A_972 = arith.constant 0 : i32
        %add3A_973 = arith.addi %add3A_971, %add3A_972 : i32
        %get3A_974 = arith.constant 1 : i32
        %get3A_975 = arith.index_cast %get3A_974 : i32 to index
        %get3A_976 = arith.index_cast %add3A_973 : i32 to index
        %get3A_977 = arith.constant 0 : index
        %get3A_978 = tpu.vector_load %arg6[%get3A_975, %get3A_976, %get3A_977] {strides = array<i32>} : memref<4x128x64xf32, #tpu.memory_space<vmem>>, vector<16xf32>,
        %add3A_979 = arith.constant 5 : i32
        %add3A_980 = arith.addi %mul3A_331, %add3A_979 : i32
        %swap3A_981 = arith.constant 1 : i32
        %swap3A_982 = arith.index_cast %swap3A_981 : i32 to index
        %swap3A_983 = arith.index_cast %add3A_980 : i32 to index
        %swap3A_984 = arith.constant 0 : index
        %swap3A_985 = tpu.vector_load %arg7[%swap3A_982, %swap3A_983, %swap3A_984] {strides = array<i32>} : memref<4x64x128xf32, #tpu.memory_space<vmem>>, vector<16xf32>,
        tpu.vector_store %arg7[%swap3A_982, %swap3A_983, %swap3A_984], %get3A_978 {strides = array<i32>} : memref<4x64x128xf32, #tpu.memory_space<vmem>>, vector<16xf32>,
        %add3A_986 = arith.constant 5 : i32
        %add3A_987 = arith.addi %mul3A_331, %add3A_986 : i32
        %add3A_988 = arith.constant 0 : i32
        %add3A_989 = arith.addi %add3A_987, %add3A_988 : i32
        %get3A_990 = arith.constant 1 : i32
        %get3A_991 = arith.index_cast %get3A_990 : i32 to index
        %get3A_992 = arith.index_cast %add3A_989 : i32 to index
        %get3A_993 = arith.constant 16 : index
        %get3A_994 = tpu.vector_load %arg6[%get3A_991, %get3A_992, %get3A_993] {strides = array<i32>} : memref<4x128x64xf32, #tpu.memory_space<vmem>>, vector<16xf32>,
        %add3A_995 = arith.constant 5 : i32
        %add3A_996 = arith.addi %mul3A_331, %add3A_995 : i32
        %swap3A_997 = arith.constant 1 : i32
        %swap3A_998 = arith.index_cast %swap3A_997 : i32 to index
        %swap3A_999 = arith.index_cast %add3A_996 : i32 to index
        %swap3A_1000 = arith.constant 16 : index
        %swap3A_1001 = tpu.vector_load %arg7[%swap3A_998, %swap3A_999, %swap3A_1000] {strides = array<i32>} : memref<4x64x128xf32, #tpu.memory_space<vmem>>, vector<16xf32>,
        tpu.vector_store %arg7[%swap3A_998, %swap3A_999, %swap3A_1000], %get3A_994 {strides = array<i32>} : memref<4x64x128xf32, #tpu.memory_space<vmem>>, vector<16xf32>,
        %add3A_1002 = arith.constant 5 : i32
        %add3A_1003 = arith.addi %mul3A_331, %add3A_1002 : i32
        %add3A_1004 = arith.constant 0 : i32
        %add3A_1005 = arith.addi %add3A_1003, %add3A_1004 : i32
        %get3A_1006 = arith.constant 1 : i32
        %get3A_1007 = arith.index_cast %get3A_1006 : i32 to index
        %get3A_1008 = arith.index_cast %add3A_1005 : i32 to index
        %get3A_1009 = arith.constant 32 : index
        %get3A_1010 = tpu.vector_load %arg6[%get3A_1007, %get3A_1008, %get3A_1009] {strides = array<i32>} : memref<4x128x64xf32, #tpu.memory_space<vmem>>, vector<16xf32>,
        %add3A_1011 = arith.constant 5 : i32
        %add3A_1012 = arith.addi %mul3A_331, %add3A_1011 : i32
        %swap3A_1013 = arith.constant 1 : i32
        %swap3A_1014 = arith.index_cast %swap3A_1013 : i32 to index
        %swap3A_1015 = arith.index_cast %add3A_1012 : i32 to index
        %swap3A_1016 = arith.constant 32 : index
        %swap3A_1017 = tpu.vector_load %arg7[%swap3A_1014, %swap3A_1015, %swap3A_1016] {strides = array<i32>} : memref<4x64x128xf32, #tpu.memory_space<vmem>>, vector<16xf32>,
        tpu.vector_store %arg7[%swap3A_1014, %swap3A_1015, %swap3A_1016], %get3A_1010 {strides = array<i32>} : memref<4x64x128xf32, #tpu.memory_space<vmem>>, vector<16xf32>,
        %add3A_1018 = arith.constant 5 : i32
        %add3A_1019 = arith.addi %mul3A_331, %add3A_1018 : i32
        %add3A_1020 = arith.constant 0 : i32
        %add3A_1021 = arith.addi %add3A_1019, %add3A_1020 : i32
        %get3A_1022 = arith.constant 1 : i32
        %get3A_1023 = arith.index_cast %get3A_1022 : i32 to index
        %get3A_1024 = arith.index_cast %add3A_1021 : i32 to index
        %get3A_1025 = arith.constant 48 : index
        %get3A_1026 = tpu.vector_load %arg6[%get3A_1023, %get3A_1024, %get3A_1025] {strides = array<i32>} : memref<4x128x64xf32, #tpu.memory_space<vmem>>, vector<16xf32>,
        %add3A_1027 = arith.constant 5 : i32
        %add3A_1028 = arith.addi %mul3A_331, %add3A_1027 : i32
        %swap3A_1029 = arith.constant 1 : i32
        %swap3A_1030 = arith.index_cast %swap3A_1029 : i32 to index
        %swap3A_1031 = arith.index_cast %add3A_1028 : i32 to index
        %swap3A_1032 = arith.constant 48 : index
        %swap3A_1033 = tpu.vector_load %arg7[%swap3A_1030, %swap3A_1031, %swap3A_1032] {strides = array<i32>} : memref<4x64x128xf32, #tpu.memory_space<vmem>>, vector<16xf32>,
        tpu.vector_store %arg7[%swap3A_1030, %swap3A_1031, %swap3A_1032], %get3A_1026 {strides = array<i32>} : memref<4x64x128xf32, #tpu.memory_space<vmem>>, vector<16xf32>,
        %add3A_1034 = arith.constant 5 : i32
        %add3A_1035 = arith.addi %mul3A_331, %add3A_1034 : i32
        %add3A_1036 = arith.constant 64 : i32
        %add3A_1037 = arith.addi %add3A_1035, %add3A_1036 : i32
        %get3A_1038 = arith.constant 1 : i32
        %get3A_1039 = arith.index_cast %get3A_1038 : i32 to index
        %get3A_1040 = arith.index_cast %add3A_1037 : i32 to index
        %get3A_1041 = arith.constant 0 : index
        %get3A_1042 = tpu.vector_load %arg6[%get3A_1039, %get3A_1040, %get3A_1041] {strides = array<i32>} : memref<4x128x64xf32, #tpu.memory_space<vmem>>, vector<16xf32>,
        %add3A_1043 = arith.constant 5 : i32
        %add3A_1044 = arith.addi %mul3A_331, %add3A_1043 : i32
        %swap3A_1045 = arith.constant 1 : i32
        %swap3A_1046 = arith.index_cast %swap3A_1045 : i32 to index
        %swap3A_1047 = arith.index_cast %add3A_1044 : i32 to index
        %swap3A_1048 = arith.constant 64 : index
        %swap3A_1049 = tpu.vector_load %arg7[%swap3A_1046, %swap3A_1047, %swap3A_1048] {strides = array<i32>} : memref<4x64x128xf32, #tpu.memory_space<vmem>>, vector<16xf32>,
        tpu.vector_store %arg7[%swap3A_1046, %swap3A_1047, %swap3A_1048], %get3A_1042 {strides = array<i32>} : memref<4x64x128xf32, #tpu.memory_space<vmem>>, vector<16xf32>,
        %add3A_1050 = arith.constant 5 : i32
        %add3A_1051 = arith.addi %mul3A_331, %add3A_1050 : i32
        %add3A_1052 = arith.constant 64 : i32
        %add3A_1053 = arith.addi %add3A_1051, %add3A_1052 : i32
        %get3A_1054 = arith.constant 1 : i32
        %get3A_1055 = arith.index_cast %get3A_1054 : i32 to index
        %get3A_1056 = arith.index_cast %add3A_1053 : i32 to index
        %get3A_1057 = arith.constant 16 : index
        %get3A_1058 = tpu.vector_load %arg6[%get3A_1055, %get3A_1056, %get3A_1057] {strides = array<i32>} : memref<4x128x64xf32, #tpu.memory_space<vmem>>, vector<16xf32>,
        %add3A_1059 = arith.constant 5 : i32
        %add3A_1060 = arith.addi %mul3A_331, %add3A_1059 : i32
        %swap3A_1061 = arith.constant 1 : i32
        %swap3A_1062 = arith.index_cast %swap3A_1061 : i32 to index
        %swap3A_1063 = arith.index_cast %add3A_1060 : i32 to index
        %swap3A_1064 = arith.constant 80 : index
        %swap3A_1065 = tpu.vector_load %arg7[%swap3A_1062, %swap3A_1063, %swap3A_1064] {strides = array<i32>} : memref<4x64x128xf32, #tpu.memory_space<vmem>>, vector<16xf32>,
        tpu.vector_store %arg7[%swap3A_1062, %swap3A_1063, %swap3A_1064], %get3A_1058 {strides = array<i32>} : memref<4x64x128xf32, #tpu.memory_space<vmem>>, vector<16xf32>,
        %add3A_1066 = arith.constant 5 : i32
        %add3A_1067 = arith.addi %mul3A_331, %add3A_1066 : i32
        %add3A_1068 = arith.constant 64 : i32
        %add3A_1069 = arith.addi %add3A_1067, %add3A_1068 : i32
        %get3A_1070 = arith.constant 1 : i32
        %get3A_1071 = arith.index_cast %get3A_1070 : i32 to index
        %get3A_1072 = arith.index_cast %add3A_1069 : i32 to index
        %get3A_1073 = arith.constant 32 : index
        %get3A_1074 = tpu.vector_load %arg6[%get3A_1071, %get3A_1072, %get3A_1073] {strides = array<i32>} : memref<4x128x64xf32, #tpu.memory_space<vmem>>, vector<16xf32>,
        %add3A_1075 = arith.constant 5 : i32
        %add3A_1076 = arith.addi %mul3A_331, %add3A_1075 : i32
        %swap3A_1077 = arith.constant 1 : i32
        %swap3A_1078 = arith.index_cast %swap3A_1077 : i32 to index
        %swap3A_1079 = arith.index_cast %add3A_1076 : i32 to index
        %swap3A_1080 = arith.constant 96 : index
        %swap3A_1081 = tpu.vector_load %arg7[%swap3A_1078, %swap3A_1079, %swap3A_1080] {strides = array<i32>} : memref<4x64x128xf32, #tpu.memory_space<vmem>>, vector<16xf32>,
        tpu.vector_store %arg7[%swap3A_1078, %swap3A_1079, %swap3A_1080], %get3A_1074 {strides = array<i32>} : memref<4x64x128xf32, #tpu.memory_space<vmem>>, vector<16xf32>,
        %add3A_1082 = arith.constant 5 : i32
        %add3A_1083 = arith.addi %mul3A_331, %add3A_1082 : i32
        %add3A_1084 = arith.constant 64 : i32
        %add3A_1085 = arith.addi %add3A_1083, %add3A_1084 : i32
        %get3A_1086 = arith.constant 1 : i32
        %get3A_1087 = arith.index_cast %get3A_1086 : i32 to index
        %get3A_1088 = arith.index_cast %add3A_1085 : i32 to index
        %get3A_1089 = arith.constant 48 : index
        %get3A_1090 = tpu.vector_load %arg6[%get3A_1087, %get3A_1088, %get3A_1089] {strides = array<i32>} : memref<4x128x64xf32, #tpu.memory_space<vmem>>, vector<16xf32>,
        %add3A_1091 = arith.constant 5 : i32
        %add3A_1092 = arith.addi %mul3A_331, %add3A_1091 : i32
        %swap3A_1093 = arith.constant 1 : i32
        %swap3A_1094 = arith.index_cast %swap3A_1093 : i32 to index
        %swap3A_1095 = arith.index_cast %add3A_1092 : i32 to index
        %swap3A_1096 = arith.constant 112 : index
        %swap3A_1097 = tpu.vector_load %arg7[%swap3A_1094, %swap3A_1095, %swap3A_1096] {strides = array<i32>} : memref<4x64x128xf32, #tpu.memory_space<vmem>>, vector<16xf32>,
        tpu.vector_store %arg7[%swap3A_1094, %swap3A_1095, %swap3A_1096], %get3A_1090 {strides = array<i32>} : memref<4x64x128xf32, #tpu.memory_space<vmem>>, vector<16xf32>,
        %add3A_1098 = arith.constant 6 : i32
        %add3A_1099 = arith.addi %mul3A_331, %add3A_1098 : i32
        %add3A_1100 = arith.constant 0 : i32
        %add3A_1101 = arith.addi %add3A_1099, %add3A_1100 : i32
        %get3A_1102 = arith.constant 1 : i32
        %get3A_1103 = arith.index_cast %get3A_1102 : i32 to index
        %get3A_1104 = arith.index_cast %add3A_1101 : i32 to index
        %get3A_1105 = arith.constant 0 : index
        %get3A_1106 = tpu.vector_load %arg6[%get3A_1103, %get3A_1104, %get3A_1105] {strides = array<i32>} : memref<4x128x64xf32, #tpu.memory_space<vmem>>, vector<16xf32>,
        %add3A_1107 = arith.constant 6 : i32
        %add3A_1108 = arith.addi %mul3A_331, %add3A_1107 : i32
        %swap3A_1109 = arith.constant 1 : i32
        %swap3A_1110 = arith.index_cast %swap3A_1109 : i32 to index
        %swap3A_1111 = arith.index_cast %add3A_1108 : i32 to index
        %swap3A_1112 = arith.constant 0 : index
        %swap3A_1113 = tpu.vector_load %arg7[%swap3A_1110, %swap3A_1111, %swap3A_1112] {strides = array<i32>} : memref<4x64x128xf32, #tpu.memory_space<vmem>>, vector<16xf32>,
        tpu.vector_store %arg7[%swap3A_1110, %swap3A_1111, %swap3A_1112], %get3A_1106 {strides = array<i32>} : memref<4x64x128xf32, #tpu.memory_space<vmem>>, vector<16xf32>,
        %add3A_1114 = arith.constant 6 : i32
        %add3A_1115 = arith.addi %mul3A_331, %add3A_1114 : i32
        %add3A_1116 = arith.constant 0 : i32
        %add3A_1117 = arith.addi %add3A_1115, %add3A_1116 : i32
        %get3A_1118 = arith.constant 1 : i32
        %get3A_1119 = arith.index_cast %get3A_1118 : i32 to index
        %get3A_1120 = arith.index_cast %add3A_1117 : i32 to index
        %get3A_1121 = arith.constant 16 : index
        %get3A_1122 = tpu.vector_load %arg6[%get3A_1119, %get3A_1120, %get3A_1121] {strides = array<i32>} : memref<4x128x64xf32, #tpu.memory_space<vmem>>, vector<16xf32>,
        %add3A_1123 = arith.constant 6 : i32
        %add3A_1124 = arith.addi %mul3A_331, %add3A_1123 : i32
        %swap3A_1125 = arith.constant 1 : i32
        %swap3A_1126 = arith.index_cast %swap3A_1125 : i32 to index
        %swap3A_1127 = arith.index_cast %add3A_1124 : i32 to index
        %swap3A_1128 = arith.constant 16 : index
        %swap3A_1129 = tpu.vector_load %arg7[%swap3A_1126, %swap3A_1127, %swap3A_1128] {strides = array<i32>} : memref<4x64x128xf32, #tpu.memory_space<vmem>>, vector<16xf32>,
        tpu.vector_store %arg7[%swap3A_1126, %swap3A_1127, %swap3A_1128], %get3A_1122 {strides = array<i32>} : memref<4x64x128xf32, #tpu.memory_space<vmem>>, vector<16xf32>,
        %add3A_1130 = arith.constant 6 : i32
        %add3A_1131 = arith.addi %mul3A_331, %add3A_1130 : i32
        %add3A_1132 = arith.constant 0 : i32
        %add3A_1133 = arith.addi %add3A_1131, %add3A_1132 : i32
        %get3A_1134 = arith.constant 1 : i32
        %get3A_1135 = arith.index_cast %get3A_1134 : i32 to index
        %get3A_1136 = arith.index_cast %add3A_1133 : i32 to index
        %get3A_1137 = arith.constant 32 : index
        %get3A_1138 = tpu.vector_load %arg6[%get3A_1135, %get3A_1136, %get3A_1137] {strides = array<i32>} : memref<4x128x64xf32, #tpu.memory_space<vmem>>, vector<16xf32>,
        %add3A_1139 = arith.constant 6 : i32
        %add3A_1140 = arith.addi %mul3A_331, %add3A_1139 : i32
        %swap3A_1141 = arith.constant 1 : i32
        %swap3A_1142 = arith.index_cast %swap3A_1141 : i32 to index
        %swap3A_1143 = arith.index_cast %add3A_1140 : i32 to index
        %swap3A_1144 = arith.constant 32 : index
        %swap3A_1145 = tpu.vector_load %arg7[%swap3A_1142, %swap3A_1143, %swap3A_1144] {strides = array<i32>} : memref<4x64x128xf32, #tpu.memory_space<vmem>>, vector<16xf32>,
        tpu.vector_store %arg7[%swap3A_1142, %swap3A_1143, %swap3A_1144], %get3A_1138 {strides = array<i32>} : memref<4x64x128xf32, #tpu.memory_space<vmem>>, vector<16xf32>,
        %add3A_1146 = arith.constant 6 : i32
        %add3A_1147 = arith.addi %mul3A_331, %add3A_1146 : i32
        %add3A_1148 = arith.constant 0 : i32
        %add3A_1149 = arith.addi %add3A_1147, %add3A_1148 : i32
        %get3A_1150 = arith.constant 1 : i32
        %get3A_1151 = arith.index_cast %get3A_1150 : i32 to index
        %get3A_1152 = arith.index_cast %add3A_1149 : i32 to index
        %get3A_1153 = arith.constant 48 : index
        %get3A_1154 = tpu.vector_load %arg6[%get3A_1151, %get3A_1152, %get3A_1153] {strides = array<i32>} : memref<4x128x64xf32, #tpu.memory_space<vmem>>, vector<16xf32>,
        %add3A_1155 = arith.constant 6 : i32
        %add3A_1156 = arith.addi %mul3A_331, %add3A_1155 : i32
        %swap3A_1157 = arith.constant 1 : i32
        %swap3A_1158 = arith.index_cast %swap3A_1157 : i32 to index
        %swap3A_1159 = arith.index_cast %add3A_1156 : i32 to index
        %swap3A_1160 = arith.constant 48 : index
        %swap3A_1161 = tpu.vector_load %arg7[%swap3A_1158, %swap3A_1159, %swap3A_1160] {strides = array<i32>} : memref<4x64x128xf32, #tpu.memory_space<vmem>>, vector<16xf32>,
        tpu.vector_store %arg7[%swap3A_1158, %swap3A_1159, %swap3A_1160], %get3A_1154 {strides = array<i32>} : memref<4x64x128xf32, #tpu.memory_space<vmem>>, vector<16xf32>,
        %add3A_1162 = arith.constant 6 : i32
        %add3A_1163 = arith.addi %mul3A_331, %add3A_1162 : i32
        %add3A_1164 = arith.constant 64 : i32
        %add3A_1165 = arith.addi %add3A_1163, %add3A_1164 : i32
        %get3A_1166 = arith.constant 1 : i32
        %get3A_1167 = arith.index_cast %get3A_1166 : i32 to index
        %get3A_1168 = arith.index_cast %add3A_1165 : i32 to index
        %get3A_1169 = arith.constant 0 : index
        %get3A_1170 = tpu.vector_load %arg6[%get3A_1167, %get3A_1168, %get3A_1169] {strides = array<i32>} : memref<4x128x64xf32, #tpu.memory_space<vmem>>, vector<16xf32>,
        %add3A_1171 = arith.constant 6 : i32
        %add3A_1172 = arith.addi %mul3A_331, %add3A_1171 : i32
        %swap3A_1173 = arith.constant 1 : i32
        %swap3A_1174 = arith.index_cast %swap3A_1173 : i32 to index
        %swap3A_1175 = arith.index_cast %add3A_1172 : i32 to index
        %swap3A_1176 = arith.constant 64 : index
        %swap3A_1177 = tpu.vector_load %arg7[%swap3A_1174, %swap3A_1175, %swap3A_1176] {strides = array<i32>} : memref<4x64x128xf32, #tpu.memory_space<vmem>>, vector<16xf32>,
        tpu.vector_store %arg7[%swap3A_1174, %swap3A_1175, %swap3A_1176], %get3A_1170 {strides = array<i32>} : memref<4x64x128xf32, #tpu.memory_space<vmem>>, vector<16xf32>,
        %add3A_1178 = arith.constant 6 : i32
        %add3A_1179 = arith.addi %mul3A_331, %add3A_1178 : i32
        %add3A_1180 = arith.constant 64 : i32
        %add3A_1181 = arith.addi %add3A_1179, %add3A_1180 : i32
        %get3A_1182 = arith.constant 1 : i32
        %get3A_1183 = arith.index_cast %get3A_1182 : i32 to index
        %get3A_1184 = arith.index_cast %add3A_1181 : i32 to index
        %get3A_1185 = arith.constant 16 : index
        %get3A_1186 = tpu.vector_load %arg6[%get3A_1183, %get3A_1184, %get3A_1185] {strides = array<i32>} : memref<4x128x64xf32, #tpu.memory_space<vmem>>, vector<16xf32>,
        %add3A_1187 = arith.constant 6 : i32
        %add3A_1188 = arith.addi %mul3A_331, %add3A_1187 : i32
        %swap3A_1189 = arith.constant 1 : i32
        %swap3A_1190 = arith.index_cast %swap3A_1189 : i32 to index
        %swap3A_1191 = arith.index_cast %add3A_1188 : i32 to index
        %swap3A_1192 = arith.constant 80 : index
        %swap3A_1193 = tpu.vector_load %arg7[%swap3A_1190, %swap3A_1191, %swap3A_1192] {strides = array<i32>} : memref<4x64x128xf32, #tpu.memory_space<vmem>>, vector<16xf32>,
        tpu.vector_store %arg7[%swap3A_1190, %swap3A_1191, %swap3A_1192], %get3A_1186 {strides = array<i32>} : memref<4x64x128xf32, #tpu.memory_space<vmem>>, vector<16xf32>,
        %add3A_1194 = arith.constant 6 : i32
        %add3A_1195 = arith.addi %mul3A_331, %add3A_1194 : i32
        %add3A_1196 = arith.constant 64 : i32
        %add3A_1197 = arith.addi %add3A_1195, %add3A_1196 : i32
        %get3A_1198 = arith.constant 1 : i32
        %get3A_1199 = arith.index_cast %get3A_1198 : i32 to index
        %get3A_1200 = arith.index_cast %add3A_1197 : i32 to index
        %get3A_1201 = arith.constant 32 : index
        %get3A_1202 = tpu.vector_load %arg6[%get3A_1199, %get3A_1200, %get3A_1201] {strides = array<i32>} : memref<4x128x64xf32, #tpu.memory_space<vmem>>, vector<16xf32>,
        %add3A_1203 = arith.constant 6 : i32
        %add3A_1204 = arith.addi %mul3A_331, %add3A_1203 : i32
        %swap3A_1205 = arith.constant 1 : i32
        %swap3A_1206 = arith.index_cast %swap3A_1205 : i32 to index
        %swap3A_1207 = arith.index_cast %add3A_1204 : i32 to index
        %swap3A_1208 = arith.constant 96 : index
        %swap3A_1209 = tpu.vector_load %arg7[%swap3A_1206, %swap3A_1207, %swap3A_1208] {strides = array<i32>} : memref<4x64x128xf32, #tpu.memory_space<vmem>>, vector<16xf32>,
        tpu.vector_store %arg7[%swap3A_1206, %swap3A_1207, %swap3A_1208], %get3A_1202 {strides = array<i32>} : memref<4x64x128xf32, #tpu.memory_space<vmem>>, vector<16xf32>,
        %add3A_1210 = arith.constant 6 : i32
        %add3A_1211 = arith.addi %mul3A_331, %add3A_1210 : i32
        %add3A_1212 = arith.constant 64 : i32
        %add3A_1213 = arith.addi %add3A_1211, %add3A_1212 : i32
        %get3A_1214 = arith.constant 1 : i32
        %get3A_1215 = arith.index_cast %get3A_1214 : i32 to index
        %get3A_1216 = arith.index_cast %add3A_1213 : i32 to index
        %get3A_1217 = arith.constant 48 : index
        %get3A_1218 = tpu.vector_load %arg6[%get3A_1215, %get3A_1216, %get3A_1217] {strides = array<i32>} : memref<4x128x64xf32, #tpu.memory_space<vmem>>, vector<16xf32>,
        %add3A_1219 = arith.constant 6 : i32
        %add3A_1220 = arith.addi %mul3A_331, %add3A_1219 : i32
        %swap3A_1221 = arith.constant 1 : i32
        %swap3A_1222 = arith.index_cast %swap3A_1221 : i32 to index
        %swap3A_1223 = arith.index_cast %add3A_1220 : i32 to index
        %swap3A_1224 = arith.constant 112 : index
        %swap3A_1225 = tpu.vector_load %arg7[%swap3A_1222, %swap3A_1223, %swap3A_1224] {strides = array<i32>} : memref<4x64x128xf32, #tpu.memory_space<vmem>>, vector<16xf32>,
        tpu.vector_store %arg7[%swap3A_1222, %swap3A_1223, %swap3A_1224], %get3A_1218 {strides = array<i32>} : memref<4x64x128xf32, #tpu.memory_space<vmem>>, vector<16xf32>,
        %add3A_1226 = arith.constant 7 : i32
        %add3A_1227 = arith.addi %mul3A_331, %add3A_1226 : i32
        %add3A_1228 = arith.constant 0 : i32
        %add3A_1229 = arith.addi %add3A_1227, %add3A_1228 : i32
        %get3A_1230 = arith.constant 1 : i32
        %get3A_1231 = arith.index_cast %get3A_1230 : i32 to index
        %get3A_1232 = arith.index_cast %add3A_1229 : i32 to index
        %get3A_1233 = arith.constant 0 : index
        %get3A_1234 = tpu.vector_load %arg6[%get3A_1231, %get3A_1232, %get3A_1233] {strides = array<i32>} : memref<4x128x64xf32, #tpu.memory_space<vmem>>, vector<16xf32>,
        %add3A_1235 = arith.constant 7 : i32
        %add3A_1236 = arith.addi %mul3A_331, %add3A_1235 : i32
        %swap3A_1237 = arith.constant 1 : i32
        %swap3A_1238 = arith.index_cast %swap3A_1237 : i32 to index
        %swap3A_1239 = arith.index_cast %add3A_1236 : i32 to index
        %swap3A_1240 = arith.constant 0 : index
        %swap3A_1241 = tpu.vector_load %arg7[%swap3A_1238, %swap3A_1239, %swap3A_1240] {strides = array<i32>} : memref<4x64x128xf32, #tpu.memory_space<vmem>>, vector<16xf32>,
        tpu.vector_store %arg7[%swap3A_1238, %swap3A_1239, %swap3A_1240], %get3A_1234 {strides = array<i32>} : memref<4x64x128xf32, #tpu.memory_space<vmem>>, vector<16xf32>,
        %add3A_1242 = arith.constant 7 : i32
        %add3A_1243 = arith.addi %mul3A_331, %add3A_1242 : i32
        %add3A_1244 = arith.constant 0 : i32
        %add3A_1245 = arith.addi %add3A_1243, %add3A_1244 : i32
        %get3A_1246 = arith.constant 1 : i32
        %get3A_1247 = arith.index_cast %get3A_1246 : i32 to index
        %get3A_1248 = arith.index_cast %add3A_1245 : i32 to index
        %get3A_1249 = arith.constant 16 : index
        %get3A_1250 = tpu.vector_load %arg6[%get3A_1247, %get3A_1248, %get3A_1249] {strides = array<i32>} : memref<4x128x64xf32, #tpu.memory_space<vmem>>, vector<16xf32>,
        %add3A_1251 = arith.constant 7 : i32
        %add3A_1252 = arith.addi %mul3A_331, %add3A_1251 : i32
        %swap3A_1253 = arith.constant 1 : i32
        %swap3A_1254 = arith.index_cast %swap3A_1253 : i32 to index
        %swap3A_1255 = arith.index_cast %add3A_1252 : i32 to index
        %swap3A_1256 = arith.constant 16 : index
        %swap3A_1257 = tpu.vector_load %arg7[%swap3A_1254, %swap3A_1255, %swap3A_1256] {strides = array<i32>} : memref<4x64x128xf32, #tpu.memory_space<vmem>>, vector<16xf32>,
        tpu.vector_store %arg7[%swap3A_1254, %swap3A_1255, %swap3A_1256], %get3A_1250 {strides = array<i32>} : memref<4x64x128xf32, #tpu.memory_space<vmem>>, vector<16xf32>,
        %add3A_1258 = arith.constant 7 : i32
        %add3A_1259 = arith.addi %mul3A_331, %add3A_1258 : i32
        %add3A_1260 = arith.constant 0 : i32
        %add3A_1261 = arith.addi %add3A_1259, %add3A_1260 : i32
        %get3A_1262 = arith.constant 1 : i32
        %get3A_1263 = arith.index_cast %get3A_1262 : i32 to index
        %get3A_1264 = arith.index_cast %add3A_1261 : i32 to index
        %get3A_1265 = arith.constant 32 : index
        %get3A_1266 = tpu.vector_load %arg6[%get3A_1263, %get3A_1264, %get3A_1265] {strides = array<i32>} : memref<4x128x64xf32, #tpu.memory_space<vmem>>, vector<16xf32>,
        %add3A_1267 = arith.constant 7 : i32
        %add3A_1268 = arith.addi %mul3A_331, %add3A_1267 : i32
        %swap3A_1269 = arith.constant 1 : i32
        %swap3A_1270 = arith.index_cast %swap3A_1269 : i32 to index
        %swap3A_1271 = arith.index_cast %add3A_1268 : i32 to index
        %swap3A_1272 = arith.constant 32 : index
        %swap3A_1273 = tpu.vector_load %arg7[%swap3A_1270, %swap3A_1271, %swap3A_1272] {strides = array<i32>} : memref<4x64x128xf32, #tpu.memory_space<vmem>>, vector<16xf32>,
        tpu.vector_store %arg7[%swap3A_1270, %swap3A_1271, %swap3A_1272], %get3A_1266 {strides = array<i32>} : memref<4x64x128xf32, #tpu.memory_space<vmem>>, vector<16xf32>,
        %add3A_1274 = arith.constant 7 : i32
        %add3A_1275 = arith.addi %mul3A_331, %add3A_1274 : i32
        %add3A_1276 = arith.constant 0 : i32
        %add3A_1277 = arith.addi %add3A_1275, %add3A_1276 : i32
        %get3A_1278 = arith.constant 1 : i32
        %get3A_1279 = arith.index_cast %get3A_1278 : i32 to index
        %get3A_1280 = arith.index_cast %add3A_1277 : i32 to index
        %get3A_1281 = arith.constant 48 : index
        %get3A_1282 = tpu.vector_load %arg6[%get3A_1279, %get3A_1280, %get3A_1281] {strides = array<i32>} : memref<4x128x64xf32, #tpu.memory_space<vmem>>, vector<16xf32>,
        %add3A_1283 = arith.constant 7 : i32
        %add3A_1284 = arith.addi %mul3A_331, %add3A_1283 : i32
        %swap3A_1285 = arith.constant 1 : i32
        %swap3A_1286 = arith.index_cast %swap3A_1285 : i32 to index
        %swap3A_1287 = arith.index_cast %add3A_1284 : i32 to index
        %swap3A_1288 = arith.constant 48 : index
        %swap3A_1289 = tpu.vector_load %arg7[%swap3A_1286, %swap3A_1287, %swap3A_1288] {strides = array<i32>} : memref<4x64x128xf32, #tpu.memory_space<vmem>>, vector<16xf32>,
        tpu.vector_store %arg7[%swap3A_1286, %swap3A_1287, %swap3A_1288], %get3A_1282 {strides = array<i32>} : memref<4x64x128xf32, #tpu.memory_space<vmem>>, vector<16xf32>,
        %add3A_1290 = arith.constant 7 : i32
        %add3A_1291 = arith.addi %mul3A_331, %add3A_1290 : i32
        %add3A_1292 = arith.constant 64 : i32
        %add3A_1293 = arith.addi %add3A_1291, %add3A_1292 : i32
        %get3A_1294 = arith.constant 1 : i32
        %get3A_1295 = arith.index_cast %get3A_1294 : i32 to index
        %get3A_1296 = arith.index_cast %add3A_1293 : i32 to index
        %get3A_1297 = arith.constant 0 : index
        %get3A_1298 = tpu.vector_load %arg6[%get3A_1295, %get3A_1296, %get3A_1297] {strides = array<i32>} : memref<4x128x64xf32, #tpu.memory_space<vmem>>, vector<16xf32>,
        %add3A_1299 = arith.constant 7 : i32
        %add3A_1300 = arith.addi %mul3A_331, %add3A_1299 : i32
        %swap3A_1301 = arith.constant 1 : i32
        %swap3A_1302 = arith.index_cast %swap3A_1301 : i32 to index
        %swap3A_1303 = arith.index_cast %add3A_1300 : i32 to index
        %swap3A_1304 = arith.constant 64 : index
        %swap3A_1305 = tpu.vector_load %arg7[%swap3A_1302, %swap3A_1303, %swap3A_1304] {strides = array<i32>} : memref<4x64x128xf32, #tpu.memory_space<vmem>>, vector<16xf32>,
        tpu.vector_store %arg7[%swap3A_1302, %swap3A_1303, %swap3A_1304], %get3A_1298 {strides = array<i32>} : memref<4x64x128xf32, #tpu.memory_space<vmem>>, vector<16xf32>,
        %add3A_1306 = arith.constant 7 : i32
        %add3A_1307 = arith.addi %mul3A_331, %add3A_1306 : i32
        %add3A_1308 = arith.constant 64 : i32
        %add3A_1309 = arith.addi %add3A_1307, %add3A_1308 : i32
        %get3A_1310 = arith.constant 1 : i32
        %get3A_1311 = arith.index_cast %get3A_1310 : i32 to index
        %get3A_1312 = arith.index_cast %add3A_1309 : i32 to index
        %get3A_1313 = arith.constant 16 : index
        %get3A_1314 = tpu.vector_load %arg6[%get3A_1311, %get3A_1312, %get3A_1313] {strides = array<i32>} : memref<4x128x64xf32, #tpu.memory_space<vmem>>, vector<16xf32>,
        %add3A_1315 = arith.constant 7 : i32
        %add3A_1316 = arith.addi %mul3A_331, %add3A_1315 : i32
        %swap3A_1317 = arith.constant 1 : i32
        %swap3A_1318 = arith.index_cast %swap3A_1317 : i32 to index
        %swap3A_1319 = arith.index_cast %add3A_1316 : i32 to index
        %swap3A_1320 = arith.constant 80 : index
        %swap3A_1321 = tpu.vector_load %arg7[%swap3A_1318, %swap3A_1319, %swap3A_1320] {strides = array<i32>} : memref<4x64x128xf32, #tpu.memory_space<vmem>>, vector<16xf32>,
        tpu.vector_store %arg7[%swap3A_1318, %swap3A_1319, %swap3A_1320], %get3A_1314 {strides = array<i32>} : memref<4x64x128xf32, #tpu.memory_space<vmem>>, vector<16xf32>,
        %add3A_1322 = arith.constant 7 : i32
        %add3A_1323 = arith.addi %mul3A_331, %add3A_1322 : i32
        %add3A_1324 = arith.constant 64 : i32
        %add3A_1325 = arith.addi %add3A_1323, %add3A_1324 : i32
        %get3A_1326 = arith.constant 1 : i32
        %get3A_1327 = arith.index_cast %get3A_1326 : i32 to index
        %get3A_1328 = arith.index_cast %add3A_1325 : i32 to index
        %get3A_1329 = arith.constant 32 : index
        %get3A_1330 = tpu.vector_load %arg6[%get3A_1327, %get3A_1328, %get3A_1329] {strides = array<i32>} : memref<4x128x64xf32, #tpu.memory_space<vmem>>, vector<16xf32>,
        %add3A_1331 = arith.constant 7 : i32
        %add3A_1332 = arith.addi %mul3A_331, %add3A_1331 : i32
        %swap3A_1333 = arith.constant 1 : i32
        %swap3A_1334 = arith.index_cast %swap3A_1333 : i32 to index
        %swap3A_1335 = arith.index_cast %add3A_1332 : i32 to index
        %swap3A_1336 = arith.constant 96 : index
        %swap3A_1337 = tpu.vector_load %arg7[%swap3A_1334, %swap3A_1335, %swap3A_1336] {strides = array<i32>} : memref<4x64x128xf32, #tpu.memory_space<vmem>>, vector<16xf32>,
        tpu.vector_store %arg7[%swap3A_1334, %swap3A_1335, %swap3A_1336], %get3A_1330 {strides = array<i32>} : memref<4x64x128xf32, #tpu.memory_space<vmem>>, vector<16xf32>,
        %add3A_1338 = arith.constant 7 : i32
        %add3A_1339 = arith.addi %mul3A_331, %add3A_1338 : i32
        %add3A_1340 = arith.constant 64 : i32
        %add3A_1341 = arith.addi %add3A_1339, %add3A_1340 : i32
        %get3A_1342 = arith.constant 1 : i32
        %get3A_1343 = arith.index_cast %get3A_1342 : i32 to index
        %get3A_1344 = arith.index_cast %add3A_1341 : i32 to index
        %get3A_1345 = arith.constant 48 : index
        %get3A_1346 = tpu.vector_load %arg6[%get3A_1343, %get3A_1344, %get3A_1345] {strides = array<i32>} : memref<4x128x64xf32, #tpu.memory_space<vmem>>, vector<16xf32>,
        %add3A_1347 = arith.constant 7 : i32
        %add3A_1348 = arith.addi %mul3A_331, %add3A_1347 : i32
        %swap3A_1349 = arith.constant 1 : i32
        %swap3A_1350 = arith.index_cast %swap3A_1349 : i32 to index
        %swap3A_1351 = arith.index_cast %add3A_1348 : i32 to index
        %swap3A_1352 = arith.constant 112 : index
        %swap3A_1353 = tpu.vector_load %arg7[%swap3A_1350, %swap3A_1351, %swap3A_1352] {strides = array<i32>} : memref<4x64x128xf32, #tpu.memory_space<vmem>>, vector<16xf32>,
        tpu.vector_store %arg7[%swap3A_1350, %swap3A_1351, %swap3A_1352], %get3A_1346 {strides = array<i32>} : memref<4x64x128xf32, #tpu.memory_space<vmem>>, vector<16xf32>,
      }
      %scan3A_210 = arith.constant 8 : i32
      %dma_start3A_211 = arith.constant 1 : i32
      %dma_start3A_212 = arith.constant 0 : i32
      %dma_start3A_213 = arith.constant 0 : i32
      %dma_start3A_214 = tpu.memref_slice %arg7[%dma_start3A_211, %dma_start3A_212, %dma_start3A_213] : memref<4x64x128xf32, #tpu.memory_space<vmem>> -> memref<1x64x128xf32, #tpu.memory_space<vmem>>
      %dma_start3A_215 = tpu.memref_squeeze %dma_start3A_214 : memref<1x64x128xf32, #tpu.memory_space<vmem>> -> memref<64x128xf32, #tpu.memory_space<vmem>>
      %dma_start3A_216 = arith.constant 0 : i32
      %dma_start3A_217 = arith.constant 0 : i32
      %dma_start3A_218 = tpu.memref_slice %arg4[%add3A_186, %add3A, %dma_start3A_216, %dma_start3A_217] : memref<200x32x64x128xf32, #tpu.memory_space<hbm>> -> memref<1x1x64x128xf32, #tpu.memory_space<hbm>>
      %dma_start3A_219 = tpu.memref_squeeze %dma_start3A_218 : memref<1x1x64x128xf32, #tpu.memory_space<hbm>> -> memref<64x128xf32, #tpu.memory_space<hbm>>
      %dma_start3A_220 = arith.constant 0 : i32
      %dma_start3A_221 = arith.constant 0 : i32
      %dma_start3A_222 = tpu.memref_slice %arg4[%add3A_186, %add3A, %dma_start3A_220, %dma_start3A_221] : memref<200x32x64x128xf32, #tpu.memory_space<hbm>> -> memref<1x1x64x128xf32, #tpu.memory_space<hbm>>
      %dma_start3A_223 = tpu.memref_squeeze %dma_start3A_222 : memref<1x1x64x128xf32, #tpu.memory_space<hbm>> -> memref<64x128xf32, #tpu.memory_space<hbm>>
      %dma_start3A_224 = arith.constant 0 : i32
      %dma_start3A_225 = arith.constant 0 : i32
      %dma_start3A_226 = tpu.memref_slice %arg7[%dma_start3A_211, %dma_start3A_224, %dma_start3A_225] : memref<4x64x128xf32, #tpu.memory_space<vmem>> -> memref<1x64x128xf32, #tpu.memory_space<vmem>>
      %dma_start3A_227 = tpu.memref_squeeze %dma_start3A_226 : memref<1x64x128xf32, #tpu.memory_space<vmem>> -> memref<64x128xf32, #tpu.memory_space<vmem>>
      tpu.enqueue_dma source(%dma_start3A_227 : memref<64x128xf32, #tpu.memory_space<vmem>>) target(%dma_start3A_223 : memref<64x128xf32, #tpu.memory_space<hbm>>) target_semaphore(%arg13 : memref<!tpu.dma_semaphore, #tpu.memory_space<semaphore_mem>>)
      %lt3A_228 = arith.constant 49 : i32
      %lt3A_229 = arith.cmpi slt, %scan3A_138, %lt3A_228 : i32
      %convert_element_type3A_230 = arith.extui %lt3A_229 : i1 to i32
      %cond3A_231 = arith.constant 0 : i32
      %cond3A_232 = arith.cmpi ne, %convert_element_type3A_230, %cond3A_231 : i32
      scf.if %cond3A_232 {
        %add3A_329 = arith.constant 4 : i32
        %add3A_330 = arith.addi %add3A_186, %add3A_329 : i32
        %jit3A = arith.constant 8 : i32
        %div3A = arith.divsi %add3A_330, %jit3A : i32
        %sign3A = arith.constant 0 : i32
        %sign3A_331 = arith.cmpi sgt, %add3A_330, %sign3A : i32
        %sign3A_332 = arith.extui %sign3A_331 : i1 to i32
        %sign3A_333 = arith.constant 0 : i32
        %sign3A_334 = arith.cmpi slt, %add3A_330, %sign3A_333 : i32
        %sign3A_335 = arith.extui %sign3A_334 : i1 to i32
        %sign3A_336 = arith.subi %sign3A_332, %sign3A_335 : i32
        %sign3A_337 = arith.constant 0 : i32
        %sign3A_338 = arith.cmpi sgt, %jit3A, %sign3A_337 : i32
        %sign3A_339 = arith.extui %sign3A_338 : i1 to i32
        %sign3A_340 = arith.constant 0 : i32
        %sign3A_341 = arith.cmpi slt, %jit3A, %sign3A_340 : i32
        %sign3A_342 = arith.extui %sign3A_341 : i1 to i32
        %sign3A_343 = arith.subi %sign3A_339, %sign3A_342 : i32
        %ne3A = arith.cmpi ne, %sign3A_336, %sign3A_343 : i32
        %rem3A = arith.remsi %add3A_330, %jit3A : i32
        %ne3A_344 = arith.constant 0 : i32
        %ne3A_345 = arith.cmpi ne, %rem3A, %ne3A_344 : i32
        %and3A = arith.andi %ne3A, %ne3A_345 : i1
        %sub3A = arith.constant 1 : i32
        %sub3A_346 = arith.subi %div3A, %sub3A : i32
        %select_n3A = arith.select %and3A, %sub3A_346, %div3A : i32
        %jit3A_347 = arith.constant 8 : i32
        %eq3A = arith.constant 0 : i32
        %eq3A_348 = arith.cmpi eq, %jit3A_347, %eq3A : i32
        %jit3A_349 = arith.constant 1 : i32
        %select_n3A_350 = arith.select %eq3A_348, %jit3A_349, %jit3A_347 : i32
        %rem3A_351 = arith.remsi %add3A_330, %select_n3A_350 : i32
        %ne3A_352 = arith.constant 0 : i32
        %ne3A_353 = arith.cmpi ne, %rem3A_351, %ne3A_352 : i32
        %lt3A_354 = arith.constant 0 : i32
        %lt3A_355 = arith.cmpi slt, %rem3A_351, %lt3A_354 : i32
        %lt3A_356 = arith.constant 0 : i32
        %lt3A_357 = arith.cmpi slt, %select_n3A_350, %lt3A_356 : i32
        %ne3A_358 = arith.xori %lt3A_355, %lt3A_357 : i1
        %and3A_359 = arith.andi %ne3A_358, %ne3A_353 : i1
        %add3A_360 = arith.addi %rem3A_351, %select_n3A_350 : i32
        %select_n3A_361 = arith.select %and3A_359, %add3A_360, %rem3A_351 : i32
        %dma_start3A_362 = arith.constant 1 : i32
        %dma_start3A_363 = arith.constant 0 : i32
        %dma_start3A_364 = arith.constant 0 : i32
        %dma_start3A_365 = tpu.memref_slice %arg6[%dma_start3A_362, %dma_start3A_363, %dma_start3A_364] : memref<4x128x64xf32, #tpu.memory_space<vmem>> -> memref<1x128x64xf32, #tpu.memory_space<vmem>>
        %dma_start3A_366 = tpu.memref_squeeze %dma_start3A_365 : memref<1x128x64xf32, #tpu.memory_space<vmem>> -> memref<128x64xf32, #tpu.memory_space<vmem>>
        %dma_start3A_367 = arith.constant 0 : i32
        %dma_start3A_368 = tpu.memref_slice %arg5[%select_n3A, %select_n3A_361, %dma_start3A_367] : memref<25x8x128xi32, #tpu.memory_space<vmem>> -> memref<1x1x128xi32, #tpu.memory_space<vmem>>
        %dma_start3A_369 = tpu.memref_squeeze %dma_start3A_368 : memref<1x1x128xi32, #tpu.memory_space<vmem>> -> memref<128xi32, #tpu.memory_space<vmem>>
        %dma_start3A_370 = arith.constant 0 : i32
        %dma_start3A_371 = arith.constant 0 : i32
        %dma_start3A_372 = tpu.memref_slice %arg3[%dma_start3A_370, %dma_start3A_371] : memref<1003520x64xf32, #tpu.memory_space<hbm>> -> memref<1003520x64xf32, #tpu.memory_space<hbm>>
        tpu.enqueue_indirect_dma source(%dma_start3A_372 : memref<1003520x64xf32, #tpu.memory_space<hbm>>) target(%dma_start3A_366 : memref<128x64xf32, #tpu.memory_space<vmem>>) offsets(%dma_start3A_369 : memref<128xi32, #tpu.memory_space<vmem>>) semaphore(%arg9 : memref<!tpu.dma_semaphore, #tpu.memory_space<semaphore_mem>>)
      } else {
      }
      %add3A_233 = arith.constant 2 : i32
      %add3A_234 = arith.addi %mul3A_140, %add3A_233 : i32
      %dma_wait3A_235 = arith.constant 0 : i32
      %dma_wait3A_236 = arith.constant 0 : i32
      %dma_wait3A_237 = arith.constant 2 : i32
      %dma_wait3A_238 = arith.constant 0 : i32
      %dma_wait3A_239 = arith.constant 0 : i32
      %dma_wait3A_240 = tpu.memref_slice %arg6[%dma_wait3A_237, %dma_wait3A_238, %dma_wait3A_239] : memref<4x128x64xf32, #tpu.memory_space<vmem>> -> memref<1x128x64xf32, #tpu.memory_space<vmem>>
      %dma_wait3A_241 = tpu.memref_squeeze %dma_wait3A_240 : memref<1x128x64xf32, #tpu.memory_space<vmem>> -> memref<128x64xf32, #tpu.memory_space<vmem>>
      %dma_wait3A_242 = arith.constant 0 : i32
      %dma_wait3A_243 = tpu.memref_slice %arg5[%dma_wait3A_235, %dma_wait3A_236, %dma_wait3A_242] : memref<25x8x128xi32, #tpu.memory_space<vmem>> -> memref<1x1x128xi32, #tpu.memory_space<vmem>>
      %dma_wait3A_244 = tpu.memref_squeeze %dma_wait3A_243 : memref<1x1x128xi32, #tpu.memory_space<vmem>> -> memref<128xi32, #tpu.memory_space<vmem>>
      %dma_wait3A_245 = arith.constant 0 : i32
      %dma_wait3A_246 = arith.constant 0 : i32
      %dma_wait3A_247 = tpu.memref_slice %arg3[%dma_wait3A_245, %dma_wait3A_246] : memref<1003520x64xf32, #tpu.memory_space<hbm>> -> memref<1003520x64xf32, #tpu.memory_space<hbm>>
      tpu.wait_indirect_dma semaphore(%arg10 : memref<!tpu.dma_semaphore, #tpu.memory_space<semaphore_mem>>) src(%dma_wait3A_247 : memref<1003520x64xf32, #tpu.memory_space<hbm>>) dst(%dma_wait3A_241 : memref<128x64xf32, #tpu.memory_space<vmem>>)
      %gt3A_248 = arith.constant 0 : i32
      %gt3A_249 = arith.cmpi sgt, %scan3A_138, %gt3A_248 : i32
      %convert_element_type3A_250 = arith.extui %gt3A_249 : i1 to i32
      %cond3A_251 = arith.constant 0 : i32
      %cond3A_252 = arith.cmpi ne, %convert_element_type3A_250, %cond3A_251 : i32
      scf.if %cond3A_252 {
        %dma_wait3A_329 = arith.constant 2 : i32
        %dma_wait3A_330 = arith.constant 0 : i32
        %dma_wait3A_331 = arith.constant 0 : i32
        %dma_wait3A_332 = arith.constant 0 : i32
        %dma_wait3A_333 = arith.constant 0 : i32
        %dma_wait3A_334 = tpu.memref_slice %arg7[%dma_wait3A_329, %dma_wait3A_332, %dma_wait3A_333] : memref<4x64x128xf32, #tpu.memory_space<vmem>> -> memref<1x64x128xf32, #tpu.memory_space<vmem>>
        %dma_wait3A_335 = tpu.memref_squeeze %dma_wait3A_334 : memref<1x64x128xf32, #tpu.memory_space<vmem>> -> memref<64x128xf32, #tpu.memory_space<vmem>>
        %dma_wait3A_336 = arith.constant 0 : i32
        %dma_wait3A_337 = arith.constant 0 : i32
        %dma_wait3A_338 = tpu.memref_slice %arg4[%dma_wait3A_330, %dma_wait3A_331, %dma_wait3A_336, %dma_wait3A_337] : memref<200x32x64x128xf32, #tpu.memory_space<hbm>> -> memref<1x1x64x128xf32, #tpu.memory_space<hbm>>
        %dma_wait3A_339 = tpu.memref_squeeze %dma_wait3A_338 : memref<1x1x64x128xf32, #tpu.memory_space<hbm>> -> memref<64x128xf32, #tpu.memory_space<hbm>>
        %dma_wait3A_340 = arith.constant 0 : i32
        %dma_wait3A_341 = arith.constant 0 : i32
        %dma_wait3A_342 = tpu.memref_slice %arg4[%dma_wait3A_330, %dma_wait3A_331, %dma_wait3A_340, %dma_wait3A_341] : memref<200x32x64x128xf32, #tpu.memory_space<hbm>> -> memref<1x1x64x128xf32, #tpu.memory_space<hbm>>
        %dma_wait3A_343 = tpu.memref_squeeze %dma_wait3A_342 : memref<1x1x64x128xf32, #tpu.memory_space<hbm>> -> memref<64x128xf32, #tpu.memory_space<hbm>>
        %dma_wait3A_344 = arith.constant 0 : i32
        %dma_wait3A_345 = arith.constant 0 : i32
        %dma_wait3A_346 = tpu.memref_slice %arg7[%dma_wait3A_329, %dma_wait3A_344, %dma_wait3A_345] : memref<4x64x128xf32, #tpu.memory_space<vmem>> -> memref<1x64x128xf32, #tpu.memory_space<vmem>>
        %dma_wait3A_347 = tpu.memref_squeeze %dma_wait3A_346 : memref<1x64x128xf32, #tpu.memory_space<vmem>> -> memref<64x128xf32, #tpu.memory_space<vmem>>
        tpu.wait_dma2 semaphore(%arg14 : memref<!tpu.dma_semaphore, #tpu.memory_space<semaphore_mem>>) src(%dma_wait3A_347 : memref<64x128xf32, #tpu.memory_space<vmem>>) dst(%dma_wait3A_343 : memref<64x128xf32, #tpu.memory_space<hbm>>)
      } else {
      }
      %scan3A_253 = arith.constant 0 : i32
      %scan3A_254 = arith.constant 0 : i32
      %scan3A_255 = arith.constant 8 : i32
      %scan3A_256 = arith.addi %scan3A_254, %scan3A_255 : i32
      %scan3A_257 = arith.constant 1 : i32
      scf.for %scan3A_329 = %scan3A_254 to %scan3A_256 step %scan3A_257  : i32 {
        %mul3A_330 = arith.constant 8 : i32
        %mul3A_331 = arith.muli %scan3A_329, %mul3A_330 : i32
        %add3A_332 = arith.constant 0 : i32
        %add3A_333 = arith.addi %mul3A_331, %add3A_332 : i32
        %add3A_334 = arith.constant 0 : i32
        %add3A_335 = arith.addi %add3A_333, %add3A_334 : i32
        %get3A = arith.constant 2 : i32
        %get3A_336 = arith.index_cast %get3A : i32 to index
        %get3A_337 = arith.index_cast %add3A_335 : i32 to index
        %get3A_338 = arith.constant 0 : index
        %get3A_339 = tpu.vector_load %arg6[%get3A_336, %get3A_337, %get3A_338] {strides = array<i32>} : memref<4x128x64xf32, #tpu.memory_space<vmem>>, vector<16xf32>,
        %add3A_340 = arith.constant 0 : i32
        %add3A_341 = arith.addi %mul3A_331, %add3A_340 : i32
        %swap3A = arith.constant 2 : i32
        %swap3A_342 = arith.index_cast %swap3A : i32 to index
        %swap3A_343 = arith.index_cast %add3A_341 : i32 to index
        %swap3A_344 = arith.constant 0 : index
        %swap3A_345 = tpu.vector_load %arg7[%swap3A_342, %swap3A_343, %swap3A_344] {strides = array<i32>} : memref<4x64x128xf32, #tpu.memory_space<vmem>>, vector<16xf32>,
        tpu.vector_store %arg7[%swap3A_342, %swap3A_343, %swap3A_344], %get3A_339 {strides = array<i32>} : memref<4x64x128xf32, #tpu.memory_space<vmem>>, vector<16xf32>,
        %add3A_346 = arith.constant 0 : i32
        %add3A_347 = arith.addi %mul3A_331, %add3A_346 : i32
        %add3A_348 = arith.constant 0 : i32
        %add3A_349 = arith.addi %add3A_347, %add3A_348 : i32
        %get3A_350 = arith.constant 2 : i32
        %get3A_351 = arith.index_cast %get3A_350 : i32 to index
        %get3A_352 = arith.index_cast %add3A_349 : i32 to index
        %get3A_353 = arith.constant 16 : index
        %get3A_354 = tpu.vector_load %arg6[%get3A_351, %get3A_352, %get3A_353] {strides = array<i32>} : memref<4x128x64xf32, #tpu.memory_space<vmem>>, vector<16xf32>,
        %add3A_355 = arith.constant 0 : i32
        %add3A_356 = arith.addi %mul3A_331, %add3A_355 : i32
        %swap3A_357 = arith.constant 2 : i32
        %swap3A_358 = arith.index_cast %swap3A_357 : i32 to index
        %swap3A_359 = arith.index_cast %add3A_356 : i32 to index
        %swap3A_360 = arith.constant 16 : index
        %swap3A_361 = tpu.vector_load %arg7[%swap3A_358, %swap3A_359, %swap3A_360] {strides = array<i32>} : memref<4x64x128xf32, #tpu.memory_space<vmem>>, vector<16xf32>,
        tpu.vector_store %arg7[%swap3A_358, %swap3A_359, %swap3A_360], %get3A_354 {strides = array<i32>} : memref<4x64x128xf32, #tpu.memory_space<vmem>>, vector<16xf32>,
        %add3A_362 = arith.constant 0 : i32
        %add3A_363 = arith.addi %mul3A_331, %add3A_362 : i32
        %add3A_364 = arith.constant 0 : i32
        %add3A_365 = arith.addi %add3A_363, %add3A_364 : i32
        %get3A_366 = arith.constant 2 : i32
        %get3A_367 = arith.index_cast %get3A_366 : i32 to index
        %get3A_368 = arith.index_cast %add3A_365 : i32 to index
        %get3A_369 = arith.constant 32 : index
        %get3A_370 = tpu.vector_load %arg6[%get3A_367, %get3A_368, %get3A_369] {strides = array<i32>} : memref<4x128x64xf32, #tpu.memory_space<vmem>>, vector<16xf32>,
        %add3A_371 = arith.constant 0 : i32
        %add3A_372 = arith.addi %mul3A_331, %add3A_371 : i32
        %swap3A_373 = arith.constant 2 : i32
        %swap3A_374 = arith.index_cast %swap3A_373 : i32 to index
        %swap3A_375 = arith.index_cast %add3A_372 : i32 to index
        %swap3A_376 = arith.constant 32 : index
        %swap3A_377 = tpu.vector_load %arg7[%swap3A_374, %swap3A_375, %swap3A_376] {strides = array<i32>} : memref<4x64x128xf32, #tpu.memory_space<vmem>>, vector<16xf32>,
        tpu.vector_store %arg7[%swap3A_374, %swap3A_375, %swap3A_376], %get3A_370 {strides = array<i32>} : memref<4x64x128xf32, #tpu.memory_space<vmem>>, vector<16xf32>,
        %add3A_378 = arith.constant 0 : i32
        %add3A_379 = arith.addi %mul3A_331, %add3A_378 : i32
        %add3A_380 = arith.constant 0 : i32
        %add3A_381 = arith.addi %add3A_379, %add3A_380 : i32
        %get3A_382 = arith.constant 2 : i32
        %get3A_383 = arith.index_cast %get3A_382 : i32 to index
        %get3A_384 = arith.index_cast %add3A_381 : i32 to index
        %get3A_385 = arith.constant 48 : index
        %get3A_386 = tpu.vector_load %arg6[%get3A_383, %get3A_384, %get3A_385] {strides = array<i32>} : memref<4x128x64xf32, #tpu.memory_space<vmem>>, vector<16xf32>,
        %add3A_387 = arith.constant 0 : i32
        %add3A_388 = arith.addi %mul3A_331, %add3A_387 : i32
        %swap3A_389 = arith.constant 2 : i32
        %swap3A_390 = arith.index_cast %swap3A_389 : i32 to index
        %swap3A_391 = arith.index_cast %add3A_388 : i32 to index
        %swap3A_392 = arith.constant 48 : index
        %swap3A_393 = tpu.vector_load %arg7[%swap3A_390, %swap3A_391, %swap3A_392] {strides = array<i32>} : memref<4x64x128xf32, #tpu.memory_space<vmem>>, vector<16xf32>,
        tpu.vector_store %arg7[%swap3A_390, %swap3A_391, %swap3A_392], %get3A_386 {strides = array<i32>} : memref<4x64x128xf32, #tpu.memory_space<vmem>>, vector<16xf32>,
        %add3A_394 = arith.constant 0 : i32
        %add3A_395 = arith.addi %mul3A_331, %add3A_394 : i32
        %add3A_396 = arith.constant 64 : i32
        %add3A_397 = arith.addi %add3A_395, %add3A_396 : i32
        %get3A_398 = arith.constant 2 : i32
        %get3A_399 = arith.index_cast %get3A_398 : i32 to index
        %get3A_400 = arith.index_cast %add3A_397 : i32 to index
        %get3A_401 = arith.constant 0 : index
        %get3A_402 = tpu.vector_load %arg6[%get3A_399, %get3A_400, %get3A_401] {strides = array<i32>} : memref<4x128x64xf32, #tpu.memory_space<vmem>>, vector<16xf32>,
        %add3A_403 = arith.constant 0 : i32
        %add3A_404 = arith.addi %mul3A_331, %add3A_403 : i32
        %swap3A_405 = arith.constant 2 : i32
        %swap3A_406 = arith.index_cast %swap3A_405 : i32 to index
        %swap3A_407 = arith.index_cast %add3A_404 : i32 to index
        %swap3A_408 = arith.constant 64 : index
        %swap3A_409 = tpu.vector_load %arg7[%swap3A_406, %swap3A_407, %swap3A_408] {strides = array<i32>} : memref<4x64x128xf32, #tpu.memory_space<vmem>>, vector<16xf32>,
        tpu.vector_store %arg7[%swap3A_406, %swap3A_407, %swap3A_408], %get3A_402 {strides = array<i32>} : memref<4x64x128xf32, #tpu.memory_space<vmem>>, vector<16xf32>,
        %add3A_410 = arith.constant 0 : i32
        %add3A_411 = arith.addi %mul3A_331, %add3A_410 : i32
        %add3A_412 = arith.constant 64 : i32
        %add3A_413 = arith.addi %add3A_411, %add3A_412 : i32
        %get3A_414 = arith.constant 2 : i32
        %get3A_415 = arith.index_cast %get3A_414 : i32 to index
        %get3A_416 = arith.index_cast %add3A_413 : i32 to index
        %get3A_417 = arith.constant 16 : index
        %get3A_418 = tpu.vector_load %arg6[%get3A_415, %get3A_416, %get3A_417] {strides = array<i32>} : memref<4x128x64xf32, #tpu.memory_space<vmem>>, vector<16xf32>,
        %add3A_419 = arith.constant 0 : i32
        %add3A_420 = arith.addi %mul3A_331, %add3A_419 : i32
        %swap3A_421 = arith.constant 2 : i32
        %swap3A_422 = arith.index_cast %swap3A_421 : i32 to index
        %swap3A_423 = arith.index_cast %add3A_420 : i32 to index
        %swap3A_424 = arith.constant 80 : index
        %swap3A_425 = tpu.vector_load %arg7[%swap3A_422, %swap3A_423, %swap3A_424] {strides = array<i32>} : memref<4x64x128xf32, #tpu.memory_space<vmem>>, vector<16xf32>,
        tpu.vector_store %arg7[%swap3A_422, %swap3A_423, %swap3A_424], %get3A_418 {strides = array<i32>} : memref<4x64x128xf32, #tpu.memory_space<vmem>>, vector<16xf32>,
        %add3A_426 = arith.constant 0 : i32
        %add3A_427 = arith.addi %mul3A_331, %add3A_426 : i32
        %add3A_428 = arith.constant 64 : i32
        %add3A_429 = arith.addi %add3A_427, %add3A_428 : i32
        %get3A_430 = arith.constant 2 : i32
        %get3A_431 = arith.index_cast %get3A_430 : i32 to index
        %get3A_432 = arith.index_cast %add3A_429 : i32 to index
        %get3A_433 = arith.constant 32 : index
        %get3A_434 = tpu.vector_load %arg6[%get3A_431, %get3A_432, %get3A_433] {strides = array<i32>} : memref<4x128x64xf32, #tpu.memory_space<vmem>>, vector<16xf32>,
        %add3A_435 = arith.constant 0 : i32
        %add3A_436 = arith.addi %mul3A_331, %add3A_435 : i32
        %swap3A_437 = arith.constant 2 : i32
        %swap3A_438 = arith.index_cast %swap3A_437 : i32 to index
        %swap3A_439 = arith.index_cast %add3A_436 : i32 to index
        %swap3A_440 = arith.constant 96 : index
        %swap3A_441 = tpu.vector_load %arg7[%swap3A_438, %swap3A_439, %swap3A_440] {strides = array<i32>} : memref<4x64x128xf32, #tpu.memory_space<vmem>>, vector<16xf32>,
        tpu.vector_store %arg7[%swap3A_438, %swap3A_439, %swap3A_440], %get3A_434 {strides = array<i32>} : memref<4x64x128xf32, #tpu.memory_space<vmem>>, vector<16xf32>,
        %add3A_442 = arith.constant 0 : i32
        %add3A_443 = arith.addi %mul3A_331, %add3A_442 : i32
        %add3A_444 = arith.constant 64 : i32
        %add3A_445 = arith.addi %add3A_443, %add3A_444 : i32
        %get3A_446 = arith.constant 2 : i32
        %get3A_447 = arith.index_cast %get3A_446 : i32 to index
        %get3A_448 = arith.index_cast %add3A_445 : i32 to index
        %get3A_449 = arith.constant 48 : index
        %get3A_450 = tpu.vector_load %arg6[%get3A_447, %get3A_448, %get3A_449] {strides = array<i32>} : memref<4x128x64xf32, #tpu.memory_space<vmem>>, vector<16xf32>,
        %add3A_451 = arith.constant 0 : i32
        %add3A_452 = arith.addi %mul3A_331, %add3A_451 : i32
        %swap3A_453 = arith.constant 2 : i32
        %swap3A_454 = arith.index_cast %swap3A_453 : i32 to index
        %swap3A_455 = arith.index_cast %add3A_452 : i32 to index
        %swap3A_456 = arith.constant 112 : index
        %swap3A_457 = tpu.vector_load %arg7[%swap3A_454, %swap3A_455, %swap3A_456] {strides = array<i32>} : memref<4x64x128xf32, #tpu.memory_space<vmem>>, vector<16xf32>,
        tpu.vector_store %arg7[%swap3A_454, %swap3A_455, %swap3A_456], %get3A_450 {strides = array<i32>} : memref<4x64x128xf32, #tpu.memory_space<vmem>>, vector<16xf32>,
        %add3A_458 = arith.constant 1 : i32
        %add3A_459 = arith.addi %mul3A_331, %add3A_458 : i32
        %add3A_460 = arith.constant 0 : i32
        %add3A_461 = arith.addi %add3A_459, %add3A_460 : i32
        %get3A_462 = arith.constant 2 : i32
        %get3A_463 = arith.index_cast %get3A_462 : i32 to index
        %get3A_464 = arith.index_cast %add3A_461 : i32 to index
        %get3A_465 = arith.constant 0 : index
        %get3A_466 = tpu.vector_load %arg6[%get3A_463, %get3A_464, %get3A_465] {strides = array<i32>} : memref<4x128x64xf32, #tpu.memory_space<vmem>>, vector<16xf32>,
        %add3A_467 = arith.constant 1 : i32
        %add3A_468 = arith.addi %mul3A_331, %add3A_467 : i32
        %swap3A_469 = arith.constant 2 : i32
        %swap3A_470 = arith.index_cast %swap3A_469 : i32 to index
        %swap3A_471 = arith.index_cast %add3A_468 : i32 to index
        %swap3A_472 = arith.constant 0 : index
        %swap3A_473 = tpu.vector_load %arg7[%swap3A_470, %swap3A_471, %swap3A_472] {strides = array<i32>} : memref<4x64x128xf32, #tpu.memory_space<vmem>>, vector<16xf32>,
        tpu.vector_store %arg7[%swap3A_470, %swap3A_471, %swap3A_472], %get3A_466 {strides = array<i32>} : memref<4x64x128xf32, #tpu.memory_space<vmem>>, vector<16xf32>,
        %add3A_474 = arith.constant 1 : i32
        %add3A_475 = arith.addi %mul3A_331, %add3A_474 : i32
        %add3A_476 = arith.constant 0 : i32
        %add3A_477 = arith.addi %add3A_475, %add3A_476 : i32
        %get3A_478 = arith.constant 2 : i32
        %get3A_479 = arith.index_cast %get3A_478 : i32 to index
        %get3A_480 = arith.index_cast %add3A_477 : i32 to index
        %get3A_481 = arith.constant 16 : index
        %get3A_482 = tpu.vector_load %arg6[%get3A_479, %get3A_480, %get3A_481] {strides = array<i32>} : memref<4x128x64xf32, #tpu.memory_space<vmem>>, vector<16xf32>,
        %add3A_483 = arith.constant 1 : i32
        %add3A_484 = arith.addi %mul3A_331, %add3A_483 : i32
        %swap3A_485 = arith.constant 2 : i32
        %swap3A_486 = arith.index_cast %swap3A_485 : i32 to index
        %swap3A_487 = arith.index_cast %add3A_484 : i32 to index
        %swap3A_488 = arith.constant 16 : index
        %swap3A_489 = tpu.vector_load %arg7[%swap3A_486, %swap3A_487, %swap3A_488] {strides = array<i32>} : memref<4x64x128xf32, #tpu.memory_space<vmem>>, vector<16xf32>,
        tpu.vector_store %arg7[%swap3A_486, %swap3A_487, %swap3A_488], %get3A_482 {strides = array<i32>} : memref<4x64x128xf32, #tpu.memory_space<vmem>>, vector<16xf32>,
        %add3A_490 = arith.constant 1 : i32
        %add3A_491 = arith.addi %mul3A_331, %add3A_490 : i32
        %add3A_492 = arith.constant 0 : i32
        %add3A_493 = arith.addi %add3A_491, %add3A_492 : i32
        %get3A_494 = arith.constant 2 : i32
        %get3A_495 = arith.index_cast %get3A_494 : i32 to index
        %get3A_496 = arith.index_cast %add3A_493 : i32 to index
        %get3A_497 = arith.constant 32 : index
        %get3A_498 = tpu.vector_load %arg6[%get3A_495, %get3A_496, %get3A_497] {strides = array<i32>} : memref<4x128x64xf32, #tpu.memory_space<vmem>>, vector<16xf32>,
        %add3A_499 = arith.constant 1 : i32
        %add3A_500 = arith.addi %mul3A_331, %add3A_499 : i32
        %swap3A_501 = arith.constant 2 : i32
        %swap3A_502 = arith.index_cast %swap3A_501 : i32 to index
        %swap3A_503 = arith.index_cast %add3A_500 : i32 to index
        %swap3A_504 = arith.constant 32 : index
        %swap3A_505 = tpu.vector_load %arg7[%swap3A_502, %swap3A_503, %swap3A_504] {strides = array<i32>} : memref<4x64x128xf32, #tpu.memory_space<vmem>>, vector<16xf32>,
        tpu.vector_store %arg7[%swap3A_502, %swap3A_503, %swap3A_504], %get3A_498 {strides = array<i32>} : memref<4x64x128xf32, #tpu.memory_space<vmem>>, vector<16xf32>,
        %add3A_506 = arith.constant 1 : i32
        %add3A_507 = arith.addi %mul3A_331, %add3A_506 : i32
        %add3A_508 = arith.constant 0 : i32
        %add3A_509 = arith.addi %add3A_507, %add3A_508 : i32
        %get3A_510 = arith.constant 2 : i32
        %get3A_511 = arith.index_cast %get3A_510 : i32 to index
        %get3A_512 = arith.index_cast %add3A_509 : i32 to index
        %get3A_513 = arith.constant 48 : index
        %get3A_514 = tpu.vector_load %arg6[%get3A_511, %get3A_512, %get3A_513] {strides = array<i32>} : memref<4x128x64xf32, #tpu.memory_space<vmem>>, vector<16xf32>,
        %add3A_515 = arith.constant 1 : i32
        %add3A_516 = arith.addi %mul3A_331, %add3A_515 : i32
        %swap3A_517 = arith.constant 2 : i32
        %swap3A_518 = arith.index_cast %swap3A_517 : i32 to index
        %swap3A_519 = arith.index_cast %add3A_516 : i32 to index
        %swap3A_520 = arith.constant 48 : index
        %swap3A_521 = tpu.vector_load %arg7[%swap3A_518, %swap3A_519, %swap3A_520] {strides = array<i32>} : memref<4x64x128xf32, #tpu.memory_space<vmem>>, vector<16xf32>,
        tpu.vector_store %arg7[%swap3A_518, %swap3A_519, %swap3A_520], %get3A_514 {strides = array<i32>} : memref<4x64x128xf32, #tpu.memory_space<vmem>>, vector<16xf32>,
        %add3A_522 = arith.constant 1 : i32
        %add3A_523 = arith.addi %mul3A_331, %add3A_522 : i32
        %add3A_524 = arith.constant 64 : i32
        %add3A_525 = arith.addi %add3A_523, %add3A_524 : i32
        %get3A_526 = arith.constant 2 : i32
        %get3A_527 = arith.index_cast %get3A_526 : i32 to index
        %get3A_528 = arith.index_cast %add3A_525 : i32 to index
        %get3A_529 = arith.constant 0 : index
        %get3A_530 = tpu.vector_load %arg6[%get3A_527, %get3A_528, %get3A_529] {strides = array<i32>} : memref<4x128x64xf32, #tpu.memory_space<vmem>>, vector<16xf32>,
        %add3A_531 = arith.constant 1 : i32
        %add3A_532 = arith.addi %mul3A_331, %add3A_531 : i32
        %swap3A_533 = arith.constant 2 : i32
        %swap3A_534 = arith.index_cast %swap3A_533 : i32 to index
        %swap3A_535 = arith.index_cast %add3A_532 : i32 to index
        %swap3A_536 = arith.constant 64 : index
        %swap3A_537 = tpu.vector_load %arg7[%swap3A_534, %swap3A_535, %swap3A_536] {strides = array<i32>} : memref<4x64x128xf32, #tpu.memory_space<vmem>>, vector<16xf32>,
        tpu.vector_store %arg7[%swap3A_534, %swap3A_535, %swap3A_536], %get3A_530 {strides = array<i32>} : memref<4x64x128xf32, #tpu.memory_space<vmem>>, vector<16xf32>,
        %add3A_538 = arith.constant 1 : i32
        %add3A_539 = arith.addi %mul3A_331, %add3A_538 : i32
        %add3A_540 = arith.constant 64 : i32
        %add3A_541 = arith.addi %add3A_539, %add3A_540 : i32
        %get3A_542 = arith.constant 2 : i32
        %get3A_543 = arith.index_cast %get3A_542 : i32 to index
        %get3A_544 = arith.index_cast %add3A_541 : i32 to index
        %get3A_545 = arith.constant 16 : index
        %get3A_546 = tpu.vector_load %arg6[%get3A_543, %get3A_544, %get3A_545] {strides = array<i32>} : memref<4x128x64xf32, #tpu.memory_space<vmem>>, vector<16xf32>,
        %add3A_547 = arith.constant 1 : i32
        %add3A_548 = arith.addi %mul3A_331, %add3A_547 : i32
        %swap3A_549 = arith.constant 2 : i32
        %swap3A_550 = arith.index_cast %swap3A_549 : i32 to index
        %swap3A_551 = arith.index_cast %add3A_548 : i32 to index
        %swap3A_552 = arith.constant 80 : index
        %swap3A_553 = tpu.vector_load %arg7[%swap3A_550, %swap3A_551, %swap3A_552] {strides = array<i32>} : memref<4x64x128xf32, #tpu.memory_space<vmem>>, vector<16xf32>,
        tpu.vector_store %arg7[%swap3A_550, %swap3A_551, %swap3A_552], %get3A_546 {strides = array<i32>} : memref<4x64x128xf32, #tpu.memory_space<vmem>>, vector<16xf32>,
        %add3A_554 = arith.constant 1 : i32
        %add3A_555 = arith.addi %mul3A_331, %add3A_554 : i32
        %add3A_556 = arith.constant 64 : i32
        %add3A_557 = arith.addi %add3A_555, %add3A_556 : i32
        %get3A_558 = arith.constant 2 : i32
        %get3A_559 = arith.index_cast %get3A_558 : i32 to index
        %get3A_560 = arith.index_cast %add3A_557 : i32 to index
        %get3A_561 = arith.constant 32 : index
        %get3A_562 = tpu.vector_load %arg6[%get3A_559, %get3A_560, %get3A_561] {strides = array<i32>} : memref<4x128x64xf32, #tpu.memory_space<vmem>>, vector<16xf32>,
        %add3A_563 = arith.constant 1 : i32
        %add3A_564 = arith.addi %mul3A_331, %add3A_563 : i32
        %swap3A_565 = arith.constant 2 : i32
        %swap3A_566 = arith.index_cast %swap3A_565 : i32 to index
        %swap3A_567 = arith.index_cast %add3A_564 : i32 to index
        %swap3A_568 = arith.constant 96 : index
        %swap3A_569 = tpu.vector_load %arg7[%swap3A_566, %swap3A_567, %swap3A_568] {strides = array<i32>} : memref<4x64x128xf32, #tpu.memory_space<vmem>>, vector<16xf32>,
        tpu.vector_store %arg7[%swap3A_566, %swap3A_567, %swap3A_568], %get3A_562 {strides = array<i32>} : memref<4x64x128xf32, #tpu.memory_space<vmem>>, vector<16xf32>,
        %add3A_570 = arith.constant 1 : i32
        %add3A_571 = arith.addi %mul3A_331, %add3A_570 : i32
        %add3A_572 = arith.constant 64 : i32
        %add3A_573 = arith.addi %add3A_571, %add3A_572 : i32
        %get3A_574 = arith.constant 2 : i32
        %get3A_575 = arith.index_cast %get3A_574 : i32 to index
        %get3A_576 = arith.index_cast %add3A_573 : i32 to index
        %get3A_577 = arith.constant 48 : index
        %get3A_578 = tpu.vector_load %arg6[%get3A_575, %get3A_576, %get3A_577] {strides = array<i32>} : memref<4x128x64xf32, #tpu.memory_space<vmem>>, vector<16xf32>,
        %add3A_579 = arith.constant 1 : i32
        %add3A_580 = arith.addi %mul3A_331, %add3A_579 : i32
        %swap3A_581 = arith.constant 2 : i32
        %swap3A_582 = arith.index_cast %swap3A_581 : i32 to index
        %swap3A_583 = arith.index_cast %add3A_580 : i32 to index
        %swap3A_584 = arith.constant 112 : index
        %swap3A_585 = tpu.vector_load %arg7[%swap3A_582, %swap3A_583, %swap3A_584] {strides = array<i32>} : memref<4x64x128xf32, #tpu.memory_space<vmem>>, vector<16xf32>,
        tpu.vector_store %arg7[%swap3A_582, %swap3A_583, %swap3A_584], %get3A_578 {strides = array<i32>} : memref<4x64x128xf32, #tpu.memory_space<vmem>>, vector<16xf32>,
        %add3A_586 = arith.constant 2 : i32
        %add3A_587 = arith.addi %mul3A_331, %add3A_586 : i32
        %add3A_588 = arith.constant 0 : i32
        %add3A_589 = arith.addi %add3A_587, %add3A_588 : i32
        %get3A_590 = arith.constant 2 : i32
        %get3A_591 = arith.index_cast %get3A_590 : i32 to index
        %get3A_592 = arith.index_cast %add3A_589 : i32 to index
        %get3A_593 = arith.constant 0 : index
        %get3A_594 = tpu.vector_load %arg6[%get3A_591, %get3A_592, %get3A_593] {strides = array<i32>} : memref<4x128x64xf32, #tpu.memory_space<vmem>>, vector<16xf32>,
        %add3A_595 = arith.constant 2 : i32
        %add3A_596 = arith.addi %mul3A_331, %add3A_595 : i32
        %swap3A_597 = arith.constant 2 : i32
        %swap3A_598 = arith.index_cast %swap3A_597 : i32 to index
        %swap3A_599 = arith.index_cast %add3A_596 : i32 to index
        %swap3A_600 = arith.constant 0 : index
        %swap3A_601 = tpu.vector_load %arg7[%swap3A_598, %swap3A_599, %swap3A_600] {strides = array<i32>} : memref<4x64x128xf32, #tpu.memory_space<vmem>>, vector<16xf32>,
        tpu.vector_store %arg7[%swap3A_598, %swap3A_599, %swap3A_600], %get3A_594 {strides = array<i32>} : memref<4x64x128xf32, #tpu.memory_space<vmem>>, vector<16xf32>,
        %add3A_602 = arith.constant 2 : i32
        %add3A_603 = arith.addi %mul3A_331, %add3A_602 : i32
        %add3A_604 = arith.constant 0 : i32
        %add3A_605 = arith.addi %add3A_603, %add3A_604 : i32
        %get3A_606 = arith.constant 2 : i32
        %get3A_607 = arith.index_cast %get3A_606 : i32 to index
        %get3A_608 = arith.index_cast %add3A_605 : i32 to index
        %get3A_609 = arith.constant 16 : index
        %get3A_610 = tpu.vector_load %arg6[%get3A_607, %get3A_608, %get3A_609] {strides = array<i32>} : memref<4x128x64xf32, #tpu.memory_space<vmem>>, vector<16xf32>,
        %add3A_611 = arith.constant 2 : i32
        %add3A_612 = arith.addi %mul3A_331, %add3A_611 : i32
        %swap3A_613 = arith.constant 2 : i32
        %swap3A_614 = arith.index_cast %swap3A_613 : i32 to index
        %swap3A_615 = arith.index_cast %add3A_612 : i32 to index
        %swap3A_616 = arith.constant 16 : index
        %swap3A_617 = tpu.vector_load %arg7[%swap3A_614, %swap3A_615, %swap3A_616] {strides = array<i32>} : memref<4x64x128xf32, #tpu.memory_space<vmem>>, vector<16xf32>,
        tpu.vector_store %arg7[%swap3A_614, %swap3A_615, %swap3A_616], %get3A_610 {strides = array<i32>} : memref<4x64x128xf32, #tpu.memory_space<vmem>>, vector<16xf32>,
        %add3A_618 = arith.constant 2 : i32
        %add3A_619 = arith.addi %mul3A_331, %add3A_618 : i32
        %add3A_620 = arith.constant 0 : i32
        %add3A_621 = arith.addi %add3A_619, %add3A_620 : i32
        %get3A_622 = arith.constant 2 : i32
        %get3A_623 = arith.index_cast %get3A_622 : i32 to index
        %get3A_624 = arith.index_cast %add3A_621 : i32 to index
        %get3A_625 = arith.constant 32 : index
        %get3A_626 = tpu.vector_load %arg6[%get3A_623, %get3A_624, %get3A_625] {strides = array<i32>} : memref<4x128x64xf32, #tpu.memory_space<vmem>>, vector<16xf32>,
        %add3A_627 = arith.constant 2 : i32
        %add3A_628 = arith.addi %mul3A_331, %add3A_627 : i32
        %swap3A_629 = arith.constant 2 : i32
        %swap3A_630 = arith.index_cast %swap3A_629 : i32 to index
        %swap3A_631 = arith.index_cast %add3A_628 : i32 to index
        %swap3A_632 = arith.constant 32 : index
        %swap3A_633 = tpu.vector_load %arg7[%swap3A_630, %swap3A_631, %swap3A_632] {strides = array<i32>} : memref<4x64x128xf32, #tpu.memory_space<vmem>>, vector<16xf32>,
        tpu.vector_store %arg7[%swap3A_630, %swap3A_631, %swap3A_632], %get3A_626 {strides = array<i32>} : memref<4x64x128xf32, #tpu.memory_space<vmem>>, vector<16xf32>,
        %add3A_634 = arith.constant 2 : i32
        %add3A_635 = arith.addi %mul3A_331, %add3A_634 : i32
        %add3A_636 = arith.constant 0 : i32
        %add3A_637 = arith.addi %add3A_635, %add3A_636 : i32
        %get3A_638 = arith.constant 2 : i32
        %get3A_639 = arith.index_cast %get3A_638 : i32 to index
        %get3A_640 = arith.index_cast %add3A_637 : i32 to index
        %get3A_641 = arith.constant 48 : index
        %get3A_642 = tpu.vector_load %arg6[%get3A_639, %get3A_640, %get3A_641] {strides = array<i32>} : memref<4x128x64xf32, #tpu.memory_space<vmem>>, vector<16xf32>,
        %add3A_643 = arith.constant 2 : i32
        %add3A_644 = arith.addi %mul3A_331, %add3A_643 : i32
        %swap3A_645 = arith.constant 2 : i32
        %swap3A_646 = arith.index_cast %swap3A_645 : i32 to index
        %swap3A_647 = arith.index_cast %add3A_644 : i32 to index
        %swap3A_648 = arith.constant 48 : index
        %swap3A_649 = tpu.vector_load %arg7[%swap3A_646, %swap3A_647, %swap3A_648] {strides = array<i32>} : memref<4x64x128xf32, #tpu.memory_space<vmem>>, vector<16xf32>,
        tpu.vector_store %arg7[%swap3A_646, %swap3A_647, %swap3A_648], %get3A_642 {strides = array<i32>} : memref<4x64x128xf32, #tpu.memory_space<vmem>>, vector<16xf32>,
        %add3A_650 = arith.constant 2 : i32
        %add3A_651 = arith.addi %mul3A_331, %add3A_650 : i32
        %add3A_652 = arith.constant 64 : i32
        %add3A_653 = arith.addi %add3A_651, %add3A_652 : i32
        %get3A_654 = arith.constant 2 : i32
        %get3A_655 = arith.index_cast %get3A_654 : i32 to index
        %get3A_656 = arith.index_cast %add3A_653 : i32 to index
        %get3A_657 = arith.constant 0 : index
        %get3A_658 = tpu.vector_load %arg6[%get3A_655, %get3A_656, %get3A_657] {strides = array<i32>} : memref<4x128x64xf32, #tpu.memory_space<vmem>>, vector<16xf32>,
        %add3A_659 = arith.constant 2 : i32
        %add3A_660 = arith.addi %mul3A_331, %add3A_659 : i32
        %swap3A_661 = arith.constant 2 : i32
        %swap3A_662 = arith.index_cast %swap3A_661 : i32 to index
        %swap3A_663 = arith.index_cast %add3A_660 : i32 to index
        %swap3A_664 = arith.constant 64 : index
        %swap3A_665 = tpu.vector_load %arg7[%swap3A_662, %swap3A_663, %swap3A_664] {strides = array<i32>} : memref<4x64x128xf32, #tpu.memory_space<vmem>>, vector<16xf32>,
        tpu.vector_store %arg7[%swap3A_662, %swap3A_663, %swap3A_664], %get3A_658 {strides = array<i32>} : memref<4x64x128xf32, #tpu.memory_space<vmem>>, vector<16xf32>,
        %add3A_666 = arith.constant 2 : i32
        %add3A_667 = arith.addi %mul3A_331, %add3A_666 : i32
        %add3A_668 = arith.constant 64 : i32
        %add3A_669 = arith.addi %add3A_667, %add3A_668 : i32
        %get3A_670 = arith.constant 2 : i32
        %get3A_671 = arith.index_cast %get3A_670 : i32 to index
        %get3A_672 = arith.index_cast %add3A_669 : i32 to index
        %get3A_673 = arith.constant 16 : index
        %get3A_674 = tpu.vector_load %arg6[%get3A_671, %get3A_672, %get3A_673] {strides = array<i32>} : memref<4x128x64xf32, #tpu.memory_space<vmem>>, vector<16xf32>,
        %add3A_675 = arith.constant 2 : i32
        %add3A_676 = arith.addi %mul3A_331, %add3A_675 : i32
        %swap3A_677 = arith.constant 2 : i32
        %swap3A_678 = arith.index_cast %swap3A_677 : i32 to index
        %swap3A_679 = arith.index_cast %add3A_676 : i32 to index
        %swap3A_680 = arith.constant 80 : index
        %swap3A_681 = tpu.vector_load %arg7[%swap3A_678, %swap3A_679, %swap3A_680] {strides = array<i32>} : memref<4x64x128xf32, #tpu.memory_space<vmem>>, vector<16xf32>,
        tpu.vector_store %arg7[%swap3A_678, %swap3A_679, %swap3A_680], %get3A_674 {strides = array<i32>} : memref<4x64x128xf32, #tpu.memory_space<vmem>>, vector<16xf32>,
        %add3A_682 = arith.constant 2 : i32
        %add3A_683 = arith.addi %mul3A_331, %add3A_682 : i32
        %add3A_684 = arith.constant 64 : i32
        %add3A_685 = arith.addi %add3A_683, %add3A_684 : i32
        %get3A_686 = arith.constant 2 : i32
        %get3A_687 = arith.index_cast %get3A_686 : i32 to index
        %get3A_688 = arith.index_cast %add3A_685 : i32 to index
        %get3A_689 = arith.constant 32 : index
        %get3A_690 = tpu.vector_load %arg6[%get3A_687, %get3A_688, %get3A_689] {strides = array<i32>} : memref<4x128x64xf32, #tpu.memory_space<vmem>>, vector<16xf32>,
        %add3A_691 = arith.constant 2 : i32
        %add3A_692 = arith.addi %mul3A_331, %add3A_691 : i32
        %swap3A_693 = arith.constant 2 : i32
        %swap3A_694 = arith.index_cast %swap3A_693 : i32 to index
        %swap3A_695 = arith.index_cast %add3A_692 : i32 to index
        %swap3A_696 = arith.constant 96 : index
        %swap3A_697 = tpu.vector_load %arg7[%swap3A_694, %swap3A_695, %swap3A_696] {strides = array<i32>} : memref<4x64x128xf32, #tpu.memory_space<vmem>>, vector<16xf32>,
        tpu.vector_store %arg7[%swap3A_694, %swap3A_695, %swap3A_696], %get3A_690 {strides = array<i32>} : memref<4x64x128xf32, #tpu.memory_space<vmem>>, vector<16xf32>,
        %add3A_698 = arith.constant 2 : i32
        %add3A_699 = arith.addi %mul3A_331, %add3A_698 : i32
        %add3A_700 = arith.constant 64 : i32
        %add3A_701 = arith.addi %add3A_699, %add3A_700 : i32
        %get3A_702 = arith.constant 2 : i32
        %get3A_703 = arith.index_cast %get3A_702 : i32 to index
        %get3A_704 = arith.index_cast %add3A_701 : i32 to index
        %get3A_705 = arith.constant 48 : index
        %get3A_706 = tpu.vector_load %arg6[%get3A_703, %get3A_704, %get3A_705] {strides = array<i32>} : memref<4x128x64xf32, #tpu.memory_space<vmem>>, vector<16xf32>,
        %add3A_707 = arith.constant 2 : i32
        %add3A_708 = arith.addi %mul3A_331, %add3A_707 : i32
        %swap3A_709 = arith.constant 2 : i32
        %swap3A_710 = arith.index_cast %swap3A_709 : i32 to index
        %swap3A_711 = arith.index_cast %add3A_708 : i32 to index
        %swap3A_712 = arith.constant 112 : index
        %swap3A_713 = tpu.vector_load %arg7[%swap3A_710, %swap3A_711, %swap3A_712] {strides = array<i32>} : memref<4x64x128xf32, #tpu.memory_space<vmem>>, vector<16xf32>,
        tpu.vector_store %arg7[%swap3A_710, %swap3A_711, %swap3A_712], %get3A_706 {strides = array<i32>} : memref<4x64x128xf32, #tpu.memory_space<vmem>>, vector<16xf32>,
        %add3A_714 = arith.constant 3 : i32
        %add3A_715 = arith.addi %mul3A_331, %add3A_714 : i32
        %add3A_716 = arith.constant 0 : i32
        %add3A_717 = arith.addi %add3A_715, %add3A_716 : i32
        %get3A_718 = arith.constant 2 : i32
        %get3A_719 = arith.index_cast %get3A_718 : i32 to index
        %get3A_720 = arith.index_cast %add3A_717 : i32 to index
        %get3A_721 = arith.constant 0 : index
        %get3A_722 = tpu.vector_load %arg6[%get3A_719, %get3A_720, %get3A_721] {strides = array<i32>} : memref<4x128x64xf32, #tpu.memory_space<vmem>>, vector<16xf32>,
        %add3A_723 = arith.constant 3 : i32
        %add3A_724 = arith.addi %mul3A_331, %add3A_723 : i32
        %swap3A_725 = arith.constant 2 : i32
        %swap3A_726 = arith.index_cast %swap3A_725 : i32 to index
        %swap3A_727 = arith.index_cast %add3A_724 : i32 to index
        %swap3A_728 = arith.constant 0 : index
        %swap3A_729 = tpu.vector_load %arg7[%swap3A_726, %swap3A_727, %swap3A_728] {strides = array<i32>} : memref<4x64x128xf32, #tpu.memory_space<vmem>>, vector<16xf32>,
        tpu.vector_store %arg7[%swap3A_726, %swap3A_727, %swap3A_728], %get3A_722 {strides = array<i32>} : memref<4x64x128xf32, #tpu.memory_space<vmem>>, vector<16xf32>,
        %add3A_730 = arith.constant 3 : i32
        %add3A_731 = arith.addi %mul3A_331, %add3A_730 : i32
        %add3A_732 = arith.constant 0 : i32
        %add3A_733 = arith.addi %add3A_731, %add3A_732 : i32
        %get3A_734 = arith.constant 2 : i32
        %get3A_735 = arith.index_cast %get3A_734 : i32 to index
        %get3A_736 = arith.index_cast %add3A_733 : i32 to index
        %get3A_737 = arith.constant 16 : index
        %get3A_738 = tpu.vector_load %arg6[%get3A_735, %get3A_736, %get3A_737] {strides = array<i32>} : memref<4x128x64xf32, #tpu.memory_space<vmem>>, vector<16xf32>,
        %add3A_739 = arith.constant 3 : i32
        %add3A_740 = arith.addi %mul3A_331, %add3A_739 : i32
        %swap3A_741 = arith.constant 2 : i32
        %swap3A_742 = arith.index_cast %swap3A_741 : i32 to index
        %swap3A_743 = arith.index_cast %add3A_740 : i32 to index
        %swap3A_744 = arith.constant 16 : index
        %swap3A_745 = tpu.vector_load %arg7[%swap3A_742, %swap3A_743, %swap3A_744] {strides = array<i32>} : memref<4x64x128xf32, #tpu.memory_space<vmem>>, vector<16xf32>,
        tpu.vector_store %arg7[%swap3A_742, %swap3A_743, %swap3A_744], %get3A_738 {strides = array<i32>} : memref<4x64x128xf32, #tpu.memory_space<vmem>>, vector<16xf32>,
        %add3A_746 = arith.constant 3 : i32
        %add3A_747 = arith.addi %mul3A_331, %add3A_746 : i32
        %add3A_748 = arith.constant 0 : i32
        %add3A_749 = arith.addi %add3A_747, %add3A_748 : i32
        %get3A_750 = arith.constant 2 : i32
        %get3A_751 = arith.index_cast %get3A_750 : i32 to index
        %get3A_752 = arith.index_cast %add3A_749 : i32 to index
        %get3A_753 = arith.constant 32 : index
        %get3A_754 = tpu.vector_load %arg6[%get3A_751, %get3A_752, %get3A_753] {strides = array<i32>} : memref<4x128x64xf32, #tpu.memory_space<vmem>>, vector<16xf32>,
        %add3A_755 = arith.constant 3 : i32
        %add3A_756 = arith.addi %mul3A_331, %add3A_755 : i32
        %swap3A_757 = arith.constant 2 : i32
        %swap3A_758 = arith.index_cast %swap3A_757 : i32 to index
        %swap3A_759 = arith.index_cast %add3A_756 : i32 to index
        %swap3A_760 = arith.constant 32 : index
        %swap3A_761 = tpu.vector_load %arg7[%swap3A_758, %swap3A_759, %swap3A_760] {strides = array<i32>} : memref<4x64x128xf32, #tpu.memory_space<vmem>>, vector<16xf32>,
        tpu.vector_store %arg7[%swap3A_758, %swap3A_759, %swap3A_760], %get3A_754 {strides = array<i32>} : memref<4x64x128xf32, #tpu.memory_space<vmem>>, vector<16xf32>,
        %add3A_762 = arith.constant 3 : i32
        %add3A_763 = arith.addi %mul3A_331, %add3A_762 : i32
        %add3A_764 = arith.constant 0 : i32
        %add3A_765 = arith.addi %add3A_763, %add3A_764 : i32
        %get3A_766 = arith.constant 2 : i32
        %get3A_767 = arith.index_cast %get3A_766 : i32 to index
        %get3A_768 = arith.index_cast %add3A_765 : i32 to index
        %get3A_769 = arith.constant 48 : index
        %get3A_770 = tpu.vector_load %arg6[%get3A_767, %get3A_768, %get3A_769] {strides = array<i32>} : memref<4x128x64xf32, #tpu.memory_space<vmem>>, vector<16xf32>,
        %add3A_771 = arith.constant 3 : i32
        %add3A_772 = arith.addi %mul3A_331, %add3A_771 : i32
        %swap3A_773 = arith.constant 2 : i32
        %swap3A_774 = arith.index_cast %swap3A_773 : i32 to index
        %swap3A_775 = arith.index_cast %add3A_772 : i32 to index
        %swap3A_776 = arith.constant 48 : index
        %swap3A_777 = tpu.vector_load %arg7[%swap3A_774, %swap3A_775, %swap3A_776] {strides = array<i32>} : memref<4x64x128xf32, #tpu.memory_space<vmem>>, vector<16xf32>,
        tpu.vector_store %arg7[%swap3A_774, %swap3A_775, %swap3A_776], %get3A_770 {strides = array<i32>} : memref<4x64x128xf32, #tpu.memory_space<vmem>>, vector<16xf32>,
        %add3A_778 = arith.constant 3 : i32
        %add3A_779 = arith.addi %mul3A_331, %add3A_778 : i32
        %add3A_780 = arith.constant 64 : i32
        %add3A_781 = arith.addi %add3A_779, %add3A_780 : i32
        %get3A_782 = arith.constant 2 : i32
        %get3A_783 = arith.index_cast %get3A_782 : i32 to index
        %get3A_784 = arith.index_cast %add3A_781 : i32 to index
        %get3A_785 = arith.constant 0 : index
        %get3A_786 = tpu.vector_load %arg6[%get3A_783, %get3A_784, %get3A_785] {strides = array<i32>} : memref<4x128x64xf32, #tpu.memory_space<vmem>>, vector<16xf32>,
        %add3A_787 = arith.constant 3 : i32
        %add3A_788 = arith.addi %mul3A_331, %add3A_787 : i32
        %swap3A_789 = arith.constant 2 : i32
        %swap3A_790 = arith.index_cast %swap3A_789 : i32 to index
        %swap3A_791 = arith.index_cast %add3A_788 : i32 to index
        %swap3A_792 = arith.constant 64 : index
        %swap3A_793 = tpu.vector_load %arg7[%swap3A_790, %swap3A_791, %swap3A_792] {strides = array<i32>} : memref<4x64x128xf32, #tpu.memory_space<vmem>>, vector<16xf32>,
        tpu.vector_store %arg7[%swap3A_790, %swap3A_791, %swap3A_792], %get3A_786 {strides = array<i32>} : memref<4x64x128xf32, #tpu.memory_space<vmem>>, vector<16xf32>,
        %add3A_794 = arith.constant 3 : i32
        %add3A_795 = arith.addi %mul3A_331, %add3A_794 : i32
        %add3A_796 = arith.constant 64 : i32
        %add3A_797 = arith.addi %add3A_795, %add3A_796 : i32
        %get3A_798 = arith.constant 2 : i32
        %get3A_799 = arith.index_cast %get3A_798 : i32 to index
        %get3A_800 = arith.index_cast %add3A_797 : i32 to index
        %get3A_801 = arith.constant 16 : index
        %get3A_802 = tpu.vector_load %arg6[%get3A_799, %get3A_800, %get3A_801] {strides = array<i32>} : memref<4x128x64xf32, #tpu.memory_space<vmem>>, vector<16xf32>,
        %add3A_803 = arith.constant 3 : i32
        %add3A_804 = arith.addi %mul3A_331, %add3A_803 : i32
        %swap3A_805 = arith.constant 2 : i32
        %swap3A_806 = arith.index_cast %swap3A_805 : i32 to index
        %swap3A_807 = arith.index_cast %add3A_804 : i32 to index
        %swap3A_808 = arith.constant 80 : index
        %swap3A_809 = tpu.vector_load %arg7[%swap3A_806, %swap3A_807, %swap3A_808] {strides = array<i32>} : memref<4x64x128xf32, #tpu.memory_space<vmem>>, vector<16xf32>,
        tpu.vector_store %arg7[%swap3A_806, %swap3A_807, %swap3A_808], %get3A_802 {strides = array<i32>} : memref<4x64x128xf32, #tpu.memory_space<vmem>>, vector<16xf32>,
        %add3A_810 = arith.constant 3 : i32
        %add3A_811 = arith.addi %mul3A_331, %add3A_810 : i32
        %add3A_812 = arith.constant 64 : i32
        %add3A_813 = arith.addi %add3A_811, %add3A_812 : i32
        %get3A_814 = arith.constant 2 : i32
        %get3A_815 = arith.index_cast %get3A_814 : i32 to index
        %get3A_816 = arith.index_cast %add3A_813 : i32 to index
        %get3A_817 = arith.constant 32 : index
        %get3A_818 = tpu.vector_load %arg6[%get3A_815, %get3A_816, %get3A_817] {strides = array<i32>} : memref<4x128x64xf32, #tpu.memory_space<vmem>>, vector<16xf32>,
        %add3A_819 = arith.constant 3 : i32
        %add3A_820 = arith.addi %mul3A_331, %add3A_819 : i32
        %swap3A_821 = arith.constant 2 : i32
        %swap3A_822 = arith.index_cast %swap3A_821 : i32 to index
        %swap3A_823 = arith.index_cast %add3A_820 : i32 to index
        %swap3A_824 = arith.constant 96 : index
        %swap3A_825 = tpu.vector_load %arg7[%swap3A_822, %swap3A_823, %swap3A_824] {strides = array<i32>} : memref<4x64x128xf32, #tpu.memory_space<vmem>>, vector<16xf32>,
        tpu.vector_store %arg7[%swap3A_822, %swap3A_823, %swap3A_824], %get3A_818 {strides = array<i32>} : memref<4x64x128xf32, #tpu.memory_space<vmem>>, vector<16xf32>,
        %add3A_826 = arith.constant 3 : i32
        %add3A_827 = arith.addi %mul3A_331, %add3A_826 : i32
        %add3A_828 = arith.constant 64 : i32
        %add3A_829 = arith.addi %add3A_827, %add3A_828 : i32
        %get3A_830 = arith.constant 2 : i32
        %get3A_831 = arith.index_cast %get3A_830 : i32 to index
        %get3A_832 = arith.index_cast %add3A_829 : i32 to index
        %get3A_833 = arith.constant 48 : index
        %get3A_834 = tpu.vector_load %arg6[%get3A_831, %get3A_832, %get3A_833] {strides = array<i32>} : memref<4x128x64xf32, #tpu.memory_space<vmem>>, vector<16xf32>,
        %add3A_835 = arith.constant 3 : i32
        %add3A_836 = arith.addi %mul3A_331, %add3A_835 : i32
        %swap3A_837 = arith.constant 2 : i32
        %swap3A_838 = arith.index_cast %swap3A_837 : i32 to index
        %swap3A_839 = arith.index_cast %add3A_836 : i32 to index
        %swap3A_840 = arith.constant 112 : index
        %swap3A_841 = tpu.vector_load %arg7[%swap3A_838, %swap3A_839, %swap3A_840] {strides = array<i32>} : memref<4x64x128xf32, #tpu.memory_space<vmem>>, vector<16xf32>,
        tpu.vector_store %arg7[%swap3A_838, %swap3A_839, %swap3A_840], %get3A_834 {strides = array<i32>} : memref<4x64x128xf32, #tpu.memory_space<vmem>>, vector<16xf32>,
        %add3A_842 = arith.constant 4 : i32
        %add3A_843 = arith.addi %mul3A_331, %add3A_842 : i32
        %add3A_844 = arith.constant 0 : i32
        %add3A_845 = arith.addi %add3A_843, %add3A_844 : i32
        %get3A_846 = arith.constant 2 : i32
        %get3A_847 = arith.index_cast %get3A_846 : i32 to index
        %get3A_848 = arith.index_cast %add3A_845 : i32 to index
        %get3A_849 = arith.constant 0 : index
        %get3A_850 = tpu.vector_load %arg6[%get3A_847, %get3A_848, %get3A_849] {strides = array<i32>} : memref<4x128x64xf32, #tpu.memory_space<vmem>>, vector<16xf32>,
        %add3A_851 = arith.constant 4 : i32
        %add3A_852 = arith.addi %mul3A_331, %add3A_851 : i32
        %swap3A_853 = arith.constant 2 : i32
        %swap3A_854 = arith.index_cast %swap3A_853 : i32 to index
        %swap3A_855 = arith.index_cast %add3A_852 : i32 to index
        %swap3A_856 = arith.constant 0 : index
        %swap3A_857 = tpu.vector_load %arg7[%swap3A_854, %swap3A_855, %swap3A_856] {strides = array<i32>} : memref<4x64x128xf32, #tpu.memory_space<vmem>>, vector<16xf32>,
        tpu.vector_store %arg7[%swap3A_854, %swap3A_855, %swap3A_856], %get3A_850 {strides = array<i32>} : memref<4x64x128xf32, #tpu.memory_space<vmem>>, vector<16xf32>,
        %add3A_858 = arith.constant 4 : i32
        %add3A_859 = arith.addi %mul3A_331, %add3A_858 : i32
        %add3A_860 = arith.constant 0 : i32
        %add3A_861 = arith.addi %add3A_859, %add3A_860 : i32
        %get3A_862 = arith.constant 2 : i32
        %get3A_863 = arith.index_cast %get3A_862 : i32 to index
        %get3A_864 = arith.index_cast %add3A_861 : i32 to index
        %get3A_865 = arith.constant 16 : index
        %get3A_866 = tpu.vector_load %arg6[%get3A_863, %get3A_864, %get3A_865] {strides = array<i32>} : memref<4x128x64xf32, #tpu.memory_space<vmem>>, vector<16xf32>,
        %add3A_867 = arith.constant 4 : i32
        %add3A_868 = arith.addi %mul3A_331, %add3A_867 : i32
        %swap3A_869 = arith.constant 2 : i32
        %swap3A_870 = arith.index_cast %swap3A_869 : i32 to index
        %swap3A_871 = arith.index_cast %add3A_868 : i32 to index
        %swap3A_872 = arith.constant 16 : index
        %swap3A_873 = tpu.vector_load %arg7[%swap3A_870, %swap3A_871, %swap3A_872] {strides = array<i32>} : memref<4x64x128xf32, #tpu.memory_space<vmem>>, vector<16xf32>,
        tpu.vector_store %arg7[%swap3A_870, %swap3A_871, %swap3A_872], %get3A_866 {strides = array<i32>} : memref<4x64x128xf32, #tpu.memory_space<vmem>>, vector<16xf32>,
        %add3A_874 = arith.constant 4 : i32
        %add3A_875 = arith.addi %mul3A_331, %add3A_874 : i32
        %add3A_876 = arith.constant 0 : i32
        %add3A_877 = arith.addi %add3A_875, %add3A_876 : i32
        %get3A_878 = arith.constant 2 : i32
        %get3A_879 = arith.index_cast %get3A_878 : i32 to index
        %get3A_880 = arith.index_cast %add3A_877 : i32 to index
        %get3A_881 = arith.constant 32 : index
        %get3A_882 = tpu.vector_load %arg6[%get3A_879, %get3A_880, %get3A_881] {strides = array<i32>} : memref<4x128x64xf32, #tpu.memory_space<vmem>>, vector<16xf32>,
        %add3A_883 = arith.constant 4 : i32
        %add3A_884 = arith.addi %mul3A_331, %add3A_883 : i32
        %swap3A_885 = arith.constant 2 : i32
        %swap3A_886 = arith.index_cast %swap3A_885 : i32 to index
        %swap3A_887 = arith.index_cast %add3A_884 : i32 to index
        %swap3A_888 = arith.constant 32 : index
        %swap3A_889 = tpu.vector_load %arg7[%swap3A_886, %swap3A_887, %swap3A_888] {strides = array<i32>} : memref<4x64x128xf32, #tpu.memory_space<vmem>>, vector<16xf32>,
        tpu.vector_store %arg7[%swap3A_886, %swap3A_887, %swap3A_888], %get3A_882 {strides = array<i32>} : memref<4x64x128xf32, #tpu.memory_space<vmem>>, vector<16xf32>,
        %add3A_890 = arith.constant 4 : i32
        %add3A_891 = arith.addi %mul3A_331, %add3A_890 : i32
        %add3A_892 = arith.constant 0 : i32
        %add3A_893 = arith.addi %add3A_891, %add3A_892 : i32
        %get3A_894 = arith.constant 2 : i32
        %get3A_895 = arith.index_cast %get3A_894 : i32 to index
        %get3A_896 = arith.index_cast %add3A_893 : i32 to index
        %get3A_897 = arith.constant 48 : index
        %get3A_898 = tpu.vector_load %arg6[%get3A_895, %get3A_896, %get3A_897] {strides = array<i32>} : memref<4x128x64xf32, #tpu.memory_space<vmem>>, vector<16xf32>,
        %add3A_899 = arith.constant 4 : i32
        %add3A_900 = arith.addi %mul3A_331, %add3A_899 : i32
        %swap3A_901 = arith.constant 2 : i32
        %swap3A_902 = arith.index_cast %swap3A_901 : i32 to index
        %swap3A_903 = arith.index_cast %add3A_900 : i32 to index
        %swap3A_904 = arith.constant 48 : index
        %swap3A_905 = tpu.vector_load %arg7[%swap3A_902, %swap3A_903, %swap3A_904] {strides = array<i32>} : memref<4x64x128xf32, #tpu.memory_space<vmem>>, vector<16xf32>,
        tpu.vector_store %arg7[%swap3A_902, %swap3A_903, %swap3A_904], %get3A_898 {strides = array<i32>} : memref<4x64x128xf32, #tpu.memory_space<vmem>>, vector<16xf32>,
        %add3A_906 = arith.constant 4 : i32
        %add3A_907 = arith.addi %mul3A_331, %add3A_906 : i32
        %add3A_908 = arith.constant 64 : i32
        %add3A_909 = arith.addi %add3A_907, %add3A_908 : i32
        %get3A_910 = arith.constant 2 : i32
        %get3A_911 = arith.index_cast %get3A_910 : i32 to index
        %get3A_912 = arith.index_cast %add3A_909 : i32 to index
        %get3A_913 = arith.constant 0 : index
        %get3A_914 = tpu.vector_load %arg6[%get3A_911, %get3A_912, %get3A_913] {strides = array<i32>} : memref<4x128x64xf32, #tpu.memory_space<vmem>>, vector<16xf32>,
        %add3A_915 = arith.constant 4 : i32
        %add3A_916 = arith.addi %mul3A_331, %add3A_915 : i32
        %swap3A_917 = arith.constant 2 : i32
        %swap3A_918 = arith.index_cast %swap3A_917 : i32 to index
        %swap3A_919 = arith.index_cast %add3A_916 : i32 to index
        %swap3A_920 = arith.constant 64 : index
        %swap3A_921 = tpu.vector_load %arg7[%swap3A_918, %swap3A_919, %swap3A_920] {strides = array<i32>} : memref<4x64x128xf32, #tpu.memory_space<vmem>>, vector<16xf32>,
        tpu.vector_store %arg7[%swap3A_918, %swap3A_919, %swap3A_920], %get3A_914 {strides = array<i32>} : memref<4x64x128xf32, #tpu.memory_space<vmem>>, vector<16xf32>,
        %add3A_922 = arith.constant 4 : i32
        %add3A_923 = arith.addi %mul3A_331, %add3A_922 : i32
        %add3A_924 = arith.constant 64 : i32
        %add3A_925 = arith.addi %add3A_923, %add3A_924 : i32
        %get3A_926 = arith.constant 2 : i32
        %get3A_927 = arith.index_cast %get3A_926 : i32 to index
        %get3A_928 = arith.index_cast %add3A_925 : i32 to index
        %get3A_929 = arith.constant 16 : index
        %get3A_930 = tpu.vector_load %arg6[%get3A_927, %get3A_928, %get3A_929] {strides = array<i32>} : memref<4x128x64xf32, #tpu.memory_space<vmem>>, vector<16xf32>,
        %add3A_931 = arith.constant 4 : i32
        %add3A_932 = arith.addi %mul3A_331, %add3A_931 : i32
        %swap3A_933 = arith.constant 2 : i32
        %swap3A_934 = arith.index_cast %swap3A_933 : i32 to index
        %swap3A_935 = arith.index_cast %add3A_932 : i32 to index
        %swap3A_936 = arith.constant 80 : index
        %swap3A_937 = tpu.vector_load %arg7[%swap3A_934, %swap3A_935, %swap3A_936] {strides = array<i32>} : memref<4x64x128xf32, #tpu.memory_space<vmem>>, vector<16xf32>,
        tpu.vector_store %arg7[%swap3A_934, %swap3A_935, %swap3A_936], %get3A_930 {strides = array<i32>} : memref<4x64x128xf32, #tpu.memory_space<vmem>>, vector<16xf32>,
        %add3A_938 = arith.constant 4 : i32
        %add3A_939 = arith.addi %mul3A_331, %add3A_938 : i32
        %add3A_940 = arith.constant 64 : i32
        %add3A_941 = arith.addi %add3A_939, %add3A_940 : i32
        %get3A_942 = arith.constant 2 : i32
        %get3A_943 = arith.index_cast %get3A_942 : i32 to index
        %get3A_944 = arith.index_cast %add3A_941 : i32 to index
        %get3A_945 = arith.constant 32 : index
        %get3A_946 = tpu.vector_load %arg6[%get3A_943, %get3A_944, %get3A_945] {strides = array<i32>} : memref<4x128x64xf32, #tpu.memory_space<vmem>>, vector<16xf32>,
        %add3A_947 = arith.constant 4 : i32
        %add3A_948 = arith.addi %mul3A_331, %add3A_947 : i32
        %swap3A_949 = arith.constant 2 : i32
        %swap3A_950 = arith.index_cast %swap3A_949 : i32 to index
        %swap3A_951 = arith.index_cast %add3A_948 : i32 to index
        %swap3A_952 = arith.constant 96 : index
        %swap3A_953 = tpu.vector_load %arg7[%swap3A_950, %swap3A_951, %swap3A_952] {strides = array<i32>} : memref<4x64x128xf32, #tpu.memory_space<vmem>>, vector<16xf32>,
        tpu.vector_store %arg7[%swap3A_950, %swap3A_951, %swap3A_952], %get3A_946 {strides = array<i32>} : memref<4x64x128xf32, #tpu.memory_space<vmem>>, vector<16xf32>,
        %add3A_954 = arith.constant 4 : i32
        %add3A_955 = arith.addi %mul3A_331, %add3A_954 : i32
        %add3A_956 = arith.constant 64 : i32
        %add3A_957 = arith.addi %add3A_955, %add3A_956 : i32
        %get3A_958 = arith.constant 2 : i32
        %get3A_959 = arith.index_cast %get3A_958 : i32 to index
        %get3A_960 = arith.index_cast %add3A_957 : i32 to index
        %get3A_961 = arith.constant 48 : index
        %get3A_962 = tpu.vector_load %arg6[%get3A_959, %get3A_960, %get3A_961] {strides = array<i32>} : memref<4x128x64xf32, #tpu.memory_space<vmem>>, vector<16xf32>,
        %add3A_963 = arith.constant 4 : i32
        %add3A_964 = arith.addi %mul3A_331, %add3A_963 : i32
        %swap3A_965 = arith.constant 2 : i32
        %swap3A_966 = arith.index_cast %swap3A_965 : i32 to index
        %swap3A_967 = arith.index_cast %add3A_964 : i32 to index
        %swap3A_968 = arith.constant 112 : index
        %swap3A_969 = tpu.vector_load %arg7[%swap3A_966, %swap3A_967, %swap3A_968] {strides = array<i32>} : memref<4x64x128xf32, #tpu.memory_space<vmem>>, vector<16xf32>,
        tpu.vector_store %arg7[%swap3A_966, %swap3A_967, %swap3A_968], %get3A_962 {strides = array<i32>} : memref<4x64x128xf32, #tpu.memory_space<vmem>>, vector<16xf32>,
        %add3A_970 = arith.constant 5 : i32
        %add3A_971 = arith.addi %mul3A_331, %add3A_970 : i32
        %add3A_972 = arith.constant 0 : i32
        %add3A_973 = arith.addi %add3A_971, %add3A_972 : i32
        %get3A_974 = arith.constant 2 : i32
        %get3A_975 = arith.index_cast %get3A_974 : i32 to index
        %get3A_976 = arith.index_cast %add3A_973 : i32 to index
        %get3A_977 = arith.constant 0 : index
        %get3A_978 = tpu.vector_load %arg6[%get3A_975, %get3A_976, %get3A_977] {strides = array<i32>} : memref<4x128x64xf32, #tpu.memory_space<vmem>>, vector<16xf32>,
        %add3A_979 = arith.constant 5 : i32
        %add3A_980 = arith.addi %mul3A_331, %add3A_979 : i32
        %swap3A_981 = arith.constant 2 : i32
        %swap3A_982 = arith.index_cast %swap3A_981 : i32 to index
        %swap3A_983 = arith.index_cast %add3A_980 : i32 to index
        %swap3A_984 = arith.constant 0 : index
        %swap3A_985 = tpu.vector_load %arg7[%swap3A_982, %swap3A_983, %swap3A_984] {strides = array<i32>} : memref<4x64x128xf32, #tpu.memory_space<vmem>>, vector<16xf32>,
        tpu.vector_store %arg7[%swap3A_982, %swap3A_983, %swap3A_984], %get3A_978 {strides = array<i32>} : memref<4x64x128xf32, #tpu.memory_space<vmem>>, vector<16xf32>,
        %add3A_986 = arith.constant 5 : i32
        %add3A_987 = arith.addi %mul3A_331, %add3A_986 : i32
        %add3A_988 = arith.constant 0 : i32
        %add3A_989 = arith.addi %add3A_987, %add3A_988 : i32
        %get3A_990 = arith.constant 2 : i32
        %get3A_991 = arith.index_cast %get3A_990 : i32 to index
        %get3A_992 = arith.index_cast %add3A_989 : i32 to index
        %get3A_993 = arith.constant 16 : index
        %get3A_994 = tpu.vector_load %arg6[%get3A_991, %get3A_992, %get3A_993] {strides = array<i32>} : memref<4x128x64xf32, #tpu.memory_space<vmem>>, vector<16xf32>,
        %add3A_995 = arith.constant 5 : i32
        %add3A_996 = arith.addi %mul3A_331, %add3A_995 : i32
        %swap3A_997 = arith.constant 2 : i32
        %swap3A_998 = arith.index_cast %swap3A_997 : i32 to index
        %swap3A_999 = arith.index_cast %add3A_996 : i32 to index
        %swap3A_1000 = arith.constant 16 : index
        %swap3A_1001 = tpu.vector_load %arg7[%swap3A_998, %swap3A_999, %swap3A_1000] {strides = array<i32>} : memref<4x64x128xf32, #tpu.memory_space<vmem>>, vector<16xf32>,
        tpu.vector_store %arg7[%swap3A_998, %swap3A_999, %swap3A_1000], %get3A_994 {strides = array<i32>} : memref<4x64x128xf32, #tpu.memory_space<vmem>>, vector<16xf32>,
        %add3A_1002 = arith.constant 5 : i32
        %add3A_1003 = arith.addi %mul3A_331, %add3A_1002 : i32
        %add3A_1004 = arith.constant 0 : i32
        %add3A_1005 = arith.addi %add3A_1003, %add3A_1004 : i32
        %get3A_1006 = arith.constant 2 : i32
        %get3A_1007 = arith.index_cast %get3A_1006 : i32 to index
        %get3A_1008 = arith.index_cast %add3A_1005 : i32 to index
        %get3A_1009 = arith.constant 32 : index
        %get3A_1010 = tpu.vector_load %arg6[%get3A_1007, %get3A_1008, %get3A_1009] {strides = array<i32>} : memref<4x128x64xf32, #tpu.memory_space<vmem>>, vector<16xf32>,
        %add3A_1011 = arith.constant 5 : i32
        %add3A_1012 = arith.addi %mul3A_331, %add3A_1011 : i32
        %swap3A_1013 = arith.constant 2 : i32
        %swap3A_1014 = arith.index_cast %swap3A_1013 : i32 to index
        %swap3A_1015 = arith.index_cast %add3A_1012 : i32 to index
        %swap3A_1016 = arith.constant 32 : index
        %swap3A_1017 = tpu.vector_load %arg7[%swap3A_1014, %swap3A_1015, %swap3A_1016] {strides = array<i32>} : memref<4x64x128xf32, #tpu.memory_space<vmem>>, vector<16xf32>,
        tpu.vector_store %arg7[%swap3A_1014, %swap3A_1015, %swap3A_1016], %get3A_1010 {strides = array<i32>} : memref<4x64x128xf32, #tpu.memory_space<vmem>>, vector<16xf32>,
        %add3A_1018 = arith.constant 5 : i32
        %add3A_1019 = arith.addi %mul3A_331, %add3A_1018 : i32
        %add3A_1020 = arith.constant 0 : i32
        %add3A_1021 = arith.addi %add3A_1019, %add3A_1020 : i32
        %get3A_1022 = arith.constant 2 : i32
        %get3A_1023 = arith.index_cast %get3A_1022 : i32 to index
        %get3A_1024 = arith.index_cast %add3A_1021 : i32 to index
        %get3A_1025 = arith.constant 48 : index
        %get3A_1026 = tpu.vector_load %arg6[%get3A_1023, %get3A_1024, %get3A_1025] {strides = array<i32>} : memref<4x128x64xf32, #tpu.memory_space<vmem>>, vector<16xf32>,
        %add3A_1027 = arith.constant 5 : i32
        %add3A_1028 = arith.addi %mul3A_331, %add3A_1027 : i32
        %swap3A_1029 = arith.constant 2 : i32
        %swap3A_1030 = arith.index_cast %swap3A_1029 : i32 to index
        %swap3A_1031 = arith.index_cast %add3A_1028 : i32 to index
        %swap3A_1032 = arith.constant 48 : index
        %swap3A_1033 = tpu.vector_load %arg7[%swap3A_1030, %swap3A_1031, %swap3A_1032] {strides = array<i32>} : memref<4x64x128xf32, #tpu.memory_space<vmem>>, vector<16xf32>,
        tpu.vector_store %arg7[%swap3A_1030, %swap3A_1031, %swap3A_1032], %get3A_1026 {strides = array<i32>} : memref<4x64x128xf32, #tpu.memory_space<vmem>>, vector<16xf32>,
        %add3A_1034 = arith.constant 5 : i32
        %add3A_1035 = arith.addi %mul3A_331, %add3A_1034 : i32
        %add3A_1036 = arith.constant 64 : i32
        %add3A_1037 = arith.addi %add3A_1035, %add3A_1036 : i32
        %get3A_1038 = arith.constant 2 : i32
        %get3A_1039 = arith.index_cast %get3A_1038 : i32 to index
        %get3A_1040 = arith.index_cast %add3A_1037 : i32 to index
        %get3A_1041 = arith.constant 0 : index
        %get3A_1042 = tpu.vector_load %arg6[%get3A_1039, %get3A_1040, %get3A_1041] {strides = array<i32>} : memref<4x128x64xf32, #tpu.memory_space<vmem>>, vector<16xf32>,
        %add3A_1043 = arith.constant 5 : i32
        %add3A_1044 = arith.addi %mul3A_331, %add3A_1043 : i32
        %swap3A_1045 = arith.constant 2 : i32
        %swap3A_1046 = arith.index_cast %swap3A_1045 : i32 to index
        %swap3A_1047 = arith.index_cast %add3A_1044 : i32 to index
        %swap3A_1048 = arith.constant 64 : index
        %swap3A_1049 = tpu.vector_load %arg7[%swap3A_1046, %swap3A_1047, %swap3A_1048] {strides = array<i32>} : memref<4x64x128xf32, #tpu.memory_space<vmem>>, vector<16xf32>,
        tpu.vector_store %arg7[%swap3A_1046, %swap3A_1047, %swap3A_1048], %get3A_1042 {strides = array<i32>} : memref<4x64x128xf32, #tpu.memory_space<vmem>>, vector<16xf32>,
        %add3A_1050 = arith.constant 5 : i32
        %add3A_1051 = arith.addi %mul3A_331, %add3A_1050 : i32
        %add3A_1052 = arith.constant 64 : i32
        %add3A_1053 = arith.addi %add3A_1051, %add3A_1052 : i32
        %get3A_1054 = arith.constant 2 : i32
        %get3A_1055 = arith.index_cast %get3A_1054 : i32 to index
        %get3A_1056 = arith.index_cast %add3A_1053 : i32 to index
        %get3A_1057 = arith.constant 16 : index
        %get3A_1058 = tpu.vector_load %arg6[%get3A_1055, %get3A_1056, %get3A_1057] {strides = array<i32>} : memref<4x128x64xf32, #tpu.memory_space<vmem>>, vector<16xf32>,
        %add3A_1059 = arith.constant 5 : i32
        %add3A_1060 = arith.addi %mul3A_331, %add3A_1059 : i32
        %swap3A_1061 = arith.constant 2 : i32
        %swap3A_1062 = arith.index_cast %swap3A_1061 : i32 to index
        %swap3A_1063 = arith.index_cast %add3A_1060 : i32 to index
        %swap3A_1064 = arith.constant 80 : index
        %swap3A_1065 = tpu.vector_load %arg7[%swap3A_1062, %swap3A_1063, %swap3A_1064] {strides = array<i32>} : memref<4x64x128xf32, #tpu.memory_space<vmem>>, vector<16xf32>,
        tpu.vector_store %arg7[%swap3A_1062, %swap3A_1063, %swap3A_1064], %get3A_1058 {strides = array<i32>} : memref<4x64x128xf32, #tpu.memory_space<vmem>>, vector<16xf32>,
        %add3A_1066 = arith.constant 5 : i32
        %add3A_1067 = arith.addi %mul3A_331, %add3A_1066 : i32
        %add3A_1068 = arith.constant 64 : i32
        %add3A_1069 = arith.addi %add3A_1067, %add3A_1068 : i32
        %get3A_1070 = arith.constant 2 : i32
        %get3A_1071 = arith.index_cast %get3A_1070 : i32 to index
        %get3A_1072 = arith.index_cast %add3A_1069 : i32 to index
        %get3A_1073 = arith.constant 32 : index
        %get3A_1074 = tpu.vector_load %arg6[%get3A_1071, %get3A_1072, %get3A_1073] {strides = array<i32>} : memref<4x128x64xf32, #tpu.memory_space<vmem>>, vector<16xf32>,
        %add3A_1075 = arith.constant 5 : i32
        %add3A_1076 = arith.addi %mul3A_331, %add3A_1075 : i32
        %swap3A_1077 = arith.constant 2 : i32
        %swap3A_1078 = arith.index_cast %swap3A_1077 : i32 to index
        %swap3A_1079 = arith.index_cast %add3A_1076 : i32 to index
        %swap3A_1080 = arith.constant 96 : index
        %swap3A_1081 = tpu.vector_load %arg7[%swap3A_1078, %swap3A_1079, %swap3A_1080] {strides = array<i32>} : memref<4x64x128xf32, #tpu.memory_space<vmem>>, vector<16xf32>,
        tpu.vector_store %arg7[%swap3A_1078, %swap3A_1079, %swap3A_1080], %get3A_1074 {strides = array<i32>} : memref<4x64x128xf32, #tpu.memory_space<vmem>>, vector<16xf32>,
        %add3A_1082 = arith.constant 5 : i32
        %add3A_1083 = arith.addi %mul3A_331, %add3A_1082 : i32
        %add3A_1084 = arith.constant 64 : i32
        %add3A_1085 = arith.addi %add3A_1083, %add3A_1084 : i32
        %get3A_1086 = arith.constant 2 : i32
        %get3A_1087 = arith.index_cast %get3A_1086 : i32 to index
        %get3A_1088 = arith.index_cast %add3A_1085 : i32 to index
        %get3A_1089 = arith.constant 48 : index
        %get3A_1090 = tpu.vector_load %arg6[%get3A_1087, %get3A_1088, %get3A_1089] {strides = array<i32>} : memref<4x128x64xf32, #tpu.memory_space<vmem>>, vector<16xf32>,
        %add3A_1091 = arith.constant 5 : i32
        %add3A_1092 = arith.addi %mul3A_331, %add3A_1091 : i32
        %swap3A_1093 = arith.constant 2 : i32
        %swap3A_1094 = arith.index_cast %swap3A_1093 : i32 to index
        %swap3A_1095 = arith.index_cast %add3A_1092 : i32 to index
        %swap3A_1096 = arith.constant 112 : index
        %swap3A_1097 = tpu.vector_load %arg7[%swap3A_1094, %swap3A_1095, %swap3A_1096] {strides = array<i32>} : memref<4x64x128xf32, #tpu.memory_space<vmem>>, vector<16xf32>,
        tpu.vector_store %arg7[%swap3A_1094, %swap3A_1095, %swap3A_1096], %get3A_1090 {strides = array<i32>} : memref<4x64x128xf32, #tpu.memory_space<vmem>>, vector<16xf32>,
        %add3A_1098 = arith.constant 6 : i32
        %add3A_1099 = arith.addi %mul3A_331, %add3A_1098 : i32
        %add3A_1100 = arith.constant 0 : i32
        %add3A_1101 = arith.addi %add3A_1099, %add3A_1100 : i32
        %get3A_1102 = arith.constant 2 : i32
        %get3A_1103 = arith.index_cast %get3A_1102 : i32 to index
        %get3A_1104 = arith.index_cast %add3A_1101 : i32 to index
        %get3A_1105 = arith.constant 0 : index
        %get3A_1106 = tpu.vector_load %arg6[%get3A_1103, %get3A_1104, %get3A_1105] {strides = array<i32>} : memref<4x128x64xf32, #tpu.memory_space<vmem>>, vector<16xf32>,
        %add3A_1107 = arith.constant 6 : i32
        %add3A_1108 = arith.addi %mul3A_331, %add3A_1107 : i32
        %swap3A_1109 = arith.constant 2 : i32
        %swap3A_1110 = arith.index_cast %swap3A_1109 : i32 to index
        %swap3A_1111 = arith.index_cast %add3A_1108 : i32 to index
        %swap3A_1112 = arith.constant 0 : index
        %swap3A_1113 = tpu.vector_load %arg7[%swap3A_1110, %swap3A_1111, %swap3A_1112] {strides = array<i32>} : memref<4x64x128xf32, #tpu.memory_space<vmem>>, vector<16xf32>,
        tpu.vector_store %arg7[%swap3A_1110, %swap3A_1111, %swap3A_1112], %get3A_1106 {strides = array<i32>} : memref<4x64x128xf32, #tpu.memory_space<vmem>>, vector<16xf32>,
        %add3A_1114 = arith.constant 6 : i32
        %add3A_1115 = arith.addi %mul3A_331, %add3A_1114 : i32
        %add3A_1116 = arith.constant 0 : i32
        %add3A_1117 = arith.addi %add3A_1115, %add3A_1116 : i32
        %get3A_1118 = arith.constant 2 : i32
        %get3A_1119 = arith.index_cast %get3A_1118 : i32 to index
        %get3A_1120 = arith.index_cast %add3A_1117 : i32 to index
        %get3A_1121 = arith.constant 16 : index
        %get3A_1122 = tpu.vector_load %arg6[%get3A_1119, %get3A_1120, %get3A_1121] {strides = array<i32>} : memref<4x128x64xf32, #tpu.memory_space<vmem>>, vector<16xf32>,
        %add3A_1123 = arith.constant 6 : i32
        %add3A_1124 = arith.addi %mul3A_331, %add3A_1123 : i32
        %swap3A_1125 = arith.constant 2 : i32
        %swap3A_1126 = arith.index_cast %swap3A_1125 : i32 to index
        %swap3A_1127 = arith.index_cast %add3A_1124 : i32 to index
        %swap3A_1128 = arith.constant 16 : index
        %swap3A_1129 = tpu.vector_load %arg7[%swap3A_1126, %swap3A_1127, %swap3A_1128] {strides = array<i32>} : memref<4x64x128xf32, #tpu.memory_space<vmem>>, vector<16xf32>,
        tpu.vector_store %arg7[%swap3A_1126, %swap3A_1127, %swap3A_1128], %get3A_1122 {strides = array<i32>} : memref<4x64x128xf32, #tpu.memory_space<vmem>>, vector<16xf32>,
        %add3A_1130 = arith.constant 6 : i32
        %add3A_1131 = arith.addi %mul3A_331, %add3A_1130 : i32
        %add3A_1132 = arith.constant 0 : i32
        %add3A_1133 = arith.addi %add3A_1131, %add3A_1132 : i32
        %get3A_1134 = arith.constant 2 : i32
        %get3A_1135 = arith.index_cast %get3A_1134 : i32 to index
        %get3A_1136 = arith.index_cast %add3A_1133 : i32 to index
        %get3A_1137 = arith.constant 32 : index
        %get3A_1138 = tpu.vector_load %arg6[%get3A_1135, %get3A_1136, %get3A_1137] {strides = array<i32>} : memref<4x128x64xf32, #tpu.memory_space<vmem>>, vector<16xf32>,
        %add3A_1139 = arith.constant 6 : i32
        %add3A_1140 = arith.addi %mul3A_331, %add3A_1139 : i32
        %swap3A_1141 = arith.constant 2 : i32
        %swap3A_1142 = arith.index_cast %swap3A_1141 : i32 to index
        %swap3A_1143 = arith.index_cast %add3A_1140 : i32 to index
        %swap3A_1144 = arith.constant 32 : index
        %swap3A_1145 = tpu.vector_load %arg7[%swap3A_1142, %swap3A_1143, %swap3A_1144] {strides = array<i32>} : memref<4x64x128xf32, #tpu.memory_space<vmem>>, vector<16xf32>,
        tpu.vector_store %arg7[%swap3A_1142, %swap3A_1143, %swap3A_1144], %get3A_1138 {strides = array<i32>} : memref<4x64x128xf32, #tpu.memory_space<vmem>>, vector<16xf32>,
        %add3A_1146 = arith.constant 6 : i32
        %add3A_1147 = arith.addi %mul3A_331, %add3A_1146 : i32
        %add3A_1148 = arith.constant 0 : i32
        %add3A_1149 = arith.addi %add3A_1147, %add3A_1148 : i32
        %get3A_1150 = arith.constant 2 : i32
        %get3A_1151 = arith.index_cast %get3A_1150 : i32 to index
        %get3A_1152 = arith.index_cast %add3A_1149 : i32 to index
        %get3A_1153 = arith.constant 48 : index
        %get3A_1154 = tpu.vector_load %arg6[%get3A_1151, %get3A_1152, %get3A_1153] {strides = array<i32>} : memref<4x128x64xf32, #tpu.memory_space<vmem>>, vector<16xf32>,
        %add3A_1155 = arith.constant 6 : i32
        %add3A_1156 = arith.addi %mul3A_331, %add3A_1155 : i32
        %swap3A_1157 = arith.constant 2 : i32
        %swap3A_1158 = arith.index_cast %swap3A_1157 : i32 to index
        %swap3A_1159 = arith.index_cast %add3A_1156 : i32 to index
        %swap3A_1160 = arith.constant 48 : index
        %swap3A_1161 = tpu.vector_load %arg7[%swap3A_1158, %swap3A_1159, %swap3A_1160] {strides = array<i32>} : memref<4x64x128xf32, #tpu.memory_space<vmem>>, vector<16xf32>,
        tpu.vector_store %arg7[%swap3A_1158, %swap3A_1159, %swap3A_1160], %get3A_1154 {strides = array<i32>} : memref<4x64x128xf32, #tpu.memory_space<vmem>>, vector<16xf32>,
        %add3A_1162 = arith.constant 6 : i32
        %add3A_1163 = arith.addi %mul3A_331, %add3A_1162 : i32
        %add3A_1164 = arith.constant 64 : i32
        %add3A_1165 = arith.addi %add3A_1163, %add3A_1164 : i32
        %get3A_1166 = arith.constant 2 : i32
        %get3A_1167 = arith.index_cast %get3A_1166 : i32 to index
        %get3A_1168 = arith.index_cast %add3A_1165 : i32 to index
        %get3A_1169 = arith.constant 0 : index
        %get3A_1170 = tpu.vector_load %arg6[%get3A_1167, %get3A_1168, %get3A_1169] {strides = array<i32>} : memref<4x128x64xf32, #tpu.memory_space<vmem>>, vector<16xf32>,
        %add3A_1171 = arith.constant 6 : i32
        %add3A_1172 = arith.addi %mul3A_331, %add3A_1171 : i32
        %swap3A_1173 = arith.constant 2 : i32
        %swap3A_1174 = arith.index_cast %swap3A_1173 : i32 to index
        %swap3A_1175 = arith.index_cast %add3A_1172 : i32 to index
        %swap3A_1176 = arith.constant 64 : index
        %swap3A_1177 = tpu.vector_load %arg7[%swap3A_1174, %swap3A_1175, %swap3A_1176] {strides = array<i32>} : memref<4x64x128xf32, #tpu.memory_space<vmem>>, vector<16xf32>,
        tpu.vector_store %arg7[%swap3A_1174, %swap3A_1175, %swap3A_1176], %get3A_1170 {strides = array<i32>} : memref<4x64x128xf32, #tpu.memory_space<vmem>>, vector<16xf32>,
        %add3A_1178 = arith.constant 6 : i32
        %add3A_1179 = arith.addi %mul3A_331, %add3A_1178 : i32
        %add3A_1180 = arith.constant 64 : i32
        %add3A_1181 = arith.addi %add3A_1179, %add3A_1180 : i32
        %get3A_1182 = arith.constant 2 : i32
        %get3A_1183 = arith.index_cast %get3A_1182 : i32 to index
        %get3A_1184 = arith.index_cast %add3A_1181 : i32 to index
        %get3A_1185 = arith.constant 16 : index
        %get3A_1186 = tpu.vector_load %arg6[%get3A_1183, %get3A_1184, %get3A_1185] {strides = array<i32>} : memref<4x128x64xf32, #tpu.memory_space<vmem>>, vector<16xf32>,
        %add3A_1187 = arith.constant 6 : i32
        %add3A_1188 = arith.addi %mul3A_331, %add3A_1187 : i32
        %swap3A_1189 = arith.constant 2 : i32
        %swap3A_1190 = arith.index_cast %swap3A_1189 : i32 to index
        %swap3A_1191 = arith.index_cast %add3A_1188 : i32 to index
        %swap3A_1192 = arith.constant 80 : index
        %swap3A_1193 = tpu.vector_load %arg7[%swap3A_1190, %swap3A_1191, %swap3A_1192] {strides = array<i32>} : memref<4x64x128xf32, #tpu.memory_space<vmem>>, vector<16xf32>,
        tpu.vector_store %arg7[%swap3A_1190, %swap3A_1191, %swap3A_1192], %get3A_1186 {strides = array<i32>} : memref<4x64x128xf32, #tpu.memory_space<vmem>>, vector<16xf32>,
        %add3A_1194 = arith.constant 6 : i32
        %add3A_1195 = arith.addi %mul3A_331, %add3A_1194 : i32
        %add3A_1196 = arith.constant 64 : i32
        %add3A_1197 = arith.addi %add3A_1195, %add3A_1196 : i32
        %get3A_1198 = arith.constant 2 : i32
        %get3A_1199 = arith.index_cast %get3A_1198 : i32 to index
        %get3A_1200 = arith.index_cast %add3A_1197 : i32 to index
        %get3A_1201 = arith.constant 32 : index
        %get3A_1202 = tpu.vector_load %arg6[%get3A_1199, %get3A_1200, %get3A_1201] {strides = array<i32>} : memref<4x128x64xf32, #tpu.memory_space<vmem>>, vector<16xf32>,
        %add3A_1203 = arith.constant 6 : i32
        %add3A_1204 = arith.addi %mul3A_331, %add3A_1203 : i32
        %swap3A_1205 = arith.constant 2 : i32
        %swap3A_1206 = arith.index_cast %swap3A_1205 : i32 to index
        %swap3A_1207 = arith.index_cast %add3A_1204 : i32 to index
        %swap3A_1208 = arith.constant 96 : index
        %swap3A_1209 = tpu.vector_load %arg7[%swap3A_1206, %swap3A_1207, %swap3A_1208] {strides = array<i32>} : memref<4x64x128xf32, #tpu.memory_space<vmem>>, vector<16xf32>,
        tpu.vector_store %arg7[%swap3A_1206, %swap3A_1207, %swap3A_1208], %get3A_1202 {strides = array<i32>} : memref<4x64x128xf32, #tpu.memory_space<vmem>>, vector<16xf32>,
        %add3A_1210 = arith.constant 6 : i32
        %add3A_1211 = arith.addi %mul3A_331, %add3A_1210 : i32
        %add3A_1212 = arith.constant 64 : i32
        %add3A_1213 = arith.addi %add3A_1211, %add3A_1212 : i32
        %get3A_1214 = arith.constant 2 : i32
        %get3A_1215 = arith.index_cast %get3A_1214 : i32 to index
        %get3A_1216 = arith.index_cast %add3A_1213 : i32 to index
        %get3A_1217 = arith.constant 48 : index
        %get3A_1218 = tpu.vector_load %arg6[%get3A_1215, %get3A_1216, %get3A_1217] {strides = array<i32>} : memref<4x128x64xf32, #tpu.memory_space<vmem>>, vector<16xf32>,
        %add3A_1219 = arith.constant 6 : i32
        %add3A_1220 = arith.addi %mul3A_331, %add3A_1219 : i32
        %swap3A_1221 = arith.constant 2 : i32
        %swap3A_1222 = arith.index_cast %swap3A_1221 : i32 to index
        %swap3A_1223 = arith.index_cast %add3A_1220 : i32 to index
        %swap3A_1224 = arith.constant 112 : index
        %swap3A_1225 = tpu.vector_load %arg7[%swap3A_1222, %swap3A_1223, %swap3A_1224] {strides = array<i32>} : memref<4x64x128xf32, #tpu.memory_space<vmem>>, vector<16xf32>,
        tpu.vector_store %arg7[%swap3A_1222, %swap3A_1223, %swap3A_1224], %get3A_1218 {strides = array<i32>} : memref<4x64x128xf32, #tpu.memory_space<vmem>>, vector<16xf32>,
        %add3A_1226 = arith.constant 7 : i32
        %add3A_1227 = arith.addi %mul3A_331, %add3A_1226 : i32
        %add3A_1228 = arith.constant 0 : i32
        %add3A_1229 = arith.addi %add3A_1227, %add3A_1228 : i32
        %get3A_1230 = arith.constant 2 : i32
        %get3A_1231 = arith.index_cast %get3A_1230 : i32 to index
        %get3A_1232 = arith.index_cast %add3A_1229 : i32 to index
        %get3A_1233 = arith.constant 0 : index
        %get3A_1234 = tpu.vector_load %arg6[%get3A_1231, %get3A_1232, %get3A_1233] {strides = array<i32>} : memref<4x128x64xf32, #tpu.memory_space<vmem>>, vector<16xf32>,
        %add3A_1235 = arith.constant 7 : i32
        %add3A_1236 = arith.addi %mul3A_331, %add3A_1235 : i32
        %swap3A_1237 = arith.constant 2 : i32
        %swap3A_1238 = arith.index_cast %swap3A_1237 : i32 to index
        %swap3A_1239 = arith.index_cast %add3A_1236 : i32 to index
        %swap3A_1240 = arith.constant 0 : index
        %swap3A_1241 = tpu.vector_load %arg7[%swap3A_1238, %swap3A_1239, %swap3A_1240] {strides = array<i32>} : memref<4x64x128xf32, #tpu.memory_space<vmem>>, vector<16xf32>,
        tpu.vector_store %arg7[%swap3A_1238, %swap3A_1239, %swap3A_1240], %get3A_1234 {strides = array<i32>} : memref<4x64x128xf32, #tpu.memory_space<vmem>>, vector<16xf32>,
        %add3A_1242 = arith.constant 7 : i32
        %add3A_1243 = arith.addi %mul3A_331, %add3A_1242 : i32
        %add3A_1244 = arith.constant 0 : i32
        %add3A_1245 = arith.addi %add3A_1243, %add3A_1244 : i32
        %get3A_1246 = arith.constant 2 : i32
        %get3A_1247 = arith.index_cast %get3A_1246 : i32 to index
        %get3A_1248 = arith.index_cast %add3A_1245 : i32 to index
        %get3A_1249 = arith.constant 16 : index
        %get3A_1250 = tpu.vector_load %arg6[%get3A_1247, %get3A_1248, %get3A_1249] {strides = array<i32>} : memref<4x128x64xf32, #tpu.memory_space<vmem>>, vector<16xf32>,
        %add3A_1251 = arith.constant 7 : i32
        %add3A_1252 = arith.addi %mul3A_331, %add3A_1251 : i32
        %swap3A_1253 = arith.constant 2 : i32
        %swap3A_1254 = arith.index_cast %swap3A_1253 : i32 to index
        %swap3A_1255 = arith.index_cast %add3A_1252 : i32 to index
        %swap3A_1256 = arith.constant 16 : index
        %swap3A_1257 = tpu.vector_load %arg7[%swap3A_1254, %swap3A_1255, %swap3A_1256] {strides = array<i32>} : memref<4x64x128xf32, #tpu.memory_space<vmem>>, vector<16xf32>,
        tpu.vector_store %arg7[%swap3A_1254, %swap3A_1255, %swap3A_1256], %get3A_1250 {strides = array<i32>} : memref<4x64x128xf32, #tpu.memory_space<vmem>>, vector<16xf32>,
        %add3A_1258 = arith.constant 7 : i32
        %add3A_1259 = arith.addi %mul3A_331, %add3A_1258 : i32
        %add3A_1260 = arith.constant 0 : i32
        %add3A_1261 = arith.addi %add3A_1259, %add3A_1260 : i32
        %get3A_1262 = arith.constant 2 : i32
        %get3A_1263 = arith.index_cast %get3A_1262 : i32 to index
        %get3A_1264 = arith.index_cast %add3A_1261 : i32 to index
        %get3A_1265 = arith.constant 32 : index
        %get3A_1266 = tpu.vector_load %arg6[%get3A_1263, %get3A_1264, %get3A_1265] {strides = array<i32>} : memref<4x128x64xf32, #tpu.memory_space<vmem>>, vector<16xf32>,
        %add3A_1267 = arith.constant 7 : i32
        %add3A_1268 = arith.addi %mul3A_331, %add3A_1267 : i32
        %swap3A_1269 = arith.constant 2 : i32
        %swap3A_1270 = arith.index_cast %swap3A_1269 : i32 to index
        %swap3A_1271 = arith.index_cast %add3A_1268 : i32 to index
        %swap3A_1272 = arith.constant 32 : index
        %swap3A_1273 = tpu.vector_load %arg7[%swap3A_1270, %swap3A_1271, %swap3A_1272] {strides = array<i32>} : memref<4x64x128xf32, #tpu.memory_space<vmem>>, vector<16xf32>,
        tpu.vector_store %arg7[%swap3A_1270, %swap3A_1271, %swap3A_1272], %get3A_1266 {strides = array<i32>} : memref<4x64x128xf32, #tpu.memory_space<vmem>>, vector<16xf32>,
        %add3A_1274 = arith.constant 7 : i32
        %add3A_1275 = arith.addi %mul3A_331, %add3A_1274 : i32
        %add3A_1276 = arith.constant 0 : i32
        %add3A_1277 = arith.addi %add3A_1275, %add3A_1276 : i32
        %get3A_1278 = arith.constant 2 : i32
        %get3A_1279 = arith.index_cast %get3A_1278 : i32 to index
        %get3A_1280 = arith.index_cast %add3A_1277 : i32 to index
        %get3A_1281 = arith.constant 48 : index
        %get3A_1282 = tpu.vector_load %arg6[%get3A_1279, %get3A_1280, %get3A_1281] {strides = array<i32>} : memref<4x128x64xf32, #tpu.memory_space<vmem>>, vector<16xf32>,
        %add3A_1283 = arith.constant 7 : i32
        %add3A_1284 = arith.addi %mul3A_331, %add3A_1283 : i32
        %swap3A_1285 = arith.constant 2 : i32
        %swap3A_1286 = arith.index_cast %swap3A_1285 : i32 to index
        %swap3A_1287 = arith.index_cast %add3A_1284 : i32 to index
        %swap3A_1288 = arith.constant 48 : index
        %swap3A_1289 = tpu.vector_load %arg7[%swap3A_1286, %swap3A_1287, %swap3A_1288] {strides = array<i32>} : memref<4x64x128xf32, #tpu.memory_space<vmem>>, vector<16xf32>,
        tpu.vector_store %arg7[%swap3A_1286, %swap3A_1287, %swap3A_1288], %get3A_1282 {strides = array<i32>} : memref<4x64x128xf32, #tpu.memory_space<vmem>>, vector<16xf32>,
        %add3A_1290 = arith.constant 7 : i32
        %add3A_1291 = arith.addi %mul3A_331, %add3A_1290 : i32
        %add3A_1292 = arith.constant 64 : i32
        %add3A_1293 = arith.addi %add3A_1291, %add3A_1292 : i32
        %get3A_1294 = arith.constant 2 : i32
        %get3A_1295 = arith.index_cast %get3A_1294 : i32 to index
        %get3A_1296 = arith.index_cast %add3A_1293 : i32 to index
        %get3A_1297 = arith.constant 0 : index
        %get3A_1298 = tpu.vector_load %arg6[%get3A_1295, %get3A_1296, %get3A_1297] {strides = array<i32>} : memref<4x128x64xf32, #tpu.memory_space<vmem>>, vector<16xf32>,
        %add3A_1299 = arith.constant 7 : i32
        %add3A_1300 = arith.addi %mul3A_331, %add3A_1299 : i32
        %swap3A_1301 = arith.constant 2 : i32
        %swap3A_1302 = arith.index_cast %swap3A_1301 : i32 to index
        %swap3A_1303 = arith.index_cast %add3A_1300 : i32 to index
        %swap3A_1304 = arith.constant 64 : index
        %swap3A_1305 = tpu.vector_load %arg7[%swap3A_1302, %swap3A_1303, %swap3A_1304] {strides = array<i32>} : memref<4x64x128xf32, #tpu.memory_space<vmem>>, vector<16xf32>,
        tpu.vector_store %arg7[%swap3A_1302, %swap3A_1303, %swap3A_1304], %get3A_1298 {strides = array<i32>} : memref<4x64x128xf32, #tpu.memory_space<vmem>>, vector<16xf32>,
        %add3A_1306 = arith.constant 7 : i32
        %add3A_1307 = arith.addi %mul3A_331, %add3A_1306 : i32
        %add3A_1308 = arith.constant 64 : i32
        %add3A_1309 = arith.addi %add3A_1307, %add3A_1308 : i32
        %get3A_1310 = arith.constant 2 : i32
        %get3A_1311 = arith.index_cast %get3A_1310 : i32 to index
        %get3A_1312 = arith.index_cast %add3A_1309 : i32 to index
        %get3A_1313 = arith.constant 16 : index
        %get3A_1314 = tpu.vector_load %arg6[%get3A_1311, %get3A_1312, %get3A_1313] {strides = array<i32>} : memref<4x128x64xf32, #tpu.memory_space<vmem>>, vector<16xf32>,
        %add3A_1315 = arith.constant 7 : i32
        %add3A_1316 = arith.addi %mul3A_331, %add3A_1315 : i32
        %swap3A_1317 = arith.constant 2 : i32
        %swap3A_1318 = arith.index_cast %swap3A_1317 : i32 to index
        %swap3A_1319 = arith.index_cast %add3A_1316 : i32 to index
        %swap3A_1320 = arith.constant 80 : index
        %swap3A_1321 = tpu.vector_load %arg7[%swap3A_1318, %swap3A_1319, %swap3A_1320] {strides = array<i32>} : memref<4x64x128xf32, #tpu.memory_space<vmem>>, vector<16xf32>,
        tpu.vector_store %arg7[%swap3A_1318, %swap3A_1319, %swap3A_1320], %get3A_1314 {strides = array<i32>} : memref<4x64x128xf32, #tpu.memory_space<vmem>>, vector<16xf32>,
        %add3A_1322 = arith.constant 7 : i32
        %add3A_1323 = arith.addi %mul3A_331, %add3A_1322 : i32
        %add3A_1324 = arith.constant 64 : i32
        %add3A_1325 = arith.addi %add3A_1323, %add3A_1324 : i32
        %get3A_1326 = arith.constant 2 : i32
        %get3A_1327 = arith.index_cast %get3A_1326 : i32 to index
        %get3A_1328 = arith.index_cast %add3A_1325 : i32 to index
        %get3A_1329 = arith.constant 32 : index
        %get3A_1330 = tpu.vector_load %arg6[%get3A_1327, %get3A_1328, %get3A_1329] {strides = array<i32>} : memref<4x128x64xf32, #tpu.memory_space<vmem>>, vector<16xf32>,
        %add3A_1331 = arith.constant 7 : i32
        %add3A_1332 = arith.addi %mul3A_331, %add3A_1331 : i32
        %swap3A_1333 = arith.constant 2 : i32
        %swap3A_1334 = arith.index_cast %swap3A_1333 : i32 to index
        %swap3A_1335 = arith.index_cast %add3A_1332 : i32 to index
        %swap3A_1336 = arith.constant 96 : index
        %swap3A_1337 = tpu.vector_load %arg7[%swap3A_1334, %swap3A_1335, %swap3A_1336] {strides = array<i32>} : memref<4x64x128xf32, #tpu.memory_space<vmem>>, vector<16xf32>,
        tpu.vector_store %arg7[%swap3A_1334, %swap3A_1335, %swap3A_1336], %get3A_1330 {strides = array<i32>} : memref<4x64x128xf32, #tpu.memory_space<vmem>>, vector<16xf32>,
        %add3A_1338 = arith.constant 7 : i32
        %add3A_1339 = arith.addi %mul3A_331, %add3A_1338 : i32
        %add3A_1340 = arith.constant 64 : i32
        %add3A_1341 = arith.addi %add3A_1339, %add3A_1340 : i32
        %get3A_1342 = arith.constant 2 : i32
        %get3A_1343 = arith.index_cast %get3A_1342 : i32 to index
        %get3A_1344 = arith.index_cast %add3A_1341 : i32 to index
        %get3A_1345 = arith.constant 48 : index
        %get3A_1346 = tpu.vector_load %arg6[%get3A_1343, %get3A_1344, %get3A_1345] {strides = array<i32>} : memref<4x128x64xf32, #tpu.memory_space<vmem>>, vector<16xf32>,
        %add3A_1347 = arith.constant 7 : i32
        %add3A_1348 = arith.addi %mul3A_331, %add3A_1347 : i32
        %swap3A_1349 = arith.constant 2 : i32
        %swap3A_1350 = arith.index_cast %swap3A_1349 : i32 to index
        %swap3A_1351 = arith.index_cast %add3A_1348 : i32 to index
        %swap3A_1352 = arith.constant 112 : index
        %swap3A_1353 = tpu.vector_load %arg7[%swap3A_1350, %swap3A_1351, %swap3A_1352] {strides = array<i32>} : memref<4x64x128xf32, #tpu.memory_space<vmem>>, vector<16xf32>,
        tpu.vector_store %arg7[%swap3A_1350, %swap3A_1351, %swap3A_1352], %get3A_1346 {strides = array<i32>} : memref<4x64x128xf32, #tpu.memory_space<vmem>>, vector<16xf32>,
      }
      %scan3A_258 = arith.constant 8 : i32
      %dma_start3A_259 = arith.constant 2 : i32
      %dma_start3A_260 = arith.constant 0 : i32
      %dma_start3A_261 = arith.constant 0 : i32
      %dma_start3A_262 = tpu.memref_slice %arg7[%dma_start3A_259, %dma_start3A_260, %dma_start3A_261] : memref<4x64x128xf32, #tpu.memory_space<vmem>> -> memref<1x64x128xf32, #tpu.memory_space<vmem>>
      %dma_start3A_263 = tpu.memref_squeeze %dma_start3A_262 : memref<1x64x128xf32, #tpu.memory_space<vmem>> -> memref<64x128xf32, #tpu.memory_space<vmem>>
      %dma_start3A_264 = arith.constant 0 : i32
      %dma_start3A_265 = arith.constant 0 : i32
      %dma_start3A_266 = tpu.memref_slice %arg4[%add3A_234, %add3A, %dma_start3A_264, %dma_start3A_265] : memref<200x32x64x128xf32, #tpu.memory_space<hbm>> -> memref<1x1x64x128xf32, #tpu.memory_space<hbm>>
      %dma_start3A_267 = tpu.memref_squeeze %dma_start3A_266 : memref<1x1x64x128xf32, #tpu.memory_space<hbm>> -> memref<64x128xf32, #tpu.memory_space<hbm>>
      %dma_start3A_268 = arith.constant 0 : i32
      %dma_start3A_269 = arith.constant 0 : i32
      %dma_start3A_270 = tpu.memref_slice %arg4[%add3A_234, %add3A, %dma_start3A_268, %dma_start3A_269] : memref<200x32x64x128xf32, #tpu.memory_space<hbm>> -> memref<1x1x64x128xf32, #tpu.memory_space<hbm>>
      %dma_start3A_271 = tpu.memref_squeeze %dma_start3A_270 : memref<1x1x64x128xf32, #tpu.memory_space<hbm>> -> memref<64x128xf32, #tpu.memory_space<hbm>>
      %dma_start3A_272 = arith.constant 0 : i32
      %dma_start3A_273 = arith.constant 0 : i32
      %dma_start3A_274 = tpu.memref_slice %arg7[%dma_start3A_259, %dma_start3A_272, %dma_start3A_273] : memref<4x64x128xf32, #tpu.memory_space<vmem>> -> memref<1x64x128xf32, #tpu.memory_space<vmem>>
      %dma_start3A_275 = tpu.memref_squeeze %dma_start3A_274 : memref<1x64x128xf32, #tpu.memory_space<vmem>> -> memref<64x128xf32, #tpu.memory_space<vmem>>
      tpu.enqueue_dma source(%dma_start3A_275 : memref<64x128xf32, #tpu.memory_space<vmem>>) target(%dma_start3A_271 : memref<64x128xf32, #tpu.memory_space<hbm>>) target_semaphore(%arg14 : memref<!tpu.dma_semaphore, #tpu.memory_space<semaphore_mem>>)
      %lt3A_276 = arith.constant 49 : i32
      %lt3A_277 = arith.cmpi slt, %scan3A_138, %lt3A_276 : i32
      %convert_element_type3A_278 = arith.extui %lt3A_277 : i1 to i32
      %cond3A_279 = arith.constant 0 : i32
      %cond3A_280 = arith.cmpi ne, %convert_element_type3A_278, %cond3A_279 : i32
      scf.if %cond3A_280 {
        %add3A_329 = arith.constant 4 : i32
        %add3A_330 = arith.addi %add3A_234, %add3A_329 : i32
        %jit3A = arith.constant 8 : i32
        %div3A = arith.divsi %add3A_330, %jit3A : i32
        %sign3A = arith.constant 0 : i32
        %sign3A_331 = arith.cmpi sgt, %add3A_330, %sign3A : i32
        %sign3A_332 = arith.extui %sign3A_331 : i1 to i32
        %sign3A_333 = arith.constant 0 : i32
        %sign3A_334 = arith.cmpi slt, %add3A_330, %sign3A_333 : i32
        %sign3A_335 = arith.extui %sign3A_334 : i1 to i32
        %sign3A_336 = arith.subi %sign3A_332, %sign3A_335 : i32
        %sign3A_337 = arith.constant 0 : i32
        %sign3A_338 = arith.cmpi sgt, %jit3A, %sign3A_337 : i32
        %sign3A_339 = arith.extui %sign3A_338 : i1 to i32
        %sign3A_340 = arith.constant 0 : i32
        %sign3A_341 = arith.cmpi slt, %jit3A, %sign3A_340 : i32
        %sign3A_342 = arith.extui %sign3A_341 : i1 to i32
        %sign3A_343 = arith.subi %sign3A_339, %sign3A_342 : i32
        %ne3A = arith.cmpi ne, %sign3A_336, %sign3A_343 : i32
        %rem3A = arith.remsi %add3A_330, %jit3A : i32
        %ne3A_344 = arith.constant 0 : i32
        %ne3A_345 = arith.cmpi ne, %rem3A, %ne3A_344 : i32
        %and3A = arith.andi %ne3A, %ne3A_345 : i1
        %sub3A = arith.constant 1 : i32
        %sub3A_346 = arith.subi %div3A, %sub3A : i32
        %select_n3A = arith.select %and3A, %sub3A_346, %div3A : i32
        %jit3A_347 = arith.constant 8 : i32
        %eq3A = arith.constant 0 : i32
        %eq3A_348 = arith.cmpi eq, %jit3A_347, %eq3A : i32
        %jit3A_349 = arith.constant 1 : i32
        %select_n3A_350 = arith.select %eq3A_348, %jit3A_349, %jit3A_347 : i32
        %rem3A_351 = arith.remsi %add3A_330, %select_n3A_350 : i32
        %ne3A_352 = arith.constant 0 : i32
        %ne3A_353 = arith.cmpi ne, %rem3A_351, %ne3A_352 : i32
        %lt3A_354 = arith.constant 0 : i32
        %lt3A_355 = arith.cmpi slt, %rem3A_351, %lt3A_354 : i32
        %lt3A_356 = arith.constant 0 : i32
        %lt3A_357 = arith.cmpi slt, %select_n3A_350, %lt3A_356 : i32
        %ne3A_358 = arith.xori %lt3A_355, %lt3A_357 : i1
        %and3A_359 = arith.andi %ne3A_358, %ne3A_353 : i1
        %add3A_360 = arith.addi %rem3A_351, %select_n3A_350 : i32
        %select_n3A_361 = arith.select %and3A_359, %add3A_360, %rem3A_351 : i32
        %dma_start3A_362 = arith.constant 2 : i32
        %dma_start3A_363 = arith.constant 0 : i32
        %dma_start3A_364 = arith.constant 0 : i32
        %dma_start3A_365 = tpu.memref_slice %arg6[%dma_start3A_362, %dma_start3A_363, %dma_start3A_364] : memref<4x128x64xf32, #tpu.memory_space<vmem>> -> memref<1x128x64xf32, #tpu.memory_space<vmem>>
        %dma_start3A_366 = tpu.memref_squeeze %dma_start3A_365 : memref<1x128x64xf32, #tpu.memory_space<vmem>> -> memref<128x64xf32, #tpu.memory_space<vmem>>
        %dma_start3A_367 = arith.constant 0 : i32
        %dma_start3A_368 = tpu.memref_slice %arg5[%select_n3A, %select_n3A_361, %dma_start3A_367] : memref<25x8x128xi32, #tpu.memory_space<vmem>> -> memref<1x1x128xi32, #tpu.memory_space<vmem>>
        %dma_start3A_369 = tpu.memref_squeeze %dma_start3A_368 : memref<1x1x128xi32, #tpu.memory_space<vmem>> -> memref<128xi32, #tpu.memory_space<vmem>>
        %dma_start3A_370 = arith.constant 0 : i32
        %dma_start3A_371 = arith.constant 0 : i32
        %dma_start3A_372 = tpu.memref_slice %arg3[%dma_start3A_370, %dma_start3A_371] : memref<1003520x64xf32, #tpu.memory_space<hbm>> -> memref<1003520x64xf32, #tpu.memory_space<hbm>>
        tpu.enqueue_indirect_dma source(%dma_start3A_372 : memref<1003520x64xf32, #tpu.memory_space<hbm>>) target(%dma_start3A_366 : memref<128x64xf32, #tpu.memory_space<vmem>>) offsets(%dma_start3A_369 : memref<128xi32, #tpu.memory_space<vmem>>) semaphore(%arg10 : memref<!tpu.dma_semaphore, #tpu.memory_space<semaphore_mem>>)
      } else {
      }
      %add3A_281 = arith.constant 3 : i32
      %add3A_282 = arith.addi %mul3A_140, %add3A_281 : i32
      %dma_wait3A_283 = arith.constant 0 : i32
      %dma_wait3A_284 = arith.constant 0 : i32
      %dma_wait3A_285 = arith.constant 3 : i32
      %dma_wait3A_286 = arith.constant 0 : i32
      %dma_wait3A_287 = arith.constant 0 : i32
      %dma_wait3A_288 = tpu.memref_slice %arg6[%dma_wait3A_285, %dma_wait3A_286, %dma_wait3A_287] : memref<4x128x64xf32, #tpu.memory_space<vmem>> -> memref<1x128x64xf32, #tpu.memory_space<vmem>>
      %dma_wait3A_289 = tpu.memref_squeeze %dma_wait3A_288 : memref<1x128x64xf32, #tpu.memory_space<vmem>> -> memref<128x64xf32, #tpu.memory_space<vmem>>
      %dma_wait3A_290 = arith.constant 0 : i32
      %dma_wait3A_291 = tpu.memref_slice %arg5[%dma_wait3A_283, %dma_wait3A_284, %dma_wait3A_290] : memref<25x8x128xi32, #tpu.memory_space<vmem>> -> memref<1x1x128xi32, #tpu.memory_space<vmem>>
      %dma_wait3A_292 = tpu.memref_squeeze %dma_wait3A_291 : memref<1x1x128xi32, #tpu.memory_space<vmem>> -> memref<128xi32, #tpu.memory_space<vmem>>
      %dma_wait3A_293 = arith.constant 0 : i32
      %dma_wait3A_294 = arith.constant 0 : i32
      %dma_wait3A_295 = tpu.memref_slice %arg3[%dma_wait3A_293, %dma_wait3A_294] : memref<1003520x64xf32, #tpu.memory_space<hbm>> -> memref<1003520x64xf32, #tpu.memory_space<hbm>>
      tpu.wait_indirect_dma semaphore(%arg11 : memref<!tpu.dma_semaphore, #tpu.memory_space<semaphore_mem>>) src(%dma_wait3A_295 : memref<1003520x64xf32, #tpu.memory_space<hbm>>) dst(%dma_wait3A_289 : memref<128x64xf32, #tpu.memory_space<vmem>>)
      %gt3A_296 = arith.constant 0 : i32
      %gt3A_297 = arith.cmpi sgt, %scan3A_138, %gt3A_296 : i32
      %convert_element_type3A_298 = arith.extui %gt3A_297 : i1 to i32
      %cond3A_299 = arith.constant 0 : i32
      %cond3A_300 = arith.cmpi ne, %convert_element_type3A_298, %cond3A_299 : i32
      scf.if %cond3A_300 {
        %dma_wait3A_329 = arith.constant 3 : i32
        %dma_wait3A_330 = arith.constant 0 : i32
        %dma_wait3A_331 = arith.constant 0 : i32
        %dma_wait3A_332 = arith.constant 0 : i32
        %dma_wait3A_333 = arith.constant 0 : i32
        %dma_wait3A_334 = tpu.memref_slice %arg7[%dma_wait3A_329, %dma_wait3A_332, %dma_wait3A_333] : memref<4x64x128xf32, #tpu.memory_space<vmem>> -> memref<1x64x128xf32, #tpu.memory_space<vmem>>
        %dma_wait3A_335 = tpu.memref_squeeze %dma_wait3A_334 : memref<1x64x128xf32, #tpu.memory_space<vmem>> -> memref<64x128xf32, #tpu.memory_space<vmem>>
        %dma_wait3A_336 = arith.constant 0 : i32
        %dma_wait3A_337 = arith.constant 0 : i32
        %dma_wait3A_338 = tpu.memref_slice %arg4[%dma_wait3A_330, %dma_wait3A_331, %dma_wait3A_336, %dma_wait3A_337] : memref<200x32x64x128xf32, #tpu.memory_space<hbm>> -> memref<1x1x64x128xf32, #tpu.memory_space<hbm>>
        %dma_wait3A_339 = tpu.memref_squeeze %dma_wait3A_338 : memref<1x1x64x128xf32, #tpu.memory_space<hbm>> -> memref<64x128xf32, #tpu.memory_space<hbm>>
        %dma_wait3A_340 = arith.constant 0 : i32
        %dma_wait3A_341 = arith.constant 0 : i32
        %dma_wait3A_342 = tpu.memref_slice %arg4[%dma_wait3A_330, %dma_wait3A_331, %dma_wait3A_340, %dma_wait3A_341] : memref<200x32x64x128xf32, #tpu.memory_space<hbm>> -> memref<1x1x64x128xf32, #tpu.memory_space<hbm>>
        %dma_wait3A_343 = tpu.memref_squeeze %dma_wait3A_342 : memref<1x1x64x128xf32, #tpu.memory_space<hbm>> -> memref<64x128xf32, #tpu.memory_space<hbm>>
        %dma_wait3A_344 = arith.constant 0 : i32
        %dma_wait3A_345 = arith.constant 0 : i32
        %dma_wait3A_346 = tpu.memref_slice %arg7[%dma_wait3A_329, %dma_wait3A_344, %dma_wait3A_345] : memref<4x64x128xf32, #tpu.memory_space<vmem>> -> memref<1x64x128xf32, #tpu.memory_space<vmem>>
        %dma_wait3A_347 = tpu.memref_squeeze %dma_wait3A_346 : memref<1x64x128xf32, #tpu.memory_space<vmem>> -> memref<64x128xf32, #tpu.memory_space<vmem>>
        tpu.wait_dma2 semaphore(%arg15 : memref<!tpu.dma_semaphore, #tpu.memory_space<semaphore_mem>>) src(%dma_wait3A_347 : memref<64x128xf32, #tpu.memory_space<vmem>>) dst(%dma_wait3A_343 : memref<64x128xf32, #tpu.memory_space<hbm>>)
      } else {
      }
      %scan3A_301 = arith.constant 0 : i32
      %scan3A_302 = arith.constant 0 : i32
      %scan3A_303 = arith.constant 8 : i32
      %scan3A_304 = arith.addi %scan3A_302, %scan3A_303 : i32
      %scan3A_305 = arith.constant 1 : i32
      scf.for %scan3A_329 = %scan3A_302 to %scan3A_304 step %scan3A_305  : i32 {
        %mul3A_330 = arith.constant 8 : i32
        %mul3A_331 = arith.muli %scan3A_329, %mul3A_330 : i32
        %add3A_332 = arith.constant 0 : i32
        %add3A_333 = arith.addi %mul3A_331, %add3A_332 : i32
        %add3A_334 = arith.constant 0 : i32
        %add3A_335 = arith.addi %add3A_333, %add3A_334 : i32
        %get3A = arith.constant 3 : i32
        %get3A_336 = arith.index_cast %get3A : i32 to index
        %get3A_337 = arith.index_cast %add3A_335 : i32 to index
        %get3A_338 = arith.constant 0 : index
        %get3A_339 = tpu.vector_load %arg6[%get3A_336, %get3A_337, %get3A_338] {strides = array<i32>} : memref<4x128x64xf32, #tpu.memory_space<vmem>>, vector<16xf32>,
        %add3A_340 = arith.constant 0 : i32
        %add3A_341 = arith.addi %mul3A_331, %add3A_340 : i32
        %swap3A = arith.constant 3 : i32
        %swap3A_342 = arith.index_cast %swap3A : i32 to index
        %swap3A_343 = arith.index_cast %add3A_341 : i32 to index
        %swap3A_344 = arith.constant 0 : index
        %swap3A_345 = tpu.vector_load %arg7[%swap3A_342, %swap3A_343, %swap3A_344] {strides = array<i32>} : memref<4x64x128xf32, #tpu.memory_space<vmem>>, vector<16xf32>,
        tpu.vector_store %arg7[%swap3A_342, %swap3A_343, %swap3A_344], %get3A_339 {strides = array<i32>} : memref<4x64x128xf32, #tpu.memory_space<vmem>>, vector<16xf32>,
        %add3A_346 = arith.constant 0 : i32
        %add3A_347 = arith.addi %mul3A_331, %add3A_346 : i32
        %add3A_348 = arith.constant 0 : i32
        %add3A_349 = arith.addi %add3A_347, %add3A_348 : i32
        %get3A_350 = arith.constant 3 : i32
        %get3A_351 = arith.index_cast %get3A_350 : i32 to index
        %get3A_352 = arith.index_cast %add3A_349 : i32 to index
        %get3A_353 = arith.constant 16 : index
        %get3A_354 = tpu.vector_load %arg6[%get3A_351, %get3A_352, %get3A_353] {strides = array<i32>} : memref<4x128x64xf32, #tpu.memory_space<vmem>>, vector<16xf32>,
        %add3A_355 = arith.constant 0 : i32
        %add3A_356 = arith.addi %mul3A_331, %add3A_355 : i32
        %swap3A_357 = arith.constant 3 : i32
        %swap3A_358 = arith.index_cast %swap3A_357 : i32 to index
        %swap3A_359 = arith.index_cast %add3A_356 : i32 to index
        %swap3A_360 = arith.constant 16 : index
        %swap3A_361 = tpu.vector_load %arg7[%swap3A_358, %swap3A_359, %swap3A_360] {strides = array<i32>} : memref<4x64x128xf32, #tpu.memory_space<vmem>>, vector<16xf32>,
        tpu.vector_store %arg7[%swap3A_358, %swap3A_359, %swap3A_360], %get3A_354 {strides = array<i32>} : memref<4x64x128xf32, #tpu.memory_space<vmem>>, vector<16xf32>,
        %add3A_362 = arith.constant 0 : i32
        %add3A_363 = arith.addi %mul3A_331, %add3A_362 : i32
        %add3A_364 = arith.constant 0 : i32
        %add3A_365 = arith.addi %add3A_363, %add3A_364 : i32
        %get3A_366 = arith.constant 3 : i32
        %get3A_367 = arith.index_cast %get3A_366 : i32 to index
        %get3A_368 = arith.index_cast %add3A_365 : i32 to index
        %get3A_369 = arith.constant 32 : index
        %get3A_370 = tpu.vector_load %arg6[%get3A_367, %get3A_368, %get3A_369] {strides = array<i32>} : memref<4x128x64xf32, #tpu.memory_space<vmem>>, vector<16xf32>,
        %add3A_371 = arith.constant 0 : i32
        %add3A_372 = arith.addi %mul3A_331, %add3A_371 : i32
        %swap3A_373 = arith.constant 3 : i32
        %swap3A_374 = arith.index_cast %swap3A_373 : i32 to index
        %swap3A_375 = arith.index_cast %add3A_372 : i32 to index
        %swap3A_376 = arith.constant 32 : index
        %swap3A_377 = tpu.vector_load %arg7[%swap3A_374, %swap3A_375, %swap3A_376] {strides = array<i32>} : memref<4x64x128xf32, #tpu.memory_space<vmem>>, vector<16xf32>,
        tpu.vector_store %arg7[%swap3A_374, %swap3A_375, %swap3A_376], %get3A_370 {strides = array<i32>} : memref<4x64x128xf32, #tpu.memory_space<vmem>>, vector<16xf32>,
        %add3A_378 = arith.constant 0 : i32
        %add3A_379 = arith.addi %mul3A_331, %add3A_378 : i32
        %add3A_380 = arith.constant 0 : i32
        %add3A_381 = arith.addi %add3A_379, %add3A_380 : i32
        %get3A_382 = arith.constant 3 : i32
        %get3A_383 = arith.index_cast %get3A_382 : i32 to index
        %get3A_384 = arith.index_cast %add3A_381 : i32 to index
        %get3A_385 = arith.constant 48 : index
        %get3A_386 = tpu.vector_load %arg6[%get3A_383, %get3A_384, %get3A_385] {strides = array<i32>} : memref<4x128x64xf32, #tpu.memory_space<vmem>>, vector<16xf32>,
        %add3A_387 = arith.constant 0 : i32
        %add3A_388 = arith.addi %mul3A_331, %add3A_387 : i32
        %swap3A_389 = arith.constant 3 : i32
        %swap3A_390 = arith.index_cast %swap3A_389 : i32 to index
        %swap3A_391 = arith.index_cast %add3A_388 : i32 to index
        %swap3A_392 = arith.constant 48 : index
        %swap3A_393 = tpu.vector_load %arg7[%swap3A_390, %swap3A_391, %swap3A_392] {strides = array<i32>} : memref<4x64x128xf32, #tpu.memory_space<vmem>>, vector<16xf32>,
        tpu.vector_store %arg7[%swap3A_390, %swap3A_391, %swap3A_392], %get3A_386 {strides = array<i32>} : memref<4x64x128xf32, #tpu.memory_space<vmem>>, vector<16xf32>,
        %add3A_394 = arith.constant 0 : i32
        %add3A_395 = arith.addi %mul3A_331, %add3A_394 : i32
        %add3A_396 = arith.constant 64 : i32
        %add3A_397 = arith.addi %add3A_395, %add3A_396 : i32
        %get3A_398 = arith.constant 3 : i32
        %get3A_399 = arith.index_cast %get3A_398 : i32 to index
        %get3A_400 = arith.index_cast %add3A_397 : i32 to index
        %get3A_401 = arith.constant 0 : index
        %get3A_402 = tpu.vector_load %arg6[%get3A_399, %get3A_400, %get3A_401] {strides = array<i32>} : memref<4x128x64xf32, #tpu.memory_space<vmem>>, vector<16xf32>,
        %add3A_403 = arith.constant 0 : i32
        %add3A_404 = arith.addi %mul3A_331, %add3A_403 : i32
        %swap3A_405 = arith.constant 3 : i32
        %swap3A_406 = arith.index_cast %swap3A_405 : i32 to index
        %swap3A_407 = arith.index_cast %add3A_404 : i32 to index
        %swap3A_408 = arith.constant 64 : index
        %swap3A_409 = tpu.vector_load %arg7[%swap3A_406, %swap3A_407, %swap3A_408] {strides = array<i32>} : memref<4x64x128xf32, #tpu.memory_space<vmem>>, vector<16xf32>,
        tpu.vector_store %arg7[%swap3A_406, %swap3A_407, %swap3A_408], %get3A_402 {strides = array<i32>} : memref<4x64x128xf32, #tpu.memory_space<vmem>>, vector<16xf32>,
        %add3A_410 = arith.constant 0 : i32
        %add3A_411 = arith.addi %mul3A_331, %add3A_410 : i32
        %add3A_412 = arith.constant 64 : i32
        %add3A_413 = arith.addi %add3A_411, %add3A_412 : i32
        %get3A_414 = arith.constant 3 : i32
        %get3A_415 = arith.index_cast %get3A_414 : i32 to index
        %get3A_416 = arith.index_cast %add3A_413 : i32 to index
        %get3A_417 = arith.constant 16 : index
        %get3A_418 = tpu.vector_load %arg6[%get3A_415, %get3A_416, %get3A_417] {strides = array<i32>} : memref<4x128x64xf32, #tpu.memory_space<vmem>>, vector<16xf32>,
        %add3A_419 = arith.constant 0 : i32
        %add3A_420 = arith.addi %mul3A_331, %add3A_419 : i32
        %swap3A_421 = arith.constant 3 : i32
        %swap3A_422 = arith.index_cast %swap3A_421 : i32 to index
        %swap3A_423 = arith.index_cast %add3A_420 : i32 to index
        %swap3A_424 = arith.constant 80 : index
        %swap3A_425 = tpu.vector_load %arg7[%swap3A_422, %swap3A_423, %swap3A_424] {strides = array<i32>} : memref<4x64x128xf32, #tpu.memory_space<vmem>>, vector<16xf32>,
        tpu.vector_store %arg7[%swap3A_422, %swap3A_423, %swap3A_424], %get3A_418 {strides = array<i32>} : memref<4x64x128xf32, #tpu.memory_space<vmem>>, vector<16xf32>,
        %add3A_426 = arith.constant 0 : i32
        %add3A_427 = arith.addi %mul3A_331, %add3A_426 : i32
        %add3A_428 = arith.constant 64 : i32
        %add3A_429 = arith.addi %add3A_427, %add3A_428 : i32
        %get3A_430 = arith.constant 3 : i32
        %get3A_431 = arith.index_cast %get3A_430 : i32 to index
        %get3A_432 = arith.index_cast %add3A_429 : i32 to index
        %get3A_433 = arith.constant 32 : index
        %get3A_434 = tpu.vector_load %arg6[%get3A_431, %get3A_432, %get3A_433] {strides = array<i32>} : memref<4x128x64xf32, #tpu.memory_space<vmem>>, vector<16xf32>,
        %add3A_435 = arith.constant 0 : i32
        %add3A_436 = arith.addi %mul3A_331, %add3A_435 : i32
        %swap3A_437 = arith.constant 3 : i32
        %swap3A_438 = arith.index_cast %swap3A_437 : i32 to index
        %swap3A_439 = arith.index_cast %add3A_436 : i32 to index
        %swap3A_440 = arith.constant 96 : index
        %swap3A_441 = tpu.vector_load %arg7[%swap3A_438, %swap3A_439, %swap3A_440] {strides = array<i32>} : memref<4x64x128xf32, #tpu.memory_space<vmem>>, vector<16xf32>,
        tpu.vector_store %arg7[%swap3A_438, %swap3A_439, %swap3A_440], %get3A_434 {strides = array<i32>} : memref<4x64x128xf32, #tpu.memory_space<vmem>>, vector<16xf32>,
        %add3A_442 = arith.constant 0 : i32
        %add3A_443 = arith.addi %mul3A_331, %add3A_442 : i32
        %add3A_444 = arith.constant 64 : i32
        %add3A_445 = arith.addi %add3A_443, %add3A_444 : i32
        %get3A_446 = arith.constant 3 : i32
        %get3A_447 = arith.index_cast %get3A_446 : i32 to index
        %get3A_448 = arith.index_cast %add3A_445 : i32 to index
        %get3A_449 = arith.constant 48 : index
        %get3A_450 = tpu.vector_load %arg6[%get3A_447, %get3A_448, %get3A_449] {strides = array<i32>} : memref<4x128x64xf32, #tpu.memory_space<vmem>>, vector<16xf32>,
        %add3A_451 = arith.constant 0 : i32
        %add3A_452 = arith.addi %mul3A_331, %add3A_451 : i32
        %swap3A_453 = arith.constant 3 : i32
        %swap3A_454 = arith.index_cast %swap3A_453 : i32 to index
        %swap3A_455 = arith.index_cast %add3A_452 : i32 to index
        %swap3A_456 = arith.constant 112 : index
        %swap3A_457 = tpu.vector_load %arg7[%swap3A_454, %swap3A_455, %swap3A_456] {strides = array<i32>} : memref<4x64x128xf32, #tpu.memory_space<vmem>>, vector<16xf32>,
        tpu.vector_store %arg7[%swap3A_454, %swap3A_455, %swap3A_456], %get3A_450 {strides = array<i32>} : memref<4x64x128xf32, #tpu.memory_space<vmem>>, vector<16xf32>,
        %add3A_458 = arith.constant 1 : i32
        %add3A_459 = arith.addi %mul3A_331, %add3A_458 : i32
        %add3A_460 = arith.constant 0 : i32
        %add3A_461 = arith.addi %add3A_459, %add3A_460 : i32
        %get3A_462 = arith.constant 3 : i32
        %get3A_463 = arith.index_cast %get3A_462 : i32 to index
        %get3A_464 = arith.index_cast %add3A_461 : i32 to index
        %get3A_465 = arith.constant 0 : index
        %get3A_466 = tpu.vector_load %arg6[%get3A_463, %get3A_464, %get3A_465] {strides = array<i32>} : memref<4x128x64xf32, #tpu.memory_space<vmem>>, vector<16xf32>,
        %add3A_467 = arith.constant 1 : i32
        %add3A_468 = arith.addi %mul3A_331, %add3A_467 : i32
        %swap3A_469 = arith.constant 3 : i32
        %swap3A_470 = arith.index_cast %swap3A_469 : i32 to index
        %swap3A_471 = arith.index_cast %add3A_468 : i32 to index
        %swap3A_472 = arith.constant 0 : index
        %swap3A_473 = tpu.vector_load %arg7[%swap3A_470, %swap3A_471, %swap3A_472] {strides = array<i32>} : memref<4x64x128xf32, #tpu.memory_space<vmem>>, vector<16xf32>,
        tpu.vector_store %arg7[%swap3A_470, %swap3A_471, %swap3A_472], %get3A_466 {strides = array<i32>} : memref<4x64x128xf32, #tpu.memory_space<vmem>>, vector<16xf32>,
        %add3A_474 = arith.constant 1 : i32
        %add3A_475 = arith.addi %mul3A_331, %add3A_474 : i32
        %add3A_476 = arith.constant 0 : i32
        %add3A_477 = arith.addi %add3A_475, %add3A_476 : i32
        %get3A_478 = arith.constant 3 : i32
        %get3A_479 = arith.index_cast %get3A_478 : i32 to index
        %get3A_480 = arith.index_cast %add3A_477 : i32 to index
        %get3A_481 = arith.constant 16 : index
        %get3A_482 = tpu.vector_load %arg6[%get3A_479, %get3A_480, %get3A_481] {strides = array<i32>} : memref<4x128x64xf32, #tpu.memory_space<vmem>>, vector<16xf32>,
        %add3A_483 = arith.constant 1 : i32
        %add3A_484 = arith.addi %mul3A_331, %add3A_483 : i32
        %swap3A_485 = arith.constant 3 : i32
        %swap3A_486 = arith.index_cast %swap3A_485 : i32 to index
        %swap3A_487 = arith.index_cast %add3A_484 : i32 to index
        %swap3A_488 = arith.constant 16 : index
        %swap3A_489 = tpu.vector_load %arg7[%swap3A_486, %swap3A_487, %swap3A_488] {strides = array<i32>} : memref<4x64x128xf32, #tpu.memory_space<vmem>>, vector<16xf32>,
        tpu.vector_store %arg7[%swap3A_486, %swap3A_487, %swap3A_488], %get3A_482 {strides = array<i32>} : memref<4x64x128xf32, #tpu.memory_space<vmem>>, vector<16xf32>,
        %add3A_490 = arith.constant 1 : i32
        %add3A_491 = arith.addi %mul3A_331, %add3A_490 : i32
        %add3A_492 = arith.constant 0 : i32
        %add3A_493 = arith.addi %add3A_491, %add3A_492 : i32
        %get3A_494 = arith.constant 3 : i32
        %get3A_495 = arith.index_cast %get3A_494 : i32 to index
        %get3A_496 = arith.index_cast %add3A_493 : i32 to index
        %get3A_497 = arith.constant 32 : index
        %get3A_498 = tpu.vector_load %arg6[%get3A_495, %get3A_496, %get3A_497] {strides = array<i32>} : memref<4x128x64xf32, #tpu.memory_space<vmem>>, vector<16xf32>,
        %add3A_499 = arith.constant 1 : i32
        %add3A_500 = arith.addi %mul3A_331, %add3A_499 : i32
        %swap3A_501 = arith.constant 3 : i32
        %swap3A_502 = arith.index_cast %swap3A_501 : i32 to index
        %swap3A_503 = arith.index_cast %add3A_500 : i32 to index
        %swap3A_504 = arith.constant 32 : index
        %swap3A_505 = tpu.vector_load %arg7[%swap3A_502, %swap3A_503, %swap3A_504] {strides = array<i32>} : memref<4x64x128xf32, #tpu.memory_space<vmem>>, vector<16xf32>,
        tpu.vector_store %arg7[%swap3A_502, %swap3A_503, %swap3A_504], %get3A_498 {strides = array<i32>} : memref<4x64x128xf32, #tpu.memory_space<vmem>>, vector<16xf32>,
        %add3A_506 = arith.constant 1 : i32
        %add3A_507 = arith.addi %mul3A_331, %add3A_506 : i32
        %add3A_508 = arith.constant 0 : i32
        %add3A_509 = arith.addi %add3A_507, %add3A_508 : i32
        %get3A_510 = arith.constant 3 : i32
        %get3A_511 = arith.index_cast %get3A_510 : i32 to index
        %get3A_512 = arith.index_cast %add3A_509 : i32 to index
        %get3A_513 = arith.constant 48 : index
        %get3A_514 = tpu.vector_load %arg6[%get3A_511, %get3A_512, %get3A_513] {strides = array<i32>} : memref<4x128x64xf32, #tpu.memory_space<vmem>>, vector<16xf32>,
        %add3A_515 = arith.constant 1 : i32
        %add3A_516 = arith.addi %mul3A_331, %add3A_515 : i32
        %swap3A_517 = arith.constant 3 : i32
        %swap3A_518 = arith.index_cast %swap3A_517 : i32 to index
        %swap3A_519 = arith.index_cast %add3A_516 : i32 to index
        %swap3A_520 = arith.constant 48 : index
        %swap3A_521 = tpu.vector_load %arg7[%swap3A_518, %swap3A_519, %swap3A_520] {strides = array<i32>} : memref<4x64x128xf32, #tpu.memory_space<vmem>>, vector<16xf32>,
        tpu.vector_store %arg7[%swap3A_518, %swap3A_519, %swap3A_520], %get3A_514 {strides = array<i32>} : memref<4x64x128xf32, #tpu.memory_space<vmem>>, vector<16xf32>,
        %add3A_522 = arith.constant 1 : i32
        %add3A_523 = arith.addi %mul3A_331, %add3A_522 : i32
        %add3A_524 = arith.constant 64 : i32
        %add3A_525 = arith.addi %add3A_523, %add3A_524 : i32
        %get3A_526 = arith.constant 3 : i32
        %get3A_527 = arith.index_cast %get3A_526 : i32 to index
        %get3A_528 = arith.index_cast %add3A_525 : i32 to index
        %get3A_529 = arith.constant 0 : index
        %get3A_530 = tpu.vector_load %arg6[%get3A_527, %get3A_528, %get3A_529] {strides = array<i32>} : memref<4x128x64xf32, #tpu.memory_space<vmem>>, vector<16xf32>,
        %add3A_531 = arith.constant 1 : i32
        %add3A_532 = arith.addi %mul3A_331, %add3A_531 : i32
        %swap3A_533 = arith.constant 3 : i32
        %swap3A_534 = arith.index_cast %swap3A_533 : i32 to index
        %swap3A_535 = arith.index_cast %add3A_532 : i32 to index
        %swap3A_536 = arith.constant 64 : index
        %swap3A_537 = tpu.vector_load %arg7[%swap3A_534, %swap3A_535, %swap3A_536] {strides = array<i32>} : memref<4x64x128xf32, #tpu.memory_space<vmem>>, vector<16xf32>,
        tpu.vector_store %arg7[%swap3A_534, %swap3A_535, %swap3A_536], %get3A_530 {strides = array<i32>} : memref<4x64x128xf32, #tpu.memory_space<vmem>>, vector<16xf32>,
        %add3A_538 = arith.constant 1 : i32
        %add3A_539 = arith.addi %mul3A_331, %add3A_538 : i32
        %add3A_540 = arith.constant 64 : i32
        %add3A_541 = arith.addi %add3A_539, %add3A_540 : i32
        %get3A_542 = arith.constant 3 : i32
        %get3A_543 = arith.index_cast %get3A_542 : i32 to index
        %get3A_544 = arith.index_cast %add3A_541 : i32 to index
        %get3A_545 = arith.constant 16 : index
        %get3A_546 = tpu.vector_load %arg6[%get3A_543, %get3A_544, %get3A_545] {strides = array<i32>} : memref<4x128x64xf32, #tpu.memory_space<vmem>>, vector<16xf32>,
        %add3A_547 = arith.constant 1 : i32
        %add3A_548 = arith.addi %mul3A_331, %add3A_547 : i32
        %swap3A_549 = arith.constant 3 : i32
        %swap3A_550 = arith.index_cast %swap3A_549 : i32 to index
        %swap3A_551 = arith.index_cast %add3A_548 : i32 to index
        %swap3A_552 = arith.constant 80 : index
        %swap3A_553 = tpu.vector_load %arg7[%swap3A_550, %swap3A_551, %swap3A_552] {strides = array<i32>} : memref<4x64x128xf32, #tpu.memory_space<vmem>>, vector<16xf32>,
        tpu.vector_store %arg7[%swap3A_550, %swap3A_551, %swap3A_552], %get3A_546 {strides = array<i32>} : memref<4x64x128xf32, #tpu.memory_space<vmem>>, vector<16xf32>,
        %add3A_554 = arith.constant 1 : i32
        %add3A_555 = arith.addi %mul3A_331, %add3A_554 : i32
        %add3A_556 = arith.constant 64 : i32
        %add3A_557 = arith.addi %add3A_555, %add3A_556 : i32
        %get3A_558 = arith.constant 3 : i32
        %get3A_559 = arith.index_cast %get3A_558 : i32 to index
        %get3A_560 = arith.index_cast %add3A_557 : i32 to index
        %get3A_561 = arith.constant 32 : index
        %get3A_562 = tpu.vector_load %arg6[%get3A_559, %get3A_560, %get3A_561] {strides = array<i32>} : memref<4x128x64xf32, #tpu.memory_space<vmem>>, vector<16xf32>,
        %add3A_563 = arith.constant 1 : i32
        %add3A_564 = arith.addi %mul3A_331, %add3A_563 : i32
        %swap3A_565 = arith.constant 3 : i32
        %swap3A_566 = arith.index_cast %swap3A_565 : i32 to index
        %swap3A_567 = arith.index_cast %add3A_564 : i32 to index
        %swap3A_568 = arith.constant 96 : index
        %swap3A_569 = tpu.vector_load %arg7[%swap3A_566, %swap3A_567, %swap3A_568] {strides = array<i32>} : memref<4x64x128xf32, #tpu.memory_space<vmem>>, vector<16xf32>,
        tpu.vector_store %arg7[%swap3A_566, %swap3A_567, %swap3A_568], %get3A_562 {strides = array<i32>} : memref<4x64x128xf32, #tpu.memory_space<vmem>>, vector<16xf32>,
        %add3A_570 = arith.constant 1 : i32
        %add3A_571 = arith.addi %mul3A_331, %add3A_570 : i32
        %add3A_572 = arith.constant 64 : i32
        %add3A_573 = arith.addi %add3A_571, %add3A_572 : i32
        %get3A_574 = arith.constant 3 : i32
        %get3A_575 = arith.index_cast %get3A_574 : i32 to index
        %get3A_576 = arith.index_cast %add3A_573 : i32 to index
        %get3A_577 = arith.constant 48 : index
        %get3A_578 = tpu.vector_load %arg6[%get3A_575, %get3A_576, %get3A_577] {strides = array<i32>} : memref<4x128x64xf32, #tpu.memory_space<vmem>>, vector<16xf32>,
        %add3A_579 = arith.constant 1 : i32
        %add3A_580 = arith.addi %mul3A_331, %add3A_579 : i32
        %swap3A_581 = arith.constant 3 : i32
        %swap3A_582 = arith.index_cast %swap3A_581 : i32 to index
        %swap3A_583 = arith.index_cast %add3A_580 : i32 to index
        %swap3A_584 = arith.constant 112 : index
        %swap3A_585 = tpu.vector_load %arg7[%swap3A_582, %swap3A_583, %swap3A_584] {strides = array<i32>} : memref<4x64x128xf32, #tpu.memory_space<vmem>>, vector<16xf32>,
        tpu.vector_store %arg7[%swap3A_582, %swap3A_583, %swap3A_584], %get3A_578 {strides = array<i32>} : memref<4x64x128xf32, #tpu.memory_space<vmem>>, vector<16xf32>,
        %add3A_586 = arith.constant 2 : i32
        %add3A_587 = arith.addi %mul3A_331, %add3A_586 : i32
        %add3A_588 = arith.constant 0 : i32
        %add3A_589 = arith.addi %add3A_587, %add3A_588 : i32
        %get3A_590 = arith.constant 3 : i32
        %get3A_591 = arith.index_cast %get3A_590 : i32 to index
        %get3A_592 = arith.index_cast %add3A_589 : i32 to index
        %get3A_593 = arith.constant 0 : index
        %get3A_594 = tpu.vector_load %arg6[%get3A_591, %get3A_592, %get3A_593] {strides = array<i32>} : memref<4x128x64xf32, #tpu.memory_space<vmem>>, vector<16xf32>,
        %add3A_595 = arith.constant 2 : i32
        %add3A_596 = arith.addi %mul3A_331, %add3A_595 : i32
        %swap3A_597 = arith.constant 3 : i32
        %swap3A_598 = arith.index_cast %swap3A_597 : i32 to index
        %swap3A_599 = arith.index_cast %add3A_596 : i32 to index
        %swap3A_600 = arith.constant 0 : index
        %swap3A_601 = tpu.vector_load %arg7[%swap3A_598, %swap3A_599, %swap3A_600] {strides = array<i32>} : memref<4x64x128xf32, #tpu.memory_space<vmem>>, vector<16xf32>,
        tpu.vector_store %arg7[%swap3A_598, %swap3A_599, %swap3A_600], %get3A_594 {strides = array<i32>} : memref<4x64x128xf32, #tpu.memory_space<vmem>>, vector<16xf32>,
        %add3A_602 = arith.constant 2 : i32
        %add3A_603 = arith.addi %mul3A_331, %add3A_602 : i32
        %add3A_604 = arith.constant 0 : i32
        %add3A_605 = arith.addi %add3A_603, %add3A_604 : i32
        %get3A_606 = arith.constant 3 : i32
        %get3A_607 = arith.index_cast %get3A_606 : i32 to index
        %get3A_608 = arith.index_cast %add3A_605 : i32 to index
        %get3A_609 = arith.constant 16 : index
        %get3A_610 = tpu.vector_load %arg6[%get3A_607, %get3A_608, %get3A_609] {strides = array<i32>} : memref<4x128x64xf32, #tpu.memory_space<vmem>>, vector<16xf32>,
        %add3A_611 = arith.constant 2 : i32
        %add3A_612 = arith.addi %mul3A_331, %add3A_611 : i32
        %swap3A_613 = arith.constant 3 : i32
        %swap3A_614 = arith.index_cast %swap3A_613 : i32 to index
        %swap3A_615 = arith.index_cast %add3A_612 : i32 to index
        %swap3A_616 = arith.constant 16 : index
        %swap3A_617 = tpu.vector_load %arg7[%swap3A_614, %swap3A_615, %swap3A_616] {strides = array<i32>} : memref<4x64x128xf32, #tpu.memory_space<vmem>>, vector<16xf32>,
        tpu.vector_store %arg7[%swap3A_614, %swap3A_615, %swap3A_616], %get3A_610 {strides = array<i32>} : memref<4x64x128xf32, #tpu.memory_space<vmem>>, vector<16xf32>,
        %add3A_618 = arith.constant 2 : i32
        %add3A_619 = arith.addi %mul3A_331, %add3A_618 : i32
        %add3A_620 = arith.constant 0 : i32
        %add3A_621 = arith.addi %add3A_619, %add3A_620 : i32
        %get3A_622 = arith.constant 3 : i32
        %get3A_623 = arith.index_cast %get3A_622 : i32 to index
        %get3A_624 = arith.index_cast %add3A_621 : i32 to index
        %get3A_625 = arith.constant 32 : index
        %get3A_626 = tpu.vector_load %arg6[%get3A_623, %get3A_624, %get3A_625] {strides = array<i32>} : memref<4x128x64xf32, #tpu.memory_space<vmem>>, vector<16xf32>,
        %add3A_627 = arith.constant 2 : i32
        %add3A_628 = arith.addi %mul3A_331, %add3A_627 : i32
        %swap3A_629 = arith.constant 3 : i32
        %swap3A_630 = arith.index_cast %swap3A_629 : i32 to index
        %swap3A_631 = arith.index_cast %add3A_628 : i32 to index
        %swap3A_632 = arith.constant 32 : index
        %swap3A_633 = tpu.vector_load %arg7[%swap3A_630, %swap3A_631, %swap3A_632] {strides = array<i32>} : memref<4x64x128xf32, #tpu.memory_space<vmem>>, vector<16xf32>,
        tpu.vector_store %arg7[%swap3A_630, %swap3A_631, %swap3A_632], %get3A_626 {strides = array<i32>} : memref<4x64x128xf32, #tpu.memory_space<vmem>>, vector<16xf32>,
        %add3A_634 = arith.constant 2 : i32
        %add3A_635 = arith.addi %mul3A_331, %add3A_634 : i32
        %add3A_636 = arith.constant 0 : i32
        %add3A_637 = arith.addi %add3A_635, %add3A_636 : i32
        %get3A_638 = arith.constant 3 : i32
        %get3A_639 = arith.index_cast %get3A_638 : i32 to index
        %get3A_640 = arith.index_cast %add3A_637 : i32 to index
        %get3A_641 = arith.constant 48 : index
        %get3A_642 = tpu.vector_load %arg6[%get3A_639, %get3A_640, %get3A_641] {strides = array<i32>} : memref<4x128x64xf32, #tpu.memory_space<vmem>>, vector<16xf32>,
        %add3A_643 = arith.constant 2 : i32
        %add3A_644 = arith.addi %mul3A_331, %add3A_643 : i32
        %swap3A_645 = arith.constant 3 : i32
        %swap3A_646 = arith.index_cast %swap3A_645 : i32 to index
        %swap3A_647 = arith.index_cast %add3A_644 : i32 to index
        %swap3A_648 = arith.constant 48 : index
        %swap3A_649 = tpu.vector_load %arg7[%swap3A_646, %swap3A_647, %swap3A_648] {strides = array<i32>} : memref<4x64x128xf32, #tpu.memory_space<vmem>>, vector<16xf32>,
        tpu.vector_store %arg7[%swap3A_646, %swap3A_647, %swap3A_648], %get3A_642 {strides = array<i32>} : memref<4x64x128xf32, #tpu.memory_space<vmem>>, vector<16xf32>,
        %add3A_650 = arith.constant 2 : i32
        %add3A_651 = arith.addi %mul3A_331, %add3A_650 : i32
        %add3A_652 = arith.constant 64 : i32
        %add3A_653 = arith.addi %add3A_651, %add3A_652 : i32
        %get3A_654 = arith.constant 3 : i32
        %get3A_655 = arith.index_cast %get3A_654 : i32 to index
        %get3A_656 = arith.index_cast %add3A_653 : i32 to index
        %get3A_657 = arith.constant 0 : index
        %get3A_658 = tpu.vector_load %arg6[%get3A_655, %get3A_656, %get3A_657] {strides = array<i32>} : memref<4x128x64xf32, #tpu.memory_space<vmem>>, vector<16xf32>,
        %add3A_659 = arith.constant 2 : i32
        %add3A_660 = arith.addi %mul3A_331, %add3A_659 : i32
        %swap3A_661 = arith.constant 3 : i32
        %swap3A_662 = arith.index_cast %swap3A_661 : i32 to index
        %swap3A_663 = arith.index_cast %add3A_660 : i32 to index
        %swap3A_664 = arith.constant 64 : index
        %swap3A_665 = tpu.vector_load %arg7[%swap3A_662, %swap3A_663, %swap3A_664] {strides = array<i32>} : memref<4x64x128xf32, #tpu.memory_space<vmem>>, vector<16xf32>,
        tpu.vector_store %arg7[%swap3A_662, %swap3A_663, %swap3A_664], %get3A_658 {strides = array<i32>} : memref<4x64x128xf32, #tpu.memory_space<vmem>>, vector<16xf32>,
        %add3A_666 = arith.constant 2 : i32
        %add3A_667 = arith.addi %mul3A_331, %add3A_666 : i32
        %add3A_668 = arith.constant 64 : i32
        %add3A_669 = arith.addi %add3A_667, %add3A_668 : i32
        %get3A_670 = arith.constant 3 : i32
        %get3A_671 = arith.index_cast %get3A_670 : i32 to index
        %get3A_672 = arith.index_cast %add3A_669 : i32 to index
        %get3A_673 = arith.constant 16 : index
        %get3A_674 = tpu.vector_load %arg6[%get3A_671, %get3A_672, %get3A_673] {strides = array<i32>} : memref<4x128x64xf32, #tpu.memory_space<vmem>>, vector<16xf32>,
        %add3A_675 = arith.constant 2 : i32
        %add3A_676 = arith.addi %mul3A_331, %add3A_675 : i32
        %swap3A_677 = arith.constant 3 : i32
        %swap3A_678 = arith.index_cast %swap3A_677 : i32 to index
        %swap3A_679 = arith.index_cast %add3A_676 : i32 to index
        %swap3A_680 = arith.constant 80 : index
        %swap3A_681 = tpu.vector_load %arg7[%swap3A_678, %swap3A_679, %swap3A_680] {strides = array<i32>} : memref<4x64x128xf32, #tpu.memory_space<vmem>>, vector<16xf32>,
        tpu.vector_store %arg7[%swap3A_678, %swap3A_679, %swap3A_680], %get3A_674 {strides = array<i32>} : memref<4x64x128xf32, #tpu.memory_space<vmem>>, vector<16xf32>,
        %add3A_682 = arith.constant 2 : i32
        %add3A_683 = arith.addi %mul3A_331, %add3A_682 : i32
        %add3A_684 = arith.constant 64 : i32
        %add3A_685 = arith.addi %add3A_683, %add3A_684 : i32
        %get3A_686 = arith.constant 3 : i32
        %get3A_687 = arith.index_cast %get3A_686 : i32 to index
        %get3A_688 = arith.index_cast %add3A_685 : i32 to index
        %get3A_689 = arith.constant 32 : index
        %get3A_690 = tpu.vector_load %arg6[%get3A_687, %get3A_688, %get3A_689] {strides = array<i32>} : memref<4x128x64xf32, #tpu.memory_space<vmem>>, vector<16xf32>,
        %add3A_691 = arith.constant 2 : i32
        %add3A_692 = arith.addi %mul3A_331, %add3A_691 : i32
        %swap3A_693 = arith.constant 3 : i32
        %swap3A_694 = arith.index_cast %swap3A_693 : i32 to index
        %swap3A_695 = arith.index_cast %add3A_692 : i32 to index
        %swap3A_696 = arith.constant 96 : index
        %swap3A_697 = tpu.vector_load %arg7[%swap3A_694, %swap3A_695, %swap3A_696] {strides = array<i32>} : memref<4x64x128xf32, #tpu.memory_space<vmem>>, vector<16xf32>,
        tpu.vector_store %arg7[%swap3A_694, %swap3A_695, %swap3A_696], %get3A_690 {strides = array<i32>} : memref<4x64x128xf32, #tpu.memory_space<vmem>>, vector<16xf32>,
        %add3A_698 = arith.constant 2 : i32
        %add3A_699 = arith.addi %mul3A_331, %add3A_698 : i32
        %add3A_700 = arith.constant 64 : i32
        %add3A_701 = arith.addi %add3A_699, %add3A_700 : i32
        %get3A_702 = arith.constant 3 : i32
        %get3A_703 = arith.index_cast %get3A_702 : i32 to index
        %get3A_704 = arith.index_cast %add3A_701 : i32 to index
        %get3A_705 = arith.constant 48 : index
        %get3A_706 = tpu.vector_load %arg6[%get3A_703, %get3A_704, %get3A_705] {strides = array<i32>} : memref<4x128x64xf32, #tpu.memory_space<vmem>>, vector<16xf32>,
        %add3A_707 = arith.constant 2 : i32
        %add3A_708 = arith.addi %mul3A_331, %add3A_707 : i32
        %swap3A_709 = arith.constant 3 : i32
        %swap3A_710 = arith.index_cast %swap3A_709 : i32 to index
        %swap3A_711 = arith.index_cast %add3A_708 : i32 to index
        %swap3A_712 = arith.constant 112 : index
        %swap3A_713 = tpu.vector_load %arg7[%swap3A_710, %swap3A_711, %swap3A_712] {strides = array<i32>} : memref<4x64x128xf32, #tpu.memory_space<vmem>>, vector<16xf32>,
        tpu.vector_store %arg7[%swap3A_710, %swap3A_711, %swap3A_712], %get3A_706 {strides = array<i32>} : memref<4x64x128xf32, #tpu.memory_space<vmem>>, vector<16xf32>,
        %add3A_714 = arith.constant 3 : i32
        %add3A_715 = arith.addi %mul3A_331, %add3A_714 : i32
        %add3A_716 = arith.constant 0 : i32
        %add3A_717 = arith.addi %add3A_715, %add3A_716 : i32
        %get3A_718 = arith.constant 3 : i32
        %get3A_719 = arith.index_cast %get3A_718 : i32 to index
        %get3A_720 = arith.index_cast %add3A_717 : i32 to index
        %get3A_721 = arith.constant 0 : index
        %get3A_722 = tpu.vector_load %arg6[%get3A_719, %get3A_720, %get3A_721] {strides = array<i32>} : memref<4x128x64xf32, #tpu.memory_space<vmem>>, vector<16xf32>,
        %add3A_723 = arith.constant 3 : i32
        %add3A_724 = arith.addi %mul3A_331, %add3A_723 : i32
        %swap3A_725 = arith.constant 3 : i32
        %swap3A_726 = arith.index_cast %swap3A_725 : i32 to index
        %swap3A_727 = arith.index_cast %add3A_724 : i32 to index
        %swap3A_728 = arith.constant 0 : index
        %swap3A_729 = tpu.vector_load %arg7[%swap3A_726, %swap3A_727, %swap3A_728] {strides = array<i32>} : memref<4x64x128xf32, #tpu.memory_space<vmem>>, vector<16xf32>,
        tpu.vector_store %arg7[%swap3A_726, %swap3A_727, %swap3A_728], %get3A_722 {strides = array<i32>} : memref<4x64x128xf32, #tpu.memory_space<vmem>>, vector<16xf32>,
        %add3A_730 = arith.constant 3 : i32
        %add3A_731 = arith.addi %mul3A_331, %add3A_730 : i32
        %add3A_732 = arith.constant 0 : i32
        %add3A_733 = arith.addi %add3A_731, %add3A_732 : i32
        %get3A_734 = arith.constant 3 : i32
        %get3A_735 = arith.index_cast %get3A_734 : i32 to index
        %get3A_736 = arith.index_cast %add3A_733 : i32 to index
        %get3A_737 = arith.constant 16 : index
        %get3A_738 = tpu.vector_load %arg6[%get3A_735, %get3A_736, %get3A_737] {strides = array<i32>} : memref<4x128x64xf32, #tpu.memory_space<vmem>>, vector<16xf32>,
        %add3A_739 = arith.constant 3 : i32
        %add3A_740 = arith.addi %mul3A_331, %add3A_739 : i32
        %swap3A_741 = arith.constant 3 : i32
        %swap3A_742 = arith.index_cast %swap3A_741 : i32 to index
        %swap3A_743 = arith.index_cast %add3A_740 : i32 to index
        %swap3A_744 = arith.constant 16 : index
        %swap3A_745 = tpu.vector_load %arg7[%swap3A_742, %swap3A_743, %swap3A_744] {strides = array<i32>} : memref<4x64x128xf32, #tpu.memory_space<vmem>>, vector<16xf32>,
        tpu.vector_store %arg7[%swap3A_742, %swap3A_743, %swap3A_744], %get3A_738 {strides = array<i32>} : memref<4x64x128xf32, #tpu.memory_space<vmem>>, vector<16xf32>,
        %add3A_746 = arith.constant 3 : i32
        %add3A_747 = arith.addi %mul3A_331, %add3A_746 : i32
        %add3A_748 = arith.constant 0 : i32
        %add3A_749 = arith.addi %add3A_747, %add3A_748 : i32
        %get3A_750 = arith.constant 3 : i32
        %get3A_751 = arith.index_cast %get3A_750 : i32 to index
        %get3A_752 = arith.index_cast %add3A_749 : i32 to index
        %get3A_753 = arith.constant 32 : index
        %get3A_754 = tpu.vector_load %arg6[%get3A_751, %get3A_752, %get3A_753] {strides = array<i32>} : memref<4x128x64xf32, #tpu.memory_space<vmem>>, vector<16xf32>,
        %add3A_755 = arith.constant 3 : i32
        %add3A_756 = arith.addi %mul3A_331, %add3A_755 : i32
        %swap3A_757 = arith.constant 3 : i32
        %swap3A_758 = arith.index_cast %swap3A_757 : i32 to index
        %swap3A_759 = arith.index_cast %add3A_756 : i32 to index
        %swap3A_760 = arith.constant 32 : index
        %swap3A_761 = tpu.vector_load %arg7[%swap3A_758, %swap3A_759, %swap3A_760] {strides = array<i32>} : memref<4x64x128xf32, #tpu.memory_space<vmem>>, vector<16xf32>,
        tpu.vector_store %arg7[%swap3A_758, %swap3A_759, %swap3A_760], %get3A_754 {strides = array<i32>} : memref<4x64x128xf32, #tpu.memory_space<vmem>>, vector<16xf32>,
        %add3A_762 = arith.constant 3 : i32
        %add3A_763 = arith.addi %mul3A_331, %add3A_762 : i32
        %add3A_764 = arith.constant 0 : i32
        %add3A_765 = arith.addi %add3A_763, %add3A_764 : i32
        %get3A_766 = arith.constant 3 : i32
        %get3A_767 = arith.index_cast %get3A_766 : i32 to index
        %get3A_768 = arith.index_cast %add3A_765 : i32 to index
        %get3A_769 = arith.constant 48 : index
        %get3A_770 = tpu.vector_load %arg6[%get3A_767, %get3A_768, %get3A_769] {strides = array<i32>} : memref<4x128x64xf32, #tpu.memory_space<vmem>>, vector<16xf32>,
        %add3A_771 = arith.constant 3 : i32
        %add3A_772 = arith.addi %mul3A_331, %add3A_771 : i32
        %swap3A_773 = arith.constant 3 : i32
        %swap3A_774 = arith.index_cast %swap3A_773 : i32 to index
        %swap3A_775 = arith.index_cast %add3A_772 : i32 to index
        %swap3A_776 = arith.constant 48 : index
        %swap3A_777 = tpu.vector_load %arg7[%swap3A_774, %swap3A_775, %swap3A_776] {strides = array<i32>} : memref<4x64x128xf32, #tpu.memory_space<vmem>>, vector<16xf32>,
        tpu.vector_store %arg7[%swap3A_774, %swap3A_775, %swap3A_776], %get3A_770 {strides = array<i32>} : memref<4x64x128xf32, #tpu.memory_space<vmem>>, vector<16xf32>,
        %add3A_778 = arith.constant 3 : i32
        %add3A_779 = arith.addi %mul3A_331, %add3A_778 : i32
        %add3A_780 = arith.constant 64 : i32
        %add3A_781 = arith.addi %add3A_779, %add3A_780 : i32
        %get3A_782 = arith.constant 3 : i32
        %get3A_783 = arith.index_cast %get3A_782 : i32 to index
        %get3A_784 = arith.index_cast %add3A_781 : i32 to index
        %get3A_785 = arith.constant 0 : index
        %get3A_786 = tpu.vector_load %arg6[%get3A_783, %get3A_784, %get3A_785] {strides = array<i32>} : memref<4x128x64xf32, #tpu.memory_space<vmem>>, vector<16xf32>,
        %add3A_787 = arith.constant 3 : i32
        %add3A_788 = arith.addi %mul3A_331, %add3A_787 : i32
        %swap3A_789 = arith.constant 3 : i32
        %swap3A_790 = arith.index_cast %swap3A_789 : i32 to index
        %swap3A_791 = arith.index_cast %add3A_788 : i32 to index
        %swap3A_792 = arith.constant 64 : index
        %swap3A_793 = tpu.vector_load %arg7[%swap3A_790, %swap3A_791, %swap3A_792] {strides = array<i32>} : memref<4x64x128xf32, #tpu.memory_space<vmem>>, vector<16xf32>,
        tpu.vector_store %arg7[%swap3A_790, %swap3A_791, %swap3A_792], %get3A_786 {strides = array<i32>} : memref<4x64x128xf32, #tpu.memory_space<vmem>>, vector<16xf32>,
        %add3A_794 = arith.constant 3 : i32
        %add3A_795 = arith.addi %mul3A_331, %add3A_794 : i32
        %add3A_796 = arith.constant 64 : i32
        %add3A_797 = arith.addi %add3A_795, %add3A_796 : i32
        %get3A_798 = arith.constant 3 : i32
        %get3A_799 = arith.index_cast %get3A_798 : i32 to index
        %get3A_800 = arith.index_cast %add3A_797 : i32 to index
        %get3A_801 = arith.constant 16 : index
        %get3A_802 = tpu.vector_load %arg6[%get3A_799, %get3A_800, %get3A_801] {strides = array<i32>} : memref<4x128x64xf32, #tpu.memory_space<vmem>>, vector<16xf32>,
        %add3A_803 = arith.constant 3 : i32
        %add3A_804 = arith.addi %mul3A_331, %add3A_803 : i32
        %swap3A_805 = arith.constant 3 : i32
        %swap3A_806 = arith.index_cast %swap3A_805 : i32 to index
        %swap3A_807 = arith.index_cast %add3A_804 : i32 to index
        %swap3A_808 = arith.constant 80 : index
        %swap3A_809 = tpu.vector_load %arg7[%swap3A_806, %swap3A_807, %swap3A_808] {strides = array<i32>} : memref<4x64x128xf32, #tpu.memory_space<vmem>>, vector<16xf32>,
        tpu.vector_store %arg7[%swap3A_806, %swap3A_807, %swap3A_808], %get3A_802 {strides = array<i32>} : memref<4x64x128xf32, #tpu.memory_space<vmem>>, vector<16xf32>,
        %add3A_810 = arith.constant 3 : i32
        %add3A_811 = arith.addi %mul3A_331, %add3A_810 : i32
        %add3A_812 = arith.constant 64 : i32
        %add3A_813 = arith.addi %add3A_811, %add3A_812 : i32
        %get3A_814 = arith.constant 3 : i32
        %get3A_815 = arith.index_cast %get3A_814 : i32 to index
        %get3A_816 = arith.index_cast %add3A_813 : i32 to index
        %get3A_817 = arith.constant 32 : index
        %get3A_818 = tpu.vector_load %arg6[%get3A_815, %get3A_816, %get3A_817] {strides = array<i32>} : memref<4x128x64xf32, #tpu.memory_space<vmem>>, vector<16xf32>,
        %add3A_819 = arith.constant 3 : i32
        %add3A_820 = arith.addi %mul3A_331, %add3A_819 : i32
        %swap3A_821 = arith.constant 3 : i32
        %swap3A_822 = arith.index_cast %swap3A_821 : i32 to index
        %swap3A_823 = arith.index_cast %add3A_820 : i32 to index
        %swap3A_824 = arith.constant 96 : index
        %swap3A_825 = tpu.vector_load %arg7[%swap3A_822, %swap3A_823, %swap3A_824] {strides = array<i32>} : memref<4x64x128xf32, #tpu.memory_space<vmem>>, vector<16xf32>,
        tpu.vector_store %arg7[%swap3A_822, %swap3A_823, %swap3A_824], %get3A_818 {strides = array<i32>} : memref<4x64x128xf32, #tpu.memory_space<vmem>>, vector<16xf32>,
        %add3A_826 = arith.constant 3 : i32
        %add3A_827 = arith.addi %mul3A_331, %add3A_826 : i32
        %add3A_828 = arith.constant 64 : i32
        %add3A_829 = arith.addi %add3A_827, %add3A_828 : i32
        %get3A_830 = arith.constant 3 : i32
        %get3A_831 = arith.index_cast %get3A_830 : i32 to index
        %get3A_832 = arith.index_cast %add3A_829 : i32 to index
        %get3A_833 = arith.constant 48 : index
        %get3A_834 = tpu.vector_load %arg6[%get3A_831, %get3A_832, %get3A_833] {strides = array<i32>} : memref<4x128x64xf32, #tpu.memory_space<vmem>>, vector<16xf32>,
        %add3A_835 = arith.constant 3 : i32
        %add3A_836 = arith.addi %mul3A_331, %add3A_835 : i32
        %swap3A_837 = arith.constant 3 : i32
        %swap3A_838 = arith.index_cast %swap3A_837 : i32 to index
        %swap3A_839 = arith.index_cast %add3A_836 : i32 to index
        %swap3A_840 = arith.constant 112 : index
        %swap3A_841 = tpu.vector_load %arg7[%swap3A_838, %swap3A_839, %swap3A_840] {strides = array<i32>} : memref<4x64x128xf32, #tpu.memory_space<vmem>>, vector<16xf32>,
        tpu.vector_store %arg7[%swap3A_838, %swap3A_839, %swap3A_840], %get3A_834 {strides = array<i32>} : memref<4x64x128xf32, #tpu.memory_space<vmem>>, vector<16xf32>,
        %add3A_842 = arith.constant 4 : i32
        %add3A_843 = arith.addi %mul3A_331, %add3A_842 : i32
        %add3A_844 = arith.constant 0 : i32
        %add3A_845 = arith.addi %add3A_843, %add3A_844 : i32
        %get3A_846 = arith.constant 3 : i32
        %get3A_847 = arith.index_cast %get3A_846 : i32 to index
        %get3A_848 = arith.index_cast %add3A_845 : i32 to index
        %get3A_849 = arith.constant 0 : index
        %get3A_850 = tpu.vector_load %arg6[%get3A_847, %get3A_848, %get3A_849] {strides = array<i32>} : memref<4x128x64xf32, #tpu.memory_space<vmem>>, vector<16xf32>,
        %add3A_851 = arith.constant 4 : i32
        %add3A_852 = arith.addi %mul3A_331, %add3A_851 : i32
        %swap3A_853 = arith.constant 3 : i32
        %swap3A_854 = arith.index_cast %swap3A_853 : i32 to index
        %swap3A_855 = arith.index_cast %add3A_852 : i32 to index
        %swap3A_856 = arith.constant 0 : index
        %swap3A_857 = tpu.vector_load %arg7[%swap3A_854, %swap3A_855, %swap3A_856] {strides = array<i32>} : memref<4x64x128xf32, #tpu.memory_space<vmem>>, vector<16xf32>,
        tpu.vector_store %arg7[%swap3A_854, %swap3A_855, %swap3A_856], %get3A_850 {strides = array<i32>} : memref<4x64x128xf32, #tpu.memory_space<vmem>>, vector<16xf32>,
        %add3A_858 = arith.constant 4 : i32
        %add3A_859 = arith.addi %mul3A_331, %add3A_858 : i32
        %add3A_860 = arith.constant 0 : i32
        %add3A_861 = arith.addi %add3A_859, %add3A_860 : i32
        %get3A_862 = arith.constant 3 : i32
        %get3A_863 = arith.index_cast %get3A_862 : i32 to index
        %get3A_864 = arith.index_cast %add3A_861 : i32 to index
        %get3A_865 = arith.constant 16 : index
        %get3A_866 = tpu.vector_load %arg6[%get3A_863, %get3A_864, %get3A_865] {strides = array<i32>} : memref<4x128x64xf32, #tpu.memory_space<vmem>>, vector<16xf32>,
        %add3A_867 = arith.constant 4 : i32
        %add3A_868 = arith.addi %mul3A_331, %add3A_867 : i32
        %swap3A_869 = arith.constant 3 : i32
        %swap3A_870 = arith.index_cast %swap3A_869 : i32 to index
        %swap3A_871 = arith.index_cast %add3A_868 : i32 to index
        %swap3A_872 = arith.constant 16 : index
        %swap3A_873 = tpu.vector_load %arg7[%swap3A_870, %swap3A_871, %swap3A_872] {strides = array<i32>} : memref<4x64x128xf32, #tpu.memory_space<vmem>>, vector<16xf32>,
        tpu.vector_store %arg7[%swap3A_870, %swap3A_871, %swap3A_872], %get3A_866 {strides = array<i32>} : memref<4x64x128xf32, #tpu.memory_space<vmem>>, vector<16xf32>,
        %add3A_874 = arith.constant 4 : i32
        %add3A_875 = arith.addi %mul3A_331, %add3A_874 : i32
        %add3A_876 = arith.constant 0 : i32
        %add3A_877 = arith.addi %add3A_875, %add3A_876 : i32
        %get3A_878 = arith.constant 3 : i32
        %get3A_879 = arith.index_cast %get3A_878 : i32 to index
        %get3A_880 = arith.index_cast %add3A_877 : i32 to index
        %get3A_881 = arith.constant 32 : index
        %get3A_882 = tpu.vector_load %arg6[%get3A_879, %get3A_880, %get3A_881] {strides = array<i32>} : memref<4x128x64xf32, #tpu.memory_space<vmem>>, vector<16xf32>,
        %add3A_883 = arith.constant 4 : i32
        %add3A_884 = arith.addi %mul3A_331, %add3A_883 : i32
        %swap3A_885 = arith.constant 3 : i32
        %swap3A_886 = arith.index_cast %swap3A_885 : i32 to index
        %swap3A_887 = arith.index_cast %add3A_884 : i32 to index
        %swap3A_888 = arith.constant 32 : index
        %swap3A_889 = tpu.vector_load %arg7[%swap3A_886, %swap3A_887, %swap3A_888] {strides = array<i32>} : memref<4x64x128xf32, #tpu.memory_space<vmem>>, vector<16xf32>,
        tpu.vector_store %arg7[%swap3A_886, %swap3A_887, %swap3A_888], %get3A_882 {strides = array<i32>} : memref<4x64x128xf32, #tpu.memory_space<vmem>>, vector<16xf32>,
        %add3A_890 = arith.constant 4 : i32
        %add3A_891 = arith.addi %mul3A_331, %add3A_890 : i32
        %add3A_892 = arith.constant 0 : i32
        %add3A_893 = arith.addi %add3A_891, %add3A_892 : i32
        %get3A_894 = arith.constant 3 : i32
        %get3A_895 = arith.index_cast %get3A_894 : i32 to index
        %get3A_896 = arith.index_cast %add3A_893 : i32 to index
        %get3A_897 = arith.constant 48 : index
        %get3A_898 = tpu.vector_load %arg6[%get3A_895, %get3A_896, %get3A_897] {strides = array<i32>} : memref<4x128x64xf32, #tpu.memory_space<vmem>>, vector<16xf32>,
        %add3A_899 = arith.constant 4 : i32
        %add3A_900 = arith.addi %mul3A_331, %add3A_899 : i32
        %swap3A_901 = arith.constant 3 : i32
        %swap3A_902 = arith.index_cast %swap3A_901 : i32 to index
        %swap3A_903 = arith.index_cast %add3A_900 : i32 to index
        %swap3A_904 = arith.constant 48 : index
        %swap3A_905 = tpu.vector_load %arg7[%swap3A_902, %swap3A_903, %swap3A_904] {strides = array<i32>} : memref<4x64x128xf32, #tpu.memory_space<vmem>>, vector<16xf32>,
        tpu.vector_store %arg7[%swap3A_902, %swap3A_903, %swap3A_904], %get3A_898 {strides = array<i32>} : memref<4x64x128xf32, #tpu.memory_space<vmem>>, vector<16xf32>,
        %add3A_906 = arith.constant 4 : i32
        %add3A_907 = arith.addi %mul3A_331, %add3A_906 : i32
        %add3A_908 = arith.constant 64 : i32
        %add3A_909 = arith.addi %add3A_907, %add3A_908 : i32
        %get3A_910 = arith.constant 3 : i32
        %get3A_911 = arith.index_cast %get3A_910 : i32 to index
        %get3A_912 = arith.index_cast %add3A_909 : i32 to index
        %get3A_913 = arith.constant 0 : index
        %get3A_914 = tpu.vector_load %arg6[%get3A_911, %get3A_912, %get3A_913] {strides = array<i32>} : memref<4x128x64xf32, #tpu.memory_space<vmem>>, vector<16xf32>,
        %add3A_915 = arith.constant 4 : i32
        %add3A_916 = arith.addi %mul3A_331, %add3A_915 : i32
        %swap3A_917 = arith.constant 3 : i32
        %swap3A_918 = arith.index_cast %swap3A_917 : i32 to index
        %swap3A_919 = arith.index_cast %add3A_916 : i32 to index
        %swap3A_920 = arith.constant 64 : index
        %swap3A_921 = tpu.vector_load %arg7[%swap3A_918, %swap3A_919, %swap3A_920] {strides = array<i32>} : memref<4x64x128xf32, #tpu.memory_space<vmem>>, vector<16xf32>,
        tpu.vector_store %arg7[%swap3A_918, %swap3A_919, %swap3A_920], %get3A_914 {strides = array<i32>} : memref<4x64x128xf32, #tpu.memory_space<vmem>>, vector<16xf32>,
        %add3A_922 = arith.constant 4 : i32
        %add3A_923 = arith.addi %mul3A_331, %add3A_922 : i32
        %add3A_924 = arith.constant 64 : i32
        %add3A_925 = arith.addi %add3A_923, %add3A_924 : i32
        %get3A_926 = arith.constant 3 : i32
        %get3A_927 = arith.index_cast %get3A_926 : i32 to index
        %get3A_928 = arith.index_cast %add3A_925 : i32 to index
        %get3A_929 = arith.constant 16 : index
        %get3A_930 = tpu.vector_load %arg6[%get3A_927, %get3A_928, %get3A_929] {strides = array<i32>} : memref<4x128x64xf32, #tpu.memory_space<vmem>>, vector<16xf32>,
        %add3A_931 = arith.constant 4 : i32
        %add3A_932 = arith.addi %mul3A_331, %add3A_931 : i32
        %swap3A_933 = arith.constant 3 : i32
        %swap3A_934 = arith.index_cast %swap3A_933 : i32 to index
        %swap3A_935 = arith.index_cast %add3A_932 : i32 to index
        %swap3A_936 = arith.constant 80 : index
        %swap3A_937 = tpu.vector_load %arg7[%swap3A_934, %swap3A_935, %swap3A_936] {strides = array<i32>} : memref<4x64x128xf32, #tpu.memory_space<vmem>>, vector<16xf32>,
        tpu.vector_store %arg7[%swap3A_934, %swap3A_935, %swap3A_936], %get3A_930 {strides = array<i32>} : memref<4x64x128xf32, #tpu.memory_space<vmem>>, vector<16xf32>,
        %add3A_938 = arith.constant 4 : i32
        %add3A_939 = arith.addi %mul3A_331, %add3A_938 : i32
        %add3A_940 = arith.constant 64 : i32
        %add3A_941 = arith.addi %add3A_939, %add3A_940 : i32
        %get3A_942 = arith.constant 3 : i32
        %get3A_943 = arith.index_cast %get3A_942 : i32 to index
        %get3A_944 = arith.index_cast %add3A_941 : i32 to index
        %get3A_945 = arith.constant 32 : index
        %get3A_946 = tpu.vector_load %arg6[%get3A_943, %get3A_944, %get3A_945] {strides = array<i32>} : memref<4x128x64xf32, #tpu.memory_space<vmem>>, vector<16xf32>,
        %add3A_947 = arith.constant 4 : i32
        %add3A_948 = arith.addi %mul3A_331, %add3A_947 : i32
        %swap3A_949 = arith.constant 3 : i32
        %swap3A_950 = arith.index_cast %swap3A_949 : i32 to index
        %swap3A_951 = arith.index_cast %add3A_948 : i32 to index
        %swap3A_952 = arith.constant 96 : index
        %swap3A_953 = tpu.vector_load %arg7[%swap3A_950, %swap3A_951, %swap3A_952] {strides = array<i32>} : memref<4x64x128xf32, #tpu.memory_space<vmem>>, vector<16xf32>,
        tpu.vector_store %arg7[%swap3A_950, %swap3A_951, %swap3A_952], %get3A_946 {strides = array<i32>} : memref<4x64x128xf32, #tpu.memory_space<vmem>>, vector<16xf32>,
        %add3A_954 = arith.constant 4 : i32
        %add3A_955 = arith.addi %mul3A_331, %add3A_954 : i32
        %add3A_956 = arith.constant 64 : i32
        %add3A_957 = arith.addi %add3A_955, %add3A_956 : i32
        %get3A_958 = arith.constant 3 : i32
        %get3A_959 = arith.index_cast %get3A_958 : i32 to index
        %get3A_960 = arith.index_cast %add3A_957 : i32 to index
        %get3A_961 = arith.constant 48 : index
        %get3A_962 = tpu.vector_load %arg6[%get3A_959, %get3A_960, %get3A_961] {strides = array<i32>} : memref<4x128x64xf32, #tpu.memory_space<vmem>>, vector<16xf32>,
        %add3A_963 = arith.constant 4 : i32
        %add3A_964 = arith.addi %mul3A_331, %add3A_963 : i32
        %swap3A_965 = arith.constant 3 : i32
        %swap3A_966 = arith.index_cast %swap3A_965 : i32 to index
        %swap3A_967 = arith.index_cast %add3A_964 : i32 to index
        %swap3A_968 = arith.constant 112 : index
        %swap3A_969 = tpu.vector_load %arg7[%swap3A_966, %swap3A_967, %swap3A_968] {strides = array<i32>} : memref<4x64x128xf32, #tpu.memory_space<vmem>>, vector<16xf32>,
        tpu.vector_store %arg7[%swap3A_966, %swap3A_967, %swap3A_968], %get3A_962 {strides = array<i32>} : memref<4x64x128xf32, #tpu.memory_space<vmem>>, vector<16xf32>,
        %add3A_970 = arith.constant 5 : i32
        %add3A_971 = arith.addi %mul3A_331, %add3A_970 : i32
        %add3A_972 = arith.constant 0 : i32
        %add3A_973 = arith.addi %add3A_971, %add3A_972 : i32
        %get3A_974 = arith.constant 3 : i32
        %get3A_975 = arith.index_cast %get3A_974 : i32 to index
        %get3A_976 = arith.index_cast %add3A_973 : i32 to index
        %get3A_977 = arith.constant 0 : index
        %get3A_978 = tpu.vector_load %arg6[%get3A_975, %get3A_976, %get3A_977] {strides = array<i32>} : memref<4x128x64xf32, #tpu.memory_space<vmem>>, vector<16xf32>,
        %add3A_979 = arith.constant 5 : i32
        %add3A_980 = arith.addi %mul3A_331, %add3A_979 : i32
        %swap3A_981 = arith.constant 3 : i32
        %swap3A_982 = arith.index_cast %swap3A_981 : i32 to index
        %swap3A_983 = arith.index_cast %add3A_980 : i32 to index
        %swap3A_984 = arith.constant 0 : index
        %swap3A_985 = tpu.vector_load %arg7[%swap3A_982, %swap3A_983, %swap3A_984] {strides = array<i32>} : memref<4x64x128xf32, #tpu.memory_space<vmem>>, vector<16xf32>,
        tpu.vector_store %arg7[%swap3A_982, %swap3A_983, %swap3A_984], %get3A_978 {strides = array<i32>} : memref<4x64x128xf32, #tpu.memory_space<vmem>>, vector<16xf32>,
        %add3A_986 = arith.constant 5 : i32
        %add3A_987 = arith.addi %mul3A_331, %add3A_986 : i32
        %add3A_988 = arith.constant 0 : i32
        %add3A_989 = arith.addi %add3A_987, %add3A_988 : i32
        %get3A_990 = arith.constant 3 : i32
        %get3A_991 = arith.index_cast %get3A_990 : i32 to index
        %get3A_992 = arith.index_cast %add3A_989 : i32 to index
        %get3A_993 = arith.constant 16 : index
        %get3A_994 = tpu.vector_load %arg6[%get3A_991, %get3A_992, %get3A_993] {strides = array<i32>} : memref<4x128x64xf32, #tpu.memory_space<vmem>>, vector<16xf32>,
        %add3A_995 = arith.constant 5 : i32
        %add3A_996 = arith.addi %mul3A_331, %add3A_995 : i32
        %swap3A_997 = arith.constant 3 : i32
        %swap3A_998 = arith.index_cast %swap3A_997 : i32 to index
        %swap3A_999 = arith.index_cast %add3A_996 : i32 to index
        %swap3A_1000 = arith.constant 16 : index
        %swap3A_1001 = tpu.vector_load %arg7[%swap3A_998, %swap3A_999, %swap3A_1000] {strides = array<i32>} : memref<4x64x128xf32, #tpu.memory_space<vmem>>, vector<16xf32>,
        tpu.vector_store %arg7[%swap3A_998, %swap3A_999, %swap3A_1000], %get3A_994 {strides = array<i32>} : memref<4x64x128xf32, #tpu.memory_space<vmem>>, vector<16xf32>,
        %add3A_1002 = arith.constant 5 : i32
        %add3A_1003 = arith.addi %mul3A_331, %add3A_1002 : i32
        %add3A_1004 = arith.constant 0 : i32
        %add3A_1005 = arith.addi %add3A_1003, %add3A_1004 : i32
        %get3A_1006 = arith.constant 3 : i32
        %get3A_1007 = arith.index_cast %get3A_1006 : i32 to index
        %get3A_1008 = arith.index_cast %add3A_1005 : i32 to index
        %get3A_1009 = arith.constant 32 : index
        %get3A_1010 = tpu.vector_load %arg6[%get3A_1007, %get3A_1008, %get3A_1009] {strides = array<i32>} : memref<4x128x64xf32, #tpu.memory_space<vmem>>, vector<16xf32>,
        %add3A_1011 = arith.constant 5 : i32
        %add3A_1012 = arith.addi %mul3A_331, %add3A_1011 : i32
        %swap3A_1013 = arith.constant 3 : i32
        %swap3A_1014 = arith.index_cast %swap3A_1013 : i32 to index
        %swap3A_1015 = arith.index_cast %add3A_1012 : i32 to index
        %swap3A_1016 = arith.constant 32 : index
        %swap3A_1017 = tpu.vector_load %arg7[%swap3A_1014, %swap3A_1015, %swap3A_1016] {strides = array<i32>} : memref<4x64x128xf32, #tpu.memory_space<vmem>>, vector<16xf32>,
        tpu.vector_store %arg7[%swap3A_1014, %swap3A_1015, %swap3A_1016], %get3A_1010 {strides = array<i32>} : memref<4x64x128xf32, #tpu.memory_space<vmem>>, vector<16xf32>,
        %add3A_1018 = arith.constant 5 : i32
        %add3A_1019 = arith.addi %mul3A_331, %add3A_1018 : i32
        %add3A_1020 = arith.constant 0 : i32
        %add3A_1021 = arith.addi %add3A_1019, %add3A_1020 : i32
        %get3A_1022 = arith.constant 3 : i32
        %get3A_1023 = arith.index_cast %get3A_1022 : i32 to index
        %get3A_1024 = arith.index_cast %add3A_1021 : i32 to index
        %get3A_1025 = arith.constant 48 : index
        %get3A_1026 = tpu.vector_load %arg6[%get3A_1023, %get3A_1024, %get3A_1025] {strides = array<i32>} : memref<4x128x64xf32, #tpu.memory_space<vmem>>, vector<16xf32>,
        %add3A_1027 = arith.constant 5 : i32
        %add3A_1028 = arith.addi %mul3A_331, %add3A_1027 : i32
        %swap3A_1029 = arith.constant 3 : i32
        %swap3A_1030 = arith.index_cast %swap3A_1029 : i32 to index
        %swap3A_1031 = arith.index_cast %add3A_1028 : i32 to index
        %swap3A_1032 = arith.constant 48 : index
        %swap3A_1033 = tpu.vector_load %arg7[%swap3A_1030, %swap3A_1031, %swap3A_1032] {strides = array<i32>} : memref<4x64x128xf32, #tpu.memory_space<vmem>>, vector<16xf32>,
        tpu.vector_store %arg7[%swap3A_1030, %swap3A_1031, %swap3A_1032], %get3A_1026 {strides = array<i32>} : memref<4x64x128xf32, #tpu.memory_space<vmem>>, vector<16xf32>,
        %add3A_1034 = arith.constant 5 : i32
        %add3A_1035 = arith.addi %mul3A_331, %add3A_1034 : i32
        %add3A_1036 = arith.constant 64 : i32
        %add3A_1037 = arith.addi %add3A_1035, %add3A_1036 : i32
        %get3A_1038 = arith.constant 3 : i32
        %get3A_1039 = arith.index_cast %get3A_1038 : i32 to index
        %get3A_1040 = arith.index_cast %add3A_1037 : i32 to index
        %get3A_1041 = arith.constant 0 : index
        %get3A_1042 = tpu.vector_load %arg6[%get3A_1039, %get3A_1040, %get3A_1041] {strides = array<i32>} : memref<4x128x64xf32, #tpu.memory_space<vmem>>, vector<16xf32>,
        %add3A_1043 = arith.constant 5 : i32
        %add3A_1044 = arith.addi %mul3A_331, %add3A_1043 : i32
        %swap3A_1045 = arith.constant 3 : i32
        %swap3A_1046 = arith.index_cast %swap3A_1045 : i32 to index
        %swap3A_1047 = arith.index_cast %add3A_1044 : i32 to index
        %swap3A_1048 = arith.constant 64 : index
        %swap3A_1049 = tpu.vector_load %arg7[%swap3A_1046, %swap3A_1047, %swap3A_1048] {strides = array<i32>} : memref<4x64x128xf32, #tpu.memory_space<vmem>>, vector<16xf32>,
        tpu.vector_store %arg7[%swap3A_1046, %swap3A_1047, %swap3A_1048], %get3A_1042 {strides = array<i32>} : memref<4x64x128xf32, #tpu.memory_space<vmem>>, vector<16xf32>,
        %add3A_1050 = arith.constant 5 : i32
        %add3A_1051 = arith.addi %mul3A_331, %add3A_1050 : i32
        %add3A_1052 = arith.constant 64 : i32
        %add3A_1053 = arith.addi %add3A_1051, %add3A_1052 : i32
        %get3A_1054 = arith.constant 3 : i32
        %get3A_1055 = arith.index_cast %get3A_1054 : i32 to index
        %get3A_1056 = arith.index_cast %add3A_1053 : i32 to index
        %get3A_1057 = arith.constant 16 : index
        %get3A_1058 = tpu.vector_load %arg6[%get3A_1055, %get3A_1056, %get3A_1057] {strides = array<i32>} : memref<4x128x64xf32, #tpu.memory_space<vmem>>, vector<16xf32>,
        %add3A_1059 = arith.constant 5 : i32
        %add3A_1060 = arith.addi %mul3A_331, %add3A_1059 : i32
        %swap3A_1061 = arith.constant 3 : i32
        %swap3A_1062 = arith.index_cast %swap3A_1061 : i32 to index
        %swap3A_1063 = arith.index_cast %add3A_1060 : i32 to index
        %swap3A_1064 = arith.constant 80 : index
        %swap3A_1065 = tpu.vector_load %arg7[%swap3A_1062, %swap3A_1063, %swap3A_1064] {strides = array<i32>} : memref<4x64x128xf32, #tpu.memory_space<vmem>>, vector<16xf32>,
        tpu.vector_store %arg7[%swap3A_1062, %swap3A_1063, %swap3A_1064], %get3A_1058 {strides = array<i32>} : memref<4x64x128xf32, #tpu.memory_space<vmem>>, vector<16xf32>,
        %add3A_1066 = arith.constant 5 : i32
        %add3A_1067 = arith.addi %mul3A_331, %add3A_1066 : i32
        %add3A_1068 = arith.constant 64 : i32
        %add3A_1069 = arith.addi %add3A_1067, %add3A_1068 : i32
        %get3A_1070 = arith.constant 3 : i32
        %get3A_1071 = arith.index_cast %get3A_1070 : i32 to index
        %get3A_1072 = arith.index_cast %add3A_1069 : i32 to index
        %get3A_1073 = arith.constant 32 : index
        %get3A_1074 = tpu.vector_load %arg6[%get3A_1071, %get3A_1072, %get3A_1073] {strides = array<i32>} : memref<4x128x64xf32, #tpu.memory_space<vmem>>, vector<16xf32>,
        %add3A_1075 = arith.constant 5 : i32
        %add3A_1076 = arith.addi %mul3A_331, %add3A_1075 : i32
        %swap3A_1077 = arith.constant 3 : i32
        %swap3A_1078 = arith.index_cast %swap3A_1077 : i32 to index
        %swap3A_1079 = arith.index_cast %add3A_1076 : i32 to index
        %swap3A_1080 = arith.constant 96 : index
        %swap3A_1081 = tpu.vector_load %arg7[%swap3A_1078, %swap3A_1079, %swap3A_1080] {strides = array<i32>} : memref<4x64x128xf32, #tpu.memory_space<vmem>>, vector<16xf32>,
        tpu.vector_store %arg7[%swap3A_1078, %swap3A_1079, %swap3A_1080], %get3A_1074 {strides = array<i32>} : memref<4x64x128xf32, #tpu.memory_space<vmem>>, vector<16xf32>,
        %add3A_1082 = arith.constant 5 : i32
        %add3A_1083 = arith.addi %mul3A_331, %add3A_1082 : i32
        %add3A_1084 = arith.constant 64 : i32
        %add3A_1085 = arith.addi %add3A_1083, %add3A_1084 : i32
        %get3A_1086 = arith.constant 3 : i32
        %get3A_1087 = arith.index_cast %get3A_1086 : i32 to index
        %get3A_1088 = arith.index_cast %add3A_1085 : i32 to index
        %get3A_1089 = arith.constant 48 : index
        %get3A_1090 = tpu.vector_load %arg6[%get3A_1087, %get3A_1088, %get3A_1089] {strides = array<i32>} : memref<4x128x64xf32, #tpu.memory_space<vmem>>, vector<16xf32>,
        %add3A_1091 = arith.constant 5 : i32
        %add3A_1092 = arith.addi %mul3A_331, %add3A_1091 : i32
        %swap3A_1093 = arith.constant 3 : i32
        %swap3A_1094 = arith.index_cast %swap3A_1093 : i32 to index
        %swap3A_1095 = arith.index_cast %add3A_1092 : i32 to index
        %swap3A_1096 = arith.constant 112 : index
        %swap3A_1097 = tpu.vector_load %arg7[%swap3A_1094, %swap3A_1095, %swap3A_1096] {strides = array<i32>} : memref<4x64x128xf32, #tpu.memory_space<vmem>>, vector<16xf32>,
        tpu.vector_store %arg7[%swap3A_1094, %swap3A_1095, %swap3A_1096], %get3A_1090 {strides = array<i32>} : memref<4x64x128xf32, #tpu.memory_space<vmem>>, vector<16xf32>,
        %add3A_1098 = arith.constant 6 : i32
        %add3A_1099 = arith.addi %mul3A_331, %add3A_1098 : i32
        %add3A_1100 = arith.constant 0 : i32
        %add3A_1101 = arith.addi %add3A_1099, %add3A_1100 : i32
        %get3A_1102 = arith.constant 3 : i32
        %get3A_1103 = arith.index_cast %get3A_1102 : i32 to index
        %get3A_1104 = arith.index_cast %add3A_1101 : i32 to index
        %get3A_1105 = arith.constant 0 : index
        %get3A_1106 = tpu.vector_load %arg6[%get3A_1103, %get3A_1104, %get3A_1105] {strides = array<i32>} : memref<4x128x64xf32, #tpu.memory_space<vmem>>, vector<16xf32>,
        %add3A_1107 = arith.constant 6 : i32
        %add3A_1108 = arith.addi %mul3A_331, %add3A_1107 : i32
        %swap3A_1109 = arith.constant 3 : i32
        %swap3A_1110 = arith.index_cast %swap3A_1109 : i32 to index
        %swap3A_1111 = arith.index_cast %add3A_1108 : i32 to index
        %swap3A_1112 = arith.constant 0 : index
        %swap3A_1113 = tpu.vector_load %arg7[%swap3A_1110, %swap3A_1111, %swap3A_1112] {strides = array<i32>} : memref<4x64x128xf32, #tpu.memory_space<vmem>>, vector<16xf32>,
        tpu.vector_store %arg7[%swap3A_1110, %swap3A_1111, %swap3A_1112], %get3A_1106 {strides = array<i32>} : memref<4x64x128xf32, #tpu.memory_space<vmem>>, vector<16xf32>,
        %add3A_1114 = arith.constant 6 : i32
        %add3A_1115 = arith.addi %mul3A_331, %add3A_1114 : i32
        %add3A_1116 = arith.constant 0 : i32
        %add3A_1117 = arith.addi %add3A_1115, %add3A_1116 : i32
        %get3A_1118 = arith.constant 3 : i32
        %get3A_1119 = arith.index_cast %get3A_1118 : i32 to index
        %get3A_1120 = arith.index_cast %add3A_1117 : i32 to index
        %get3A_1121 = arith.constant 16 : index
        %get3A_1122 = tpu.vector_load %arg6[%get3A_1119, %get3A_1120, %get3A_1121] {strides = array<i32>} : memref<4x128x64xf32, #tpu.memory_space<vmem>>, vector<16xf32>,
        %add3A_1123 = arith.constant 6 : i32
        %add3A_1124 = arith.addi %mul3A_331, %add3A_1123 : i32
        %swap3A_1125 = arith.constant 3 : i32
        %swap3A_1126 = arith.index_cast %swap3A_1125 : i32 to index
        %swap3A_1127 = arith.index_cast %add3A_1124 : i32 to index
        %swap3A_1128 = arith.constant 16 : index
        %swap3A_1129 = tpu.vector_load %arg7[%swap3A_1126, %swap3A_1127, %swap3A_1128] {strides = array<i32>} : memref<4x64x128xf32, #tpu.memory_space<vmem>>, vector<16xf32>,
        tpu.vector_store %arg7[%swap3A_1126, %swap3A_1127, %swap3A_1128], %get3A_1122 {strides = array<i32>} : memref<4x64x128xf32, #tpu.memory_space<vmem>>, vector<16xf32>,
        %add3A_1130 = arith.constant 6 : i32
        %add3A_1131 = arith.addi %mul3A_331, %add3A_1130 : i32
        %add3A_1132 = arith.constant 0 : i32
        %add3A_1133 = arith.addi %add3A_1131, %add3A_1132 : i32
        %get3A_1134 = arith.constant 3 : i32
        %get3A_1135 = arith.index_cast %get3A_1134 : i32 to index
        %get3A_1136 = arith.index_cast %add3A_1133 : i32 to index
        %get3A_1137 = arith.constant 32 : index
        %get3A_1138 = tpu.vector_load %arg6[%get3A_1135, %get3A_1136, %get3A_1137] {strides = array<i32>} : memref<4x128x64xf32, #tpu.memory_space<vmem>>, vector<16xf32>,
        %add3A_1139 = arith.constant 6 : i32
        %add3A_1140 = arith.addi %mul3A_331, %add3A_1139 : i32
        %swap3A_1141 = arith.constant 3 : i32
        %swap3A_1142 = arith.index_cast %swap3A_1141 : i32 to index
        %swap3A_1143 = arith.index_cast %add3A_1140 : i32 to index
        %swap3A_1144 = arith.constant 32 : index
        %swap3A_1145 = tpu.vector_load %arg7[%swap3A_1142, %swap3A_1143, %swap3A_1144] {strides = array<i32>} : memref<4x64x128xf32, #tpu.memory_space<vmem>>, vector<16xf32>,
        tpu.vector_store %arg7[%swap3A_1142, %swap3A_1143, %swap3A_1144], %get3A_1138 {strides = array<i32>} : memref<4x64x128xf32, #tpu.memory_space<vmem>>, vector<16xf32>,
        %add3A_1146 = arith.constant 6 : i32
        %add3A_1147 = arith.addi %mul3A_331, %add3A_1146 : i32
        %add3A_1148 = arith.constant 0 : i32
        %add3A_1149 = arith.addi %add3A_1147, %add3A_1148 : i32
        %get3A_1150 = arith.constant 3 : i32
        %get3A_1151 = arith.index_cast %get3A_1150 : i32 to index
        %get3A_1152 = arith.index_cast %add3A_1149 : i32 to index
        %get3A_1153 = arith.constant 48 : index
        %get3A_1154 = tpu.vector_load %arg6[%get3A_1151, %get3A_1152, %get3A_1153] {strides = array<i32>} : memref<4x128x64xf32, #tpu.memory_space<vmem>>, vector<16xf32>,
        %add3A_1155 = arith.constant 6 : i32
        %add3A_1156 = arith.addi %mul3A_331, %add3A_1155 : i32
        %swap3A_1157 = arith.constant 3 : i32
        %swap3A_1158 = arith.index_cast %swap3A_1157 : i32 to index
        %swap3A_1159 = arith.index_cast %add3A_1156 : i32 to index
        %swap3A_1160 = arith.constant 48 : index
        %swap3A_1161 = tpu.vector_load %arg7[%swap3A_1158, %swap3A_1159, %swap3A_1160] {strides = array<i32>} : memref<4x64x128xf32, #tpu.memory_space<vmem>>, vector<16xf32>,
        tpu.vector_store %arg7[%swap3A_1158, %swap3A_1159, %swap3A_1160], %get3A_1154 {strides = array<i32>} : memref<4x64x128xf32, #tpu.memory_space<vmem>>, vector<16xf32>,
        %add3A_1162 = arith.constant 6 : i32
        %add3A_1163 = arith.addi %mul3A_331, %add3A_1162 : i32
        %add3A_1164 = arith.constant 64 : i32
        %add3A_1165 = arith.addi %add3A_1163, %add3A_1164 : i32
        %get3A_1166 = arith.constant 3 : i32
        %get3A_1167 = arith.index_cast %get3A_1166 : i32 to index
        %get3A_1168 = arith.index_cast %add3A_1165 : i32 to index
        %get3A_1169 = arith.constant 0 : index
        %get3A_1170 = tpu.vector_load %arg6[%get3A_1167, %get3A_1168, %get3A_1169] {strides = array<i32>} : memref<4x128x64xf32, #tpu.memory_space<vmem>>, vector<16xf32>,
        %add3A_1171 = arith.constant 6 : i32
        %add3A_1172 = arith.addi %mul3A_331, %add3A_1171 : i32
        %swap3A_1173 = arith.constant 3 : i32
        %swap3A_1174 = arith.index_cast %swap3A_1173 : i32 to index
        %swap3A_1175 = arith.index_cast %add3A_1172 : i32 to index
        %swap3A_1176 = arith.constant 64 : index
        %swap3A_1177 = tpu.vector_load %arg7[%swap3A_1174, %swap3A_1175, %swap3A_1176] {strides = array<i32>} : memref<4x64x128xf32, #tpu.memory_space<vmem>>, vector<16xf32>,
        tpu.vector_store %arg7[%swap3A_1174, %swap3A_1175, %swap3A_1176], %get3A_1170 {strides = array<i32>} : memref<4x64x128xf32, #tpu.memory_space<vmem>>, vector<16xf32>,
        %add3A_1178 = arith.constant 6 : i32
        %add3A_1179 = arith.addi %mul3A_331, %add3A_1178 : i32
        %add3A_1180 = arith.constant 64 : i32
        %add3A_1181 = arith.addi %add3A_1179, %add3A_1180 : i32
        %get3A_1182 = arith.constant 3 : i32
        %get3A_1183 = arith.index_cast %get3A_1182 : i32 to index
        %get3A_1184 = arith.index_cast %add3A_1181 : i32 to index
        %get3A_1185 = arith.constant 16 : index
        %get3A_1186 = tpu.vector_load %arg6[%get3A_1183, %get3A_1184, %get3A_1185] {strides = array<i32>} : memref<4x128x64xf32, #tpu.memory_space<vmem>>, vector<16xf32>,
        %add3A_1187 = arith.constant 6 : i32
        %add3A_1188 = arith.addi %mul3A_331, %add3A_1187 : i32
        %swap3A_1189 = arith.constant 3 : i32
        %swap3A_1190 = arith.index_cast %swap3A_1189 : i32 to index
        %swap3A_1191 = arith.index_cast %add3A_1188 : i32 to index
        %swap3A_1192 = arith.constant 80 : index
        %swap3A_1193 = tpu.vector_load %arg7[%swap3A_1190, %swap3A_1191, %swap3A_1192] {strides = array<i32>} : memref<4x64x128xf32, #tpu.memory_space<vmem>>, vector<16xf32>,
        tpu.vector_store %arg7[%swap3A_1190, %swap3A_1191, %swap3A_1192], %get3A_1186 {strides = array<i32>} : memref<4x64x128xf32, #tpu.memory_space<vmem>>, vector<16xf32>,
        %add3A_1194 = arith.constant 6 : i32
        %add3A_1195 = arith.addi %mul3A_331, %add3A_1194 : i32
        %add3A_1196 = arith.constant 64 : i32
        %add3A_1197 = arith.addi %add3A_1195, %add3A_1196 : i32
        %get3A_1198 = arith.constant 3 : i32
        %get3A_1199 = arith.index_cast %get3A_1198 : i32 to index
        %get3A_1200 = arith.index_cast %add3A_1197 : i32 to index
        %get3A_1201 = arith.constant 32 : index
        %get3A_1202 = tpu.vector_load %arg6[%get3A_1199, %get3A_1200, %get3A_1201] {strides = array<i32>} : memref<4x128x64xf32, #tpu.memory_space<vmem>>, vector<16xf32>,
        %add3A_1203 = arith.constant 6 : i32
        %add3A_1204 = arith.addi %mul3A_331, %add3A_1203 : i32
        %swap3A_1205 = arith.constant 3 : i32
        %swap3A_1206 = arith.index_cast %swap3A_1205 : i32 to index
        %swap3A_1207 = arith.index_cast %add3A_1204 : i32 to index
        %swap3A_1208 = arith.constant 96 : index
        %swap3A_1209 = tpu.vector_load %arg7[%swap3A_1206, %swap3A_1207, %swap3A_1208] {strides = array<i32>} : memref<4x64x128xf32, #tpu.memory_space<vmem>>, vector<16xf32>,
        tpu.vector_store %arg7[%swap3A_1206, %swap3A_1207, %swap3A_1208], %get3A_1202 {strides = array<i32>} : memref<4x64x128xf32, #tpu.memory_space<vmem>>, vector<16xf32>,
        %add3A_1210 = arith.constant 6 : i32
        %add3A_1211 = arith.addi %mul3A_331, %add3A_1210 : i32
        %add3A_1212 = arith.constant 64 : i32
        %add3A_1213 = arith.addi %add3A_1211, %add3A_1212 : i32
        %get3A_1214 = arith.constant 3 : i32
        %get3A_1215 = arith.index_cast %get3A_1214 : i32 to index
        %get3A_1216 = arith.index_cast %add3A_1213 : i32 to index
        %get3A_1217 = arith.constant 48 : index
        %get3A_1218 = tpu.vector_load %arg6[%get3A_1215, %get3A_1216, %get3A_1217] {strides = array<i32>} : memref<4x128x64xf32, #tpu.memory_space<vmem>>, vector<16xf32>,
        %add3A_1219 = arith.constant 6 : i32
        %add3A_1220 = arith.addi %mul3A_331, %add3A_1219 : i32
        %swap3A_1221 = arith.constant 3 : i32
        %swap3A_1222 = arith.index_cast %swap3A_1221 : i32 to index
        %swap3A_1223 = arith.index_cast %add3A_1220 : i32 to index
        %swap3A_1224 = arith.constant 112 : index
        %swap3A_1225 = tpu.vector_load %arg7[%swap3A_1222, %swap3A_1223, %swap3A_1224] {strides = array<i32>} : memref<4x64x128xf32, #tpu.memory_space<vmem>>, vector<16xf32>,
        tpu.vector_store %arg7[%swap3A_1222, %swap3A_1223, %swap3A_1224], %get3A_1218 {strides = array<i32>} : memref<4x64x128xf32, #tpu.memory_space<vmem>>, vector<16xf32>,
        %add3A_1226 = arith.constant 7 : i32
        %add3A_1227 = arith.addi %mul3A_331, %add3A_1226 : i32
        %add3A_1228 = arith.constant 0 : i32
        %add3A_1229 = arith.addi %add3A_1227, %add3A_1228 : i32
        %get3A_1230 = arith.constant 3 : i32
        %get3A_1231 = arith.index_cast %get3A_1230 : i32 to index
        %get3A_1232 = arith.index_cast %add3A_1229 : i32 to index
        %get3A_1233 = arith.constant 0 : index
        %get3A_1234 = tpu.vector_load %arg6[%get3A_1231, %get3A_1232, %get3A_1233] {strides = array<i32>} : memref<4x128x64xf32, #tpu.memory_space<vmem>>, vector<16xf32>,
        %add3A_1235 = arith.constant 7 : i32
        %add3A_1236 = arith.addi %mul3A_331, %add3A_1235 : i32
        %swap3A_1237 = arith.constant 3 : i32
        %swap3A_1238 = arith.index_cast %swap3A_1237 : i32 to index
        %swap3A_1239 = arith.index_cast %add3A_1236 : i32 to index
        %swap3A_1240 = arith.constant 0 : index
        %swap3A_1241 = tpu.vector_load %arg7[%swap3A_1238, %swap3A_1239, %swap3A_1240] {strides = array<i32>} : memref<4x64x128xf32, #tpu.memory_space<vmem>>, vector<16xf32>,
        tpu.vector_store %arg7[%swap3A_1238, %swap3A_1239, %swap3A_1240], %get3A_1234 {strides = array<i32>} : memref<4x64x128xf32, #tpu.memory_space<vmem>>, vector<16xf32>,
        %add3A_1242 = arith.constant 7 : i32
        %add3A_1243 = arith.addi %mul3A_331, %add3A_1242 : i32
        %add3A_1244 = arith.constant 0 : i32
        %add3A_1245 = arith.addi %add3A_1243, %add3A_1244 : i32
        %get3A_1246 = arith.constant 3 : i32
        %get3A_1247 = arith.index_cast %get3A_1246 : i32 to index
        %get3A_1248 = arith.index_cast %add3A_1245 : i32 to index
        %get3A_1249 = arith.constant 16 : index
        %get3A_1250 = tpu.vector_load %arg6[%get3A_1247, %get3A_1248, %get3A_1249] {strides = array<i32>} : memref<4x128x64xf32, #tpu.memory_space<vmem>>, vector<16xf32>,
        %add3A_1251 = arith.constant 7 : i32
        %add3A_1252 = arith.addi %mul3A_331, %add3A_1251 : i32
        %swap3A_1253 = arith.constant 3 : i32
        %swap3A_1254 = arith.index_cast %swap3A_1253 : i32 to index
        %swap3A_1255 = arith.index_cast %add3A_1252 : i32 to index
        %swap3A_1256 = arith.constant 16 : index
        %swap3A_1257 = tpu.vector_load %arg7[%swap3A_1254, %swap3A_1255, %swap3A_1256] {strides = array<i32>} : memref<4x64x128xf32, #tpu.memory_space<vmem>>, vector<16xf32>,
        tpu.vector_store %arg7[%swap3A_1254, %swap3A_1255, %swap3A_1256], %get3A_1250 {strides = array<i32>} : memref<4x64x128xf32, #tpu.memory_space<vmem>>, vector<16xf32>,
        %add3A_1258 = arith.constant 7 : i32
        %add3A_1259 = arith.addi %mul3A_331, %add3A_1258 : i32
        %add3A_1260 = arith.constant 0 : i32
        %add3A_1261 = arith.addi %add3A_1259, %add3A_1260 : i32
        %get3A_1262 = arith.constant 3 : i32
        %get3A_1263 = arith.index_cast %get3A_1262 : i32 to index
        %get3A_1264 = arith.index_cast %add3A_1261 : i32 to index
        %get3A_1265 = arith.constant 32 : index
        %get3A_1266 = tpu.vector_load %arg6[%get3A_1263, %get3A_1264, %get3A_1265] {strides = array<i32>} : memref<4x128x64xf32, #tpu.memory_space<vmem>>, vector<16xf32>,
        %add3A_1267 = arith.constant 7 : i32
        %add3A_1268 = arith.addi %mul3A_331, %add3A_1267 : i32
        %swap3A_1269 = arith.constant 3 : i32
        %swap3A_1270 = arith.index_cast %swap3A_1269 : i32 to index
        %swap3A_1271 = arith.index_cast %add3A_1268 : i32 to index
        %swap3A_1272 = arith.constant 32 : index
        %swap3A_1273 = tpu.vector_load %arg7[%swap3A_1270, %swap3A_1271, %swap3A_1272] {strides = array<i32>} : memref<4x64x128xf32, #tpu.memory_space<vmem>>, vector<16xf32>,
        tpu.vector_store %arg7[%swap3A_1270, %swap3A_1271, %swap3A_1272], %get3A_1266 {strides = array<i32>} : memref<4x64x128xf32, #tpu.memory_space<vmem>>, vector<16xf32>,
        %add3A_1274 = arith.constant 7 : i32
        %add3A_1275 = arith.addi %mul3A_331, %add3A_1274 : i32
        %add3A_1276 = arith.constant 0 : i32
        %add3A_1277 = arith.addi %add3A_1275, %add3A_1276 : i32
        %get3A_1278 = arith.constant 3 : i32
        %get3A_1279 = arith.index_cast %get3A_1278 : i32 to index
        %get3A_1280 = arith.index_cast %add3A_1277 : i32 to index
        %get3A_1281 = arith.constant 48 : index
        %get3A_1282 = tpu.vector_load %arg6[%get3A_1279, %get3A_1280, %get3A_1281] {strides = array<i32>} : memref<4x128x64xf32, #tpu.memory_space<vmem>>, vector<16xf32>,
        %add3A_1283 = arith.constant 7 : i32
        %add3A_1284 = arith.addi %mul3A_331, %add3A_1283 : i32
        %swap3A_1285 = arith.constant 3 : i32
        %swap3A_1286 = arith.index_cast %swap3A_1285 : i32 to index
        %swap3A_1287 = arith.index_cast %add3A_1284 : i32 to index
        %swap3A_1288 = arith.constant 48 : index
        %swap3A_1289 = tpu.vector_load %arg7[%swap3A_1286, %swap3A_1287, %swap3A_1288] {strides = array<i32>} : memref<4x64x128xf32, #tpu.memory_space<vmem>>, vector<16xf32>,
        tpu.vector_store %arg7[%swap3A_1286, %swap3A_1287, %swap3A_1288], %get3A_1282 {strides = array<i32>} : memref<4x64x128xf32, #tpu.memory_space<vmem>>, vector<16xf32>,
        %add3A_1290 = arith.constant 7 : i32
        %add3A_1291 = arith.addi %mul3A_331, %add3A_1290 : i32
        %add3A_1292 = arith.constant 64 : i32
        %add3A_1293 = arith.addi %add3A_1291, %add3A_1292 : i32
        %get3A_1294 = arith.constant 3 : i32
        %get3A_1295 = arith.index_cast %get3A_1294 : i32 to index
        %get3A_1296 = arith.index_cast %add3A_1293 : i32 to index
        %get3A_1297 = arith.constant 0 : index
        %get3A_1298 = tpu.vector_load %arg6[%get3A_1295, %get3A_1296, %get3A_1297] {strides = array<i32>} : memref<4x128x64xf32, #tpu.memory_space<vmem>>, vector<16xf32>,
        %add3A_1299 = arith.constant 7 : i32
        %add3A_1300 = arith.addi %mul3A_331, %add3A_1299 : i32
        %swap3A_1301 = arith.constant 3 : i32
        %swap3A_1302 = arith.index_cast %swap3A_1301 : i32 to index
        %swap3A_1303 = arith.index_cast %add3A_1300 : i32 to index
        %swap3A_1304 = arith.constant 64 : index
        %swap3A_1305 = tpu.vector_load %arg7[%swap3A_1302, %swap3A_1303, %swap3A_1304] {strides = array<i32>} : memref<4x64x128xf32, #tpu.memory_space<vmem>>, vector<16xf32>,
        tpu.vector_store %arg7[%swap3A_1302, %swap3A_1303, %swap3A_1304], %get3A_1298 {strides = array<i32>} : memref<4x64x128xf32, #tpu.memory_space<vmem>>, vector<16xf32>,
        %add3A_1306 = arith.constant 7 : i32
        %add3A_1307 = arith.addi %mul3A_331, %add3A_1306 : i32
        %add3A_1308 = arith.constant 64 : i32
        %add3A_1309 = arith.addi %add3A_1307, %add3A_1308 : i32
        %get3A_1310 = arith.constant 3 : i32
        %get3A_1311 = arith.index_cast %get3A_1310 : i32 to index
        %get3A_1312 = arith.index_cast %add3A_1309 : i32 to index
        %get3A_1313 = arith.constant 16 : index
        %get3A_1314 = tpu.vector_load %arg6[%get3A_1311, %get3A_1312, %get3A_1313] {strides = array<i32>} : memref<4x128x64xf32, #tpu.memory_space<vmem>>, vector<16xf32>,
        %add3A_1315 = arith.constant 7 : i32
        %add3A_1316 = arith.addi %mul3A_331, %add3A_1315 : i32
        %swap3A_1317 = arith.constant 3 : i32
        %swap3A_1318 = arith.index_cast %swap3A_1317 : i32 to index
        %swap3A_1319 = arith.index_cast %add3A_1316 : i32 to index
        %swap3A_1320 = arith.constant 80 : index
        %swap3A_1321 = tpu.vector_load %arg7[%swap3A_1318, %swap3A_1319, %swap3A_1320] {strides = array<i32>} : memref<4x64x128xf32, #tpu.memory_space<vmem>>, vector<16xf32>,
        tpu.vector_store %arg7[%swap3A_1318, %swap3A_1319, %swap3A_1320], %get3A_1314 {strides = array<i32>} : memref<4x64x128xf32, #tpu.memory_space<vmem>>, vector<16xf32>,
        %add3A_1322 = arith.constant 7 : i32
        %add3A_1323 = arith.addi %mul3A_331, %add3A_1322 : i32
        %add3A_1324 = arith.constant 64 : i32
        %add3A_1325 = arith.addi %add3A_1323, %add3A_1324 : i32
        %get3A_1326 = arith.constant 3 : i32
        %get3A_1327 = arith.index_cast %get3A_1326 : i32 to index
        %get3A_1328 = arith.index_cast %add3A_1325 : i32 to index
        %get3A_1329 = arith.constant 32 : index
        %get3A_1330 = tpu.vector_load %arg6[%get3A_1327, %get3A_1328, %get3A_1329] {strides = array<i32>} : memref<4x128x64xf32, #tpu.memory_space<vmem>>, vector<16xf32>,
        %add3A_1331 = arith.constant 7 : i32
        %add3A_1332 = arith.addi %mul3A_331, %add3A_1331 : i32
        %swap3A_1333 = arith.constant 3 : i32
        %swap3A_1334 = arith.index_cast %swap3A_1333 : i32 to index
        %swap3A_1335 = arith.index_cast %add3A_1332 : i32 to index
        %swap3A_1336 = arith.constant 96 : index
        %swap3A_1337 = tpu.vector_load %arg7[%swap3A_1334, %swap3A_1335, %swap3A_1336] {strides = array<i32>} : memref<4x64x128xf32, #tpu.memory_space<vmem>>, vector<16xf32>,
        tpu.vector_store %arg7[%swap3A_1334, %swap3A_1335, %swap3A_1336], %get3A_1330 {strides = array<i32>} : memref<4x64x128xf32, #tpu.memory_space<vmem>>, vector<16xf32>,
        %add3A_1338 = arith.constant 7 : i32
        %add3A_1339 = arith.addi %mul3A_331, %add3A_1338 : i32
        %add3A_1340 = arith.constant 64 : i32
        %add3A_1341 = arith.addi %add3A_1339, %add3A_1340 : i32
        %get3A_1342 = arith.constant 3 : i32
        %get3A_1343 = arith.index_cast %get3A_1342 : i32 to index
        %get3A_1344 = arith.index_cast %add3A_1341 : i32 to index
        %get3A_1345 = arith.constant 48 : index
        %get3A_1346 = tpu.vector_load %arg6[%get3A_1343, %get3A_1344, %get3A_1345] {strides = array<i32>} : memref<4x128x64xf32, #tpu.memory_space<vmem>>, vector<16xf32>,
        %add3A_1347 = arith.constant 7 : i32
        %add3A_1348 = arith.addi %mul3A_331, %add3A_1347 : i32
        %swap3A_1349 = arith.constant 3 : i32
        %swap3A_1350 = arith.index_cast %swap3A_1349 : i32 to index
        %swap3A_1351 = arith.index_cast %add3A_1348 : i32 to index
        %swap3A_1352 = arith.constant 112 : index
        %swap3A_1353 = tpu.vector_load %arg7[%swap3A_1350, %swap3A_1351, %swap3A_1352] {strides = array<i32>} : memref<4x64x128xf32, #tpu.memory_space<vmem>>, vector<16xf32>,
        tpu.vector_store %arg7[%swap3A_1350, %swap3A_1351, %swap3A_1352], %get3A_1346 {strides = array<i32>} : memref<4x64x128xf32, #tpu.memory_space<vmem>>, vector<16xf32>,
      }
      %scan3A_306 = arith.constant 8 : i32
      %dma_start3A_307 = arith.constant 3 : i32
      %dma_start3A_308 = arith.constant 0 : i32
      %dma_start3A_309 = arith.constant 0 : i32
      %dma_start3A_310 = tpu.memref_slice %arg7[%dma_start3A_307, %dma_start3A_308, %dma_start3A_309] : memref<4x64x128xf32, #tpu.memory_space<vmem>> -> memref<1x64x128xf32, #tpu.memory_space<vmem>>
      %dma_start3A_311 = tpu.memref_squeeze %dma_start3A_310 : memref<1x64x128xf32, #tpu.memory_space<vmem>> -> memref<64x128xf32, #tpu.memory_space<vmem>>
      %dma_start3A_312 = arith.constant 0 : i32
      %dma_start3A_313 = arith.constant 0 : i32
      %dma_start3A_314 = tpu.memref_slice %arg4[%add3A_282, %add3A, %dma_start3A_312, %dma_start3A_313] : memref<200x32x64x128xf32, #tpu.memory_space<hbm>> -> memref<1x1x64x128xf32, #tpu.memory_space<hbm>>
      %dma_start3A_315 = tpu.memref_squeeze %dma_start3A_314 : memref<1x1x64x128xf32, #tpu.memory_space<hbm>> -> memref<64x128xf32, #tpu.memory_space<hbm>>
      %dma_start3A_316 = arith.constant 0 : i32
      %dma_start3A_317 = arith.constant 0 : i32
      %dma_start3A_318 = tpu.memref_slice %arg4[%add3A_282, %add3A, %dma_start3A_316, %dma_start3A_317] : memref<200x32x64x128xf32, #tpu.memory_space<hbm>> -> memref<1x1x64x128xf32, #tpu.memory_space<hbm>>
      %dma_start3A_319 = tpu.memref_squeeze %dma_start3A_318 : memref<1x1x64x128xf32, #tpu.memory_space<hbm>> -> memref<64x128xf32, #tpu.memory_space<hbm>>
      %dma_start3A_320 = arith.constant 0 : i32
      %dma_start3A_321 = arith.constant 0 : i32
      %dma_start3A_322 = tpu.memref_slice %arg7[%dma_start3A_307, %dma_start3A_320, %dma_start3A_321] : memref<4x64x128xf32, #tpu.memory_space<vmem>> -> memref<1x64x128xf32, #tpu.memory_space<vmem>>
      %dma_start3A_323 = tpu.memref_squeeze %dma_start3A_322 : memref<1x64x128xf32, #tpu.memory_space<vmem>> -> memref<64x128xf32, #tpu.memory_space<vmem>>
      tpu.enqueue_dma source(%dma_start3A_323 : memref<64x128xf32, #tpu.memory_space<vmem>>) target(%dma_start3A_319 : memref<64x128xf32, #tpu.memory_space<hbm>>) target_semaphore(%arg15 : memref<!tpu.dma_semaphore, #tpu.memory_space<semaphore_mem>>)
      %lt3A_324 = arith.constant 49 : i32
      %lt3A_325 = arith.cmpi slt, %scan3A_138, %lt3A_324 : i32
      %convert_element_type3A_326 = arith.extui %lt3A_325 : i1 to i32
      %cond3A_327 = arith.constant 0 : i32
      %cond3A_328 = arith.cmpi ne, %convert_element_type3A_326, %cond3A_327 : i32
      scf.if %cond3A_328 {
        %add3A_329 = arith.constant 4 : i32
        %add3A_330 = arith.addi %add3A_282, %add3A_329 : i32
        %jit3A = arith.constant 8 : i32
        %div3A = arith.divsi %add3A_330, %jit3A : i32
        %sign3A = arith.constant 0 : i32
        %sign3A_331 = arith.cmpi sgt, %add3A_330, %sign3A : i32
        %sign3A_332 = arith.extui %sign3A_331 : i1 to i32
        %sign3A_333 = arith.constant 0 : i32
        %sign3A_334 = arith.cmpi slt, %add3A_330, %sign3A_333 : i32
        %sign3A_335 = arith.extui %sign3A_334 : i1 to i32
        %sign3A_336 = arith.subi %sign3A_332, %sign3A_335 : i32
        %sign3A_337 = arith.constant 0 : i32
        %sign3A_338 = arith.cmpi sgt, %jit3A, %sign3A_337 : i32
        %sign3A_339 = arith.extui %sign3A_338 : i1 to i32
        %sign3A_340 = arith.constant 0 : i32
        %sign3A_341 = arith.cmpi slt, %jit3A, %sign3A_340 : i32
        %sign3A_342 = arith.extui %sign3A_341 : i1 to i32
        %sign3A_343 = arith.subi %sign3A_339, %sign3A_342 : i32
        %ne3A = arith.cmpi ne, %sign3A_336, %sign3A_343 : i32
        %rem3A = arith.remsi %add3A_330, %jit3A : i32
        %ne3A_344 = arith.constant 0 : i32
        %ne3A_345 = arith.cmpi ne, %rem3A, %ne3A_344 : i32
        %and3A = arith.andi %ne3A, %ne3A_345 : i1
        %sub3A = arith.constant 1 : i32
        %sub3A_346 = arith.subi %div3A, %sub3A : i32
        %select_n3A = arith.select %and3A, %sub3A_346, %div3A : i32
        %jit3A_347 = arith.constant 8 : i32
        %eq3A = arith.constant 0 : i32
        %eq3A_348 = arith.cmpi eq, %jit3A_347, %eq3A : i32
        %jit3A_349 = arith.constant 1 : i32
        %select_n3A_350 = arith.select %eq3A_348, %jit3A_349, %jit3A_347 : i32
        %rem3A_351 = arith.remsi %add3A_330, %select_n3A_350 : i32
        %ne3A_352 = arith.constant 0 : i32
        %ne3A_353 = arith.cmpi ne, %rem3A_351, %ne3A_352 : i32
        %lt3A_354 = arith.constant 0 : i32
        %lt3A_355 = arith.cmpi slt, %rem3A_351, %lt3A_354 : i32
        %lt3A_356 = arith.constant 0 : i32
        %lt3A_357 = arith.cmpi slt, %select_n3A_350, %lt3A_356 : i32
        %ne3A_358 = arith.xori %lt3A_355, %lt3A_357 : i1
        %and3A_359 = arith.andi %ne3A_358, %ne3A_353 : i1
        %add3A_360 = arith.addi %rem3A_351, %select_n3A_350 : i32
        %select_n3A_361 = arith.select %and3A_359, %add3A_360, %rem3A_351 : i32
        %dma_start3A_362 = arith.constant 3 : i32
        %dma_start3A_363 = arith.constant 0 : i32
        %dma_start3A_364 = arith.constant 0 : i32
        %dma_start3A_365 = tpu.memref_slice %arg6[%dma_start3A_362, %dma_start3A_363, %dma_start3A_364] : memref<4x128x64xf32, #tpu.memory_space<vmem>> -> memref<1x128x64xf32, #tpu.memory_space<vmem>>
        %dma_start3A_366 = tpu.memref_squeeze %dma_start3A_365 : memref<1x128x64xf32, #tpu.memory_space<vmem>> -> memref<128x64xf32, #tpu.memory_space<vmem>>
        %dma_start3A_367 = arith.constant 0 : i32
        %dma_start3A_368 = tpu.memref_slice %arg5[%select_n3A, %select_n3A_361, %dma_start3A_367] : memref<25x8x128xi32, #tpu.memory_space<vmem>> -> memref<1x1x128xi32, #tpu.memory_space<vmem>>
        %dma_start3A_369 = tpu.memref_squeeze %dma_start3A_368 : memref<1x1x128xi32, #tpu.memory_space<vmem>> -> memref<128xi32, #tpu.memory_space<vmem>>
        %dma_start3A_370 = arith.constant 0 : i32
        %dma_start3A_371 = arith.constant 0 : i32
        %dma_start3A_372 = tpu.memref_slice %arg3[%dma_start3A_370, %dma_start3A_371] : memref<1003520x64xf32, #tpu.memory_space<hbm>> -> memref<1003520x64xf32, #tpu.memory_space<hbm>>
        tpu.enqueue_indirect_dma source(%dma_start3A_372 : memref<1003520x64xf32, #tpu.memory_space<hbm>>) target(%dma_start3A_366 : memref<128x64xf32, #tpu.memory_space<vmem>>) offsets(%dma_start3A_369 : memref<128xi32, #tpu.memory_space<vmem>>) semaphore(%arg11 : memref<!tpu.dma_semaphore, #tpu.memory_space<semaphore_mem>>)
      } else {
      }
    }
    %scan3A_62 = arith.constant 50 : i32
    %dma_wait3A = arith.constant 0 : i32
    %dma_wait3A_63 = arith.constant 0 : i32
    %dma_wait3A_64 = arith.constant 0 : i32
    %dma_wait3A_65 = arith.constant 0 : i32
    %dma_wait3A_66 = arith.constant 0 : i32
    %dma_wait3A_67 = tpu.memref_slice %arg7[%dma_wait3A, %dma_wait3A_65, %dma_wait3A_66] : memref<4x64x128xf32, #tpu.memory_space<vmem>> -> memref<1x64x128xf32, #tpu.memory_space<vmem>>
    %dma_wait3A_68 = tpu.memref_squeeze %dma_wait3A_67 : memref<1x64x128xf32, #tpu.memory_space<vmem>> -> memref<64x128xf32, #tpu.memory_space<vmem>>
    %dma_wait3A_69 = arith.constant 0 : i32
    %dma_wait3A_70 = arith.constant 0 : i32
    %dma_wait3A_71 = tpu.memref_slice %arg4[%dma_wait3A_63, %dma_wait3A_64, %dma_wait3A_69, %dma_wait3A_70] : memref<200x32x64x128xf32, #tpu.memory_space<hbm>> -> memref<1x1x64x128xf32, #tpu.memory_space<hbm>>
    %dma_wait3A_72 = tpu.memref_squeeze %dma_wait3A_71 : memref<1x1x64x128xf32, #tpu.memory_space<hbm>> -> memref<64x128xf32, #tpu.memory_space<hbm>>
    %dma_wait3A_73 = arith.constant 0 : i32
    %dma_wait3A_74 = arith.constant 0 : i32
    %dma_wait3A_75 = tpu.memref_slice %arg4[%dma_wait3A_63, %dma_wait3A_64, %dma_wait3A_73, %dma_wait3A_74] : memref<200x32x64x128xf32, #tpu.memory_space<hbm>> -> memref<1x1x64x128xf32, #tpu.memory_space<hbm>>
    %dma_wait3A_76 = tpu.memref_squeeze %dma_wait3A_75 : memref<1x1x64x128xf32, #tpu.memory_space<hbm>> -> memref<64x128xf32, #tpu.memory_space<hbm>>
    %dma_wait3A_77 = arith.constant 0 : i32
    %dma_wait3A_78 = arith.constant 0 : i32
    %dma_wait3A_79 = tpu.memref_slice %arg7[%dma_wait3A, %dma_wait3A_77, %dma_wait3A_78] : memref<4x64x128xf32, #tpu.memory_space<vmem>> -> memref<1x64x128xf32, #tpu.memory_space<vmem>>
    %dma_wait3A_80 = tpu.memref_squeeze %dma_wait3A_79 : memref<1x64x128xf32, #tpu.memory_space<vmem>> -> memref<64x128xf32, #tpu.memory_space<vmem>>
    tpu.wait_dma2 semaphore(%arg12 : memref<!tpu.dma_semaphore, #tpu.memory_space<semaphore_mem>>) src(%dma_wait3A_80 : memref<64x128xf32, #tpu.memory_space<vmem>>) dst(%dma_wait3A_76 : memref<64x128xf32, #tpu.memory_space<hbm>>)
    %dma_wait3A_81 = arith.constant 1 : i32
    %dma_wait3A_82 = arith.constant 0 : i32
    %dma_wait3A_83 = arith.constant 0 : i32
    %dma_wait3A_84 = arith.constant 0 : i32
    %dma_wait3A_85 = arith.constant 0 : i32
    %dma_wait3A_86 = tpu.memref_slice %arg7[%dma_wait3A_81, %dma_wait3A_84, %dma_wait3A_85] : memref<4x64x128xf32, #tpu.memory_space<vmem>> -> memref<1x64x128xf32, #tpu.memory_space<vmem>>
    %dma_wait3A_87 = tpu.memref_squeeze %dma_wait3A_86 : memref<1x64x128xf32, #tpu.memory_space<vmem>> -> memref<64x128xf32, #tpu.memory_space<vmem>>
    %dma_wait3A_88 = arith.constant 0 : i32
    %dma_wait3A_89 = arith.constant 0 : i32
    %dma_wait3A_90 = tpu.memref_slice %arg4[%dma_wait3A_82, %dma_wait3A_83, %dma_wait3A_88, %dma_wait3A_89] : memref<200x32x64x128xf32, #tpu.memory_space<hbm>> -> memref<1x1x64x128xf32, #tpu.memory_space<hbm>>
    %dma_wait3A_91 = tpu.memref_squeeze %dma_wait3A_90 : memref<1x1x64x128xf32, #tpu.memory_space<hbm>> -> memref<64x128xf32, #tpu.memory_space<hbm>>
    %dma_wait3A_92 = arith.constant 0 : i32
    %dma_wait3A_93 = arith.constant 0 : i32
    %dma_wait3A_94 = tpu.memref_slice %arg4[%dma_wait3A_82, %dma_wait3A_83, %dma_wait3A_92, %dma_wait3A_93] : memref<200x32x64x128xf32, #tpu.memory_space<hbm>> -> memref<1x1x64x128xf32, #tpu.memory_space<hbm>>
    %dma_wait3A_95 = tpu.memref_squeeze %dma_wait3A_94 : memref<1x1x64x128xf32, #tpu.memory_space<hbm>> -> memref<64x128xf32, #tpu.memory_space<hbm>>
    %dma_wait3A_96 = arith.constant 0 : i32
    %dma_wait3A_97 = arith.constant 0 : i32
    %dma_wait3A_98 = tpu.memref_slice %arg7[%dma_wait3A_81, %dma_wait3A_96, %dma_wait3A_97] : memref<4x64x128xf32, #tpu.memory_space<vmem>> -> memref<1x64x128xf32, #tpu.memory_space<vmem>>
    %dma_wait3A_99 = tpu.memref_squeeze %dma_wait3A_98 : memref<1x64x128xf32, #tpu.memory_space<vmem>> -> memref<64x128xf32, #tpu.memory_space<vmem>>
    tpu.wait_dma2 semaphore(%arg13 : memref<!tpu.dma_semaphore, #tpu.memory_space<semaphore_mem>>) src(%dma_wait3A_99 : memref<64x128xf32, #tpu.memory_space<vmem>>) dst(%dma_wait3A_95 : memref<64x128xf32, #tpu.memory_space<hbm>>)
    %dma_wait3A_100 = arith.constant 2 : i32
    %dma_wait3A_101 = arith.constant 0 : i32
    %dma_wait3A_102 = arith.constant 0 : i32
    %dma_wait3A_103 = arith.constant 0 : i32
    %dma_wait3A_104 = arith.constant 0 : i32
    %dma_wait3A_105 = tpu.memref_slice %arg7[%dma_wait3A_100, %dma_wait3A_103, %dma_wait3A_104] : memref<4x64x128xf32, #tpu.memory_space<vmem>> -> memref<1x64x128xf32, #tpu.memory_space<vmem>>
    %dma_wait3A_106 = tpu.memref_squeeze %dma_wait3A_105 : memref<1x64x128xf32, #tpu.memory_space<vmem>> -> memref<64x128xf32, #tpu.memory_space<vmem>>
    %dma_wait3A_107 = arith.constant 0 : i32
    %dma_wait3A_108 = arith.constant 0 : i32
    %dma_wait3A_109 = tpu.memref_slice %arg4[%dma_wait3A_101, %dma_wait3A_102, %dma_wait3A_107, %dma_wait3A_108] : memref<200x32x64x128xf32, #tpu.memory_space<hbm>> -> memref<1x1x64x128xf32, #tpu.memory_space<hbm>>
    %dma_wait3A_110 = tpu.memref_squeeze %dma_wait3A_109 : memref<1x1x64x128xf32, #tpu.memory_space<hbm>> -> memref<64x128xf32, #tpu.memory_space<hbm>>
    %dma_wait3A_111 = arith.constant 0 : i32
    %dma_wait3A_112 = arith.constant 0 : i32
    %dma_wait3A_113 = tpu.memref_slice %arg4[%dma_wait3A_101, %dma_wait3A_102, %dma_wait3A_111, %dma_wait3A_112] : memref<200x32x64x128xf32, #tpu.memory_space<hbm>> -> memref<1x1x64x128xf32, #tpu.memory_space<hbm>>
    %dma_wait3A_114 = tpu.memref_squeeze %dma_wait3A_113 : memref<1x1x64x128xf32, #tpu.memory_space<hbm>> -> memref<64x128xf32, #tpu.memory_space<hbm>>
    %dma_wait3A_115 = arith.constant 0 : i32
    %dma_wait3A_116 = arith.constant 0 : i32
    %dma_wait3A_117 = tpu.memref_slice %arg7[%dma_wait3A_100, %dma_wait3A_115, %dma_wait3A_116] : memref<4x64x128xf32, #tpu.memory_space<vmem>> -> memref<1x64x128xf32, #tpu.memory_space<vmem>>
    %dma_wait3A_118 = tpu.memref_squeeze %dma_wait3A_117 : memref<1x64x128xf32, #tpu.memory_space<vmem>> -> memref<64x128xf32, #tpu.memory_space<vmem>>
    tpu.wait_dma2 semaphore(%arg14 : memref<!tpu.dma_semaphore, #tpu.memory_space<semaphore_mem>>) src(%dma_wait3A_118 : memref<64x128xf32, #tpu.memory_space<vmem>>) dst(%dma_wait3A_114 : memref<64x128xf32, #tpu.memory_space<hbm>>)
    %dma_wait3A_119 = arith.constant 3 : i32
    %dma_wait3A_120 = arith.constant 0 : i32
    %dma_wait3A_121 = arith.constant 0 : i32
    %dma_wait3A_122 = arith.constant 0 : i32
    %dma_wait3A_123 = arith.constant 0 : i32
    %dma_wait3A_124 = tpu.memref_slice %arg7[%dma_wait3A_119, %dma_wait3A_122, %dma_wait3A_123] : memref<4x64x128xf32, #tpu.memory_space<vmem>> -> memref<1x64x128xf32, #tpu.memory_space<vmem>>
    %dma_wait3A_125 = tpu.memref_squeeze %dma_wait3A_124 : memref<1x64x128xf32, #tpu.memory_space<vmem>> -> memref<64x128xf32, #tpu.memory_space<vmem>>
    %dma_wait3A_126 = arith.constant 0 : i32
    %dma_wait3A_127 = arith.constant 0 : i32
    %dma_wait3A_128 = tpu.memref_slice %arg4[%dma_wait3A_120, %dma_wait3A_121, %dma_wait3A_126, %dma_wait3A_127] : memref<200x32x64x128xf32, #tpu.memory_space<hbm>> -> memref<1x1x64x128xf32, #tpu.memory_space<hbm>>
    %dma_wait3A_129 = tpu.memref_squeeze %dma_wait3A_128 : memref<1x1x64x128xf32, #tpu.memory_space<hbm>> -> memref<64x128xf32, #tpu.memory_space<hbm>>
    %dma_wait3A_130 = arith.constant 0 : i32
    %dma_wait3A_131 = arith.constant 0 : i32
    %dma_wait3A_132 = tpu.memref_slice %arg4[%dma_wait3A_120, %dma_wait3A_121, %dma_wait3A_130, %dma_wait3A_131] : memref<200x32x64x128xf32, #tpu.memory_space<hbm>> -> memref<1x1x64x128xf32, #tpu.memory_space<hbm>>
    %dma_wait3A_133 = tpu.memref_squeeze %dma_wait3A_132 : memref<1x1x64x128xf32, #tpu.memory_space<hbm>> -> memref<64x128xf32, #tpu.memory_space<hbm>>
    %dma_wait3A_134 = arith.constant 0 : i32
    %dma_wait3A_135 = arith.constant 0 : i32
    %dma_wait3A_136 = tpu.memref_slice %arg7[%dma_wait3A_119, %dma_wait3A_134, %dma_wait3A_135] : memref<4x64x128xf32, #tpu.memory_space<vmem>> -> memref<1x64x128xf32, #tpu.memory_space<vmem>>
    %dma_wait3A_137 = tpu.memref_squeeze %dma_wait3A_136 : memref<1x64x128xf32, #tpu.memory_space<vmem>> -> memref<64x128xf32, #tpu.memory_space<vmem>>
    tpu.wait_dma2 semaphore(%arg15 : memref<!tpu.dma_semaphore, #tpu.memory_space<semaphore_mem>>) src(%dma_wait3A_137 : memref<64x128xf32, #tpu.memory_space<vmem>>) dst(%dma_wait3A_133 : memref<64x128xf32, #tpu.memory_space<hbm>>)
    return
  }
}

module attributes {stable_mosaic.version = 14 : i64} {
  func.func @_tbl_body(%arg0: i32, %arg1: memref<64x4096xf32, #tpu.memory_space<vmem>>, %arg2: memref<2048x128xf32, #tpu.memory_space<vmem>>) attributes {dimension_semantics = [#tpu.dimension_semantics<arbitrary>], iteration_bounds = array<i64: 245>, scalar_prefetch = 0 : i64, scratch_operands = 0 : i64, tpu.core_type = #tpu.core_type<tc>, window_params = [{transform_indices = @transform_0, window_bounds = array<i64: 64, 4096>}, {transform_indices = @transform_1, window_bounds = array<i64: 2048, 128>}]} {
    %get3A = arith.constant 0 : index
    %get3A_0 = arith.constant 0 : index
    %get3A_1 = vector.load %arg1[%get3A, %get3A_0] : memref<64x4096xf32, #tpu.memory_space<vmem>>, vector<64x4096xf32>
    %iota3A = tpu.iota {dimensions = array<i32: 0>} : vector<64x64xi32>
    %iota3A_2 = tpu.iota {dimensions = array<i32: 1>} : vector<64x64xi32>
    %eq3A = arith.cmpi eq, %iota3A, %iota3A_2 : vector<64x64xi32>
    %jit3A = arith.constant 8.000000e+00 : f32
    %jit3A_3 = arith.constant 0.000000e+00 : f32
    %broadcast_in_dim3A = vector.broadcast %jit3A : f32 to vector<64x64xf32>
    %broadcast_in_dim3A_4 = vector.broadcast %jit3A_3 : f32 to vector<64x64xf32>
    %select_n3A = arith.select %eq3A, %broadcast_in_dim3A, %broadcast_in_dim3A_4 : vector<64x64xi1>, vector<64x64xf32>
    %dot_general3A = arith.constant dense<0.000000e+00> : vector<4096x64xf32>
    %dot_general3A_5 = tpu.matmul %get3A_1, %select_n3A, %dot_general3A {dimension_numbers = #tpu.dot_dimension_numbers<[0], [0], [1], [1], [0, 1, 1, 1], [], []>, transpose_lhs_hint = false} : vector<64x4096xf32>, vector<64x64xf32>, vector<4096x64xf32> -> vector<4096x64xf32>
    %slice3A = vector.extract_strided_slice %dot_general3A_5 {offsets = [0, 0], sizes = [2048, 64], strides = [1, 1]} : vector<4096x64xf32> to vector<2048x64xf32>
    %slice3A_6 = vector.extract_strided_slice %dot_general3A_5 {offsets = [2048, 0], sizes = [2048, 64], strides = [1, 1]} : vector<4096x64xf32> to vector<2048x64xf32>
    %concatenate3A = tpu.concatenate %slice3A, %slice3A_6 in 1 : vector<2048x64xf32>, vector<2048x64xf32> -> vector<2048x128xf32>
    %swap3A = arith.constant 0 : index
    %swap3A_7 = arith.constant 0 : index
    %swap3A_8 = vector.load %arg2[%swap3A, %swap3A_7] : memref<2048x128xf32, #tpu.memory_space<vmem>>, vector<2048x128xf32>
    tpu.vector_store %arg2[%swap3A, %swap3A_7], %concatenate3A {strides = array<i32>} : memref<2048x128xf32, #tpu.memory_space<vmem>>, vector<2048x128xf32>,
    return
  }
  func.func @transform_0(%arg0: i32) -> (i32, i32) {
    %c0_i32 = arith.constant 0 : i32
    %c0_i32_0 = arith.constant 0 : i32
    return %c0_i32, %arg0 : i32, i32
  }
  func.func @transform_1(%arg0: i32) -> (i32, i32) {
    %c0_i32 = arith.constant 0 : i32
    %c0_i32_0 = arith.constant 0 : i32
    return %arg0, %c0_i32 : i32, i32
  }
}

module attributes {stable_mosaic.version = 14 : i64} {
  func.func @_out_body(%arg0: i32, %arg1: i32, %arg2: memref<50x1x64x128xf32, #tpu.memory_space<vmem>>, %arg3: memref<50x8x1x8x128xf32, #tpu.memory_space<vmem>>) attributes {dimension_semantics = [#tpu.dimension_semantics<arbitrary>, #tpu.dimension_semantics<arbitrary>], iteration_bounds = array<i64: 4, 32>, scalar_prefetch = 0 : i64, scratch_operands = 0 : i64, tpu.core_type = #tpu.core_type<tc>, window_params = [{transform_indices = @transform_0, window_bounds = array<i64: 50, 1, 64, 128>}, {transform_indices = @transform_1, window_bounds = array<i64: 50, 8, 1, 8, 128>}]} {
    %get3A = arith.constant 0 : index
    %get3A_0 = arith.constant 0 : index
    %get3A_1 = arith.constant 0 : index
    %get3A_2 = arith.constant 0 : index
    %get3A_3 = vector.load %arg2[%get3A, %get3A_0, %get3A_1, %get3A_2] : memref<50x1x64x128xf32, #tpu.memory_space<vmem>>, vector<50x1x64x128xf32>
    %get3A_4 = vector.shape_cast %get3A_3 : vector<50x1x64x128xf32> to vector<50x64x128xf32>
    %iota3A = tpu.iota {dimensions = array<i32: 0>} : vector<64x64xi32>
    %iota3A_5 = tpu.iota {dimensions = array<i32: 1>} : vector<64x64xi32>
    %eq3A = arith.cmpi eq, %iota3A, %iota3A_5 : vector<64x64xi32>
    %jit3A = arith.constant 1.000000e+00 : f32
    %jit3A_6 = arith.constant 0.000000e+00 : f32
    %broadcast_in_dim3A = vector.broadcast %jit3A : f32 to vector<64x64xf32>
    %broadcast_in_dim3A_7 = vector.broadcast %jit3A_6 : f32 to vector<64x64xf32>
    %select_n3A = arith.select %eq3A, %broadcast_in_dim3A, %broadcast_in_dim3A_7 : vector<64x64xi1>, vector<64x64xf32>
    %dot_general3A = arith.constant dense<0.000000e+00> : vector<50x128x64xf32>
    %dot_general3A_8 = tpu.matmul %get3A_4, %select_n3A, %dot_general3A {dimension_numbers = #tpu.dot_dimension_numbers<[1], [0], [0, 2], [1], [0, 0, 0, 2, 1, 1], [], []>, transpose_lhs_hint = false} : vector<50x64x128xf32>, vector<64x64xf32>, vector<50x128x64xf32> -> vector<50x128x64xf32>
    %slice3A = vector.extract_strided_slice %dot_general3A_8 {offsets = [0, 0, 0], sizes = [50, 64, 64], strides = [1, 1, 1]} : vector<50x128x64xf32> to vector<50x64x64xf32>
    %slice3A_9 = vector.extract_strided_slice %dot_general3A_8 {offsets = [0, 64, 0], sizes = [50, 64, 64], strides = [1, 1, 1]} : vector<50x128x64xf32> to vector<50x64x64xf32>
    %concatenate3A = tpu.concatenate %slice3A, %slice3A_9 in 2 : vector<50x64x64xf32>, vector<50x64x64xf32> -> vector<50x64x128xf32>
    %reshape3A = vector.shape_cast %concatenate3A : vector<50x64x128xf32> to vector<50x8x8x128xf32>
    %swap3A = arith.constant 0 : index
    %swap3A_10 = arith.constant 0 : index
    %swap3A_11 = arith.constant 0 : index
    %swap3A_12 = arith.constant 0 : index
    %swap3A_13 = arith.constant 0 : index
    %swap3A_14 = vector.load %arg3[%swap3A, %swap3A_10, %swap3A_11, %swap3A_12, %swap3A_13] : memref<50x8x1x8x128xf32, #tpu.memory_space<vmem>>, vector<50x8x1x8x128xf32>
    %swap3A_15 = vector.shape_cast %swap3A_14 : vector<50x8x1x8x128xf32> to vector<50x8x8x128xf32>
    %swap3A_16 = vector.shape_cast %reshape3A : vector<50x8x8x128xf32> to vector<50x8x1x8x128xf32>
    tpu.vector_store %arg3[%swap3A, %swap3A_10, %swap3A_11, %swap3A_12, %swap3A_13], %swap3A_16 {strides = array<i32>} : memref<50x8x1x8x128xf32, #tpu.memory_space<vmem>>, vector<50x8x1x8x128xf32>,
    return
  }
  func.func @transform_0(%arg0: i32, %arg1: i32) -> (i32, i32, i32, i32) {
    %c0_i32 = arith.constant 0 : i32
    %c0_i32_0 = arith.constant 0 : i32
    %c0_i32_1 = arith.constant 0 : i32
    return %arg0, %arg1, %c0_i32, %c0_i32_0 : i32, i32, i32, i32
  }
  func.func @transform_1(%arg0: i32, %arg1: i32) -> (i32, i32, i32, i32, i32) {
    %c0_i32 = arith.constant 0 : i32
    %c0_i32_0 = arith.constant 0 : i32
    %c0_i32_1 = arith.constant 0 : i32
    %c0_i32_2 = arith.constant 0 : i32
    return %arg0, %c0_i32, %arg1, %c0_i32_0, %c0_i32_1 : i32, i32, i32, i32, i32
  }
}

</mosaic_0001>

<sc_bundles>
// kernel: kernel.5.cloned.1.call-start
scs
__scs_entry_jumppad:
0x0: {  	(pc) =	sbr.rel $0x88, $3  }
0x1: {  	(tag) =	ssettag $0x0;
	lr =	simm.s32 $0x1  }
0x2: {  	[smem:$0x3F9F] =	sst lr;
	_ =	strace $0xD0000000  }
0x3: {  	_ = 	snop  }
0x4: {  	_ = 	snop  }
0x5: {  	_ = 	snop  }
0x6: {  	_ = 	snop  }
0x7: {  	_ = 	snop  }
__scs_overlays_trampoline_lowered:
0x8: {  	[smem:$0x3FAE] =	sst s0  }
0x9: {  	[smem:$0x3FAF] =	sst s1  }
0xa: {  	[smem:$0x3FB0] =	sst s2  }
0xb: {  	[smem:$0x3FB1] =	sst s3  }
0xc: {  	[smem:$0x3FB2] =	sst s4  }
0xd: {  	[smem:$0x3FB3] =	sst s5  }
0xe: {  	[smem:$0x3FB4] =	sst s6  }
0xf: {  	[smem:$0x3FB5] =	sst s7  }
0x10: {  	[smem:$0x3FB6] =	sst s8  }
0x11: {  	[smem:$0x3FB7] =	sst s9;
	s0 =	simm.s32 @!p0 $0x0  }
0x12: {  	s1 =	sld [smem:$0x3F9D];
	s0 =	simm.s32 @p0 $0x1  }
0x13: {  	[smem:$0x3FB8] =	sst s0;
	s0 =	simm.s32 @!p1 $0x0  }
0x14: {  	s2 =	sld [smem:$0x3F9C];
	s0 =	simm.s32 @p1 $0x1  }
0x15: {  	[smem:$0x3FB9] =	sst s0;
	s0 =	simm.s32 @!p2 $0x0  }
0x16: {  	s3 =	sld [smem:$0x3FDB];
	s0 =	simm.s32 @p2 $0x1  }
0x17: {  	s4 =	simm.s32 $0x1BF5;
	[smem:$0x3FBB] =	sst s0  }
0x18: {  	s0 =	sld [smem:$0x3F9E];
	_ =	swait.ge [sflag:s4], $0x0  }
0x19: {  	s7 =	sld [smem:$0x3F9F]  }
0x1a: {  	s8 =	sadd.s32 $0xFFFFE003, lr  }
0x1b: {  	s9 =	sadd.s32 $0xFFFFFEF7, lr;
	s5 =	simm.s32 $0xFFFFFFFF;
	p2 =	slt.u32 s8, $0xFFFFF086  }
0x1c: {  	p1 =	slt.u32 s9, $0xF7A;
	s5 =	simm.s32 @!p2 $0x0  }
0x1d: {  	s5 =	simm.s32 @p1 $0x1;
	p0 =	seq.s32 s7, s2  }
0x1e: {  	s7 =	smul.u32 @!p0 $0xF7A, s2;
	p2 =	seq.s32 @!p0 s5, $0x0  }
0x1f: {  	s9 =	smul.u32 $0xF7A, s1;
	s8 =	simm.s32 @!p0 $0x1BF5;
	p2 =	por !p2, p0  }
0x20: {  	[sflag:s8] =	ssyncset.s32 @!p0 $0xFFFFF086;
	s6 =	sadd.s32 @!p0 s3, s7;
	s7 =	simm.s32 @!p0 $0x108  }
0x21: {  	s3 =	sadd.s32 s3, s9;
	s6 =	sadd.s32 @!p0 $0x88, s6;
	s7 =	simm.s32 @p2 $0x1082  }
0x22: {  	[simem:s7], [sflag:s8] =	dma.local @!p0 [hbm:s6], $0xF7A  }
0x23: {  	s9 =	sor.u32 $0xD0000000, s2;
	s6 =	simm.s32 $0x108;
	_ =	swait.ge @!p0 [sflag:s8], $0x0  }
0x24: {  	s3 =	sadd.s32 $0x88, s3;
	s6 =	simm.s32 @!p1 $0x1082;
	[sflag:s4] =	ssyncset.s32 $0xFFFFF086  }
0x25: {  	[simem:s6], [sflag:s4] =	dma.local [hbm:s3], $0xF7A  }
0x26: {  	[smem:$0x3F9F] =	sst s1;
	(tag) =	ssettag s2;
	_ =	strace s9  }
0x27: {  	s1 =	sld [smem:$0x3FAF]  }
0x28: {  	s2 =	sld [smem:$0x3FB0]  }
0x29: {  	s4 =	sld [smem:$0x3FB2]  }
0x2a: {  	p0 =	seq.s32 s5, $0x0;
	s5 =	sld [smem:$0x3FB3]  }
0x2b: {  	s6 =	sld [smem:$0x3FB4]  }
0x2c: {  	s7 =	sld [smem:$0x3FB5]  }
0x2d: {  	s3 =	simm.s32 $0x108;
	s8 =	sld [smem:$0x3FB6]  }
0x2e: {  	s3 =	simm.s32 @!p0 $0x1082;
	s9 =	sld [smem:$0x3FB7]  }
0x2f: {  	lr =	sadd.s32 s0, s3;
	s0 =	sld [smem:$0x3FAE]  }
0x30: {  	s3 =	sld [smem:$0x3FB1]  }
0x31: {  	[smem:$0x3FBA] =	sst s10  }
0x32: {  	s10 =	sld [smem:$0x3FB8];
	_ =	sdelay $0x3  }
0x33: {  	p0 =	seq.s32 s10, $0x1;
	s10 =	sld [smem:$0x3FBA];
	_ =	sdelay $0x3  }
0x34: {  	[smem:$0x3FBA] =	sst s10  }
0x35: {  	s10 =	sld [smem:$0x3FB9];
	_ =	sdelay $0x3  }
0x36: {  	p1 =	seq.s32 s10, $0x1;
	s10 =	sld [smem:$0x3FBA];
	_ =	sdelay $0x3  }
0x37: {  	[smem:$0x3FBA] =	sst s10  }
0x38: {  	s10 =	sld [smem:$0x3FBB]  }
0x39: {  	_ = 	snop;
	(pc) =	sbr.ind lr, $3  }
0x3a: {  	_ = 	snop  }
0x3b: {  	_ = 	snop  }
0x3c: {  	p2 =	seq.s32 s10, $0x1;
	s10 =	sld [smem:$0x3FBA]  }
0x3d: {  	_ =	shalt  }
0x3e: {  	_ =	shalt  }
0x3f: {  	_ =	shalt  }
0x40: {  	_ =	shalt  }
0x41: {  	_ =	shalt  }
0x42: {  	_ =	shalt  }
0x43: {  	_ =	shalt  }
0x44: {  	_ =	shalt  }
0x45: {  	_ =	shalt  }
0x46: {  	_ =	shalt  }
0x47: {  	_ =	shalt  }
0x48: {  	_ =	shalt  }
0x49: {  	_ =	shalt  }
0x4a: {  	_ =	shalt  }
0x4b: {  	_ =	shalt  }
0x4c: {  	_ =	shalt  }
0x4d: {  	_ =	shalt  }
0x4e: {  	_ =	shalt  }
0x4f: {  	_ =	shalt  }
0x50: {  	_ =	shalt  }
0x51: {  	_ =	shalt  }
0x52: {  	_ =	shalt  }
0x53: {  	_ =	shalt  }
0x54: {  	_ =	shalt  }
0x55: {  	_ =	shalt  }
0x56: {  	_ =	shalt  }
0x57: {  	_ =	shalt  }
0x58: {  	_ =	shalt  }
0x59: {  	_ =	shalt  }
0x5a: {  	_ =	shalt  }
0x5b: {  	_ =	shalt  }
0x5c: {  	_ =	shalt  }
0x5d: {  	_ =	shalt  }
0x5e: {  	_ =	shalt  }
0x5f: {  	_ =	shalt  }
0x60: {  	_ =	shalt  }
0x61: {  	_ =	shalt  }
0x62: {  	_ =	shalt  }
0x63: {  	_ =	shalt  }
0x64: {  	_ =	shalt  }
0x65: {  	_ =	shalt  }
0x66: {  	_ =	shalt  }
0x67: {  	_ =	shalt  }
0x68: {  	_ =	shalt  }
0x69: {  	_ =	shalt  }
0x6a: {  	_ =	shalt  }
0x6b: {  	_ =	shalt  }
0x6c: {  	_ =	shalt  }
0x6d: {  	_ =	shalt  }
0x6e: {  	_ =	shalt  }
0x6f: {  	_ =	shalt  }
0x70: {  	_ =	shalt  }
0x71: {  	_ =	shalt  }
0x72: {  	_ =	shalt  }
0x73: {  	_ =	shalt  }
0x74: {  	_ =	shalt  }
0x75: {  	_ =	shalt  }
0x76: {  	_ =	shalt  }
0x77: {  	_ =	shalt  }
0x78: {  	_ =	shalt  }
0x79: {  	_ =	shalt  }
0x7a: {  	_ =	shalt  }
0x7b: {  	_ =	shalt  }
0x7c: {  	_ =	shalt  }
0x7d: {  	_ =	shalt  }
0x7e: {  	_ =	shalt  }
0x7f: {  	_ =	shalt  }
0x80: {  	_ =	shalt  }
0x81: {  	_ =	shalt  }
0x82: {  	_ =	shalt  }
0x83: {  	_ =	shalt  }
0x84: {  	_ =	shalt  }
0x85: {  	_ =	shalt  }
0x86: {  	_ =	shalt  }
0x87: {  	_ =	shalt  }
.Lfunc_end0:
.L_simem_size_0:
called_computation_lowered:
.L_overlay_start_0:
0x88: {  	s2 =	sld [smem:$0x3FD9]  }
0x89: {  	s3 =	sld [smem:$0x3FFE];
	_ =	sdelay $0x1  }
0x8a: {  	s1 =	srdreg.scid  }
0x8b: {  	s0 =	sand.u32 $0x1, s1  }
0x8c: {  	s17 =	sshll.u32 s0, $0xA;
	s2 =	sadd.s32 s3, s2  }
0x8d: {  	s2 =	sadd.s32 s2, s17  }
0x8e: {  	[smem:$0x3FC6] =	sst s2  }
0x8f: {  	_ = 	snop  }
0x90: {  	s2 =	sld [smem:$0x3FC9];
	(tm) =	ssettm $0x1  }
0x91: {  	s18 =	sld [smem:$0x3FFB];
	_ =	sdelay $0x3  }
0x92: {  	_ =	strace s18  }
0x93: {  	s3 =	sld [smem:$0x3FFC];
	_ =	sdelay $0x3  }
0x94: {  	_ =	strace s3  }
0x95: {  	s3 =	sld [smem:$0x3FFD];
	_ =	sdelay $0x3  }
0x96: {  	_ =	strace s3  }
0x97: {  	_ =	strace $0x8FFFFFFF  }
0x98: {  	s19 =	sld [smem:$0x3FDB];
	_ =	sdelay $0x1  }
0x99: {  	s4 =	simm.s32 $_scs_section_size  }
0x9a: {  	s5 =	simm.s32 $_size__tile_overlayer_lowered;
	s6 =	simm.s32 $_tile_overlayer_lowered  }
0x9b: {  	s22 =	simm.s32 $0x1BFF;
	s21 =	sshll.u32 s6, $0x1;
	s3 =	sadd.s32 s4, s19  }
0x9c: {  	s7 =	simm.s32 $0x0;
	s20 =	sshll.u32 s5, $0x1;
	s5 =	sadd.s32 s21, s3  }
0x9d: {  	[timem:s7], [sflag:s22] =	dma.local [hbm:s5], s20  }
0x9e: {  	_ =	swait.ge [sflag:s22], s20  }
0x9f: {  	s4 =	ssub.s32 $0x0, s20;
	[sflag:s22] =	ssyncset.done $0x0  }
0xa0: {  	[sflag:s22] =	ssyncadd.s32 s4;
	_ =	sdelay $0x1  }
0xa1: {  	s23 =	simm.s32 $0x1B8B  }
0xa2: {  	_ =	swait.ge [sflag:s23], $0x1  }
0xa3: {  	[sflag:s23] =	ssyncset.done $0x0  }
0xa4: {  	s25 =	simm.s32 $0x1B8E;
	s24 =	sld [smem:$0x3FFE];
	[sflag:s23] =	ssyncadd.s32 $0xFFFFFFFF  }
0xa5: {  	s26 =	simm.s32 $execute0_lowered;
	[smem:$0x3FD2] =	sst s25  }
0xa6: {  	s5 =	sshll.u32 s26, $0x1;
	_ =	strace $0x80000046;
	[dreg:$0x1] =	wrdreg $0xFFFFFFFF  }
0xa7: {  	s28 =	simm.s32 $_size_execute0_lowered;
	s3 =	sadd.s32 s3, s5;
	[dreg:$0x0] =	wrdreg $0x0  }
0xa8: {  	s5 =	sshll.u32 s28, $0x1;
	[dreg:$0x2] =	wrdreg s3  }
0xa9: {  	[dreg:$0x3] =	wrdreg s5  }
0xaa: {  	[dreg:$0x4] =	wrdreg $0xC0  }
0xab: {  	_ =	task [dreg:s7], $0x5FFFF  }
0xac: {  	[dreg:$0x1] =	wrdreg $0xFFFFFFFF  }
0xad: {  	[dreg:$0x0] =	wrdreg $0x60  }
0xae: {  	[dreg:$0x2] =	wrdreg s2  }
0xaf: {  	[dreg:$0x3] =	wrdreg s24  }
0xb0: {  	[dreg:$0x4] =	wrdreg $0x9  }
0xb1: {  	_ =	task.clear_ibuf [dreg:s7], $0x5FFFF;
	_ =	strace $0x90000046  }
0xb2: {  	s29 =	simm.s32 $0x9;
	_ =	strace $0x80000048  }
0xb3: {  	_ =	swait.ge [sflag:s29], $0x1  }
0xb4: {  	[sflag:s29] =	ssyncadd.s32 $0xFFFFFFFF  }
0xb5: {  	_ =	strace $0x90000048  }
0xb6: {  	_ =	sfence  }
0xb7: {  	s30 =	sld [smem:$0x0];
	_ =	sdelay $0x2  }
0xb8: {  	s31 =	sshll.u32 s1, $0xD;
	s1 =	sshrl.u32 s1, $0x2  }
0xb9: {  	s3 =	sand.u32 $0x4000, s31;
	s1 =	sadd.s32 s1, s30  }
0xba: {  	s0 =	sor.u32 s3, s0;
	s1 =	sshll.u32 s1, $0x11  }
0xbb: {  	s0 =	sor.u32 s1, s0  }
0xbc: {  	s0 =	sadd.s32 $0x8F2B, s0  }
0xbd: {  	[sflag:s0] =	ssyncadd.remote.s32 $0x1  }
0xbe: {  	_ =	sfence.sel $0xFFFF  }
0xbf: {  	[dreg:$0x0] =	wrdreg $0xFFFFFFFF;
	(pc) =	sbr.abs _section_cstart, $3  }
0xc0: {  	[dreg:$0x1] =	wrdreg $0xFFFFFFFF  }
0xc1: {  	_ =	task.clear_ibuf [dreg:s7], $0x2FFFF;
	_ =	strace $0x9FFFFFFF  }
0xc2: {  	(tm) =	ssettm $0x7FFFFFFF  }
0xc3: {  	_ =	shalt  }
tec
execute0_lowered:
.L_overlay_start_1:
0x0: {  	(tag) =	ssettag $0x1  }
0x1: {  	s0 =	rddreg [dreg:$0x0]  }
0x2: {  	s2 =	rddreg [dreg:$0x1];
	s1 =	simm.s32 $0x0;
	s3 =	srdreg.scid  }
0x3: {  	s7 =	stileid.u32;
	s11 =	simm.s32 $0x9;
	s12 =	simm.s32 $0x80  }
0x4: {  	s14 =	simm.s32 $0x8400;
	s16 =	simm.s32 $0xA400;
	s18 =	simm.s32 $0xC400  }
0x5: {  	s19 =	simm.s32 $0x1;
	s20 =	simm.s32 $0xE400;
	s21 =	simm.s32 $0x2  }
0x6: {  	s22 =	simm.s32 $0x6;
	s23 =	simm.s32 $0x10400;
	s28 =	simm.s32 $0x4  }
0x7: {  	s29 =	simm.s32 $0x8;
	s30 =	simm.s32 $0x14400;
	[smem:$0x7FF] =	sst s1  }
0x8: {  	s8 =	sand.u32 $0x1, s3;
	s3 =	sadd.s32 $0x400, s2;
	s4 =	sadd.s32 $0x7A8400, s2  }
0x9: {  	s24 =	sshll.u32 s7, $0xB;
	s10 =	sshll.u32 s7, $0x8;
	s7 =	sadd.s32 $0x7B8400, s2  }
0xa: {  	_ =	strace $0x80000047;
	s5 =	ssub.s32 $0x2, s8;
	s25 =	sshll.u32 s8, $0xA  }
.Ltmp0:
0xb: {  	s0 =	sadd.s32 s10, s0;
	s26 =	sshll.u32 s8, $0x7;
	(pc) =	sbr.rel .LBB2_1-.Ltmp0, $4  }
0xc: {  	s8 =	sadd.s32 $0x7C0400, s2;
	s6 =	sshrl.u32 s5, $0x1;
	s10 =	sadd.s32 s26, s0  }
0xd: {  	s26 =	simm.s32 $0x12400;
	s9 =	ssub.s32 s5, s6;
	s5 =	sor.u32 s25, s24  }
0xe: {  	s6 =	sadd.s32 $0x7B0400, s2;
	s24 =	simm.s32 $0x3;
	s31 =	smax.u32 s9, $0x1  }
0xf: {  	s25 =	simm.s32 $0x7;
	s2 =	simm.s32 $0x0;
	[dreg:$0x3] =	wrdreg s31  }
.LBB2_26:
0x10: {  	s0 =	simm.s32 $0x5  }
0x11: {  	_ =	swait.ge [sflag:s0], $0x2000  }
0x12: {  	[sflag:s0] =	ssyncset.done $0x0  }
0x13: {  	[sflag:s0] =	ssyncadd.s32 $0xFFFFE000  }
0x14: {  	_ =	swait.ge [sflag:s22], $0x2000  }
0x15: {  	[sflag:s22] =	ssyncset.done $0x0  }
0x16: {  	[sflag:s22] =	ssyncadd.s32 $0xFFFFE000  }
0x17: {  	_ =	swait.ge [sflag:s25], $0x2000  }
0x18: {  	[sflag:s25] =	ssyncset.done $0x0  }
0x19: {  	[sflag:s25] =	ssyncadd.s32 $0xFFFFE000  }
0x1a: {  	_ =	swait.ge [sflag:s29], $0x2000  }
0x1b: {  	s2 =	rddreg [dreg:$0x4]  }
0x1c: {  	s31 =	rddreg [dreg:$0x3];
	s2 =	sadd.s32 $0x1, s2  }
0x1d: {  	p0 =	sne.s32 s2, s31  }
.Ltmp1:
0x1e: {  	_ = 	snop;
	(pc) =	sbr.rel @!p0 .LBB2_27-.Ltmp1, $3  }
0x1f: {  	_ =	sdelay $0x1  }
0x20: {  	[sflag:s29] =	ssyncset.done $0x0  }
0x21: {  	[sflag:s29] =	ssyncadd.s32 $0xFFFFE000  }
.LBB2_1:
0x22: {  	[dreg:$0x4] =	wrdreg s2;
	s0 =	simm.s32 $0x0;
	s31 =	sadd.s32 $0x0, s10  }
0x23: {  	[tilespmem:s0], [sflag:$0x9] =	stream.linear.gather [hbm4b:s31+s1], $0x400, $0x38;
	[tilespmem:$0x16400] =	vst v63  }
0x24: {  	_ =	swait.ge [sflag:s11], $0x400  }
0x25: {  	s0 =	simm.s32 $0x1000;
	[sflag:s11] =	ssyncset.done $0x0  }
.LBB2_2:
0x26: {  	s2 =	sshra.s32 s0, $0x2  }
0x27: {  	s9 =	sadd.s32 s0, s10;
	[sflag:s11] =	ssyncadd.s32 $0xFFFFFC00;
	p0 =	sne.s32 s0, $0x18000  }
0x28: {  	[tilespmem:s2], [sflag:$0x9] =	stream.linear.gather [hbm4b:s9+s1], $0x400, $0x38;
	[tilespmem:$0x16400] =	vst v63  }
.Ltmp2:
0x29: {  	_ = 	snop;
	(pc) =	sbr.rel @p0 .LBB2_2-.Ltmp2, $4  }
0x2a: {  	_ = 	snop  }
0x2b: {  	s0 =	sadd.s32 $0x1000, s0  }
0x2c: {  	_ =	swait.ge [sflag:s11], $0x400  }
0x2d: {  	[sflag:s11] =	ssyncset.done $0x0  }
0x2e: {  	[sflag:s11] =	ssyncadd.s32 $0xFFFFFC00;
	s2 =	simm.s32 $0x0;
	s0 =	simm.s32 $0x6400  }
0x2f: {  	[tilespmem:s0], [sflag:$0x1] =	stream.indirect.gather [hbm4b:s3+s12], $0x40, s2, s12, $0xb8;
	[tilespmem:$0x16400] =	vst v63  }
0x30: {  	_ = 	snop  }
0x31: {  	[tilespmem:s14], [sflag:$0x2] =	stream.indirect.gather [hbm4b:s3+s12], $0x40, s12, s12, $0xb8;
	[tilespmem:$0x16400] =	vst v63  }
0x32: {  	s17 =	simm.s32 $0x100  }
0x33: {  	[tilespmem:s16], [sflag:$0x3] =	stream.indirect.gather [hbm4b:s3+s12], $0x40, s17, s12, $0xb8;
	[tilespmem:$0x16400] =	vst v63  }
0x34: {  	s31 =	simm.s32 $0x180  }
0x35: {  	[tilespmem:s18], [sflag:$0x4] =	stream.indirect.gather [hbm4b:s3+s12], $0x40, s31, s12, $0xb8;
	[tilespmem:$0x16400] =	vst v63  }
.LBB2_4:
0x36: {  	_ =	swait.ge [sflag:s19], $0x2000  }
0x37: {  	p0 =	seq.s32 s2, $0x0;
	[sflag:s19] =	ssyncset.done $0x0  }
0x38: {  	s0 =	simm.s32 @!p0 $0x5;
	[sflag:s19] =	ssyncadd.s32 $0xFFFFE000  }
0x39: {  	_ =	swait.ge @!p0 [sflag:s0], $0x2000  }
0x3a: {  	[sflag:s0] =	ssyncset.done @!p0 $0x0  }
0x3b: {  	s15 =	simm.s32 $0x0;
	[sflag:s0] =	ssyncadd.s32 @!p0 $0xFFFFE000  }
0x3c: {  	v0 =	vld [tilespmem:s15+$0x6400];
	_ =	sdelay $0x3  }
0x3d: {  	s17 =	simm.s32 $0xE600  }
0x3e: {  	[tilespmem:s17+$0xFFFFFE00] =	vst v0  }
0x3f: {  	v0 =	vld [tilespmem:s15+$0x6410];
	_ =	sdelay $0x4  }
0x40: {  	[tilespmem:s17+$0xFFFFFE10] =	vst v0  }
0x41: {  	v0 =	vld [tilespmem:s15+$0x6420];
	_ =	sdelay $0x4  }
0x42: {  	[tilespmem:s17+$0xFFFFFE20] =	vst v0  }
0x43: {  	v0 =	vld [tilespmem:s15+$0x6430];
	_ =	sdelay $0x4  }
0x44: {  	[tilespmem:s17+$0xFFFFFE30] =	vst v0  }
0x45: {  	v0 =	vld [tilespmem:s15+$0x7400];
	_ =	sdelay $0x4  }
0x46: {  	[tilespmem:s17+$0xFFFFFE40] =	vst v0  }
0x47: {  	v0 =	vld [tilespmem:s15+$0x7410];
	_ =	sdelay $0x4  }
0x48: {  	[tilespmem:s17+$0xFFFFFE50] =	vst v0  }
0x49: {  	v0 =	vld [tilespmem:s15+$0x7420];
	_ =	sdelay $0x4  }
0x4a: {  	[tilespmem:s17+$0xFFFFFE60] =	vst v0  }
0x4b: {  	v0 =	vld [tilespmem:s15+$0x7430];
	_ =	sdelay $0x4  }
0x4c: {  	[tilespmem:s17+$0xFFFFFE70] =	vst v0  }
0x4d: {  	v0 =	vld [tilespmem:s15+$0x6440];
	_ =	sdelay $0x4  }
0x4e: {  	[tilespmem:s17+$0xFFFFFE80] =	vst v0  }
0x4f: {  	v0 =	vld [tilespmem:s15+$0x6450];
	_ =	sdelay $0x4  }
0x50: {  	[tilespmem:s17+$0xFFFFFE90] =	vst v0  }
0x51: {  	v0 =	vld [tilespmem:s15+$0x6460];
	_ =	sdelay $0x4  }
0x52: {  	[tilespmem:s17+$0xFFFFFEA0] =	vst v0  }
0x53: {  	v0 =	vld [tilespmem:s15+$0x6470];
	_ =	sdelay $0x4  }
0x54: {  	[tilespmem:s17+$0xFFFFFEB0] =	vst v0  }
0x55: {  	v0 =	vld [tilespmem:s15+$0x7440];
	_ =	sdelay $0x4  }
0x56: {  	[tilespmem:s17+$0xFFFFFEC0] =	vst v0  }
0x57: {  	v0 =	vld [tilespmem:s15+$0x7450];
	_ =	sdelay $0x4  }
0x58: {  	[tilespmem:s17+$0xFFFFFED0] =	vst v0  }
0x59: {  	v0 =	vld [tilespmem:s15+$0x7460];
	_ =	sdelay $0x4  }
0x5a: {  	[tilespmem:s17+$0xFFFFFEE0] =	vst v0  }
0x5b: {  	v0 =	vld [tilespmem:s15+$0x7470];
	_ =	sdelay $0x4  }
0x5c: {  	[tilespmem:s17+$0xFFFFFEF0] =	vst v0  }
0x5d: {  	v0 =	vld [tilespmem:s15+$0x6480];
	_ =	sdelay $0x4  }
0x5e: {  	[tilespmem:s17+$0xFFFFFF00] =	vst v0  }
0x5f: {  	v0 =	vld [tilespmem:s15+$0x6490];
	_ =	sdelay $0x4  }
0x60: {  	[tilespmem:s17+$0xFFFFFF10] =	vst v0  }
0x61: {  	v0 =	vld [tilespmem:s15+$0x64A0];
	_ =	sdelay $0x4  }
0x62: {  	[tilespmem:s17+$0xFFFFFF20] =	vst v0  }
0x63: {  	v0 =	vld [tilespmem:s15+$0x64B0];
	_ =	sdelay $0x4  }
0x64: {  	[tilespmem:s17+$0xFFFFFF30] =	vst v0  }
0x65: {  	v0 =	vld [tilespmem:s15+$0x7480];
	_ =	sdelay $0x4  }
0x66: {  	[tilespmem:s17+$0xFFFFFF40] =	vst v0  }
0x67: {  	v0 =	vld [tilespmem:s15+$0x7490];
	_ =	sdelay $0x4  }
0x68: {  	[tilespmem:s17+$0xFFFFFF50] =	vst v0  }
0x69: {  	v0 =	vld [tilespmem:s15+$0x74A0];
	_ =	sdelay $0x4  }
0x6a: {  	[tilespmem:s17+$0xFFFFFF60] =	vst v0  }
0x6b: {  	v0 =	vld [tilespmem:s15+$0x74B0];
	_ =	sdelay $0x4  }
0x6c: {  	[tilespmem:s17+$0xFFFFFF70] =	vst v0  }
0x6d: {  	v0 =	vld [tilespmem:s15+$0x64C0];
	_ =	sdelay $0x4  }
0x6e: {  	[tilespmem:s17+$0xFFFFFF80] =	vst v0  }
0x6f: {  	v0 =	vld [tilespmem:s15+$0x64D0];
	_ =	sdelay $0x4  }
0x70: {  	[tilespmem:s17+$0xFFFFFF90] =	vst v0  }
0x71: {  	v0 =	vld [tilespmem:s15+$0x64E0];
	_ =	sdelay $0x4  }
0x72: {  	[tilespmem:s17+$0xFFFFFFA0] =	vst v0  }
0x73: {  	v0 =	vld [tilespmem:s15+$0x64F0];
	_ =	sdelay $0x4  }
0x74: {  	[tilespmem:s17+$0xFFFFFFB0] =	vst v0  }
0x75: {  	v0 =	vld [tilespmem:s15+$0x74C0];
	_ =	sdelay $0x4  }
0x76: {  	[tilespmem:s17+$0xFFFFFFC0] =	vst v0  }
0x77: {  	v0 =	vld [tilespmem:s15+$0x74D0];
	_ =	sdelay $0x4  }
0x78: {  	[tilespmem:s17+$0xFFFFFFD0] =	vst v0  }
0x79: {  	v0 =	vld [tilespmem:s15+$0x74E0];
	_ =	sdelay $0x4  }
0x7a: {  	[tilespmem:s17+$0xFFFFFFE0] =	vst v0  }
0x7b: {  	v0 =	vld [tilespmem:s15+$0x74F0];
	_ =	sdelay $0x4  }
0x7c: {  	[tilespmem:s17+$0xFFFFFFF0] =	vst v0  }
0x7d: {  	v0 =	vld [tilespmem:s15+$0x6500];
	_ =	sdelay $0x4  }
0x7e: {  	[tilespmem:s17+$0x0] =	vst v0  }
0x7f: {  	v0 =	vld [tilespmem:s15+$0x6510];
	_ =	sdelay $0x4  }
0x80: {  	[tilespmem:s17+$0x10] =	vst v0  }
0x81: {  	v0 =	vld [tilespmem:s15+$0x6520];
	_ =	sdelay $0x4  }
0x82: {  	[tilespmem:s17+$0x20] =	vst v0  }
0x83: {  	v0 =	vld [tilespmem:s15+$0x6530];
	_ =	sdelay $0x4  }
0x84: {  	[tilespmem:s17+$0x30] =	vst v0  }
0x85: {  	v0 =	vld [tilespmem:s15+$0x7500];
	_ =	sdelay $0x4  }
0x86: {  	[tilespmem:s17+$0x40] =	vst v0  }
0x87: {  	v0 =	vld [tilespmem:s15+$0x7510];
	_ =	sdelay $0x4  }
0x88: {  	[tilespmem:s17+$0x50] =	vst v0  }
0x89: {  	v0 =	vld [tilespmem:s15+$0x7520];
	_ =	sdelay $0x4  }
0x8a: {  	[tilespmem:s17+$0x60] =	vst v0  }
0x8b: {  	v0 =	vld [tilespmem:s15+$0x7530];
	_ =	sdelay $0x4  }
0x8c: {  	[tilespmem:s17+$0x70] =	vst v0  }
0x8d: {  	v0 =	vld [tilespmem:s15+$0x6540];
	_ =	sdelay $0x4  }
0x8e: {  	[tilespmem:s17+$0x80] =	vst v0  }
0x8f: {  	v0 =	vld [tilespmem:s15+$0x6550];
	_ =	sdelay $0x4  }
0x90: {  	[tilespmem:s17+$0x90] =	vst v0  }
0x91: {  	v0 =	vld [tilespmem:s15+$0x6560];
	_ =	sdelay $0x4  }
0x92: {  	[tilespmem:s17+$0xA0] =	vst v0  }
0x93: {  	v0 =	vld [tilespmem:s15+$0x6570];
	_ =	sdelay $0x4  }
0x94: {  	[tilespmem:s17+$0xB0] =	vst v0  }
0x95: {  	v0 =	vld [tilespmem:s15+$0x7540];
	_ =	sdelay $0x4  }
0x96: {  	[tilespmem:s17+$0xC0] =	vst v0  }
0x97: {  	v0 =	vld [tilespmem:s15+$0x7550];
	_ =	sdelay $0x4  }
0x98: {  	[tilespmem:s17+$0xD0] =	vst v0  }
0x99: {  	v0 =	vld [tilespmem:s15+$0x7560];
	_ =	sdelay $0x4  }
0x9a: {  	[tilespmem:s17+$0xE0] =	vst v0  }
0x9b: {  	v0 =	vld [tilespmem:s15+$0x7570];
	_ =	sdelay $0x4  }
0x9c: {  	[tilespmem:s17+$0xF0] =	vst v0  }
0x9d: {  	v0 =	vld [tilespmem:s15+$0x6580];
	_ =	sdelay $0x4  }
0x9e: {  	[tilespmem:s17+$0x100] =	vst v0  }
0x9f: {  	v0 =	vld [tilespmem:s15+$0x6590];
	_ =	sdelay $0x4  }
0xa0: {  	[tilespmem:s17+$0x110] =	vst v0  }
0xa1: {  	v0 =	vld [tilespmem:s15+$0x65A0];
	_ =	sdelay $0x4  }
0xa2: {  	[tilespmem:s17+$0x120] =	vst v0  }
0xa3: {  	v0 =	vld [tilespmem:s15+$0x65B0];
	_ =	sdelay $0x4  }
0xa4: {  	[tilespmem:s17+$0x130] =	vst v0  }
0xa5: {  	v0 =	vld [tilespmem:s15+$0x7580];
	_ =	sdelay $0x4  }
0xa6: {  	[tilespmem:s17+$0x140] =	vst v0  }
0xa7: {  	v0 =	vld [tilespmem:s15+$0x7590];
	_ =	sdelay $0x4  }
0xa8: {  	[tilespmem:s17+$0x150] =	vst v0  }
0xa9: {  	v0 =	vld [tilespmem:s15+$0x75A0];
	_ =	sdelay $0x4  }
0xaa: {  	[tilespmem:s17+$0x160] =	vst v0  }
0xab: {  	v0 =	vld [tilespmem:s15+$0x75B0];
	_ =	sdelay $0x4  }
0xac: {  	[tilespmem:s17+$0x170] =	vst v0  }
0xad: {  	v0 =	vld [tilespmem:s15+$0x65C0];
	_ =	sdelay $0x4  }
0xae: {  	[tilespmem:s17+$0x180] =	vst v0  }
0xaf: {  	v0 =	vld [tilespmem:s15+$0x65D0];
	_ =	sdelay $0x4  }
0xb0: {  	[tilespmem:s17+$0x190] =	vst v0  }
0xb1: {  	v0 =	vld [tilespmem:s15+$0x65E0];
	_ =	sdelay $0x4  }
0xb2: {  	[tilespmem:s17+$0x1A0] =	vst v0  }
0xb3: {  	v0 =	vld [tilespmem:s15+$0x65F0];
	_ =	sdelay $0x4  }
0xb4: {  	[tilespmem:s17+$0x1B0] =	vst v0  }
0xb5: {  	v0 =	vld [tilespmem:s15+$0x75C0];
	_ =	sdelay $0x4  }
0xb6: {  	[tilespmem:s17+$0x1C0] =	vst v0  }
0xb7: {  	v0 =	vld [tilespmem:s15+$0x75D0];
	_ =	sdelay $0x4  }
0xb8: {  	[tilespmem:s17+$0x1D0] =	vst v0  }
0xb9: {  	v0 =	vld [tilespmem:s15+$0x75E0];
	_ =	sdelay $0x4  }
0xba: {  	[tilespmem:s17+$0x1E0] =	vst v0  }
0xbb: {  	v0 =	vld [tilespmem:s15+$0x75F0];
	_ =	sdelay $0x4  }
0xbc: {  	s9 =	simm.s32 $0x200;
	s31 =	simm.s32 $0x1000;
	s15 =	sshll.u32 s2, $0x2;
	[tilespmem:s17+$0x1F0] =	vst v0  }
.LBB2_5:
0xbd: {  	p1 =	sne.s32 s31, $0x3800;
	v0 =	vld [tilespmem:s9+$0x6400];
	_ =	sdelay $0x3  }
0xbe: {  	s17 =	sadd.s32 $0x400, s17  }
0xbf: {  	[tilespmem:s17+$0xFFFFFE00] =	vst v0  }
0xc0: {  	v0 =	vld [tilespmem:s9+$0x6410];
	_ =	sdelay $0x4  }
0xc1: {  	[tilespmem:s17+$0xFFFFFE10] =	vst v0  }
0xc2: {  	v0 =	vld [tilespmem:s9+$0x6420];
	_ =	sdelay $0x4  }
0xc3: {  	[tilespmem:s17+$0xFFFFFE20] =	vst v0  }
0xc4: {  	v0 =	vld [tilespmem:s9+$0x6430];
	_ =	sdelay $0x4  }
0xc5: {  	[tilespmem:s17+$0xFFFFFE30] =	vst v0  }
0xc6: {  	v0 =	vld [tilespmem:s9+$0x7400];
	_ =	sdelay $0x4  }
0xc7: {  	[tilespmem:s17+$0xFFFFFE40] =	vst v0  }
0xc8: {  	v0 =	vld [tilespmem:s9+$0x7410];
	_ =	sdelay $0x4  }
0xc9: {  	[tilespmem:s17+$0xFFFFFE50] =	vst v0  }
0xca: {  	v0 =	vld [tilespmem:s9+$0x7420];
	_ =	sdelay $0x4  }
0xcb: {  	[tilespmem:s17+$0xFFFFFE60] =	vst v0  }
0xcc: {  	v0 =	vld [tilespmem:s9+$0x7430];
	_ =	sdelay $0x4  }
0xcd: {  	[tilespmem:s17+$0xFFFFFE70] =	vst v0  }
0xce: {  	v0 =	vld [tilespmem:s9+$0x6440];
	_ =	sdelay $0x4  }
0xcf: {  	[tilespmem:s17+$0xFFFFFE80] =	vst v0  }
0xd0: {  	v0 =	vld [tilespmem:s9+$0x6450];
	_ =	sdelay $0x4  }
0xd1: {  	[tilespmem:s17+$0xFFFFFE90] =	vst v0  }
0xd2: {  	v0 =	vld [tilespmem:s9+$0x6460];
	_ =	sdelay $0x4  }
0xd3: {  	[tilespmem:s17+$0xFFFFFEA0] =	vst v0  }
0xd4: {  	v0 =	vld [tilespmem:s9+$0x6470];
	_ =	sdelay $0x4  }
0xd5: {  	[tilespmem:s17+$0xFFFFFEB0] =	vst v0  }
0xd6: {  	v0 =	vld [tilespmem:s9+$0x7440];
	_ =	sdelay $0x4  }
0xd7: {  	[tilespmem:s17+$0xFFFFFEC0] =	vst v0  }
0xd8: {  	v0 =	vld [tilespmem:s9+$0x7450];
	_ =	sdelay $0x4  }
0xd9: {  	[tilespmem:s17+$0xFFFFFED0] =	vst v0  }
0xda: {  	v0 =	vld [tilespmem:s9+$0x7460];
	_ =	sdelay $0x4  }
0xdb: {  	[tilespmem:s17+$0xFFFFFEE0] =	vst v0  }
0xdc: {  	v0 =	vld [tilespmem:s9+$0x7470];
	_ =	sdelay $0x4  }
0xdd: {  	[tilespmem:s17+$0xFFFFFEF0] =	vst v0  }
0xde: {  	v0 =	vld [tilespmem:s9+$0x6480];
	_ =	sdelay $0x4  }
0xdf: {  	[tilespmem:s17+$0xFFFFFF00] =	vst v0  }
0xe0: {  	v0 =	vld [tilespmem:s9+$0x6490];
	_ =	sdelay $0x4  }
0xe1: {  	[tilespmem:s17+$0xFFFFFF10] =	vst v0  }
0xe2: {  	v0 =	vld [tilespmem:s9+$0x64A0];
	_ =	sdelay $0x4  }
0xe3: {  	[tilespmem:s17+$0xFFFFFF20] =	vst v0  }
0xe4: {  	v0 =	vld [tilespmem:s9+$0x64B0];
	_ =	sdelay $0x4  }
0xe5: {  	[tilespmem:s17+$0xFFFFFF30] =	vst v0  }
0xe6: {  	v0 =	vld [tilespmem:s9+$0x7480];
	_ =	sdelay $0x4  }
0xe7: {  	[tilespmem:s17+$0xFFFFFF40] =	vst v0  }
0xe8: {  	v0 =	vld [tilespmem:s9+$0x7490];
	_ =	sdelay $0x4  }
0xe9: {  	[tilespmem:s17+$0xFFFFFF50] =	vst v0  }
0xea: {  	v0 =	vld [tilespmem:s9+$0x74A0];
	_ =	sdelay $0x4  }
0xeb: {  	[tilespmem:s17+$0xFFFFFF60] =	vst v0  }
0xec: {  	v0 =	vld [tilespmem:s9+$0x74B0];
	_ =	sdelay $0x4  }
0xed: {  	[tilespmem:s17+$0xFFFFFF70] =	vst v0  }
0xee: {  	v0 =	vld [tilespmem:s9+$0x64C0];
	_ =	sdelay $0x4  }
0xef: {  	[tilespmem:s17+$0xFFFFFF80] =	vst v0  }
0xf0: {  	v0 =	vld [tilespmem:s9+$0x64D0];
	_ =	sdelay $0x4  }
0xf1: {  	[tilespmem:s17+$0xFFFFFF90] =	vst v0  }
0xf2: {  	v0 =	vld [tilespmem:s9+$0x64E0];
	_ =	sdelay $0x4  }
0xf3: {  	[tilespmem:s17+$0xFFFFFFA0] =	vst v0  }
0xf4: {  	v0 =	vld [tilespmem:s9+$0x64F0];
	_ =	sdelay $0x4  }
0xf5: {  	[tilespmem:s17+$0xFFFFFFB0] =	vst v0  }
0xf6: {  	v0 =	vld [tilespmem:s9+$0x74C0];
	_ =	sdelay $0x4  }
0xf7: {  	[tilespmem:s17+$0xFFFFFFC0] =	vst v0  }
0xf8: {  	v0 =	vld [tilespmem:s9+$0x74D0];
	_ =	sdelay $0x4  }
0xf9: {  	[tilespmem:s17+$0xFFFFFFD0] =	vst v0  }
0xfa: {  	v0 =	vld [tilespmem:s9+$0x74E0];
	_ =	sdelay $0x4  }
0xfb: {  	[tilespmem:s17+$0xFFFFFFE0] =	vst v0  }
0xfc: {  	v0 =	vld [tilespmem:s9+$0x74F0];
	_ =	sdelay $0x4  }
0xfd: {  	[tilespmem:s17+$0xFFFFFFF0] =	vst v0  }
0xfe: {  	v0 =	vld [tilespmem:s9+$0x6500];
	_ =	sdelay $0x4  }
0xff: {  	[tilespmem:s17+$0x0] =	vst v0  }
0x100: {  	v0 =	vld [tilespmem:s9+$0x6510];
	_ =	sdelay $0x4  }
0x101: {  	[tilespmem:s17+$0x10] =	vst v0  }
0x102: {  	v0 =	vld [tilespmem:s9+$0x6520];
	_ =	sdelay $0x4  }
0x103: {  	[tilespmem:s17+$0x20] =	vst v0  }
0x104: {  	v0 =	vld [tilespmem:s9+$0x6530];
	_ =	sdelay $0x4  }
0x105: {  	[tilespmem:s17+$0x30] =	vst v0  }
0x106: {  	v0 =	vld [tilespmem:s9+$0x7500];
	_ =	sdelay $0x4  }
0x107: {  	[tilespmem:s17+$0x40] =	vst v0  }
0x108: {  	v0 =	vld [tilespmem:s9+$0x7510];
	_ =	sdelay $0x4  }
0x109: {  	[tilespmem:s17+$0x50] =	vst v0  }
0x10a: {  	v0 =	vld [tilespmem:s9+$0x7520];
	_ =	sdelay $0x4  }
0x10b: {  	[tilespmem:s17+$0x60] =	vst v0  }
0x10c: {  	v0 =	vld [tilespmem:s9+$0x7530];
	_ =	sdelay $0x4  }
0x10d: {  	[tilespmem:s17+$0x70] =	vst v0  }
0x10e: {  	v0 =	vld [tilespmem:s9+$0x6540];
	_ =	sdelay $0x4  }
0x10f: {  	[tilespmem:s17+$0x80] =	vst v0  }
0x110: {  	v0 =	vld [tilespmem:s9+$0x6550];
	_ =	sdelay $0x4  }
0x111: {  	[tilespmem:s17+$0x90] =	vst v0  }
0x112: {  	v0 =	vld [tilespmem:s9+$0x6560];
	_ =	sdelay $0x4  }
0x113: {  	[tilespmem:s17+$0xA0] =	vst v0  }
0x114: {  	v0 =	vld [tilespmem:s9+$0x6570];
	_ =	sdelay $0x4  }
0x115: {  	[tilespmem:s17+$0xB0] =	vst v0  }
0x116: {  	v0 =	vld [tilespmem:s9+$0x7540];
	_ =	sdelay $0x4  }
0x117: {  	[tilespmem:s17+$0xC0] =	vst v0  }
0x118: {  	v0 =	vld [tilespmem:s9+$0x7550];
	_ =	sdelay $0x4  }
0x119: {  	[tilespmem:s17+$0xD0] =	vst v0  }
0x11a: {  	v0 =	vld [tilespmem:s9+$0x7560];
	_ =	sdelay $0x4  }
0x11b: {  	[tilespmem:s17+$0xE0] =	vst v0  }
0x11c: {  	v0 =	vld [tilespmem:s9+$0x7570];
	_ =	sdelay $0x4  }
0x11d: {  	[tilespmem:s17+$0xF0] =	vst v0  }
0x11e: {  	v0 =	vld [tilespmem:s9+$0x6580];
	_ =	sdelay $0x4  }
0x11f: {  	[tilespmem:s17+$0x100] =	vst v0  }
0x120: {  	v0 =	vld [tilespmem:s9+$0x6590];
	_ =	sdelay $0x4  }
0x121: {  	[tilespmem:s17+$0x110] =	vst v0  }
0x122: {  	v0 =	vld [tilespmem:s9+$0x65A0];
	_ =	sdelay $0x4  }
0x123: {  	[tilespmem:s17+$0x120] =	vst v0  }
0x124: {  	v0 =	vld [tilespmem:s9+$0x65B0];
	_ =	sdelay $0x4  }
0x125: {  	[tilespmem:s17+$0x130] =	vst v0  }
0x126: {  	v0 =	vld [tilespmem:s9+$0x7580];
	_ =	sdelay $0x4  }
0x127: {  	[tilespmem:s17+$0x140] =	vst v0  }
0x128: {  	v0 =	vld [tilespmem:s9+$0x7590];
	_ =	sdelay $0x4  }
0x129: {  	[tilespmem:s17+$0x150] =	vst v0  }
0x12a: {  	v0 =	vld [tilespmem:s9+$0x75A0];
	_ =	sdelay $0x4  }
0x12b: {  	[tilespmem:s17+$0x160] =	vst v0  }
0x12c: {  	v0 =	vld [tilespmem:s9+$0x75B0];
	_ =	sdelay $0x4  }
0x12d: {  	[tilespmem:s17+$0x170] =	vst v0  }
0x12e: {  	v0 =	vld [tilespmem:s9+$0x65C0];
	_ =	sdelay $0x4  }
0x12f: {  	[tilespmem:s17+$0x180] =	vst v0  }
0x130: {  	v0 =	vld [tilespmem:s9+$0x65D0];
	_ =	sdelay $0x4  }
0x131: {  	[tilespmem:s17+$0x190] =	vst v0  }
0x132: {  	v0 =	vld [tilespmem:s9+$0x65E0];
	_ =	sdelay $0x4  }
0x133: {  	[tilespmem:s17+$0x1A0] =	vst v0  }
0x134: {  	v0 =	vld [tilespmem:s9+$0x65F0];
	_ =	sdelay $0x4  }
0x135: {  	[tilespmem:s17+$0x1B0] =	vst v0  }
0x136: {  	v0 =	vld [tilespmem:s9+$0x75C0];
	_ =	sdelay $0x4  }
0x137: {  	[tilespmem:s17+$0x1C0] =	vst v0  }
0x138: {  	v0 =	vld [tilespmem:s9+$0x75D0];
	_ =	sdelay $0x4  }
0x139: {  	[tilespmem:s17+$0x1D0] =	vst v0  }
0x13a: {  	v0 =	vld [tilespmem:s9+$0x75E0];
	_ =	sdelay $0x4  }
0x13b: {  	[tilespmem:s17+$0x1E0] =	vst v0  }
0x13c: {  	v0 =	vld [tilespmem:s9+$0x75F0]  }
.Ltmp3:
0x13d: {  	(pc) =	sbr.rel @p1 .LBB2_5-.Ltmp3, $2  }
0x13e: {  	_ =	sdelay $0x2  }
0x13f: {  	s9 =	sshra.s32 s31, $0x2;
	s31 =	sadd.s32 $0x800, s31;
	[tilespmem:s17+$0x1F0] =	vst v0  }
0x140: {  	v0 =	vld [tilespmem:s9+$0x6400];
	_ =	sdelay $0x3  }
0x141: {  	s0 =	sadd.s32 $0x400, s17  }
0x142: {  	[tilespmem:s0+$0xFFFFFE00] =	vst v0  }
0x143: {  	v0 =	vld [tilespmem:s9+$0x6410];
	_ =	sdelay $0x4  }
0x144: {  	[tilespmem:s0+$0xFFFFFE10] =	vst v0  }
0x145: {  	v0 =	vld [tilespmem:s9+$0x6420];
	_ =	sdelay $0x4  }
0x146: {  	[tilespmem:s0+$0xFFFFFE20] =	vst v0  }
0x147: {  	v0 =	vld [tilespmem:s9+$0x6430];
	_ =	sdelay $0x4  }
0x148: {  	[tilespmem:s0+$0xFFFFFE30] =	vst v0  }
0x149: {  	v0 =	vld [tilespmem:s9+$0x7400];
	_ =	sdelay $0x4  }
0x14a: {  	[tilespmem:s0+$0xFFFFFE40] =	vst v0  }
0x14b: {  	v0 =	vld [tilespmem:s9+$0x7410];
	_ =	sdelay $0x4  }
0x14c: {  	[tilespmem:s0+$0xFFFFFE50] =	vst v0  }
0x14d: {  	v0 =	vld [tilespmem:s9+$0x7420];
	_ =	sdelay $0x4  }
0x14e: {  	[tilespmem:s0+$0xFFFFFE60] =	vst v0  }
0x14f: {  	v0 =	vld [tilespmem:s9+$0x7430];
	_ =	sdelay $0x4  }
0x150: {  	[tilespmem:s0+$0xFFFFFE70] =	vst v0  }
0x151: {  	v0 =	vld [tilespmem:s9+$0x6440];
	_ =	sdelay $0x4  }
0x152: {  	[tilespmem:s0+$0xFFFFFE80] =	vst v0  }
0x153: {  	v0 =	vld [tilespmem:s9+$0x6450];
	_ =	sdelay $0x4  }
0x154: {  	[tilespmem:s0+$0xFFFFFE90] =	vst v0  }
0x155: {  	v0 =	vld [tilespmem:s9+$0x6460];
	_ =	sdelay $0x4  }
0x156: {  	[tilespmem:s0+$0xFFFFFEA0] =	vst v0  }
0x157: {  	v0 =	vld [tilespmem:s9+$0x6470];
	_ =	sdelay $0x4  }
0x158: {  	[tilespmem:s0+$0xFFFFFEB0] =	vst v0  }
0x159: {  	v0 =	vld [tilespmem:s9+$0x7440];
	_ =	sdelay $0x4  }
0x15a: {  	[tilespmem:s0+$0xFFFFFEC0] =	vst v0  }
0x15b: {  	v0 =	vld [tilespmem:s9+$0x7450];
	_ =	sdelay $0x4  }
0x15c: {  	[tilespmem:s0+$0xFFFFFED0] =	vst v0  }
0x15d: {  	v0 =	vld [tilespmem:s9+$0x7460];
	_ =	sdelay $0x4  }
0x15e: {  	[tilespmem:s0+$0xFFFFFEE0] =	vst v0  }
0x15f: {  	v0 =	vld [tilespmem:s9+$0x7470];
	_ =	sdelay $0x4  }
0x160: {  	[tilespmem:s0+$0xFFFFFEF0] =	vst v0  }
0x161: {  	v0 =	vld [tilespmem:s9+$0x6480];
	_ =	sdelay $0x4  }
0x162: {  	[tilespmem:s0+$0xFFFFFF00] =	vst v0  }
0x163: {  	v0 =	vld [tilespmem:s9+$0x6490];
	_ =	sdelay $0x4  }
0x164: {  	[tilespmem:s0+$0xFFFFFF10] =	vst v0  }
0x165: {  	v0 =	vld [tilespmem:s9+$0x64A0];
	_ =	sdelay $0x4  }
0x166: {  	[tilespmem:s0+$0xFFFFFF20] =	vst v0  }
0x167: {  	v0 =	vld [tilespmem:s9+$0x64B0];
	_ =	sdelay $0x4  }
0x168: {  	[tilespmem:s0+$0xFFFFFF30] =	vst v0  }
0x169: {  	v0 =	vld [tilespmem:s9+$0x7480];
	_ =	sdelay $0x4  }
0x16a: {  	[tilespmem:s0+$0xFFFFFF40] =	vst v0  }
0x16b: {  	v0 =	vld [tilespmem:s9+$0x7490];
	_ =	sdelay $0x4  }
0x16c: {  	[tilespmem:s0+$0xFFFFFF50] =	vst v0  }
0x16d: {  	v0 =	vld [tilespmem:s9+$0x74A0];
	_ =	sdelay $0x4  }
0x16e: {  	[tilespmem:s0+$0xFFFFFF60] =	vst v0  }
0x16f: {  	v0 =	vld [tilespmem:s9+$0x74B0];
	_ =	sdelay $0x4  }
0x170: {  	[tilespmem:s0+$0xFFFFFF70] =	vst v0  }
0x171: {  	v0 =	vld [tilespmem:s9+$0x64C0];
	_ =	sdelay $0x4  }
0x172: {  	[tilespmem:s0+$0xFFFFFF80] =	vst v0  }
0x173: {  	v0 =	vld [tilespmem:s9+$0x64D0];
	_ =	sdelay $0x4  }
0x174: {  	[tilespmem:s0+$0xFFFFFF90] =	vst v0  }
0x175: {  	v0 =	vld [tilespmem:s9+$0x64E0];
	_ =	sdelay $0x4  }
0x176: {  	[tilespmem:s0+$0xFFFFFFA0] =	vst v0  }
0x177: {  	v0 =	vld [tilespmem:s9+$0x64F0];
	_ =	sdelay $0x4  }
0x178: {  	[tilespmem:s0+$0xFFFFFFB0] =	vst v0  }
0x179: {  	v0 =	vld [tilespmem:s9+$0x74C0];
	_ =	sdelay $0x4  }
0x17a: {  	[tilespmem:s0+$0xFFFFFFC0] =	vst v0  }
0x17b: {  	v0 =	vld [tilespmem:s9+$0x74D0];
	_ =	sdelay $0x4  }
0x17c: {  	[tilespmem:s0+$0xFFFFFFD0] =	vst v0  }
0x17d: {  	v0 =	vld [tilespmem:s9+$0x74E0];
	_ =	sdelay $0x4  }
0x17e: {  	[tilespmem:s0+$0xFFFFFFE0] =	vst v0  }
0x17f: {  	v0 =	vld [tilespmem:s9+$0x74F0];
	_ =	sdelay $0x4  }
0x180: {  	[tilespmem:s0+$0xFFFFFFF0] =	vst v0  }
0x181: {  	v0 =	vld [tilespmem:s9+$0x6500];
	_ =	sdelay $0x4  }
0x182: {  	[tilespmem:s0+$0x0] =	vst v0  }
0x183: {  	v0 =	vld [tilespmem:s9+$0x6510];
	_ =	sdelay $0x4  }
0x184: {  	[tilespmem:s0+$0x10] =	vst v0  }
0x185: {  	v0 =	vld [tilespmem:s9+$0x6520];
	_ =	sdelay $0x4  }
0x186: {  	[tilespmem:s0+$0x20] =	vst v0  }
0x187: {  	v0 =	vld [tilespmem:s9+$0x6530];
	_ =	sdelay $0x4  }
0x188: {  	[tilespmem:s0+$0x30] =	vst v0  }
0x189: {  	v0 =	vld [tilespmem:s9+$0x7500];
	_ =	sdelay $0x4  }
0x18a: {  	[tilespmem:s0+$0x40] =	vst v0  }
0x18b: {  	v0 =	vld [tilespmem:s9+$0x7510];
	_ =	sdelay $0x4  }
0x18c: {  	[tilespmem:s0+$0x50] =	vst v0  }
0x18d: {  	v0 =	vld [tilespmem:s9+$0x7520];
	_ =	sdelay $0x4  }
0x18e: {  	[tilespmem:s0+$0x60] =	vst v0  }
0x18f: {  	v0 =	vld [tilespmem:s9+$0x7530];
	_ =	sdelay $0x4  }
0x190: {  	[tilespmem:s0+$0x70] =	vst v0  }
0x191: {  	v0 =	vld [tilespmem:s9+$0x6540];
	_ =	sdelay $0x4  }
0x192: {  	[tilespmem:s0+$0x80] =	vst v0  }
0x193: {  	v0 =	vld [tilespmem:s9+$0x6550];
	_ =	sdelay $0x4  }
0x194: {  	[tilespmem:s0+$0x90] =	vst v0  }
0x195: {  	v0 =	vld [tilespmem:s9+$0x6560];
	_ =	sdelay $0x4  }
0x196: {  	[tilespmem:s0+$0xA0] =	vst v0  }
0x197: {  	v0 =	vld [tilespmem:s9+$0x6570];
	_ =	sdelay $0x4  }
0x198: {  	[tilespmem:s0+$0xB0] =	vst v0  }
0x199: {  	v0 =	vld [tilespmem:s9+$0x7540];
	_ =	sdelay $0x4  }
0x19a: {  	[tilespmem:s0+$0xC0] =	vst v0  }
0x19b: {  	v0 =	vld [tilespmem:s9+$0x7550];
	_ =	sdelay $0x4  }
0x19c: {  	[tilespmem:s0+$0xD0] =	vst v0  }
0x19d: {  	v0 =	vld [tilespmem:s9+$0x7560];
	_ =	sdelay $0x4  }
0x19e: {  	[tilespmem:s0+$0xE0] =	vst v0  }
0x19f: {  	v0 =	vld [tilespmem:s9+$0x7570];
	_ =	sdelay $0x4  }
0x1a0: {  	[tilespmem:s0+$0xF0] =	vst v0  }
0x1a1: {  	v0 =	vld [tilespmem:s9+$0x6580];
	_ =	sdelay $0x4  }
0x1a2: {  	[tilespmem:s0+$0x100] =	vst v0  }
0x1a3: {  	v0 =	vld [tilespmem:s9+$0x6590];
	_ =	sdelay $0x4  }
0x1a4: {  	[tilespmem:s0+$0x110] =	vst v0  }
0x1a5: {  	v0 =	vld [tilespmem:s9+$0x65A0];
	_ =	sdelay $0x4  }
0x1a6: {  	[tilespmem:s0+$0x120] =	vst v0  }
0x1a7: {  	v0 =	vld [tilespmem:s9+$0x65B0];
	_ =	sdelay $0x4  }
0x1a8: {  	[tilespmem:s0+$0x130] =	vst v0  }
0x1a9: {  	v0 =	vld [tilespmem:s9+$0x7580];
	_ =	sdelay $0x4  }
0x1aa: {  	[tilespmem:s0+$0x140] =	vst v0  }
0x1ab: {  	v0 =	vld [tilespmem:s9+$0x7590];
	_ =	sdelay $0x4  }
0x1ac: {  	[tilespmem:s0+$0x150] =	vst v0  }
0x1ad: {  	v0 =	vld [tilespmem:s9+$0x75A0];
	_ =	sdelay $0x4  }
0x1ae: {  	[tilespmem:s0+$0x160] =	vst v0  }
0x1af: {  	v0 =	vld [tilespmem:s9+$0x75B0];
	_ =	sdelay $0x4  }
0x1b0: {  	[tilespmem:s0+$0x170] =	vst v0  }
0x1b1: {  	v0 =	vld [tilespmem:s9+$0x65C0];
	_ =	sdelay $0x4  }
0x1b2: {  	[tilespmem:s0+$0x180] =	vst v0  }
0x1b3: {  	v0 =	vld [tilespmem:s9+$0x65D0];
	_ =	sdelay $0x4  }
0x1b4: {  	[tilespmem:s0+$0x190] =	vst v0  }
0x1b5: {  	v0 =	vld [tilespmem:s9+$0x65E0];
	_ =	sdelay $0x4  }
0x1b6: {  	[tilespmem:s0+$0x1A0] =	vst v0  }
0x1b7: {  	v0 =	vld [tilespmem:s9+$0x65F0];
	_ =	sdelay $0x4  }
0x1b8: {  	[tilespmem:s0+$0x1B0] =	vst v0  }
0x1b9: {  	v0 =	vld [tilespmem:s9+$0x75C0];
	_ =	sdelay $0x4  }
0x1ba: {  	[tilespmem:s0+$0x1C0] =	vst v0  }
0x1bb: {  	v0 =	vld [tilespmem:s9+$0x75D0];
	_ =	sdelay $0x4  }
0x1bc: {  	[tilespmem:s0+$0x1D0] =	vst v0  }
0x1bd: {  	v0 =	vld [tilespmem:s9+$0x75E0];
	_ =	sdelay $0x4  }
0x1be: {  	[tilespmem:s0+$0x1E0] =	vst v0  }
0x1bf: {  	v0 =	vld [tilespmem:s9+$0x75F0]  }
0x1c0: {  	p1 =	sne.s32 s2, $0x31  }
.Ltmp4:
0x1c1: {  	_ = 	snop;
	(pc) =	sbr.rel @p1 .LBB2_8-.Ltmp4, $4  }
0x1c2: {  	s17 =	sshll.u32 s2, $0x11  }
0x1c3: {  	s17 =	sor.u32 s5, s17  }
0x1c4: {  	s31 =	sadd.s32 s4, s17;
	[tilespmem:s0+$0x1F0] =	vst v0  }
0x1c5: {  	[hbm4b:s31+s1] =	stream.linear.scatter [tilespmem:s20], [sflag:$0x5], $0x2000, $0x38;
	[tilespmem:$0x16400] =	vst v63  }
.Ltmp5:
0x1c6: {  	(pc) =	sbr.rel .LBB2_9-.Ltmp5, $4  }
0x1c7: {  	_ = 	snop  }
0x1c8: {  	_ =	swait.ge [sflag:s21], $0x2000  }
0x1c9: {  	[sflag:s21] =	ssyncset.done $0x0  }
0x1ca: {  	[sflag:s21] =	ssyncadd.s32 $0xFFFFE000  }
.LBB2_8:
0x1cb: {  	s0 =	sshll.u32 s15, $0x7  }
0x1cc: {  	s0 =	sadd.s32 $0x200, s0  }
.Ltmp6:
0x1cd: {  	s9 =	simm.s32 $0x6400;
	s0 =	sand.u32 $0xFE00, s0;
	(pc) =	sbr.rel @p0 .LBB2_10-.Ltmp6, $4  }
0x1ce: {  	[tilespmem:s9], [sflag:$0x1] =	stream.indirect.gather [hbm4b:s3+s12], $0x40, s0, s12, $0xb8;
	[tilespmem:$0x16400] =	vst v63  }
0x1cf: {  	_ =	swait.ge [sflag:s21], $0x2000  }
0x1d0: {  	[sflag:s21] =	ssyncset.done $0x0  }
0x1d1: {  	[sflag:s21] =	ssyncadd.s32 $0xFFFFE000  }
.LBB2_9:
0x1d2: {  	_ =	swait.ge [sflag:s22], $0x2000  }
0x1d3: {  	[sflag:s22] =	ssyncset.done $0x0  }
0x1d4: {  	[sflag:s22] =	ssyncadd.s32 $0xFFFFE000  }
.LBB2_10:
0x1d5: {  	s9 =	simm.s32 $0x95F0  }
0x1d6: {  	s31 =	simm.s32 $0x0;
	s0 =	simm.s32 $0x1000;
	v0 =	vld [tilespmem:s9+$0xFFFFEE10]  }
.LBB2_11:
0x1d7: {  	p2 =	sne.s32 s0, $0x7000;
	_ =	sdelay $0x2  }
0x1d8: {  	s13 =	sshra.s32 s31, $0x2;
	s31 =	smov.u32 s0  }
0x1d9: {  	[tilespmem:s13+$0x10400] =	vst v0  }
0x1da: {  	v0 =	vld [tilespmem:s9+$0xFFFFEE20];
	_ =	sdelay $0x4  }
0x1db: {  	[tilespmem:s13+$0x10410] =	vst v0  }
0x1dc: {  	v0 =	vld [tilespmem:s9+$0xFFFFEE30];
	_ =	sdelay $0x4  }
0x1dd: {  	[tilespmem:s13+$0x10420] =	vst v0  }
0x1de: {  	v0 =	vld [tilespmem:s9+$0xFFFFEE40];
	_ =	sdelay $0x4  }
0x1df: {  	[tilespmem:s13+$0x10430] =	vst v0  }
0x1e0: {  	v0 =	vld [tilespmem:s9+$0xFFFFFE10];
	_ =	sdelay $0x4  }
0x1e1: {  	[tilespmem:s13+$0x10440] =	vst v0  }
0x1e2: {  	v0 =	vld [tilespmem:s9+$0xFFFFFE20];
	_ =	sdelay $0x4  }
0x1e3: {  	[tilespmem:s13+$0x10450] =	vst v0  }
0x1e4: {  	v0 =	vld [tilespmem:s9+$0xFFFFFE30];
	_ =	sdelay $0x4  }
0x1e5: {  	[tilespmem:s13+$0x10460] =	vst v0  }
0x1e6: {  	v0 =	vld [tilespmem:s9+$0xFFFFFE40];
	_ =	sdelay $0x4  }
0x1e7: {  	[tilespmem:s13+$0x10470] =	vst v0  }
0x1e8: {  	v0 =	vld [tilespmem:s9+$0xFFFFEE50];
	_ =	sdelay $0x4  }
0x1e9: {  	[tilespmem:s13+$0x10480] =	vst v0  }
0x1ea: {  	v0 =	vld [tilespmem:s9+$0xFFFFEE60];
	_ =	sdelay $0x4  }
0x1eb: {  	[tilespmem:s13+$0x10490] =	vst v0  }
0x1ec: {  	v0 =	vld [tilespmem:s9+$0xFFFFEE70];
	_ =	sdelay $0x4  }
0x1ed: {  	[tilespmem:s13+$0x104A0] =	vst v0  }
0x1ee: {  	v0 =	vld [tilespmem:s9+$0xFFFFEE80];
	_ =	sdelay $0x4  }
0x1ef: {  	[tilespmem:s13+$0x104B0] =	vst v0  }
0x1f0: {  	v0 =	vld [tilespmem:s9+$0xFFFFFE50];
	_ =	sdelay $0x4  }
0x1f1: {  	[tilespmem:s13+$0x104C0] =	vst v0  }
0x1f2: {  	v0 =	vld [tilespmem:s9+$0xFFFFFE60];
	_ =	sdelay $0x4  }
0x1f3: {  	[tilespmem:s13+$0x104D0] =	vst v0  }
0x1f4: {  	v0 =	vld [tilespmem:s9+$0xFFFFFE70];
	_ =	sdelay $0x4  }
0x1f5: {  	[tilespmem:s13+$0x104E0] =	vst v0  }
0x1f6: {  	v0 =	vld [tilespmem:s9+$0xFFFFFE80];
	_ =	sdelay $0x4  }
0x1f7: {  	[tilespmem:s13+$0x104F0] =	vst v0  }
0x1f8: {  	v0 =	vld [tilespmem:s9+$0xFFFFEE90];
	_ =	sdelay $0x4  }
0x1f9: {  	[tilespmem:s13+$0x10500] =	vst v0  }
0x1fa: {  	v0 =	vld [tilespmem:s9+$0xFFFFEEA0];
	_ =	sdelay $0x4  }
0x1fb: {  	[tilespmem:s13+$0x10510] =	vst v0  }
0x1fc: {  	v0 =	vld [tilespmem:s9+$0xFFFFEEB0];
	_ =	sdelay $0x4  }
0x1fd: {  	[tilespmem:s13+$0x10520] =	vst v0  }
0x1fe: {  	v0 =	vld [tilespmem:s9+$0xFFFFEEC0];
	_ =	sdelay $0x4  }
0x1ff: {  	[tilespmem:s13+$0x10530] =	vst v0  }
0x200: {  	v0 =	vld [tilespmem:s9+$0xFFFFFE90];
	_ =	sdelay $0x4  }
0x201: {  	[tilespmem:s13+$0x10540] =	vst v0  }
0x202: {  	v0 =	vld [tilespmem:s9+$0xFFFFFEA0];
	_ =	sdelay $0x4  }
0x203: {  	[tilespmem:s13+$0x10550] =	vst v0  }
0x204: {  	v0 =	vld [tilespmem:s9+$0xFFFFFEB0];
	_ =	sdelay $0x4  }
0x205: {  	[tilespmem:s13+$0x10560] =	vst v0  }
0x206: {  	v0 =	vld [tilespmem:s9+$0xFFFFFEC0];
	_ =	sdelay $0x4  }
0x207: {  	[tilespmem:s13+$0x10570] =	vst v0  }
0x208: {  	v0 =	vld [tilespmem:s9+$0xFFFFEED0];
	_ =	sdelay $0x4  }
0x209: {  	[tilespmem:s13+$0x10580] =	vst v0  }
0x20a: {  	v0 =	vld [tilespmem:s9+$0xFFFFEEE0];
	_ =	sdelay $0x4  }
0x20b: {  	[tilespmem:s13+$0x10590] =	vst v0  }
0x20c: {  	v0 =	vld [tilespmem:s9+$0xFFFFEEF0];
	_ =	sdelay $0x4  }
0x20d: {  	[tilespmem:s13+$0x105A0] =	vst v0  }
0x20e: {  	v0 =	vld [tilespmem:s9+$0xFFFFEF00];
	_ =	sdelay $0x4  }
0x20f: {  	[tilespmem:s13+$0x105B0] =	vst v0  }
0x210: {  	v0 =	vld [tilespmem:s9+$0xFFFFFED0];
	_ =	sdelay $0x4  }
0x211: {  	[tilespmem:s13+$0x105C0] =	vst v0  }
0x212: {  	v0 =	vld [tilespmem:s9+$0xFFFFFEE0];
	_ =	sdelay $0x4  }
0x213: {  	[tilespmem:s13+$0x105D0] =	vst v0  }
0x214: {  	v0 =	vld [tilespmem:s9+$0xFFFFFEF0];
	_ =	sdelay $0x4  }
0x215: {  	[tilespmem:s13+$0x105E0] =	vst v0  }
0x216: {  	v0 =	vld [tilespmem:s9+$0xFFFFFF00];
	_ =	sdelay $0x4  }
0x217: {  	[tilespmem:s13+$0x105F0] =	vst v0  }
0x218: {  	v0 =	vld [tilespmem:s9+$0xFFFFEF10];
	_ =	sdelay $0x4  }
0x219: {  	[tilespmem:s13+$0x10600] =	vst v0  }
0x21a: {  	v0 =	vld [tilespmem:s9+$0xFFFFEF20];
	_ =	sdelay $0x4  }
0x21b: {  	[tilespmem:s13+$0x10610] =	vst v0  }
0x21c: {  	v0 =	vld [tilespmem:s9+$0xFFFFEF30];
	_ =	sdelay $0x4  }
0x21d: {  	[tilespmem:s13+$0x10620] =	vst v0  }
0x21e: {  	v0 =	vld [tilespmem:s9+$0xFFFFEF40];
	_ =	sdelay $0x4  }
0x21f: {  	[tilespmem:s13+$0x10630] =	vst v0  }
0x220: {  	v0 =	vld [tilespmem:s9+$0xFFFFFF10];
	_ =	sdelay $0x4  }
0x221: {  	[tilespmem:s13+$0x10640] =	vst v0  }
0x222: {  	v0 =	vld [tilespmem:s9+$0xFFFFFF20];
	_ =	sdelay $0x4  }
0x223: {  	[tilespmem:s13+$0x10650] =	vst v0  }
0x224: {  	v0 =	vld [tilespmem:s9+$0xFFFFFF30];
	_ =	sdelay $0x4  }
0x225: {  	[tilespmem:s13+$0x10660] =	vst v0  }
0x226: {  	v0 =	vld [tilespmem:s9+$0xFFFFFF40];
	_ =	sdelay $0x4  }
0x227: {  	[tilespmem:s13+$0x10670] =	vst v0  }
0x228: {  	v0 =	vld [tilespmem:s9+$0xFFFFEF50];
	_ =	sdelay $0x4  }
0x229: {  	[tilespmem:s13+$0x10680] =	vst v0  }
0x22a: {  	v0 =	vld [tilespmem:s9+$0xFFFFEF60];
	_ =	sdelay $0x4  }
0x22b: {  	[tilespmem:s13+$0x10690] =	vst v0  }
0x22c: {  	v0 =	vld [tilespmem:s9+$0xFFFFEF70];
	_ =	sdelay $0x4  }
0x22d: {  	[tilespmem:s13+$0x106A0] =	vst v0  }
0x22e: {  	v0 =	vld [tilespmem:s9+$0xFFFFEF80];
	_ =	sdelay $0x4  }
0x22f: {  	[tilespmem:s13+$0x106B0] =	vst v0  }
0x230: {  	v0 =	vld [tilespmem:s9+$0xFFFFFF50];
	_ =	sdelay $0x4  }
0x231: {  	[tilespmem:s13+$0x106C0] =	vst v0  }
0x232: {  	v0 =	vld [tilespmem:s9+$0xFFFFFF60];
	_ =	sdelay $0x4  }
0x233: {  	[tilespmem:s13+$0x106D0] =	vst v0  }
0x234: {  	v0 =	vld [tilespmem:s9+$0xFFFFFF70];
	_ =	sdelay $0x4  }
0x235: {  	[tilespmem:s13+$0x106E0] =	vst v0  }
0x236: {  	v0 =	vld [tilespmem:s9+$0xFFFFFF80];
	_ =	sdelay $0x4  }
0x237: {  	[tilespmem:s13+$0x106F0] =	vst v0  }
0x238: {  	v0 =	vld [tilespmem:s9+$0xFFFFEF90];
	_ =	sdelay $0x4  }
0x239: {  	[tilespmem:s13+$0x10700] =	vst v0  }
0x23a: {  	v0 =	vld [tilespmem:s9+$0xFFFFEFA0];
	_ =	sdelay $0x4  }
0x23b: {  	[tilespmem:s13+$0x10710] =	vst v0  }
0x23c: {  	v0 =	vld [tilespmem:s9+$0xFFFFEFB0];
	_ =	sdelay $0x4  }
0x23d: {  	[tilespmem:s13+$0x10720] =	vst v0  }
0x23e: {  	v0 =	vld [tilespmem:s9+$0xFFFFEFC0];
	_ =	sdelay $0x4  }
0x23f: {  	[tilespmem:s13+$0x10730] =	vst v0  }
0x240: {  	v0 =	vld [tilespmem:s9+$0xFFFFFF90];
	_ =	sdelay $0x4  }
0x241: {  	[tilespmem:s13+$0x10740] =	vst v0  }
0x242: {  	v0 =	vld [tilespmem:s9+$0xFFFFFFA0];
	_ =	sdelay $0x4  }
0x243: {  	[tilespmem:s13+$0x10750] =	vst v0  }
0x244: {  	v0 =	vld [tilespmem:s9+$0xFFFFFFB0];
	_ =	sdelay $0x4  }
0x245: {  	[tilespmem:s13+$0x10760] =	vst v0  }
0x246: {  	v0 =	vld [tilespmem:s9+$0xFFFFFFC0];
	_ =	sdelay $0x4  }
0x247: {  	[tilespmem:s13+$0x10770] =	vst v0  }
0x248: {  	v0 =	vld [tilespmem:s9+$0xFFFFEFD0];
	_ =	sdelay $0x4  }
0x249: {  	[tilespmem:s13+$0x10780] =	vst v0  }
0x24a: {  	v0 =	vld [tilespmem:s9+$0xFFFFEFE0];
	_ =	sdelay $0x4  }
0x24b: {  	[tilespmem:s13+$0x10790] =	vst v0  }
0x24c: {  	v0 =	vld [tilespmem:s9+$0xFFFFEFF0];
	_ =	sdelay $0x4  }
0x24d: {  	[tilespmem:s13+$0x107A0] =	vst v0  }
0x24e: {  	v0 =	vld [tilespmem:s9+$0xFFFFF000];
	_ =	sdelay $0x4  }
0x24f: {  	[tilespmem:s13+$0x107B0] =	vst v0  }
0x250: {  	v0 =	vld [tilespmem:s9+$0xFFFFFFD0];
	_ =	sdelay $0x4  }
0x251: {  	[tilespmem:s13+$0x107C0] =	vst v0  }
0x252: {  	v0 =	vld [tilespmem:s9+$0xFFFFFFE0];
	_ =	sdelay $0x4  }
0x253: {  	[tilespmem:s13+$0x107D0] =	vst v0  }
0x254: {  	v0 =	vld [tilespmem:s9+$0xFFFFFFF0];
	_ =	sdelay $0x4  }
0x255: {  	[tilespmem:s13+$0x107E0] =	vst v0  }
0x256: {  	v0 =	vld [tilespmem:s9+$0x0];
	_ =	sdelay $0x1  }
.Ltmp7:
0x257: {  	(pc) =	sbr.rel @p2 .LBB2_11-.Ltmp7, $3  }
0x258: {  	_ =	sdelay $0x1  }
0x259: {  	s9 =	sadd.s32 $0x200, s9;
	[tilespmem:s13+$0x107F0] =	vst v0  }
0x25a: {  	s0 =	sadd.s32 $0x1000, s0;
	v0 =	vld [tilespmem:s9+$0xFFFFEE10]  }
0x25b: {  	_ =	sdelay $0x2  }
0x25c: {  	s0 =	sshra.s32 s31, $0x2  }
0x25d: {  	[tilespmem:s0+$0x10400] =	vst v0  }
0x25e: {  	v0 =	vld [tilespmem:s9+$0xFFFFEE20];
	_ =	sdelay $0x4  }
0x25f: {  	[tilespmem:s0+$0x10410] =	vst v0  }
0x260: {  	v0 =	vld [tilespmem:s9+$0xFFFFEE30];
	_ =	sdelay $0x4  }
0x261: {  	[tilespmem:s0+$0x10420] =	vst v0  }
0x262: {  	v0 =	vld [tilespmem:s9+$0xFFFFEE40];
	_ =	sdelay $0x4  }
0x263: {  	[tilespmem:s0+$0x10430] =	vst v0  }
0x264: {  	v0 =	vld [tilespmem:s9+$0xFFFFFE10];
	_ =	sdelay $0x4  }
0x265: {  	[tilespmem:s0+$0x10440] =	vst v0  }
0x266: {  	v0 =	vld [tilespmem:s9+$0xFFFFFE20];
	_ =	sdelay $0x4  }
0x267: {  	[tilespmem:s0+$0x10450] =	vst v0  }
0x268: {  	v0 =	vld [tilespmem:s9+$0xFFFFFE30];
	_ =	sdelay $0x4  }
0x269: {  	[tilespmem:s0+$0x10460] =	vst v0  }
0x26a: {  	v0 =	vld [tilespmem:s9+$0xFFFFFE40];
	_ =	sdelay $0x4  }
0x26b: {  	[tilespmem:s0+$0x10470] =	vst v0  }
0x26c: {  	v0 =	vld [tilespmem:s9+$0xFFFFEE50];
	_ =	sdelay $0x4  }
0x26d: {  	[tilespmem:s0+$0x10480] =	vst v0  }
0x26e: {  	v0 =	vld [tilespmem:s9+$0xFFFFEE60];
	_ =	sdelay $0x4  }
0x26f: {  	[tilespmem:s0+$0x10490] =	vst v0  }
0x270: {  	v0 =	vld [tilespmem:s9+$0xFFFFEE70];
	_ =	sdelay $0x4  }
0x271: {  	[tilespmem:s0+$0x104A0] =	vst v0  }
0x272: {  	v0 =	vld [tilespmem:s9+$0xFFFFEE80];
	_ =	sdelay $0x4  }
0x273: {  	[tilespmem:s0+$0x104B0] =	vst v0  }
0x274: {  	v0 =	vld [tilespmem:s9+$0xFFFFFE50];
	_ =	sdelay $0x4  }
0x275: {  	[tilespmem:s0+$0x104C0] =	vst v0  }
0x276: {  	v0 =	vld [tilespmem:s9+$0xFFFFFE60];
	_ =	sdelay $0x4  }
0x277: {  	[tilespmem:s0+$0x104D0] =	vst v0  }
0x278: {  	v0 =	vld [tilespmem:s9+$0xFFFFFE70];
	_ =	sdelay $0x4  }
0x279: {  	[tilespmem:s0+$0x104E0] =	vst v0  }
0x27a: {  	v0 =	vld [tilespmem:s9+$0xFFFFFE80];
	_ =	sdelay $0x4  }
0x27b: {  	[tilespmem:s0+$0x104F0] =	vst v0  }
0x27c: {  	v0 =	vld [tilespmem:s9+$0xFFFFEE90];
	_ =	sdelay $0x4  }
0x27d: {  	[tilespmem:s0+$0x10500] =	vst v0  }
0x27e: {  	v0 =	vld [tilespmem:s9+$0xFFFFEEA0];
	_ =	sdelay $0x4  }
0x27f: {  	[tilespmem:s0+$0x10510] =	vst v0  }
0x280: {  	v0 =	vld [tilespmem:s9+$0xFFFFEEB0];
	_ =	sdelay $0x4  }
0x281: {  	[tilespmem:s0+$0x10520] =	vst v0  }
0x282: {  	v0 =	vld [tilespmem:s9+$0xFFFFEEC0];
	_ =	sdelay $0x4  }
0x283: {  	[tilespmem:s0+$0x10530] =	vst v0  }
0x284: {  	v0 =	vld [tilespmem:s9+$0xFFFFFE90];
	_ =	sdelay $0x4  }
0x285: {  	[tilespmem:s0+$0x10540] =	vst v0  }
0x286: {  	v0 =	vld [tilespmem:s9+$0xFFFFFEA0];
	_ =	sdelay $0x4  }
0x287: {  	[tilespmem:s0+$0x10550] =	vst v0  }
0x288: {  	v0 =	vld [tilespmem:s9+$0xFFFFFEB0];
	_ =	sdelay $0x4  }
0x289: {  	[tilespmem:s0+$0x10560] =	vst v0  }
0x28a: {  	v0 =	vld [tilespmem:s9+$0xFFFFFEC0];
	_ =	sdelay $0x4  }
0x28b: {  	[tilespmem:s0+$0x10570] =	vst v0  }
0x28c: {  	v0 =	vld [tilespmem:s9+$0xFFFFEED0];
	_ =	sdelay $0x4  }
0x28d: {  	[tilespmem:s0+$0x10580] =	vst v0  }
0x28e: {  	v0 =	vld [tilespmem:s9+$0xFFFFEEE0];
	_ =	sdelay $0x4  }
0x28f: {  	[tilespmem:s0+$0x10590] =	vst v0  }
0x290: {  	v0 =	vld [tilespmem:s9+$0xFFFFEEF0];
	_ =	sdelay $0x4  }
0x291: {  	[tilespmem:s0+$0x105A0] =	vst v0  }
0x292: {  	v0 =	vld [tilespmem:s9+$0xFFFFEF00];
	_ =	sdelay $0x4  }
0x293: {  	[tilespmem:s0+$0x105B0] =	vst v0  }
0x294: {  	v0 =	vld [tilespmem:s9+$0xFFFFFED0];
	_ =	sdelay $0x4  }
0x295: {  	[tilespmem:s0+$0x105C0] =	vst v0  }
0x296: {  	v0 =	vld [tilespmem:s9+$0xFFFFFEE0];
	_ =	sdelay $0x4  }
0x297: {  	[tilespmem:s0+$0x105D0] =	vst v0  }
0x298: {  	v0 =	vld [tilespmem:s9+$0xFFFFFEF0];
	_ =	sdelay $0x4  }
0x299: {  	[tilespmem:s0+$0x105E0] =	vst v0  }
0x29a: {  	v0 =	vld [tilespmem:s9+$0xFFFFFF00];
	_ =	sdelay $0x4  }
0x29b: {  	[tilespmem:s0+$0x105F0] =	vst v0  }
0x29c: {  	v0 =	vld [tilespmem:s9+$0xFFFFEF10];
	_ =	sdelay $0x4  }
0x29d: {  	[tilespmem:s0+$0x10600] =	vst v0  }
0x29e: {  	v0 =	vld [tilespmem:s9+$0xFFFFEF20];
	_ =	sdelay $0x4  }
0x29f: {  	[tilespmem:s0+$0x10610] =	vst v0  }
0x2a0: {  	v0 =	vld [tilespmem:s9+$0xFFFFEF30];
	_ =	sdelay $0x4  }
0x2a1: {  	[tilespmem:s0+$0x10620] =	vst v0  }
0x2a2: {  	v0 =	vld [tilespmem:s9+$0xFFFFEF40];
	_ =	sdelay $0x4  }
0x2a3: {  	[tilespmem:s0+$0x10630] =	vst v0  }
0x2a4: {  	v0 =	vld [tilespmem:s9+$0xFFFFFF10];
	_ =	sdelay $0x4  }
0x2a5: {  	[tilespmem:s0+$0x10640] =	vst v0  }
0x2a6: {  	v0 =	vld [tilespmem:s9+$0xFFFFFF20];
	_ =	sdelay $0x4  }
0x2a7: {  	[tilespmem:s0+$0x10650] =	vst v0  }
0x2a8: {  	v0 =	vld [tilespmem:s9+$0xFFFFFF30];
	_ =	sdelay $0x4  }
0x2a9: {  	[tilespmem:s0+$0x10660] =	vst v0  }
0x2aa: {  	v0 =	vld [tilespmem:s9+$0xFFFFFF40];
	_ =	sdelay $0x4  }
0x2ab: {  	[tilespmem:s0+$0x10670] =	vst v0  }
0x2ac: {  	v0 =	vld [tilespmem:s9+$0xFFFFEF50];
	_ =	sdelay $0x4  }
0x2ad: {  	[tilespmem:s0+$0x10680] =	vst v0  }
0x2ae: {  	v0 =	vld [tilespmem:s9+$0xFFFFEF60];
	_ =	sdelay $0x4  }
0x2af: {  	[tilespmem:s0+$0x10690] =	vst v0  }
0x2b0: {  	v0 =	vld [tilespmem:s9+$0xFFFFEF70];
	_ =	sdelay $0x4  }
0x2b1: {  	[tilespmem:s0+$0x106A0] =	vst v0  }
0x2b2: {  	v0 =	vld [tilespmem:s9+$0xFFFFEF80];
	_ =	sdelay $0x4  }
0x2b3: {  	[tilespmem:s0+$0x106B0] =	vst v0  }
0x2b4: {  	v0 =	vld [tilespmem:s9+$0xFFFFFF50];
	_ =	sdelay $0x4  }
0x2b5: {  	[tilespmem:s0+$0x106C0] =	vst v0  }
0x2b6: {  	v0 =	vld [tilespmem:s9+$0xFFFFFF60];
	_ =	sdelay $0x4  }
0x2b7: {  	[tilespmem:s0+$0x106D0] =	vst v0  }
0x2b8: {  	v0 =	vld [tilespmem:s9+$0xFFFFFF70];
	_ =	sdelay $0x4  }
0x2b9: {  	[tilespmem:s0+$0x106E0] =	vst v0  }
0x2ba: {  	v0 =	vld [tilespmem:s9+$0xFFFFFF80];
	_ =	sdelay $0x4  }
0x2bb: {  	[tilespmem:s0+$0x106F0] =	vst v0  }
0x2bc: {  	v0 =	vld [tilespmem:s9+$0xFFFFEF90];
	_ =	sdelay $0x4  }
0x2bd: {  	[tilespmem:s0+$0x10700] =	vst v0  }
0x2be: {  	v0 =	vld [tilespmem:s9+$0xFFFFEFA0];
	_ =	sdelay $0x4  }
0x2bf: {  	[tilespmem:s0+$0x10710] =	vst v0  }
0x2c0: {  	v0 =	vld [tilespmem:s9+$0xFFFFEFB0];
	_ =	sdelay $0x4  }
0x2c1: {  	[tilespmem:s0+$0x10720] =	vst v0  }
0x2c2: {  	v0 =	vld [tilespmem:s9+$0xFFFFEFC0];
	_ =	sdelay $0x4  }
0x2c3: {  	[tilespmem:s0+$0x10730] =	vst v0  }
0x2c4: {  	v0 =	vld [tilespmem:s9+$0xFFFFFF90];
	_ =	sdelay $0x4  }
0x2c5: {  	[tilespmem:s0+$0x10740] =	vst v0  }
0x2c6: {  	v0 =	vld [tilespmem:s9+$0xFFFFFFA0];
	_ =	sdelay $0x4  }
0x2c7: {  	[tilespmem:s0+$0x10750] =	vst v0  }
0x2c8: {  	v0 =	vld [tilespmem:s9+$0xFFFFFFB0];
	_ =	sdelay $0x4  }
0x2c9: {  	[tilespmem:s0+$0x10760] =	vst v0  }
0x2ca: {  	v0 =	vld [tilespmem:s9+$0xFFFFFFC0];
	_ =	sdelay $0x4  }
0x2cb: {  	[tilespmem:s0+$0x10770] =	vst v0  }
0x2cc: {  	v0 =	vld [tilespmem:s9+$0xFFFFEFD0];
	_ =	sdelay $0x4  }
0x2cd: {  	[tilespmem:s0+$0x10780] =	vst v0  }
0x2ce: {  	v0 =	vld [tilespmem:s9+$0xFFFFEFE0];
	_ =	sdelay $0x4  }
0x2cf: {  	[tilespmem:s0+$0x10790] =	vst v0  }
0x2d0: {  	v0 =	vld [tilespmem:s9+$0xFFFFEFF0];
	_ =	sdelay $0x4  }
0x2d1: {  	[tilespmem:s0+$0x107A0] =	vst v0  }
0x2d2: {  	v0 =	vld [tilespmem:s9+$0xFFFFF000];
	_ =	sdelay $0x4  }
0x2d3: {  	[tilespmem:s0+$0x107B0] =	vst v0  }
0x2d4: {  	v0 =	vld [tilespmem:s9+$0xFFFFFFD0];
	_ =	sdelay $0x4  }
0x2d5: {  	[tilespmem:s0+$0x107C0] =	vst v0  }
0x2d6: {  	v0 =	vld [tilespmem:s9+$0xFFFFFFE0];
	_ =	sdelay $0x4  }
0x2d7: {  	[tilespmem:s0+$0x107D0] =	vst v0  }
0x2d8: {  	v0 =	vld [tilespmem:s9+$0xFFFFFFF0];
	_ =	sdelay $0x4  }
0x2d9: {  	[tilespmem:s0+$0x107E0] =	vst v0  }
0x2da: {  	v0 =	vld [tilespmem:s9+$0x0];
	_ =	sdelay $0x1  }
.Ltmp8:
0x2db: {  	_ = 	snop;
	(pc) =	sbr.rel @p1 .LBB2_14-.Ltmp8, $3  }
0x2dc: {  	_ =	sdelay $0x1  }
0x2dd: {  	s31 =	sadd.s32 s17, s6;
	[tilespmem:s0+$0x107F0] =	vst v0  }
0x2de: {  	[hbm4b:s31+s1] =	stream.linear.scatter [tilespmem:s23], [sflag:$0x6], $0x2000, $0x38;
	[tilespmem:$0x16400] =	vst v63  }
.Ltmp9:
0x2df: {  	(pc) =	sbr.rel .LBB2_15-.Ltmp9, $4  }
0x2e0: {  	_ = 	snop  }
0x2e1: {  	_ =	swait.ge [sflag:s24], $0x2000  }
0x2e2: {  	[sflag:s24] =	ssyncset.done $0x0  }
0x2e3: {  	[sflag:s24] =	ssyncadd.s32 $0xFFFFE000  }
.LBB2_14:
0x2e4: {  	s0 =	sshll.u32 s15, $0x7  }
0x2e5: {  	s0 =	sadd.s32 $0x280, s0  }
.Ltmp10:
0x2e6: {  	s0 =	sand.u32 $0xFE80, s0;
	(pc) =	sbr.rel @p0 .LBB2_16-.Ltmp10, $4  }
0x2e7: {  	[tilespmem:s14], [sflag:$0x2] =	stream.indirect.gather [hbm4b:s3+s12], $0x40, s0, s12, $0xb8;
	[tilespmem:$0x16400] =	vst v63  }
0x2e8: {  	_ =	swait.ge [sflag:s24], $0x2000  }
0x2e9: {  	[sflag:s24] =	ssyncset.done $0x0  }
0x2ea: {  	[sflag:s24] =	ssyncadd.s32 $0xFFFFE000  }
.LBB2_15:
0x2eb: {  	_ =	swait.ge [sflag:s25], $0x2000  }
0x2ec: {  	[sflag:s25] =	ssyncset.done $0x0  }
0x2ed: {  	[sflag:s25] =	ssyncadd.s32 $0xFFFFE000  }
.LBB2_16:
0x2ee: {  	s9 =	simm.s32 $0xA400  }
0x2ef: {  	s31 =	simm.s32 $0x0;
	s0 =	simm.s32 $0x1000;
	v0 =	vld [tilespmem:s9+$0x0]  }
.LBB2_17:
0x2f0: {  	p2 =	sne.s32 s0, $0x7000;
	_ =	sdelay $0x2  }
0x2f1: {  	s13 =	sshra.s32 s31, $0x2;
	s31 =	smov.u32 s0  }
0x2f2: {  	[tilespmem:s13+$0x12400] =	vst v0  }
0x2f3: {  	v0 =	vld [tilespmem:s9+$0x10];
	_ =	sdelay $0x4  }
0x2f4: {  	[tilespmem:s13+$0x12410] =	vst v0  }
0x2f5: {  	v0 =	vld [tilespmem:s9+$0x20];
	_ =	sdelay $0x4  }
0x2f6: {  	[tilespmem:s13+$0x12420] =	vst v0  }
0x2f7: {  	v0 =	vld [tilespmem:s9+$0x30];
	_ =	sdelay $0x4  }
0x2f8: {  	[tilespmem:s13+$0x12430] =	vst v0  }
0x2f9: {  	v0 =	vld [tilespmem:s9+$0x1000];
	_ =	sdelay $0x4  }
0x2fa: {  	[tilespmem:s13+$0x12440] =	vst v0  }
0x2fb: {  	v0 =	vld [tilespmem:s9+$0x1010];
	_ =	sdelay $0x4  }
0x2fc: {  	[tilespmem:s13+$0x12450] =	vst v0  }
0x2fd: {  	v0 =	vld [tilespmem:s9+$0x1020];
	_ =	sdelay $0x4  }
0x2fe: {  	[tilespmem:s13+$0x12460] =	vst v0  }
0x2ff: {  	v0 =	vld [tilespmem:s9+$0x1030];
	_ =	sdelay $0x4  }
0x300: {  	[tilespmem:s13+$0x12470] =	vst v0  }
0x301: {  	v0 =	vld [tilespmem:s9+$0x40];
	_ =	sdelay $0x4  }
0x302: {  	[tilespmem:s13+$0x12480] =	vst v0  }
0x303: {  	v0 =	vld [tilespmem:s9+$0x50];
	_ =	sdelay $0x4  }
0x304: {  	[tilespmem:s13+$0x12490] =	vst v0  }
0x305: {  	v0 =	vld [tilespmem:s9+$0x60];
	_ =	sdelay $0x4  }
0x306: {  	[tilespmem:s13+$0x124A0] =	vst v0  }
0x307: {  	v0 =	vld [tilespmem:s9+$0x70];
	_ =	sdelay $0x4  }
0x308: {  	[tilespmem:s13+$0x124B0] =	vst v0  }
0x309: {  	v0 =	vld [tilespmem:s9+$0x1040];
	_ =	sdelay $0x4  }
0x30a: {  	[tilespmem:s13+$0x124C0] =	vst v0  }
0x30b: {  	v0 =	vld [tilespmem:s9+$0x1050];
	_ =	sdelay $0x4  }
0x30c: {  	[tilespmem:s13+$0x124D0] =	vst v0  }
0x30d: {  	v0 =	vld [tilespmem:s9+$0x1060];
	_ =	sdelay $0x4  }
0x30e: {  	[tilespmem:s13+$0x124E0] =	vst v0  }
0x30f: {  	v0 =	vld [tilespmem:s9+$0x1070];
	_ =	sdelay $0x4  }
0x310: {  	[tilespmem:s13+$0x124F0] =	vst v0  }
0x311: {  	v0 =	vld [tilespmem:s9+$0x80];
	_ =	sdelay $0x4  }
0x312: {  	[tilespmem:s13+$0x12500] =	vst v0  }
0x313: {  	v0 =	vld [tilespmem:s9+$0x90];
	_ =	sdelay $0x4  }
0x314: {  	[tilespmem:s13+$0x12510] =	vst v0  }
0x315: {  	v0 =	vld [tilespmem:s9+$0xA0];
	_ =	sdelay $0x4  }
0x316: {  	[tilespmem:s13+$0x12520] =	vst v0  }
0x317: {  	v0 =	vld [tilespmem:s9+$0xB0];
	_ =	sdelay $0x4  }
0x318: {  	[tilespmem:s13+$0x12530] =	vst v0  }
0x319: {  	v0 =	vld [tilespmem:s9+$0x1080];
	_ =	sdelay $0x4  }
0x31a: {  	[tilespmem:s13+$0x12540] =	vst v0  }
0x31b: {  	v0 =	vld [tilespmem:s9+$0x1090];
	_ =	sdelay $0x4  }
0x31c: {  	[tilespmem:s13+$0x12550] =	vst v0  }
0x31d: {  	v0 =	vld [tilespmem:s9+$0x10A0];
	_ =	sdelay $0x4  }
0x31e: {  	[tilespmem:s13+$0x12560] =	vst v0  }
0x31f: {  	v0 =	vld [tilespmem:s9+$0x10B0];
	_ =	sdelay $0x4  }
0x320: {  	[tilespmem:s13+$0x12570] =	vst v0  }
0x321: {  	v0 =	vld [tilespmem:s9+$0xC0];
	_ =	sdelay $0x4  }
0x322: {  	[tilespmem:s13+$0x12580] =	vst v0  }
0x323: {  	v0 =	vld [tilespmem:s9+$0xD0];
	_ =	sdelay $0x4  }
0x324: {  	[tilespmem:s13+$0x12590] =	vst v0  }
0x325: {  	v0 =	vld [tilespmem:s9+$0xE0];
	_ =	sdelay $0x4  }
0x326: {  	[tilespmem:s13+$0x125A0] =	vst v0  }
0x327: {  	v0 =	vld [tilespmem:s9+$0xF0];
	_ =	sdelay $0x4  }
0x328: {  	[tilespmem:s13+$0x125B0] =	vst v0  }
0x329: {  	v0 =	vld [tilespmem:s9+$0x10C0];
	_ =	sdelay $0x4  }
0x32a: {  	[tilespmem:s13+$0x125C0] =	vst v0  }
0x32b: {  	v0 =	vld [tilespmem:s9+$0x10D0];
	_ =	sdelay $0x4  }
0x32c: {  	[tilespmem:s13+$0x125D0] =	vst v0  }
0x32d: {  	v0 =	vld [tilespmem:s9+$0x10E0];
	_ =	sdelay $0x4  }
0x32e: {  	[tilespmem:s13+$0x125E0] =	vst v0  }
0x32f: {  	v0 =	vld [tilespmem:s9+$0x10F0];
	_ =	sdelay $0x4  }
0x330: {  	[tilespmem:s13+$0x125F0] =	vst v0  }
0x331: {  	v0 =	vld [tilespmem:s9+$0x100];
	_ =	sdelay $0x4  }
0x332: {  	[tilespmem:s13+$0x12600] =	vst v0  }
0x333: {  	v0 =	vld [tilespmem:s9+$0x110];
	_ =	sdelay $0x4  }
0x334: {  	[tilespmem:s13+$0x12610] =	vst v0  }
0x335: {  	v0 =	vld [tilespmem:s9+$0x120];
	_ =	sdelay $0x4  }
0x336: {  	[tilespmem:s13+$0x12620] =	vst v0  }
0x337: {  	v0 =	vld [tilespmem:s9+$0x130];
	_ =	sdelay $0x4  }
0x338: {  	[tilespmem:s13+$0x12630] =	vst v0  }
0x339: {  	v0 =	vld [tilespmem:s9+$0x1100];
	_ =	sdelay $0x4  }
0x33a: {  	[tilespmem:s13+$0x12640] =	vst v0  }
0x33b: {  	v0 =	vld [tilespmem:s9+$0x1110];
	_ =	sdelay $0x4  }
0x33c: {  	[tilespmem:s13+$0x12650] =	vst v0  }
0x33d: {  	v0 =	vld [tilespmem:s9+$0x1120];
	_ =	sdelay $0x4  }
0x33e: {  	[tilespmem:s13+$0x12660] =	vst v0  }
0x33f: {  	v0 =	vld [tilespmem:s9+$0x1130];
	_ =	sdelay $0x4  }
0x340: {  	[tilespmem:s13+$0x12670] =	vst v0  }
0x341: {  	v0 =	vld [tilespmem:s9+$0x140];
	_ =	sdelay $0x4  }
0x342: {  	[tilespmem:s13+$0x12680] =	vst v0  }
0x343: {  	v0 =	vld [tilespmem:s9+$0x150];
	_ =	sdelay $0x4  }
0x344: {  	[tilespmem:s13+$0x12690] =	vst v0  }
0x345: {  	v0 =	vld [tilespmem:s9+$0x160];
	_ =	sdelay $0x4  }
0x346: {  	[tilespmem:s13+$0x126A0] =	vst v0  }
0x347: {  	v0 =	vld [tilespmem:s9+$0x170];
	_ =	sdelay $0x4  }
0x348: {  	[tilespmem:s13+$0x126B0] =	vst v0  }
0x349: {  	v0 =	vld [tilespmem:s9+$0x1140];
	_ =	sdelay $0x4  }
0x34a: {  	[tilespmem:s13+$0x126C0] =	vst v0  }
0x34b: {  	v0 =	vld [tilespmem:s9+$0x1150];
	_ =	sdelay $0x4  }
0x34c: {  	[tilespmem:s13+$0x126D0] =	vst v0  }
0x34d: {  	v0 =	vld [tilespmem:s9+$0x1160];
	_ =	sdelay $0x4  }
0x34e: {  	[tilespmem:s13+$0x126E0] =	vst v0  }
0x34f: {  	v0 =	vld [tilespmem:s9+$0x1170];
	_ =	sdelay $0x4  }
0x350: {  	[tilespmem:s13+$0x126F0] =	vst v0  }
0x351: {  	v0 =	vld [tilespmem:s9+$0x180];
	_ =	sdelay $0x4  }
0x352: {  	[tilespmem:s13+$0x12700] =	vst v0  }
0x353: {  	v0 =	vld [tilespmem:s9+$0x190];
	_ =	sdelay $0x4  }
0x354: {  	[tilespmem:s13+$0x12710] =	vst v0  }
0x355: {  	v0 =	vld [tilespmem:s9+$0x1A0];
	_ =	sdelay $0x4  }
0x356: {  	[tilespmem:s13+$0x12720] =	vst v0  }
0x357: {  	v0 =	vld [tilespmem:s9+$0x1B0];
	_ =	sdelay $0x4  }
0x358: {  	[tilespmem:s13+$0x12730] =	vst v0  }
0x359: {  	v0 =	vld [tilespmem:s9+$0x1180];
	_ =	sdelay $0x4  }
0x35a: {  	[tilespmem:s13+$0x12740] =	vst v0  }
0x35b: {  	v0 =	vld [tilespmem:s9+$0x1190];
	_ =	sdelay $0x4  }
0x35c: {  	[tilespmem:s13+$0x12750] =	vst v0  }
0x35d: {  	v0 =	vld [tilespmem:s9+$0x11A0];
	_ =	sdelay $0x4  }
0x35e: {  	[tilespmem:s13+$0x12760] =	vst v0  }
0x35f: {  	v0 =	vld [tilespmem:s9+$0x11B0];
	_ =	sdelay $0x4  }
0x360: {  	[tilespmem:s13+$0x12770] =	vst v0  }
0x361: {  	v0 =	vld [tilespmem:s9+$0x1C0];
	_ =	sdelay $0x4  }
0x362: {  	[tilespmem:s13+$0x12780] =	vst v0  }
0x363: {  	v0 =	vld [tilespmem:s9+$0x1D0];
	_ =	sdelay $0x4  }
0x364: {  	[tilespmem:s13+$0x12790] =	vst v0  }
0x365: {  	v0 =	vld [tilespmem:s9+$0x1E0];
	_ =	sdelay $0x4  }
0x366: {  	[tilespmem:s13+$0x127A0] =	vst v0  }
0x367: {  	v0 =	vld [tilespmem:s9+$0x1F0];
	_ =	sdelay $0x4  }
0x368: {  	[tilespmem:s13+$0x127B0] =	vst v0  }
0x369: {  	v0 =	vld [tilespmem:s9+$0x11C0];
	_ =	sdelay $0x4  }
0x36a: {  	[tilespmem:s13+$0x127C0] =	vst v0  }
0x36b: {  	v0 =	vld [tilespmem:s9+$0x11D0];
	_ =	sdelay $0x4  }
0x36c: {  	[tilespmem:s13+$0x127D0] =	vst v0  }
0x36d: {  	v0 =	vld [tilespmem:s9+$0x11E0];
	_ =	sdelay $0x4  }
0x36e: {  	[tilespmem:s13+$0x127E0] =	vst v0  }
0x36f: {  	v0 =	vld [tilespmem:s9+$0x11F0];
	_ =	sdelay $0x1  }
.Ltmp11:
0x370: {  	(pc) =	sbr.rel @p2 .LBB2_17-.Ltmp11, $3  }
0x371: {  	_ =	sdelay $0x1  }
0x372: {  	s9 =	sadd.s32 $0x200, s9;
	[tilespmem:s13+$0x127F0] =	vst v0  }
0x373: {  	s0 =	sadd.s32 $0x1000, s0;
	v0 =	vld [tilespmem:s9+$0x0]  }
0x374: {  	_ =	sdelay $0x2  }
0x375: {  	s0 =	sshra.s32 s31, $0x2  }
0x376: {  	[tilespmem:s0+$0x12400] =	vst v0  }
0x377: {  	v0 =	vld [tilespmem:s9+$0x10];
	_ =	sdelay $0x4  }
0x378: {  	[tilespmem:s0+$0x12410] =	vst v0  }
0x379: {  	v0 =	vld [tilespmem:s9+$0x20];
	_ =	sdelay $0x4  }
0x37a: {  	[tilespmem:s0+$0x12420] =	vst v0  }
0x37b: {  	v0 =	vld [tilespmem:s9+$0x30];
	_ =	sdelay $0x4  }
0x37c: {  	[tilespmem:s0+$0x12430] =	vst v0  }
0x37d: {  	v0 =	vld [tilespmem:s9+$0x1000];
	_ =	sdelay $0x4  }
0x37e: {  	[tilespmem:s0+$0x12440] =	vst v0  }
0x37f: {  	v0 =	vld [tilespmem:s9+$0x1010];
	_ =	sdelay $0x4  }
0x380: {  	[tilespmem:s0+$0x12450] =	vst v0  }
0x381: {  	v0 =	vld [tilespmem:s9+$0x1020];
	_ =	sdelay $0x4  }
0x382: {  	[tilespmem:s0+$0x12460] =	vst v0  }
0x383: {  	v0 =	vld [tilespmem:s9+$0x1030];
	_ =	sdelay $0x4  }
0x384: {  	[tilespmem:s0+$0x12470] =	vst v0  }
0x385: {  	v0 =	vld [tilespmem:s9+$0x40];
	_ =	sdelay $0x4  }
0x386: {  	[tilespmem:s0+$0x12480] =	vst v0  }
0x387: {  	v0 =	vld [tilespmem:s9+$0x50];
	_ =	sdelay $0x4  }
0x388: {  	[tilespmem:s0+$0x12490] =	vst v0  }
0x389: {  	v0 =	vld [tilespmem:s9+$0x60];
	_ =	sdelay $0x4  }
0x38a: {  	[tilespmem:s0+$0x124A0] =	vst v0  }
0x38b: {  	v0 =	vld [tilespmem:s9+$0x70];
	_ =	sdelay $0x4  }
0x38c: {  	[tilespmem:s0+$0x124B0] =	vst v0  }
0x38d: {  	v0 =	vld [tilespmem:s9+$0x1040];
	_ =	sdelay $0x4  }
0x38e: {  	[tilespmem:s0+$0x124C0] =	vst v0  }
0x38f: {  	v0 =	vld [tilespmem:s9+$0x1050];
	_ =	sdelay $0x4  }
0x390: {  	[tilespmem:s0+$0x124D0] =	vst v0  }
0x391: {  	v0 =	vld [tilespmem:s9+$0x1060];
	_ =	sdelay $0x4  }
0x392: {  	[tilespmem:s0+$0x124E0] =	vst v0  }
0x393: {  	v0 =	vld [tilespmem:s9+$0x1070];
	_ =	sdelay $0x4  }
0x394: {  	[tilespmem:s0+$0x124F0] =	vst v0  }
0x395: {  	v0 =	vld [tilespmem:s9+$0x80];
	_ =	sdelay $0x4  }
0x396: {  	[tilespmem:s0+$0x12500] =	vst v0  }
0x397: {  	v0 =	vld [tilespmem:s9+$0x90];
	_ =	sdelay $0x4  }
0x398: {  	[tilespmem:s0+$0x12510] =	vst v0  }
0x399: {  	v0 =	vld [tilespmem:s9+$0xA0];
	_ =	sdelay $0x4  }
0x39a: {  	[tilespmem:s0+$0x12520] =	vst v0  }
0x39b: {  	v0 =	vld [tilespmem:s9+$0xB0];
	_ =	sdelay $0x4  }
0x39c: {  	[tilespmem:s0+$0x12530] =	vst v0  }
0x39d: {  	v0 =	vld [tilespmem:s9+$0x1080];
	_ =	sdelay $0x4  }
0x39e: {  	[tilespmem:s0+$0x12540] =	vst v0  }
0x39f: {  	v0 =	vld [tilespmem:s9+$0x1090];
	_ =	sdelay $0x4  }
0x3a0: {  	[tilespmem:s0+$0x12550] =	vst v0  }
0x3a1: {  	v0 =	vld [tilespmem:s9+$0x10A0];
	_ =	sdelay $0x4  }
0x3a2: {  	[tilespmem:s0+$0x12560] =	vst v0  }
0x3a3: {  	v0 =	vld [tilespmem:s9+$0x10B0];
	_ =	sdelay $0x4  }
0x3a4: {  	[tilespmem:s0+$0x12570] =	vst v0  }
0x3a5: {  	v0 =	vld [tilespmem:s9+$0xC0];
	_ =	sdelay $0x4  }
0x3a6: {  	[tilespmem:s0+$0x12580] =	vst v0  }
0x3a7: {  	v0 =	vld [tilespmem:s9+$0xD0];
	_ =	sdelay $0x4  }
0x3a8: {  	[tilespmem:s0+$0x12590] =	vst v0  }
0x3a9: {  	v0 =	vld [tilespmem:s9+$0xE0];
	_ =	sdelay $0x4  }
0x3aa: {  	[tilespmem:s0+$0x125A0] =	vst v0  }
0x3ab: {  	v0 =	vld [tilespmem:s9+$0xF0];
	_ =	sdelay $0x4  }
0x3ac: {  	[tilespmem:s0+$0x125B0] =	vst v0  }
0x3ad: {  	v0 =	vld [tilespmem:s9+$0x10C0];
	_ =	sdelay $0x4  }
0x3ae: {  	[tilespmem:s0+$0x125C0] =	vst v0  }
0x3af: {  	v0 =	vld [tilespmem:s9+$0x10D0];
	_ =	sdelay $0x4  }
0x3b0: {  	[tilespmem:s0+$0x125D0] =	vst v0  }
0x3b1: {  	v0 =	vld [tilespmem:s9+$0x10E0];
	_ =	sdelay $0x4  }
0x3b2: {  	[tilespmem:s0+$0x125E0] =	vst v0  }
0x3b3: {  	v0 =	vld [tilespmem:s9+$0x10F0];
	_ =	sdelay $0x4  }
0x3b4: {  	[tilespmem:s0+$0x125F0] =	vst v0  }
0x3b5: {  	v0 =	vld [tilespmem:s9+$0x100];
	_ =	sdelay $0x4  }
0x3b6: {  	[tilespmem:s0+$0x12600] =	vst v0  }
0x3b7: {  	v0 =	vld [tilespmem:s9+$0x110];
	_ =	sdelay $0x4  }
0x3b8: {  	[tilespmem:s0+$0x12610] =	vst v0  }
0x3b9: {  	v0 =	vld [tilespmem:s9+$0x120];
	_ =	sdelay $0x4  }
0x3ba: {  	[tilespmem:s0+$0x12620] =	vst v0  }
0x3bb: {  	v0 =	vld [tilespmem:s9+$0x130];
	_ =	sdelay $0x4  }
0x3bc: {  	[tilespmem:s0+$0x12630] =	vst v0  }
0x3bd: {  	v0 =	vld [tilespmem:s9+$0x1100];
	_ =	sdelay $0x4  }
0x3be: {  	[tilespmem:s0+$0x12640] =	vst v0  }
0x3bf: {  	v0 =	vld [tilespmem:s9+$0x1110];
	_ =	sdelay $0x4  }
0x3c0: {  	[tilespmem:s0+$0x12650] =	vst v0  }
0x3c1: {  	v0 =	vld [tilespmem:s9+$0x1120];
	_ =	sdelay $0x4  }
0x3c2: {  	[tilespmem:s0+$0x12660] =	vst v0  }
0x3c3: {  	v0 =	vld [tilespmem:s9+$0x1130];
	_ =	sdelay $0x4  }
0x3c4: {  	[tilespmem:s0+$0x12670] =	vst v0  }
0x3c5: {  	v0 =	vld [tilespmem:s9+$0x140];
	_ =	sdelay $0x4  }
0x3c6: {  	[tilespmem:s0+$0x12680] =	vst v0  }
0x3c7: {  	v0 =	vld [tilespmem:s9+$0x150];
	_ =	sdelay $0x4  }
0x3c8: {  	[tilespmem:s0+$0x12690] =	vst v0  }
0x3c9: {  	v0 =	vld [tilespmem:s9+$0x160];
	_ =	sdelay $0x4  }
0x3ca: {  	[tilespmem:s0+$0x126A0] =	vst v0  }
0x3cb: {  	v0 =	vld [tilespmem:s9+$0x170];
	_ =	sdelay $0x4  }
0x3cc: {  	[tilespmem:s0+$0x126B0] =	vst v0  }
0x3cd: {  	v0 =	vld [tilespmem:s9+$0x1140];
	_ =	sdelay $0x4  }
0x3ce: {  	[tilespmem:s0+$0x126C0] =	vst v0  }
0x3cf: {  	v0 =	vld [tilespmem:s9+$0x1150];
	_ =	sdelay $0x4  }
0x3d0: {  	[tilespmem:s0+$0x126D0] =	vst v0  }
0x3d1: {  	v0 =	vld [tilespmem:s9+$0x1160];
	_ =	sdelay $0x4  }
0x3d2: {  	[tilespmem:s0+$0x126E0] =	vst v0  }
0x3d3: {  	v0 =	vld [tilespmem:s9+$0x1170];
	_ =	sdelay $0x4  }
0x3d4: {  	[tilespmem:s0+$0x126F0] =	vst v0  }
0x3d5: {  	v0 =	vld [tilespmem:s9+$0x180];
	_ =	sdelay $0x4  }
0x3d6: {  	[tilespmem:s0+$0x12700] =	vst v0  }
0x3d7: {  	v0 =	vld [tilespmem:s9+$0x190];
	_ =	sdelay $0x4  }
0x3d8: {  	[tilespmem:s0+$0x12710] =	vst v0  }
0x3d9: {  	v0 =	vld [tilespmem:s9+$0x1A0];
	_ =	sdelay $0x4  }
0x3da: {  	[tilespmem:s0+$0x12720] =	vst v0  }
0x3db: {  	v0 =	vld [tilespmem:s9+$0x1B0];
	_ =	sdelay $0x4  }
0x3dc: {  	[tilespmem:s0+$0x12730] =	vst v0  }
0x3dd: {  	v0 =	vld [tilespmem:s9+$0x1180];
	_ =	sdelay $0x4  }
0x3de: {  	[tilespmem:s0+$0x12740] =	vst v0  }
0x3df: {  	v0 =	vld [tilespmem:s9+$0x1190];
	_ =	sdelay $0x4  }
0x3e0: {  	[tilespmem:s0+$0x12750] =	vst v0  }
0x3e1: {  	v0 =	vld [tilespmem:s9+$0x11A0];
	_ =	sdelay $0x4  }
0x3e2: {  	[tilespmem:s0+$0x12760] =	vst v0  }
0x3e3: {  	v0 =	vld [tilespmem:s9+$0x11B0];
	_ =	sdelay $0x4  }
0x3e4: {  	[tilespmem:s0+$0x12770] =	vst v0  }
0x3e5: {  	v0 =	vld [tilespmem:s9+$0x1C0];
	_ =	sdelay $0x4  }
0x3e6: {  	[tilespmem:s0+$0x12780] =	vst v0  }
0x3e7: {  	v0 =	vld [tilespmem:s9+$0x1D0];
	_ =	sdelay $0x4  }
0x3e8: {  	[tilespmem:s0+$0x12790] =	vst v0  }
0x3e9: {  	v0 =	vld [tilespmem:s9+$0x1E0];
	_ =	sdelay $0x4  }
0x3ea: {  	[tilespmem:s0+$0x127A0] =	vst v0  }
0x3eb: {  	v0 =	vld [tilespmem:s9+$0x1F0];
	_ =	sdelay $0x4  }
0x3ec: {  	[tilespmem:s0+$0x127B0] =	vst v0  }
0x3ed: {  	v0 =	vld [tilespmem:s9+$0x11C0];
	_ =	sdelay $0x4  }
0x3ee: {  	[tilespmem:s0+$0x127C0] =	vst v0  }
0x3ef: {  	v0 =	vld [tilespmem:s9+$0x11D0];
	_ =	sdelay $0x4  }
0x3f0: {  	[tilespmem:s0+$0x127D0] =	vst v0  }
0x3f1: {  	v0 =	vld [tilespmem:s9+$0x11E0];
	_ =	sdelay $0x4  }
0x3f2: {  	[tilespmem:s0+$0x127E0] =	vst v0  }
0x3f3: {  	v0 =	vld [tilespmem:s9+$0x11F0];
	_ =	sdelay $0x1  }
.Ltmp12:
0x3f4: {  	_ = 	snop;
	(pc) =	sbr.rel @p1 .LBB2_20-.Ltmp12, $3  }
0x3f5: {  	_ =	sdelay $0x1  }
0x3f6: {  	s31 =	sadd.s32 s17, s7;
	[tilespmem:s0+$0x127F0] =	vst v0  }
0x3f7: {  	[hbm4b:s31+s1] =	stream.linear.scatter [tilespmem:s26], [sflag:$0x7], $0x2000, $0x38;
	[tilespmem:$0x16400] =	vst v63  }
.Ltmp13:
0x3f8: {  	(pc) =	sbr.rel .LBB2_21-.Ltmp13, $4  }
0x3f9: {  	_ = 	snop  }
0x3fa: {  	_ =	swait.ge [sflag:s28], $0x2000  }
0x3fb: {  	[sflag:s28] =	ssyncset.done $0x0  }
0x3fc: {  	[sflag:s28] =	ssyncadd.s32 $0xFFFFE000  }
.LBB2_20:
0x3fd: {  	s0 =	sshll.u32 s15, $0x7  }
0x3fe: {  	s0 =	sadd.s32 $0x300, s0  }
.Ltmp14:
0x3ff: {  	s0 =	sand.u32 $0xFF00, s0;
	(pc) =	sbr.rel @p0 .LBB2_22-.Ltmp14, $4  }
0x400: {  	[tilespmem:s16], [sflag:$0x3] =	stream.indirect.gather [hbm4b:s3+s12], $0x40, s0, s12, $0xb8;
	[tilespmem:$0x16400] =	vst v63  }
0x401: {  	_ =	swait.ge [sflag:s28], $0x2000  }
0x402: {  	[sflag:s28] =	ssyncset.done $0x0  }
0x403: {  	[sflag:s28] =	ssyncadd.s32 $0xFFFFE000  }
.LBB2_21:
0x404: {  	_ =	swait.ge [sflag:s29], $0x2000  }
0x405: {  	[sflag:s29] =	ssyncset.done $0x0  }
0x406: {  	[sflag:s29] =	ssyncadd.s32 $0xFFFFE000  }
.LBB2_22:
0x407: {  	s9 =	simm.s32 $0xC400  }
0x408: {  	s31 =	simm.s32 $0x0;
	s0 =	simm.s32 $0x1000;
	v0 =	vld [tilespmem:s9+$0x0]  }
.LBB2_23:
0x409: {  	p0 =	sne.s32 s0, $0x7000;
	_ =	sdelay $0x2  }
0x40a: {  	s13 =	sshra.s32 s31, $0x2;
	s31 =	smov.u32 s0  }
0x40b: {  	[tilespmem:s13+$0x14400] =	vst v0  }
0x40c: {  	v0 =	vld [tilespmem:s9+$0x10];
	_ =	sdelay $0x4  }
0x40d: {  	[tilespmem:s13+$0x14410] =	vst v0  }
0x40e: {  	v0 =	vld [tilespmem:s9+$0x20];
	_ =	sdelay $0x4  }
0x40f: {  	[tilespmem:s13+$0x14420] =	vst v0  }
0x410: {  	v0 =	vld [tilespmem:s9+$0x30];
	_ =	sdelay $0x4  }
0x411: {  	[tilespmem:s13+$0x14430] =	vst v0  }
0x412: {  	v0 =	vld [tilespmem:s9+$0x1000];
	_ =	sdelay $0x4  }
0x413: {  	[tilespmem:s13+$0x14440] =	vst v0  }
0x414: {  	v0 =	vld [tilespmem:s9+$0x1010];
	_ =	sdelay $0x4  }
0x415: {  	[tilespmem:s13+$0x14450] =	vst v0  }
0x416: {  	v0 =	vld [tilespmem:s9+$0x1020];
	_ =	sdelay $0x4  }
0x417: {  	[tilespmem:s13+$0x14460] =	vst v0  }
0x418: {  	v0 =	vld [tilespmem:s9+$0x1030];
	_ =	sdelay $0x4  }
0x419: {  	[tilespmem:s13+$0x14470] =	vst v0  }
0x41a: {  	v0 =	vld [tilespmem:s9+$0x40];
	_ =	sdelay $0x4  }
0x41b: {  	[tilespmem:s13+$0x14480] =	vst v0  }
0x41c: {  	v0 =	vld [tilespmem:s9+$0x50];
	_ =	sdelay $0x4  }
0x41d: {  	[tilespmem:s13+$0x14490] =	vst v0  }
0x41e: {  	v0 =	vld [tilespmem:s9+$0x60];
	_ =	sdelay $0x4  }
0x41f: {  	[tilespmem:s13+$0x144A0] =	vst v0  }
0x420: {  	v0 =	vld [tilespmem:s9+$0x70];
	_ =	sdelay $0x4  }
0x421: {  	[tilespmem:s13+$0x144B0] =	vst v0  }
0x422: {  	v0 =	vld [tilespmem:s9+$0x1040];
	_ =	sdelay $0x4  }
0x423: {  	[tilespmem:s13+$0x144C0] =	vst v0  }
0x424: {  	v0 =	vld [tilespmem:s9+$0x1050];
	_ =	sdelay $0x4  }
0x425: {  	[tilespmem:s13+$0x144D0] =	vst v0  }
0x426: {  	v0 =	vld [tilespmem:s9+$0x1060];
	_ =	sdelay $0x4  }
0x427: {  	[tilespmem:s13+$0x144E0] =	vst v0  }
0x428: {  	v0 =	vld [tilespmem:s9+$0x1070];
	_ =	sdelay $0x4  }
0x429: {  	[tilespmem:s13+$0x144F0] =	vst v0  }
0x42a: {  	v0 =	vld [tilespmem:s9+$0x80];
	_ =	sdelay $0x4  }
0x42b: {  	[tilespmem:s13+$0x14500] =	vst v0  }
0x42c: {  	v0 =	vld [tilespmem:s9+$0x90];
	_ =	sdelay $0x4  }
0x42d: {  	[tilespmem:s13+$0x14510] =	vst v0  }
0x42e: {  	v0 =	vld [tilespmem:s9+$0xA0];
	_ =	sdelay $0x4  }
0x42f: {  	[tilespmem:s13+$0x14520] =	vst v0  }
0x430: {  	v0 =	vld [tilespmem:s9+$0xB0];
	_ =	sdelay $0x4  }
0x431: {  	[tilespmem:s13+$0x14530] =	vst v0  }
0x432: {  	v0 =	vld [tilespmem:s9+$0x1080];
	_ =	sdelay $0x4  }
0x433: {  	[tilespmem:s13+$0x14540] =	vst v0  }
0x434: {  	v0 =	vld [tilespmem:s9+$0x1090];
	_ =	sdelay $0x4  }
0x435: {  	[tilespmem:s13+$0x14550] =	vst v0  }
0x436: {  	v0 =	vld [tilespmem:s9+$0x10A0];
	_ =	sdelay $0x4  }
0x437: {  	[tilespmem:s13+$0x14560] =	vst v0  }
0x438: {  	v0 =	vld [tilespmem:s9+$0x10B0];
	_ =	sdelay $0x4  }
0x439: {  	[tilespmem:s13+$0x14570] =	vst v0  }
0x43a: {  	v0 =	vld [tilespmem:s9+$0xC0];
	_ =	sdelay $0x4  }
0x43b: {  	[tilespmem:s13+$0x14580] =	vst v0  }
0x43c: {  	v0 =	vld [tilespmem:s9+$0xD0];
	_ =	sdelay $0x4  }
0x43d: {  	[tilespmem:s13+$0x14590] =	vst v0  }
0x43e: {  	v0 =	vld [tilespmem:s9+$0xE0];
	_ =	sdelay $0x4  }
0x43f: {  	[tilespmem:s13+$0x145A0] =	vst v0  }
0x440: {  	v0 =	vld [tilespmem:s9+$0xF0];
	_ =	sdelay $0x4  }
0x441: {  	[tilespmem:s13+$0x145B0] =	vst v0  }
0x442: {  	v0 =	vld [tilespmem:s9+$0x10C0];
	_ =	sdelay $0x4  }
0x443: {  	[tilespmem:s13+$0x145C0] =	vst v0  }
0x444: {  	v0 =	vld [tilespmem:s9+$0x10D0];
	_ =	sdelay $0x4  }
0x445: {  	[tilespmem:s13+$0x145D0] =	vst v0  }
0x446: {  	v0 =	vld [tilespmem:s9+$0x10E0];
	_ =	sdelay $0x4  }
0x447: {  	[tilespmem:s13+$0x145E0] =	vst v0  }
0x448: {  	v0 =	vld [tilespmem:s9+$0x10F0];
	_ =	sdelay $0x4  }
0x449: {  	[tilespmem:s13+$0x145F0] =	vst v0  }
0x44a: {  	v0 =	vld [tilespmem:s9+$0x100];
	_ =	sdelay $0x4  }
0x44b: {  	[tilespmem:s13+$0x14600] =	vst v0  }
0x44c: {  	v0 =	vld [tilespmem:s9+$0x110];
	_ =	sdelay $0x4  }
0x44d: {  	[tilespmem:s13+$0x14610] =	vst v0  }
0x44e: {  	v0 =	vld [tilespmem:s9+$0x120];
	_ =	sdelay $0x4  }
0x44f: {  	[tilespmem:s13+$0x14620] =	vst v0  }
0x450: {  	v0 =	vld [tilespmem:s9+$0x130];
	_ =	sdelay $0x4  }
0x451: {  	[tilespmem:s13+$0x14630] =	vst v0  }
0x452: {  	v0 =	vld [tilespmem:s9+$0x1100];
	_ =	sdelay $0x4  }
0x453: {  	[tilespmem:s13+$0x14640] =	vst v0  }
0x454: {  	v0 =	vld [tilespmem:s9+$0x1110];
	_ =	sdelay $0x4  }
0x455: {  	[tilespmem:s13+$0x14650] =	vst v0  }
0x456: {  	v0 =	vld [tilespmem:s9+$0x1120];
	_ =	sdelay $0x4  }
0x457: {  	[tilespmem:s13+$0x14660] =	vst v0  }
0x458: {  	v0 =	vld [tilespmem:s9+$0x1130];
	_ =	sdelay $0x4  }
0x459: {  	[tilespmem:s13+$0x14670] =	vst v0  }
0x45a: {  	v0 =	vld [tilespmem:s9+$0x140];
	_ =	sdelay $0x4  }
0x45b: {  	[tilespmem:s13+$0x14680] =	vst v0  }
0x45c: {  	v0 =	vld [tilespmem:s9+$0x150];
	_ =	sdelay $0x4  }
0x45d: {  	[tilespmem:s13+$0x14690] =	vst v0  }
0x45e: {  	v0 =	vld [tilespmem:s9+$0x160];
	_ =	sdelay $0x4  }
0x45f: {  	[tilespmem:s13+$0x146A0] =	vst v0  }
0x460: {  	v0 =	vld [tilespmem:s9+$0x170];
	_ =	sdelay $0x4  }
0x461: {  	[tilespmem:s13+$0x146B0] =	vst v0  }
0x462: {  	v0 =	vld [tilespmem:s9+$0x1140];
	_ =	sdelay $0x4  }
0x463: {  	[tilespmem:s13+$0x146C0] =	vst v0  }
0x464: {  	v0 =	vld [tilespmem:s9+$0x1150];
	_ =	sdelay $0x4  }
0x465: {  	[tilespmem:s13+$0x146D0] =	vst v0  }
0x466: {  	v0 =	vld [tilespmem:s9+$0x1160];
	_ =	sdelay $0x4  }
0x467: {  	[tilespmem:s13+$0x146E0] =	vst v0  }
0x468: {  	v0 =	vld [tilespmem:s9+$0x1170];
	_ =	sdelay $0x4  }
0x469: {  	[tilespmem:s13+$0x146F0] =	vst v0  }
0x46a: {  	v0 =	vld [tilespmem:s9+$0x180];
	_ =	sdelay $0x4  }
0x46b: {  	[tilespmem:s13+$0x14700] =	vst v0  }
0x46c: {  	v0 =	vld [tilespmem:s9+$0x190];
	_ =	sdelay $0x4  }
0x46d: {  	[tilespmem:s13+$0x14710] =	vst v0  }
0x46e: {  	v0 =	vld [tilespmem:s9+$0x1A0];
	_ =	sdelay $0x4  }
0x46f: {  	[tilespmem:s13+$0x14720] =	vst v0  }
0x470: {  	v0 =	vld [tilespmem:s9+$0x1B0];
	_ =	sdelay $0x4  }
0x471: {  	[tilespmem:s13+$0x14730] =	vst v0  }
0x472: {  	v0 =	vld [tilespmem:s9+$0x1180];
	_ =	sdelay $0x4  }
0x473: {  	[tilespmem:s13+$0x14740] =	vst v0  }
0x474: {  	v0 =	vld [tilespmem:s9+$0x1190];
	_ =	sdelay $0x4  }
0x475: {  	[tilespmem:s13+$0x14750] =	vst v0  }
0x476: {  	v0 =	vld [tilespmem:s9+$0x11A0];
	_ =	sdelay $0x4  }
0x477: {  	[tilespmem:s13+$0x14760] =	vst v0  }
0x478: {  	v0 =	vld [tilespmem:s9+$0x11B0];
	_ =	sdelay $0x4  }
0x479: {  	[tilespmem:s13+$0x14770] =	vst v0  }
0x47a: {  	v0 =	vld [tilespmem:s9+$0x1C0];
	_ =	sdelay $0x4  }
0x47b: {  	[tilespmem:s13+$0x14780] =	vst v0  }
0x47c: {  	v0 =	vld [tilespmem:s9+$0x1D0];
	_ =	sdelay $0x4  }
0x47d: {  	[tilespmem:s13+$0x14790] =	vst v0  }
0x47e: {  	v0 =	vld [tilespmem:s9+$0x1E0];
	_ =	sdelay $0x4  }
0x47f: {  	[tilespmem:s13+$0x147A0] =	vst v0  }
0x480: {  	v0 =	vld [tilespmem:s9+$0x1F0];
	_ =	sdelay $0x4  }
0x481: {  	[tilespmem:s13+$0x147B0] =	vst v0  }
0x482: {  	v0 =	vld [tilespmem:s9+$0x11C0];
	_ =	sdelay $0x4  }
0x483: {  	[tilespmem:s13+$0x147C0] =	vst v0  }
0x484: {  	v0 =	vld [tilespmem:s9+$0x11D0];
	_ =	sdelay $0x4  }
0x485: {  	[tilespmem:s13+$0x147D0] =	vst v0  }
0x486: {  	v0 =	vld [tilespmem:s9+$0x11E0];
	_ =	sdelay $0x4  }
0x487: {  	[tilespmem:s13+$0x147E0] =	vst v0  }
0x488: {  	v0 =	vld [tilespmem:s9+$0x11F0];
	_ =	sdelay $0x1  }
.Ltmp15:
0x489: {  	(pc) =	sbr.rel @p0 .LBB2_23-.Ltmp15, $3  }
0x48a: {  	_ =	sdelay $0x1  }
0x48b: {  	s9 =	sadd.s32 $0x200, s9;
	[tilespmem:s13+$0x147F0] =	vst v0  }
0x48c: {  	s0 =	sadd.s32 $0x1000, s0;
	v0 =	vld [tilespmem:s9+$0x0]  }
0x48d: {  	_ =	sdelay $0x2  }
0x48e: {  	s0 =	sshra.s32 s31, $0x2  }
0x48f: {  	[tilespmem:s0+$0x14400] =	vst v0  }
0x490: {  	v0 =	vld [tilespmem:s9+$0x10];
	_ =	sdelay $0x4  }
0x491: {  	[tilespmem:s0+$0x14410] =	vst v0  }
0x492: {  	v0 =	vld [tilespmem:s9+$0x20];
	_ =	sdelay $0x4  }
0x493: {  	[tilespmem:s0+$0x14420] =	vst v0  }
0x494: {  	v0 =	vld [tilespmem:s9+$0x30];
	_ =	sdelay $0x4  }
0x495: {  	[tilespmem:s0+$0x14430] =	vst v0  }
0x496: {  	v0 =	vld [tilespmem:s9+$0x1000];
	_ =	sdelay $0x4  }
0x497: {  	[tilespmem:s0+$0x14440] =	vst v0  }
0x498: {  	v0 =	vld [tilespmem:s9+$0x1010];
	_ =	sdelay $0x4  }
0x499: {  	[tilespmem:s0+$0x14450] =	vst v0  }
0x49a: {  	v0 =	vld [tilespmem:s9+$0x1020];
	_ =	sdelay $0x4  }
0x49b: {  	[tilespmem:s0+$0x14460] =	vst v0  }
0x49c: {  	v0 =	vld [tilespmem:s9+$0x1030];
	_ =	sdelay $0x4  }
0x49d: {  	[tilespmem:s0+$0x14470] =	vst v0  }
0x49e: {  	v0 =	vld [tilespmem:s9+$0x40];
	_ =	sdelay $0x4  }
0x49f: {  	[tilespmem:s0+$0x14480] =	vst v0  }
0x4a0: {  	v0 =	vld [tilespmem:s9+$0x50];
	_ =	sdelay $0x4  }
0x4a1: {  	[tilespmem:s0+$0x14490] =	vst v0  }
0x4a2: {  	v0 =	vld [tilespmem:s9+$0x60];
	_ =	sdelay $0x4  }
0x4a3: {  	[tilespmem:s0+$0x144A0] =	vst v0  }
0x4a4: {  	v0 =	vld [tilespmem:s9+$0x70];
	_ =	sdelay $0x4  }
0x4a5: {  	[tilespmem:s0+$0x144B0] =	vst v0  }
0x4a6: {  	v0 =	vld [tilespmem:s9+$0x1040];
	_ =	sdelay $0x4  }
0x4a7: {  	[tilespmem:s0+$0x144C0] =	vst v0  }
0x4a8: {  	v0 =	vld [tilespmem:s9+$0x1050];
	_ =	sdelay $0x4  }
0x4a9: {  	[tilespmem:s0+$0x144D0] =	vst v0  }
0x4aa: {  	v0 =	vld [tilespmem:s9+$0x1060];
	_ =	sdelay $0x4  }
0x4ab: {  	[tilespmem:s0+$0x144E0] =	vst v0  }
0x4ac: {  	v0 =	vld [tilespmem:s9+$0x1070];
	_ =	sdelay $0x4  }
0x4ad: {  	[tilespmem:s0+$0x144F0] =	vst v0  }
0x4ae: {  	v0 =	vld [tilespmem:s9+$0x80];
	_ =	sdelay $0x4  }
0x4af: {  	[tilespmem:s0+$0x14500] =	vst v0  }
0x4b0: {  	v0 =	vld [tilespmem:s9+$0x90];
	_ =	sdelay $0x4  }
0x4b1: {  	[tilespmem:s0+$0x14510] =	vst v0  }
0x4b2: {  	v0 =	vld [tilespmem:s9+$0xA0];
	_ =	sdelay $0x4  }
0x4b3: {  	[tilespmem:s0+$0x14520] =	vst v0  }
0x4b4: {  	v0 =	vld [tilespmem:s9+$0xB0];
	_ =	sdelay $0x4  }
0x4b5: {  	[tilespmem:s0+$0x14530] =	vst v0  }
0x4b6: {  	v0 =	vld [tilespmem:s9+$0x1080];
	_ =	sdelay $0x4  }
0x4b7: {  	[tilespmem:s0+$0x14540] =	vst v0  }
0x4b8: {  	v0 =	vld [tilespmem:s9+$0x1090];
	_ =	sdelay $0x4  }
0x4b9: {  	[tilespmem:s0+$0x14550] =	vst v0  }
0x4ba: {  	v0 =	vld [tilespmem:s9+$0x10A0];
	_ =	sdelay $0x4  }
0x4bb: {  	[tilespmem:s0+$0x14560] =	vst v0  }
0x4bc: {  	v0 =	vld [tilespmem:s9+$0x10B0];
	_ =	sdelay $0x4  }
0x4bd: {  	[tilespmem:s0+$0x14570] =	vst v0  }
0x4be: {  	v0 =	vld [tilespmem:s9+$0xC0];
	_ =	sdelay $0x4  }
0x4bf: {  	[tilespmem:s0+$0x14580] =	vst v0  }
0x4c0: {  	v0 =	vld [tilespmem:s9+$0xD0];
	_ =	sdelay $0x4  }
0x4c1: {  	[tilespmem:s0+$0x14590] =	vst v0  }
0x4c2: {  	v0 =	vld [tilespmem:s9+$0xE0];
	_ =	sdelay $0x4  }
0x4c3: {  	[tilespmem:s0+$0x145A0] =	vst v0  }
0x4c4: {  	v0 =	vld [tilespmem:s9+$0xF0];
	_ =	sdelay $0x4  }
0x4c5: {  	[tilespmem:s0+$0x145B0] =	vst v0  }
0x4c6: {  	v0 =	vld [tilespmem:s9+$0x10C0];
	_ =	sdelay $0x4  }
0x4c7: {  	[tilespmem:s0+$0x145C0] =	vst v0  }
0x4c8: {  	v0 =	vld [tilespmem:s9+$0x10D0];
	_ =	sdelay $0x4  }
0x4c9: {  	[tilespmem:s0+$0x145D0] =	vst v0  }
0x4ca: {  	v0 =	vld [tilespmem:s9+$0x10E0];
	_ =	sdelay $0x4  }
0x4cb: {  	[tilespmem:s0+$0x145E0] =	vst v0  }
0x4cc: {  	v0 =	vld [tilespmem:s9+$0x10F0];
	_ =	sdelay $0x4  }
0x4cd: {  	[tilespmem:s0+$0x145F0] =	vst v0  }
0x4ce: {  	v0 =	vld [tilespmem:s9+$0x100];
	_ =	sdelay $0x4  }
0x4cf: {  	[tilespmem:s0+$0x14600] =	vst v0  }
0x4d0: {  	v0 =	vld [tilespmem:s9+$0x110];
	_ =	sdelay $0x4  }
0x4d1: {  	[tilespmem:s0+$0x14610] =	vst v0  }
0x4d2: {  	v0 =	vld [tilespmem:s9+$0x120];
	_ =	sdelay $0x4  }
0x4d3: {  	[tilespmem:s0+$0x14620] =	vst v0  }
0x4d4: {  	v0 =	vld [tilespmem:s9+$0x130];
	_ =	sdelay $0x4  }
0x4d5: {  	[tilespmem:s0+$0x14630] =	vst v0  }
0x4d6: {  	v0 =	vld [tilespmem:s9+$0x1100];
	_ =	sdelay $0x4  }
0x4d7: {  	[tilespmem:s0+$0x14640] =	vst v0  }
0x4d8: {  	v0 =	vld [tilespmem:s9+$0x1110];
	_ =	sdelay $0x4  }
0x4d9: {  	[tilespmem:s0+$0x14650] =	vst v0  }
0x4da: {  	v0 =	vld [tilespmem:s9+$0x1120];
	_ =	sdelay $0x4  }
0x4db: {  	[tilespmem:s0+$0x14660] =	vst v0  }
0x4dc: {  	v0 =	vld [tilespmem:s9+$0x1130];
	_ =	sdelay $0x4  }
0x4dd: {  	[tilespmem:s0+$0x14670] =	vst v0  }
0x4de: {  	v0 =	vld [tilespmem:s9+$0x140];
	_ =	sdelay $0x4  }
0x4df: {  	[tilespmem:s0+$0x14680] =	vst v0  }
0x4e0: {  	v0 =	vld [tilespmem:s9+$0x150];
	_ =	sdelay $0x4  }
0x4e1: {  	[tilespmem:s0+$0x14690] =	vst v0  }
0x4e2: {  	v0 =	vld [tilespmem:s9+$0x160];
	_ =	sdelay $0x4  }
0x4e3: {  	[tilespmem:s0+$0x146A0] =	vst v0  }
0x4e4: {  	v0 =	vld [tilespmem:s9+$0x170];
	_ =	sdelay $0x4  }
0x4e5: {  	[tilespmem:s0+$0x146B0] =	vst v0  }
0x4e6: {  	v0 =	vld [tilespmem:s9+$0x1140];
	_ =	sdelay $0x4  }
0x4e7: {  	[tilespmem:s0+$0x146C0] =	vst v0  }
0x4e8: {  	v0 =	vld [tilespmem:s9+$0x1150];
	_ =	sdelay $0x4  }
0x4e9: {  	[tilespmem:s0+$0x146D0] =	vst v0  }
0x4ea: {  	v0 =	vld [tilespmem:s9+$0x1160];
	_ =	sdelay $0x4  }
0x4eb: {  	[tilespmem:s0+$0x146E0] =	vst v0  }
0x4ec: {  	v0 =	vld [tilespmem:s9+$0x1170];
	_ =	sdelay $0x4  }
0x4ed: {  	[tilespmem:s0+$0x146F0] =	vst v0  }
0x4ee: {  	v0 =	vld [tilespmem:s9+$0x180];
	_ =	sdelay $0x4  }
0x4ef: {  	[tilespmem:s0+$0x14700] =	vst v0  }
0x4f0: {  	v0 =	vld [tilespmem:s9+$0x190];
	_ =	sdelay $0x4  }
0x4f1: {  	[tilespmem:s0+$0x14710] =	vst v0  }
0x4f2: {  	v0 =	vld [tilespmem:s9+$0x1A0];
	_ =	sdelay $0x4  }
0x4f3: {  	[tilespmem:s0+$0x14720] =	vst v0  }
0x4f4: {  	v0 =	vld [tilespmem:s9+$0x1B0];
	_ =	sdelay $0x4  }
0x4f5: {  	[tilespmem:s0+$0x14730] =	vst v0  }
0x4f6: {  	v0 =	vld [tilespmem:s9+$0x1180];
	_ =	sdelay $0x4  }
0x4f7: {  	[tilespmem:s0+$0x14740] =	vst v0  }
0x4f8: {  	v0 =	vld [tilespmem:s9+$0x1190];
	_ =	sdelay $0x4  }
0x4f9: {  	[tilespmem:s0+$0x14750] =	vst v0  }
0x4fa: {  	v0 =	vld [tilespmem:s9+$0x11A0];
	_ =	sdelay $0x4  }
0x4fb: {  	[tilespmem:s0+$0x14760] =	vst v0  }
0x4fc: {  	v0 =	vld [tilespmem:s9+$0x11B0];
	_ =	sdelay $0x4  }
0x4fd: {  	[tilespmem:s0+$0x14770] =	vst v0  }
0x4fe: {  	v0 =	vld [tilespmem:s9+$0x1C0];
	_ =	sdelay $0x4  }
0x4ff: {  	[tilespmem:s0+$0x14780] =	vst v0  }
0x500: {  	v0 =	vld [tilespmem:s9+$0x1D0];
	_ =	sdelay $0x4  }
0x501: {  	[tilespmem:s0+$0x14790] =	vst v0  }
0x502: {  	v0 =	vld [tilespmem:s9+$0x1E0];
	_ =	sdelay $0x4  }
0x503: {  	[tilespmem:s0+$0x147A0] =	vst v0  }
0x504: {  	v0 =	vld [tilespmem:s9+$0x1F0];
	_ =	sdelay $0x4  }
0x505: {  	[tilespmem:s0+$0x147B0] =	vst v0  }
0x506: {  	v0 =	vld [tilespmem:s9+$0x11C0];
	_ =	sdelay $0x4  }
0x507: {  	[tilespmem:s0+$0x147C0] =	vst v0  }
0x508: {  	v0 =	vld [tilespmem:s9+$0x11D0];
	_ =	sdelay $0x4  }
0x509: {  	[tilespmem:s0+$0x147D0] =	vst v0  }
0x50a: {  	v0 =	vld [tilespmem:s9+$0x11E0];
	_ =	sdelay $0x4  }
0x50b: {  	[tilespmem:s0+$0x147E0] =	vst v0  }
0x50c: {  	v0 =	vld [tilespmem:s9+$0x11F0]  }
0x50d: {  	p0 =	seq.s32 s2, $0x31  }
.Ltmp16:
0x50e: {  	_ = 	snop;
	(pc) =	sbr.rel @p0 .LBB2_26-.Ltmp16, $3  }
0x50f: {  	_ =	sdelay $0x1  }
0x510: {  	s31 =	sadd.s32 s17, s8;
	[tilespmem:s0+$0x147F0] =	vst v0  }
0x511: {  	[hbm4b:s31+s1] =	stream.linear.scatter [tilespmem:s30], [sflag:$0x8], $0x2000, $0x38;
	[tilespmem:$0x16400] =	vst v63  }
.Ltmp17:
0x512: {  	(pc) =	sbr.rel .LBB2_4-.Ltmp17, $4  }
0x513: {  	s0 =	sshll.u32 s15, $0x7  }
0x514: {  	s0 =	sadd.s32 $0x380, s0  }
0x515: {  	s2 =	sadd.s32 $0x1, s2;
	s0 =	sand.u32 $0xFF80, s0  }
0x516: {  	[tilespmem:s18], [sflag:$0x4] =	stream.indirect.gather [hbm4b:s3+s12], $0x40, s0, s12, $0xb8;
	[tilespmem:$0x16400] =	vst v63  }
.LBB2_27:
0x517: {  	_ =	sfence.sel $0x180000  }
0x518: {  	[bflag:$0x0] =	sbarrier.arrive $0xFFFF  }
0x519: {  	_ =	strace $0x90000047  }
0x51a: {  	s0 =	stileid.u32;
	[bflag:$0x2] =	sbarrier.arrive $0xFFFF  }
0x51b: {  	p0 =	sne.s32 s0, $0x0;
	s0 =	rddreg [dreg:$0x2]  }
0x51c: {  	s0 =	sadd.s32 @!p0 $0x100000, s0  }
0x51d: {  	[sflag:s0] =	ssyncadd.tile.s32 @!p0 $0x1;
	_ =	shalt  }
.Lfunc_end2:
_tile_overlayer_lowered:
.L_overlay_start_2:
0x51e: {  	(tag) =	ssettag $0x2  }
0x51f: {  	s0 =	rddreg [dreg:$0x0];
	s2 =	stileid.u32  }
0x520: {  	s1 =	rddreg [dreg:$0x1];
	p0 =	sne.s32 s2, $0x0  }
0x521: {  	s3 =	rddreg [dreg:$0x2];
	[bflag:$0x3] =	sbarrier.arrive $0xFFFF;
	s2 =	simm.s32 @!p0 $0x1C09  }
0x522: {  	[timem:s3], [sflag:s2] =	dma.local @!p0 [hbm:s0], s1  }
0x523: {  	s0 =	simm.s32 @!p0 $0x9  }
0x524: {  	_ =	swait.ge @!p0 [sflag:s0], s1  }
0x525: {  	s1 =	ssub.s32 @!p0 $0x0, s1;
	[sflag:s0] =	ssyncset.done @!p0 $0x0  }
0x526: {  	[sflag:s0] =	ssyncadd.s32 @!p0 s1  }
0x527: {  	[bflag:$0x3] =	sbarrier.arrive $0xFFFF  }
0x528: {  	_ =	shalt  }

</sc_bundles>
